<compile_context>
chip_gen: v7x
topology: tpu7x:2x2x1
jax: 0.10.2.dev20260603
libtpu: 0.0.44.dev20260713+nightly
codegen_flags: <defaults>
</compile_context>

<pallas_src>
import functools

import jax
import jax.numpy as jnp
from jax import lax
from jax.experimental import pallas as pl
from jax.experimental.pallas import tpu as pltpu
from jax.experimental.pallas import tpu_sc as plsc

N, E, D = 10000, 320000, 128
NC, NS = 2, 16
NW = NC * NS
EW = E // NW
C = 184
NCHUNK = EW // C
TAILC = EW - NCHUNK * C
ROWS_PER_SUB = 624
TAIL_BASE = ROWS_PER_SUB * NS
TAIL_ROWS = N - TAIL_BASE


def _sc_agg_body(h_hbm, src_hbm, dst_hbm, zeros_hbm, out_hbm,
                 sidx0, sidx1, sidx2, sidx3, didx0, didx1, didx2, didx3,
                 rows0, rows1, sidx_t, didx_t, acc,
                 gsem0, gsem1, ssem0, ssem1,
                 isem0, isem1, isem2, isem3):
    c = lax.axis_index("c")
    s = lax.axis_index("s")
    wid = s * NC + c
    base_w = wid * EW
    sidx = [sidx0, sidx1, sidx2, sidx3]
    didx = [didx0, didx1, didx2, didx3]
    rows = [rows0, rows1]
    gsem = [gsem0, gsem1]
    ssem = [ssem0, ssem1]
    isem = [isem0, isem1, isem2, isem3]

    def idx_start(i, m):
        base = base_w + i * C
        pltpu.async_copy(src_hbm.at[pl.ds(base, C)], sidx[m], isem[m])
        pltpu.async_copy(dst_hbm.at[pl.ds(base, C)], didx[m], isem[m])

    def idx_wait(i, m):
        base = base_w + i * C
        pltpu.make_async_copy(src_hbm.at[pl.ds(base, C)], sidx[m],
                              isem[m]).wait()
        pltpu.make_async_copy(dst_hbm.at[pl.ds(base, C)], didx[m],
                              isem[m]).wait()

    def gather_start(m, r):
        pltpu.async_copy(h_hbm.at[sidx[m]], rows[r], gsem[r])

    def scatter_prev(m, q):
        pltpu.make_async_copy(h_hbm.at[sidx[m]], rows[q], gsem[q]).wait()
        pltpu.async_copy(rows[q], acc.at[didx[m]], ssem[q], add=True)

    def drain_scatter(m, q):
        pltpu.make_async_copy(rows[q], acc.at[didx[m]], ssem[q]).wait()

    idx_start(0, 0)
    idx_start(1, 1)

    @pl.when(c == 0)
    def _():
        pltpu.sync_copy(h_hbm.at[pl.ds(s * ROWS_PER_SUB, ROWS_PER_SUB)],
                        acc.at[pl.ds(s * ROWS_PER_SUB, ROWS_PER_SUB)])

    @pl.when(c == 1)
    def _():
        pltpu.sync_copy(zeros_hbm.at[pl.ds(s * ROWS_PER_SUB, ROWS_PER_SUB)],
                        acc.at[pl.ds(s * ROWS_PER_SUB, ROWS_PER_SUB)])

    @pl.when((s == 0) & (c == 0))
    def _():
        pltpu.sync_copy(h_hbm.at[pl.ds(TAIL_BASE, TAIL_ROWS)],
                        acc.at[pl.ds(TAIL_BASE, TAIL_ROWS)])

    @pl.when((s == 0) & (c == 1))
    def _():
        pltpu.sync_copy(zeros_hbm.at[pl.ds(TAIL_BASE, TAIL_ROWS)],
                        acc.at[pl.ds(TAIL_BASE, TAIL_ROWS)])

    plsc.subcore_barrier()

    idx_wait(0, 0)
    gather_start(0, 0)
    idx_start(2, 2)
    idx_wait(1, 1)
    gather_start(1, 1)
    idx_start(3, 3)
    scatter_prev(0, 0)

    def substep(i, m, r, prefetch):
        q = 1 - r
        drain_scatter((m + 2) % 4, r)
        idx_wait(i, m)
        gather_start(m, r)
        if prefetch:
            idx_start(i + 2, (m + 2) % 4)
        scatter_prev((m + 3) % 4, q)

    def body(k, carry):
        i0 = 2 + 4 * k
        substep(i0, 2, 0, True)
        substep(i0 + 1, 3, 1, True)
        substep(i0 + 2, 0, 0, True)
        substep(i0 + 3, 1, 1, True)
        return carry

    lax.fori_loop(0, (NCHUNK - 6) // 4, body, 0)

    substep(NCHUNK - 4, 2, 0, True)
    substep(NCHUNK - 3, 3, 1, True)
    substep(NCHUNK - 2, 0, 0, False)
    substep(NCHUNK - 1, 1, 1, False)

    scatter_prev(1, 1)
    drain_scatter(0, 0)
    drain_scatter(1, 1)

    base = base_w + NCHUNK * C
    pltpu.sync_copy(src_hbm.at[pl.ds(base, TAILC)], sidx_t)
    pltpu.sync_copy(dst_hbm.at[pl.ds(base, TAILC)], didx_t)
    pltpu.async_copy(h_hbm.at[sidx_t], rows0.at[pl.ds(0, TAILC)],
                     gsem0).wait()
    pltpu.sync_copy(rows0.at[pl.ds(0, TAILC)], acc.at[didx_t], add=True)

    plsc.subcore_barrier()
    pltpu.sync_copy(acc.at[pl.ds(s * ROWS_PER_SUB, ROWS_PER_SUB)],
                    out_hbm.at[c, pl.ds(s * ROWS_PER_SUB, ROWS_PER_SUB)])

    @pl.when(s == 0)
    def _():
        pltpu.sync_copy(acc.at[pl.ds(TAIL_BASE, TAIL_ROWS)],
                        out_hbm.at[c, pl.ds(TAIL_BASE, TAIL_ROWS)])


_sc_agg = functools.partial(
    pl.kernel,
    out_type=jax.ShapeDtypeStruct((NC, N, D), jnp.float32),
    mesh=plsc.VectorSubcoreMesh(core_axis_name="c", subcore_axis_name="s"),
    scratch_types=(
        [pltpu.VMEM((C,), jnp.int32)] * 8
        + [pltpu.VMEM((C, D), jnp.float32)] * 2
        + [pltpu.VMEM((TAILC,), jnp.int32)] * 2
        + [pltpu.VMEM_SHARED((N, D), jnp.float32)]
        + [pltpu.SemaphoreType.DMA] * 8
    ),
)(_sc_agg_body)


def _tc_layer_bn_body(p_ref, w_ref, b_ref, g_ref, be_ref, o_ref):
    z = p_ref[0] + p_ref[1]
    y = jnp.dot(z, w_ref[...], preferred_element_type=jnp.float32) + b_ref[...]
    m = jnp.mean(y, axis=0, keepdims=True)
    v = jnp.mean(y * y, axis=0, keepdims=True) - m * m
    yn = g_ref[...] * (y - m) * lax.rsqrt(v + 1e-5) + be_ref[...]
    o_ref[...] = jnp.maximum(yn, 0.0)


def _tc_layer_plain_body(p_ref, w_ref, b_ref, o_ref):
    z = p_ref[0] + p_ref[1]
    o_ref[...] = (jnp.dot(z, w_ref[...], preferred_element_type=jnp.float32)
                  + b_ref[...])


def _tc_layer_bn(p, w, b, g, be):
    return pl.pallas_call(
        _tc_layer_bn_body,
        out_shape=jax.ShapeDtypeStruct((N, D), jnp.float32),
    )(p, w, b.reshape(1, D), g.reshape(1, D), be.reshape(1, D))


def _tc_layer_plain(p, w, b):
    return pl.pallas_call(
        _tc_layer_plain_body,
        out_shape=jax.ShapeDtypeStruct((N, D), jnp.float32),
    )(p, w, b.reshape(1, D))


def kernel(x, edge_index, W1, b1, g1, be1, W2, b2, g2, be2, W3, b3):
    src = edge_index[0]
    dst = edge_index[1]
    zeros = jnp.zeros_like(x)
    p = _sc_agg(x, src, dst, zeros)
    h = _tc_layer_bn(p, W1, b1, g1, be1)
    p = _sc_agg(h, src, dst, zeros)
    h = _tc_layer_bn(p, W2, b2, g2, be2)
    p = _sc_agg(h, src, dst, zeros)
    return _tc_layer_plain(p, W3, b3)

# --- scband reference (transcript-rebuilt; emitter-appended) ---
"""Pipeline reference for scband-gin-63290638074113 (READ-ONLY COPY).

The authoritative reference and input builder live on the scoring server;
editing this copy changes nothing except your own understanding.
"""

import jax, jax.numpy as jnp
import numpy as np

N, E, D = 10000, 320000, 128


def setup_inputs(seed: int = 0) -> dict:
    key = jax.random.key(seed)
    ks = jax.random.split(key, 16)
    x = jax.random.normal(ks[0], (N, D), dtype=jnp.float32)
    edge_index = jax.random.randint(ks[1], (2, E), 0, N, dtype=jnp.int32)
    s = 1.0 / np.sqrt(D)
    W1 = jax.random.normal(ks[2], (D, D), dtype=jnp.float32) * s
    b1 = jnp.zeros((D,), dtype=jnp.float32)
    g1 = jnp.ones((D,), dtype=jnp.float32)
    be1 = jnp.zeros((D,), dtype=jnp.float32)
    W2 = jax.random.normal(ks[3], (D, D), dtype=jnp.float32) * s
    b2 = jnp.zeros((D,), dtype=jnp.float32)
    g2 = jnp.ones((D,), dtype=jnp.float32)
    be2 = jnp.zeros((D,), dtype=jnp.float32)
    W3 = jax.random.normal(ks[4], (D, D), dtype=jnp.float32) * s
    b3 = jnp.zeros((D,), dtype=jnp.float32)
    return {"x": x, "edge_index": edge_index, "W1": W1, "b1": b1, "g1": g1,
            "be1": be1, "W2": W2, "b2": b2, "g2": g2, "be2": be2,
            "W3": W3, "b3": b3}


def _gin_conv(h, edge_index, W, b):
    # GIN aggregation: (1 + eps) * x_i + sum_{j in N(i)} x_j, eps = 0, then linear
    src = edge_index[0]
    dst = edge_index[1]
    agg = jax.ops.segment_sum(h[src], dst, num_segments=h.shape[0])
    z = h + agg
    return z @ W + b


def _bn(h, g, be):
    # BatchNorm1d in training mode: batch statistics over node dimension
    m = jnp.mean(h, axis=0)
    v = jnp.var(h, axis=0)
    return g * (h - m) / jnp.sqrt(v + 1e-5) + be


def reference(x, edge_index, W1, b1, g1, be1, W2, b2, g2, be2, W3, b3):
    h = _gin_conv(x, edge_index, W1, b1)
    h = jax.nn.relu(_bn(h, g1, be1))
    # dropout is identity for deterministic reference
    h = _gin_conv(h, edge_index, W2, b2)
    h = jax.nn.relu(_bn(h, g2, be2))
    h = _gin_conv(h, edge_index, W3, b3)
    # return_embeds=True -> no log_softmax
    return h

if __name__ == "__main__":
    import jax
    _d = setup_inputs()
    print(jax.jit(kernel)(*tuple(_d.values())))

</pallas_src>

<mosaic_0001>
#map = affine_map<(d0, d1) -> (0, 0)>
#map1 = affine_map<(d0, d1) -> (0)>
#map2 = affine_map<(d0, d1) -> (0, 0, 0)>
module attributes {stable_mosaic.version = 14 : i64} {
  func.func @_sc_agg_body(%arg0: i32, %arg1: i32, %arg2: memref<10000x128xf32, #tpu.memory_space<hbm>>, %arg3: memref<320000xi32, #tpu.memory_space<hbm>>, %arg4: memref<320000xi32, #tpu.memory_space<hbm>>, %arg5: memref<10000x128xf32, #tpu.memory_space<hbm>>, %arg6: memref<2x10000x128xf32, #tpu.memory_space<hbm>>, %arg7: memref<184xi32, #tpu.memory_space<vmem>>, %arg8: memref<184xi32, #tpu.memory_space<vmem>>, %arg9: memref<184xi32, #tpu.memory_space<vmem>>, %arg10: memref<184xi32, #tpu.memory_space<vmem>>, %arg11: memref<184xi32, #tpu.memory_space<vmem>>, %arg12: memref<184xi32, #tpu.memory_space<vmem>>, %arg13: memref<184xi32, #tpu.memory_space<vmem>>, %arg14: memref<184xi32, #tpu.memory_space<vmem>>, %arg15: memref<184x128xf32, #tpu.memory_space<vmem>>, %arg16: memref<184x128xf32, #tpu.memory_space<vmem>>, %arg17: memref<64xi32, #tpu.memory_space<vmem>>, %arg18: memref<64xi32, #tpu.memory_space<vmem>>, %arg19: memref<10000x128xf32, #tpu.memory_space<vmem_shared>>, %arg20: memref<!tpu.dma_semaphore, #tpu.memory_space<semaphore_mem>>, %arg21: memref<!tpu.dma_semaphore, #tpu.memory_space<semaphore_mem>>, %arg22: memref<!tpu.dma_semaphore, #tpu.memory_space<semaphore_mem>>, %arg23: memref<!tpu.dma_semaphore, #tpu.memory_space<semaphore_mem>>, %arg24: memref<!tpu.dma_semaphore, #tpu.memory_space<semaphore_mem>>, %arg25: memref<!tpu.dma_semaphore, #tpu.memory_space<semaphore_mem>>, %arg26: memref<!tpu.dma_semaphore, #tpu.memory_space<semaphore_mem>>, %arg27: memref<!tpu.dma_semaphore, #tpu.memory_space<semaphore_mem>>) attributes {dimension_semantics = [#tpu.dimension_semantics<core_parallel>, #tpu.dimension_semantics<subcore_parallel>], iteration_bounds = array<i64: 2, 16>, scalar_prefetch = 0 : i64, scratch_operands = 21 : i64, tpu.core_type = #tpu.core_type<sc_vector_subcore>, window_params = [{transform_indices = #map}, {transform_indices = #map1}, {transform_indices = #map1}, {transform_indices = #map}, {transform_indices = #map2}]} {
    %mul3A = arith.constant 2 : i32
    %mul3A_0 = arith.muli %arg1, %mul3A : i32
    %add3A = arith.addi %mul3A_0, %arg0 : i32
    %mul3A_1 = arith.constant 10000 : i32
    %mul3A_2 = arith.muli %add3A, %mul3A_1 : i32
    %add3A_3 = arith.constant 0 : i32
    %add3A_4 = arith.addi %mul3A_2, %add3A_3 : i32
    %dma_start3A = tpu.memref_slice %arg3[%add3A_4] : memref<320000xi32, #tpu.memory_space<hbm>> -> memref<184xi32, #tpu.memory_space<hbm>>
    %dma_start3A_5 = tpu.memref_slice %arg3[%add3A_4] : memref<320000xi32, #tpu.memory_space<hbm>> -> memref<184xi32, #tpu.memory_space<hbm>>
    tpu.enqueue_dma source(%dma_start3A_5 : memref<184xi32, #tpu.memory_space<hbm>>) target(%arg7 : memref<184xi32, #tpu.memory_space<vmem>>) target_semaphore(%arg24 : memref<!tpu.dma_semaphore, #tpu.memory_space<semaphore_mem>>)
    %dma_start3A_6 = tpu.memref_slice %arg4[%add3A_4] : memref<320000xi32, #tpu.memory_space<hbm>> -> memref<184xi32, #tpu.memory_space<hbm>>
    %dma_start3A_7 = tpu.memref_slice %arg4[%add3A_4] : memref<320000xi32, #tpu.memory_space<hbm>> -> memref<184xi32, #tpu.memory_space<hbm>>
    tpu.enqueue_dma source(%dma_start3A_7 : memref<184xi32, #tpu.memory_space<hbm>>) target(%arg11 : memref<184xi32, #tpu.memory_space<vmem>>) target_semaphore(%arg24 : memref<!tpu.dma_semaphore, #tpu.memory_space<semaphore_mem>>)
    %add3A_8 = arith.constant 184 : i32
    %add3A_9 = arith.addi %mul3A_2, %add3A_8 : i32
    %dma_start3A_10 = tpu.memref_slice %arg3[%add3A_9] : memref<320000xi32, #tpu.memory_space<hbm>> -> memref<184xi32, #tpu.memory_space<hbm>>
    %dma_start3A_11 = tpu.memref_slice %arg3[%add3A_9] : memref<320000xi32, #tpu.memory_space<hbm>> -> memref<184xi32, #tpu.memory_space<hbm>>
    tpu.enqueue_dma source(%dma_start3A_11 : memref<184xi32, #tpu.memory_space<hbm>>) target(%arg8 : memref<184xi32, #tpu.memory_space<vmem>>) target_semaphore(%arg25 : memref<!tpu.dma_semaphore, #tpu.memory_space<semaphore_mem>>)
    %dma_start3A_12 = tpu.memref_slice %arg4[%add3A_9] : memref<320000xi32, #tpu.memory_space<hbm>> -> memref<184xi32, #tpu.memory_space<hbm>>
    %dma_start3A_13 = tpu.memref_slice %arg4[%add3A_9] : memref<320000xi32, #tpu.memory_space<hbm>> -> memref<184xi32, #tpu.memory_space<hbm>>
    tpu.enqueue_dma source(%dma_start3A_13 : memref<184xi32, #tpu.memory_space<hbm>>) target(%arg12 : memref<184xi32, #tpu.memory_space<vmem>>) target_semaphore(%arg25 : memref<!tpu.dma_semaphore, #tpu.memory_space<semaphore_mem>>)
    %eq3A = arith.constant 0 : i32
    %eq3A_14 = arith.cmpi eq, %arg0, %eq3A : i32
    %convert_element_type3A = arith.extui %eq3A_14 : i1 to i32
    %cond3A = arith.constant 0 : i32
    %cond3A_15 = arith.cmpi ne, %convert_element_type3A, %cond3A : i32
    scf.if %cond3A_15 {
      %mul3A_196 = arith.constant 624 : i32
      %mul3A_197 = arith.muli %arg1, %mul3A_196 : i32
      %mul3A_198 = arith.constant 624 : i32
      %mul3A_199 = arith.muli %arg1, %mul3A_198 : i32
      "tpu.region"() ({
        %run_scoped3A = tpu.sem_alloc : memref<!tpu.dma_semaphore, #tpu.memory_space<semaphore_mem>>
        %dma_start3A_200 = arith.constant 0 : i32
        %dma_start3A_201 = tpu.memref_slice %arg19[%mul3A_199, %dma_start3A_200] : memref<10000x128xf32, #tpu.memory_space<vmem_shared>> -> memref<624x128xf32, #tpu.memory_space<vmem_shared>>
        %dma_start3A_202 = arith.constant 0 : i32
        %dma_start3A_203 = tpu.memref_slice %arg2[%mul3A_197, %dma_start3A_202] : memref<10000x128xf32, #tpu.memory_space<hbm>> -> memref<624x128xf32, #tpu.memory_space<hbm>>
        tpu.enqueue_dma source(%dma_start3A_203 : memref<624x128xf32, #tpu.memory_space<hbm>>) target(%dma_start3A_201 : memref<624x128xf32, #tpu.memory_space<vmem_shared>>) target_semaphore(%run_scoped3A : memref<!tpu.dma_semaphore, #tpu.memory_space<semaphore_mem>>)
        %dma_wait3A_204 = arith.constant 0 : i32
        %dma_wait3A_205 = tpu.memref_slice %arg19[%mul3A_199, %dma_wait3A_204] : memref<10000x128xf32, #tpu.memory_space<vmem_shared>> -> memref<624x128xf32, #tpu.memory_space<vmem_shared>>
        %dma_wait3A_206 = arith.constant 0 : i32
        %dma_wait3A_207 = tpu.memref_slice %arg2[%mul3A_197, %dma_wait3A_206] : memref<10000x128xf32, #tpu.memory_space<hbm>> -> memref<624x128xf32, #tpu.memory_space<hbm>>
        tpu.wait_dma2 semaphore(%run_scoped3A : memref<!tpu.dma_semaphore, #tpu.memory_space<semaphore_mem>>) src(%dma_wait3A_207 : memref<624x128xf32, #tpu.memory_space<hbm>>) dst(%dma_wait3A_205 : memref<624x128xf32, #tpu.memory_space<vmem_shared>>)
        tpu.yield
      }) : () -> ()
    } else {
    }
    %eq3A_16 = arith.constant 1 : i32
    %eq3A_17 = arith.cmpi eq, %arg0, %eq3A_16 : i32
    %convert_element_type3A_18 = arith.extui %eq3A_17 : i1 to i32
    %cond3A_19 = arith.constant 0 : i32
    %cond3A_20 = arith.cmpi ne, %convert_element_type3A_18, %cond3A_19 : i32
    scf.if %cond3A_20 {
      %mul3A_196 = arith.constant 624 : i32
      %mul3A_197 = arith.muli %arg1, %mul3A_196 : i32
      %mul3A_198 = arith.constant 624 : i32
      %mul3A_199 = arith.muli %arg1, %mul3A_198 : i32
      "tpu.region"() ({
        %run_scoped3A = tpu.sem_alloc : memref<!tpu.dma_semaphore, #tpu.memory_space<semaphore_mem>>
        %dma_start3A_200 = arith.constant 0 : i32
        %dma_start3A_201 = tpu.memref_slice %arg19[%mul3A_199, %dma_start3A_200] : memref<10000x128xf32, #tpu.memory_space<vmem_shared>> -> memref<624x128xf32, #tpu.memory_space<vmem_shared>>
        %dma_start3A_202 = arith.constant 0 : i32
        %dma_start3A_203 = tpu.memref_slice %arg5[%mul3A_197, %dma_start3A_202] : memref<10000x128xf32, #tpu.memory_space<hbm>> -> memref<624x128xf32, #tpu.memory_space<hbm>>
        tpu.enqueue_dma source(%dma_start3A_203 : memref<624x128xf32, #tpu.memory_space<hbm>>) target(%dma_start3A_201 : memref<624x128xf32, #tpu.memory_space<vmem_shared>>) target_semaphore(%run_scoped3A : memref<!tpu.dma_semaphore, #tpu.memory_space<semaphore_mem>>)
        %dma_wait3A_204 = arith.constant 0 : i32
        %dma_wait3A_205 = tpu.memref_slice %arg19[%mul3A_199, %dma_wait3A_204] : memref<10000x128xf32, #tpu.memory_space<vmem_shared>> -> memref<624x128xf32, #tpu.memory_space<vmem_shared>>
        %dma_wait3A_206 = arith.constant 0 : i32
        %dma_wait3A_207 = tpu.memref_slice %arg5[%mul3A_197, %dma_wait3A_206] : memref<10000x128xf32, #tpu.memory_space<hbm>> -> memref<624x128xf32, #tpu.memory_space<hbm>>
        tpu.wait_dma2 semaphore(%run_scoped3A : memref<!tpu.dma_semaphore, #tpu.memory_space<semaphore_mem>>) src(%dma_wait3A_207 : memref<624x128xf32, #tpu.memory_space<hbm>>) dst(%dma_wait3A_205 : memref<624x128xf32, #tpu.memory_space<vmem_shared>>)
        tpu.yield
      }) : () -> ()
    } else {
    }
    %eq3A_21 = arith.constant 0 : i32
    %eq3A_22 = arith.cmpi eq, %arg1, %eq3A_21 : i32
    %eq3A_23 = arith.constant 0 : i32
    %eq3A_24 = arith.cmpi eq, %arg0, %eq3A_23 : i32
    %and3A = arith.andi %eq3A_22, %eq3A_24 : i1
    %convert_element_type3A_25 = arith.extui %and3A : i1 to i32
    %cond3A_26 = arith.constant 0 : i32
    %cond3A_27 = arith.cmpi ne, %convert_element_type3A_25, %cond3A_26 : i32
    scf.if %cond3A_27 {
      "tpu.region"() ({
        %run_scoped3A = tpu.sem_alloc : memref<!tpu.dma_semaphore, #tpu.memory_space<semaphore_mem>>
        %dma_start3A_196 = arith.constant 9984 : i32
        %dma_start3A_197 = arith.constant 0 : i32
        %dma_start3A_198 = tpu.memref_slice %arg19[%dma_start3A_196, %dma_start3A_197] : memref<10000x128xf32, #tpu.memory_space<vmem_shared>> -> memref<16x128xf32, #tpu.memory_space<vmem_shared>>
        %dma_start3A_199 = arith.constant 9984 : i32
        %dma_start3A_200 = arith.constant 0 : i32
        %dma_start3A_201 = tpu.memref_slice %arg2[%dma_start3A_199, %dma_start3A_200] : memref<10000x128xf32, #tpu.memory_space<hbm>> -> memref<16x128xf32, #tpu.memory_space<hbm>>
        tpu.enqueue_dma source(%dma_start3A_201 : memref<16x128xf32, #tpu.memory_space<hbm>>) target(%dma_start3A_198 : memref<16x128xf32, #tpu.memory_space<vmem_shared>>) target_semaphore(%run_scoped3A : memref<!tpu.dma_semaphore, #tpu.memory_space<semaphore_mem>>)
        %dma_wait3A_202 = arith.constant 9984 : i32
        %dma_wait3A_203 = arith.constant 0 : i32
        %dma_wait3A_204 = tpu.memref_slice %arg19[%dma_wait3A_202, %dma_wait3A_203] : memref<10000x128xf32, #tpu.memory_space<vmem_shared>> -> memref<16x128xf32, #tpu.memory_space<vmem_shared>>
        %dma_wait3A_205 = arith.constant 9984 : i32
        %dma_wait3A_206 = arith.constant 0 : i32
        %dma_wait3A_207 = tpu.memref_slice %arg2[%dma_wait3A_205, %dma_wait3A_206] : memref<10000x128xf32, #tpu.memory_space<hbm>> -> memref<16x128xf32, #tpu.memory_space<hbm>>
        tpu.wait_dma2 semaphore(%run_scoped3A : memref<!tpu.dma_semaphore, #tpu.memory_space<semaphore_mem>>) src(%dma_wait3A_207 : memref<16x128xf32, #tpu.memory_space<hbm>>) dst(%dma_wait3A_204 : memref<16x128xf32, #tpu.memory_space<vmem_shared>>)
        tpu.yield
      }) : () -> ()
    } else {
    }
    %eq3A_28 = arith.constant 0 : i32
    %eq3A_29 = arith.cmpi eq, %arg1, %eq3A_28 : i32
    %eq3A_30 = arith.constant 1 : i32
    %eq3A_31 = arith.cmpi eq, %arg0, %eq3A_30 : i32
    %and3A_32 = arith.andi %eq3A_29, %eq3A_31 : i1
    %convert_element_type3A_33 = arith.extui %and3A_32 : i1 to i32
    %cond3A_34 = arith.constant 0 : i32
    %cond3A_35 = arith.cmpi ne, %convert_element_type3A_33, %cond3A_34 : i32
    scf.if %cond3A_35 {
      "tpu.region"() ({
        %run_scoped3A = tpu.sem_alloc : memref<!tpu.dma_semaphore, #tpu.memory_space<semaphore_mem>>
        %dma_start3A_196 = arith.constant 9984 : i32
        %dma_start3A_197 = arith.constant 0 : i32
        %dma_start3A_198 = tpu.memref_slice %arg19[%dma_start3A_196, %dma_start3A_197] : memref<10000x128xf32, #tpu.memory_space<vmem_shared>> -> memref<16x128xf32, #tpu.memory_space<vmem_shared>>
        %dma_start3A_199 = arith.constant 9984 : i32
        %dma_start3A_200 = arith.constant 0 : i32
        %dma_start3A_201 = tpu.memref_slice %arg5[%dma_start3A_199, %dma_start3A_200] : memref<10000x128xf32, #tpu.memory_space<hbm>> -> memref<16x128xf32, #tpu.memory_space<hbm>>
        tpu.enqueue_dma source(%dma_start3A_201 : memref<16x128xf32, #tpu.memory_space<hbm>>) target(%dma_start3A_198 : memref<16x128xf32, #tpu.memory_space<vmem_shared>>) target_semaphore(%run_scoped3A : memref<!tpu.dma_semaphore, #tpu.memory_space<semaphore_mem>>)
        %dma_wait3A_202 = arith.constant 9984 : i32
        %dma_wait3A_203 = arith.constant 0 : i32
        %dma_wait3A_204 = tpu.memref_slice %arg19[%dma_wait3A_202, %dma_wait3A_203] : memref<10000x128xf32, #tpu.memory_space<vmem_shared>> -> memref<16x128xf32, #tpu.memory_space<vmem_shared>>
        %dma_wait3A_205 = arith.constant 9984 : i32
        %dma_wait3A_206 = arith.constant 0 : i32
        %dma_wait3A_207 = tpu.memref_slice %arg5[%dma_wait3A_205, %dma_wait3A_206] : memref<10000x128xf32, #tpu.memory_space<hbm>> -> memref<16x128xf32, #tpu.memory_space<hbm>>
        tpu.wait_dma2 semaphore(%run_scoped3A : memref<!tpu.dma_semaphore, #tpu.memory_space<semaphore_mem>>) src(%dma_wait3A_207 : memref<16x128xf32, #tpu.memory_space<hbm>>) dst(%dma_wait3A_204 : memref<16x128xf32, #tpu.memory_space<vmem_shared>>)
        tpu.yield
      }) : () -> ()
    } else {
    }
    %barrier3A = arith.constant 0 : index
    tpu.barrier barrier_id(%barrier3A)
    %add3A_36 = arith.constant 0 : i32
    %add3A_37 = arith.addi %mul3A_2, %add3A_36 : i32
    %dma_wait3A = tpu.memref_slice %arg3[%add3A_37] : memref<320000xi32, #tpu.memory_space<hbm>> -> memref<184xi32, #tpu.memory_space<hbm>>
    %dma_wait3A_38 = tpu.memref_slice %arg3[%add3A_37] : memref<320000xi32, #tpu.memory_space<hbm>> -> memref<184xi32, #tpu.memory_space<hbm>>
    tpu.wait_dma2 semaphore(%arg24 : memref<!tpu.dma_semaphore, #tpu.memory_space<semaphore_mem>>) src(%dma_wait3A_38 : memref<184xi32, #tpu.memory_space<hbm>>) dst(%arg7 : memref<184xi32, #tpu.memory_space<vmem>>)
    %dma_wait3A_39 = tpu.memref_slice %arg4[%add3A_37] : memref<320000xi32, #tpu.memory_space<hbm>> -> memref<184xi32, #tpu.memory_space<hbm>>
    %dma_wait3A_40 = tpu.memref_slice %arg4[%add3A_37] : memref<320000xi32, #tpu.memory_space<hbm>> -> memref<184xi32, #tpu.memory_space<hbm>>
    tpu.wait_dma2 semaphore(%arg24 : memref<!tpu.dma_semaphore, #tpu.memory_space<semaphore_mem>>) src(%dma_wait3A_40 : memref<184xi32, #tpu.memory_space<hbm>>) dst(%arg11 : memref<184xi32, #tpu.memory_space<vmem>>)
    %dma_start3A_41 = arith.constant 0 : i32
    %dma_start3A_42 = arith.constant 0 : i32
    %dma_start3A_43 = tpu.memref_slice %arg2[%dma_start3A_41, %dma_start3A_42] : memref<10000x128xf32, #tpu.memory_space<hbm>> -> memref<10000x128xf32, #tpu.memory_space<hbm>>
    tpu.enqueue_indirect_dma source(%dma_start3A_43 : memref<10000x128xf32, #tpu.memory_space<hbm>>) target(%arg15 : memref<184x128xf32, #tpu.memory_space<vmem>>) offsets(%arg7 : memref<184xi32, #tpu.memory_space<vmem>>) semaphore(%arg20 : memref<!tpu.dma_semaphore, #tpu.memory_space<semaphore_mem>>)
    %add3A_44 = arith.constant 368 : i32
    %add3A_45 = arith.addi %mul3A_2, %add3A_44 : i32
    %dma_start3A_46 = tpu.memref_slice %arg3[%add3A_45] : memref<320000xi32, #tpu.memory_space<hbm>> -> memref<184xi32, #tpu.memory_space<hbm>>
    %dma_start3A_47 = tpu.memref_slice %arg3[%add3A_45] : memref<320000xi32, #tpu.memory_space<hbm>> -> memref<184xi32, #tpu.memory_space<hbm>>
    tpu.enqueue_dma source(%dma_start3A_47 : memref<184xi32, #tpu.memory_space<hbm>>) target(%arg9 : memref<184xi32, #tpu.memory_space<vmem>>) target_semaphore(%arg26 : memref<!tpu.dma_semaphore, #tpu.memory_space<semaphore_mem>>)
    %dma_start3A_48 = tpu.memref_slice %arg4[%add3A_45] : memref<320000xi32, #tpu.memory_space<hbm>> -> memref<184xi32, #tpu.memory_space<hbm>>
    %dma_start3A_49 = tpu.memref_slice %arg4[%add3A_45] : memref<320000xi32, #tpu.memory_space<hbm>> -> memref<184xi32, #tpu.memory_space<hbm>>
    tpu.enqueue_dma source(%dma_start3A_49 : memref<184xi32, #tpu.memory_space<hbm>>) target(%arg13 : memref<184xi32, #tpu.memory_space<vmem>>) target_semaphore(%arg26 : memref<!tpu.dma_semaphore, #tpu.memory_space<semaphore_mem>>)
    %add3A_50 = arith.constant 184 : i32
    %add3A_51 = arith.addi %mul3A_2, %add3A_50 : i32
    %dma_wait3A_52 = tpu.memref_slice %arg3[%add3A_51] : memref<320000xi32, #tpu.memory_space<hbm>> -> memref<184xi32, #tpu.memory_space<hbm>>
    %dma_wait3A_53 = tpu.memref_slice %arg3[%add3A_51] : memref<320000xi32, #tpu.memory_space<hbm>> -> memref<184xi32, #tpu.memory_space<hbm>>
    tpu.wait_dma2 semaphore(%arg25 : memref<!tpu.dma_semaphore, #tpu.memory_space<semaphore_mem>>) src(%dma_wait3A_53 : memref<184xi32, #tpu.memory_space<hbm>>) dst(%arg8 : memref<184xi32, #tpu.memory_space<vmem>>)
    %dma_wait3A_54 = tpu.memref_slice %arg4[%add3A_51] : memref<320000xi32, #tpu.memory_space<hbm>> -> memref<184xi32, #tpu.memory_space<hbm>>
    %dma_wait3A_55 = tpu.memref_slice %arg4[%add3A_51] : memref<320000xi32, #tpu.memory_space<hbm>> -> memref<184xi32, #tpu.memory_space<hbm>>
    tpu.wait_dma2 semaphore(%arg25 : memref<!tpu.dma_semaphore, #tpu.memory_space<semaphore_mem>>) src(%dma_wait3A_55 : memref<184xi32, #tpu.memory_space<hbm>>) dst(%arg12 : memref<184xi32, #tpu.memory_space<vmem>>)
    %dma_start3A_56 = arith.constant 0 : i32
    %dma_start3A_57 = arith.constant 0 : i32
    %dma_start3A_58 = tpu.memref_slice %arg2[%dma_start3A_56, %dma_start3A_57] : memref<10000x128xf32, #tpu.memory_space<hbm>> -> memref<10000x128xf32, #tpu.memory_space<hbm>>
    tpu.enqueue_indirect_dma source(%dma_start3A_58 : memref<10000x128xf32, #tpu.memory_space<hbm>>) target(%arg16 : memref<184x128xf32, #tpu.memory_space<vmem>>) offsets(%arg8 : memref<184xi32, #tpu.memory_space<vmem>>) semaphore(%arg21 : memref<!tpu.dma_semaphore, #tpu.memory_space<semaphore_mem>>)
    %add3A_59 = arith.constant 552 : i32
    %add3A_60 = arith.addi %mul3A_2, %add3A_59 : i32
    %dma_start3A_61 = tpu.memref_slice %arg3[%add3A_60] : memref<320000xi32, #tpu.memory_space<hbm>> -> memref<184xi32, #tpu.memory_space<hbm>>
    %dma_start3A_62 = tpu.memref_slice %arg3[%add3A_60] : memref<320000xi32, #tpu.memory_space<hbm>> -> memref<184xi32, #tpu.memory_space<hbm>>
    tpu.enqueue_dma source(%dma_start3A_62 : memref<184xi32, #tpu.memory_space<hbm>>) target(%arg10 : memref<184xi32, #tpu.memory_space<vmem>>) target_semaphore(%arg27 : memref<!tpu.dma_semaphore, #tpu.memory_space<semaphore_mem>>)
    %dma_start3A_63 = tpu.memref_slice %arg4[%add3A_60] : memref<320000xi32, #tpu.memory_space<hbm>> -> memref<184xi32, #tpu.memory_space<hbm>>
    %dma_start3A_64 = tpu.memref_slice %arg4[%add3A_60] : memref<320000xi32, #tpu.memory_space<hbm>> -> memref<184xi32, #tpu.memory_space<hbm>>
    tpu.enqueue_dma source(%dma_start3A_64 : memref<184xi32, #tpu.memory_space<hbm>>) target(%arg14 : memref<184xi32, #tpu.memory_space<vmem>>) target_semaphore(%arg27 : memref<!tpu.dma_semaphore, #tpu.memory_space<semaphore_mem>>)
    %dma_wait3A_65 = arith.constant 0 : i32
    %dma_wait3A_66 = arith.constant 0 : i32
    %dma_wait3A_67 = tpu.memref_slice %arg2[%dma_wait3A_65, %dma_wait3A_66] : memref<10000x128xf32, #tpu.memory_space<hbm>> -> memref<10000x128xf32, #tpu.memory_space<hbm>>
    tpu.wait_indirect_dma semaphore(%arg20 : memref<!tpu.dma_semaphore, #tpu.memory_space<semaphore_mem>>) src(%dma_wait3A_67 : memref<10000x128xf32, #tpu.memory_space<hbm>>) dst(%arg15 : memref<184x128xf32, #tpu.memory_space<vmem>>)
    %dma_start3A_68 = arith.constant 0 : i32
    %dma_start3A_69 = arith.constant 0 : i32
    %dma_start3A_70 = tpu.memref_slice %arg19[%dma_start3A_68, %dma_start3A_69] : memref<10000x128xf32, #tpu.memory_space<vmem_shared>> -> memref<10000x128xf32, #tpu.memory_space<vmem_shared>>
    tpu.enqueue_indirect_dma source(%arg15 : memref<184x128xf32, #tpu.memory_space<vmem>>) target(%dma_start3A_70 : memref<10000x128xf32, #tpu.memory_space<vmem_shared>>) offsets(%arg11 : memref<184xi32, #tpu.memory_space<vmem>>) semaphore(%arg22 : memref<!tpu.dma_semaphore, #tpu.memory_space<semaphore_mem>>) {add = true}
    %scan3A = arith.constant 0 : i32
    %scan3A_71 = arith.constant 0 : i32
    %scan3A_72 = arith.constant 12 : i32
    %scan3A_73 = arith.addi %scan3A_71, %scan3A_72 : i32
    %scan3A_74 = arith.constant 1 : i32
    scf.for %scan3A_196 = %scan3A_71 to %scan3A_73 step %scan3A_74  : i32 {
      %mul3A_197 = arith.constant 4 : i32
      %mul3A_198 = arith.muli %mul3A_197, %scan3A_196 : i32
      %add3A_199 = arith.constant 2 : i32
      %add3A_200 = arith.addi %add3A_199, %mul3A_198 : i32
      %dma_wait3A_201 = arith.constant 0 : i32
      %dma_wait3A_202 = arith.constant 0 : i32
      %dma_wait3A_203 = tpu.memref_slice %arg19[%dma_wait3A_201, %dma_wait3A_202] : memref<10000x128xf32, #tpu.memory_space<vmem_shared>> -> memref<10000x128xf32, #tpu.memory_space<vmem_shared>>
      tpu.wait_indirect_dma semaphore(%arg22 : memref<!tpu.dma_semaphore, #tpu.memory_space<semaphore_mem>>) src(%arg15 : memref<184x128xf32, #tpu.memory_space<vmem>>) dst(%dma_wait3A_203 : memref<10000x128xf32, #tpu.memory_space<vmem_shared>>)
      %mul3A_204 = arith.constant 184 : i32
      %mul3A_205 = arith.muli %add3A_200, %mul3A_204 : i32
      %add3A_206 = arith.addi %mul3A_2, %mul3A_205 : i32
      %dma_wait3A_207 = tpu.memref_slice %arg3[%add3A_206] : memref<320000xi32, #tpu.memory_space<hbm>> -> memref<184xi32, #tpu.memory_space<hbm>>
      %dma_wait3A_208 = tpu.memref_slice %arg3[%add3A_206] : memref<320000xi32, #tpu.memory_space<hbm>> -> memref<184xi32, #tpu.memory_space<hbm>>
      tpu.wait_dma2 semaphore(%arg26 : memref<!tpu.dma_semaphore, #tpu.memory_space<semaphore_mem>>) src(%dma_wait3A_208 : memref<184xi32, #tpu.memory_space<hbm>>) dst(%arg9 : memref<184xi32, #tpu.memory_space<vmem>>)
      %dma_wait3A_209 = tpu.memref_slice %arg4[%add3A_206] : memref<320000xi32, #tpu.memory_space<hbm>> -> memref<184xi32, #tpu.memory_space<hbm>>
      %dma_wait3A_210 = tpu.memref_slice %arg4[%add3A_206] : memref<320000xi32, #tpu.memory_space<hbm>> -> memref<184xi32, #tpu.memory_space<hbm>>
      tpu.wait_dma2 semaphore(%arg26 : memref<!tpu.dma_semaphore, #tpu.memory_space<semaphore_mem>>) src(%dma_wait3A_210 : memref<184xi32, #tpu.memory_space<hbm>>) dst(%arg13 : memref<184xi32, #tpu.memory_space<vmem>>)
      %dma_start3A_211 = arith.constant 0 : i32
      %dma_start3A_212 = arith.constant 0 : i32
      %dma_start3A_213 = tpu.memref_slice %arg2[%dma_start3A_211, %dma_start3A_212] : memref<10000x128xf32, #tpu.memory_space<hbm>> -> memref<10000x128xf32, #tpu.memory_space<hbm>>
      tpu.enqueue_indirect_dma source(%dma_start3A_213 : memref<10000x128xf32, #tpu.memory_space<hbm>>) target(%arg15 : memref<184x128xf32, #tpu.memory_space<vmem>>) offsets(%arg9 : memref<184xi32, #tpu.memory_space<vmem>>) semaphore(%arg20 : memref<!tpu.dma_semaphore, #tpu.memory_space<semaphore_mem>>)
      %add3A_214 = arith.constant 2 : i32
      %add3A_215 = arith.addi %add3A_200, %add3A_214 : i32
      %mul3A_216 = arith.constant 184 : i32
      %mul3A_217 = arith.muli %add3A_215, %mul3A_216 : i32
      %add3A_218 = arith.addi %mul3A_2, %mul3A_217 : i32
      %dma_start3A_219 = tpu.memref_slice %arg3[%add3A_218] : memref<320000xi32, #tpu.memory_space<hbm>> -> memref<184xi32, #tpu.memory_space<hbm>>
      %dma_start3A_220 = tpu.memref_slice %arg3[%add3A_218] : memref<320000xi32, #tpu.memory_space<hbm>> -> memref<184xi32, #tpu.memory_space<hbm>>
      tpu.enqueue_dma source(%dma_start3A_220 : memref<184xi32, #tpu.memory_space<hbm>>) target(%arg7 : memref<184xi32, #tpu.memory_space<vmem>>) target_semaphore(%arg24 : memref<!tpu.dma_semaphore, #tpu.memory_space<semaphore_mem>>)
      %dma_start3A_221 = tpu.memref_slice %arg4[%add3A_218] : memref<320000xi32, #tpu.memory_space<hbm>> -> memref<184xi32, #tpu.memory_space<hbm>>
      %dma_start3A_222 = tpu.memref_slice %arg4[%add3A_218] : memref<320000xi32, #tpu.memory_space<hbm>> -> memref<184xi32, #tpu.memory_space<hbm>>
      tpu.enqueue_dma source(%dma_start3A_222 : memref<184xi32, #tpu.memory_space<hbm>>) target(%arg11 : memref<184xi32, #tpu.memory_space<vmem>>) target_semaphore(%arg24 : memref<!tpu.dma_semaphore, #tpu.memory_space<semaphore_mem>>)
      %dma_wait3A_223 = arith.constant 0 : i32
      %dma_wait3A_224 = arith.constant 0 : i32
      %dma_wait3A_225 = tpu.memref_slice %arg2[%dma_wait3A_223, %dma_wait3A_224] : memref<10000x128xf32, #tpu.memory_space<hbm>> -> memref<10000x128xf32, #tpu.memory_space<hbm>>
      tpu.wait_indirect_dma semaphore(%arg21 : memref<!tpu.dma_semaphore, #tpu.memory_space<semaphore_mem>>) src(%dma_wait3A_225 : memref<10000x128xf32, #tpu.memory_space<hbm>>) dst(%arg16 : memref<184x128xf32, #tpu.memory_space<vmem>>)
      %dma_start3A_226 = arith.constant 0 : i32
      %dma_start3A_227 = arith.constant 0 : i32
      %dma_start3A_228 = tpu.memref_slice %arg19[%dma_start3A_226, %dma_start3A_227] : memref<10000x128xf32, #tpu.memory_space<vmem_shared>> -> memref<10000x128xf32, #tpu.memory_space<vmem_shared>>
      tpu.enqueue_indirect_dma source(%arg16 : memref<184x128xf32, #tpu.memory_space<vmem>>) target(%dma_start3A_228 : memref<10000x128xf32, #tpu.memory_space<vmem_shared>>) offsets(%arg12 : memref<184xi32, #tpu.memory_space<vmem>>) semaphore(%arg23 : memref<!tpu.dma_semaphore, #tpu.memory_space<semaphore_mem>>) {add = true}
      %add3A_229 = arith.constant 1 : i32
      %add3A_230 = arith.addi %add3A_200, %add3A_229 : i32
      %dma_wait3A_231 = arith.constant 0 : i32
      %dma_wait3A_232 = arith.constant 0 : i32
      %dma_wait3A_233 = tpu.memref_slice %arg19[%dma_wait3A_231, %dma_wait3A_232] : memref<10000x128xf32, #tpu.memory_space<vmem_shared>> -> memref<10000x128xf32, #tpu.memory_space<vmem_shared>>
      tpu.wait_indirect_dma semaphore(%arg23 : memref<!tpu.dma_semaphore, #tpu.memory_space<semaphore_mem>>) src(%arg16 : memref<184x128xf32, #tpu.memory_space<vmem>>) dst(%dma_wait3A_233 : memref<10000x128xf32, #tpu.memory_space<vmem_shared>>)
      %mul3A_234 = arith.constant 184 : i32
      %mul3A_235 = arith.muli %add3A_230, %mul3A_234 : i32
      %add3A_236 = arith.addi %mul3A_2, %mul3A_235 : i32
      %dma_wait3A_237 = tpu.memref_slice %arg3[%add3A_236] : memref<320000xi32, #tpu.memory_space<hbm>> -> memref<184xi32, #tpu.memory_space<hbm>>
      %dma_wait3A_238 = tpu.memref_slice %arg3[%add3A_236] : memref<320000xi32, #tpu.memory_space<hbm>> -> memref<184xi32, #tpu.memory_space<hbm>>
      tpu.wait_dma2 semaphore(%arg27 : memref<!tpu.dma_semaphore, #tpu.memory_space<semaphore_mem>>) src(%dma_wait3A_238 : memref<184xi32, #tpu.memory_space<hbm>>) dst(%arg10 : memref<184xi32, #tpu.memory_space<vmem>>)
      %dma_wait3A_239 = tpu.memref_slice %arg4[%add3A_236] : memref<320000xi32, #tpu.memory_space<hbm>> -> memref<184xi32, #tpu.memory_space<hbm>>
      %dma_wait3A_240 = tpu.memref_slice %arg4[%add3A_236] : memref<320000xi32, #tpu.memory_space<hbm>> -> memref<184xi32, #tpu.memory_space<hbm>>
      tpu.wait_dma2 semaphore(%arg27 : memref<!tpu.dma_semaphore, #tpu.memory_space<semaphore_mem>>) src(%dma_wait3A_240 : memref<184xi32, #tpu.memory_space<hbm>>) dst(%arg14 : memref<184xi32, #tpu.memory_space<vmem>>)
      %dma_start3A_241 = arith.constant 0 : i32
      %dma_start3A_242 = arith.constant 0 : i32
      %dma_start3A_243 = tpu.memref_slice %arg2[%dma_start3A_241, %dma_start3A_242] : memref<10000x128xf32, #tpu.memory_space<hbm>> -> memref<10000x128xf32, #tpu.memory_space<hbm>>
      tpu.enqueue_indirect_dma source(%dma_start3A_243 : memref<10000x128xf32, #tpu.memory_space<hbm>>) target(%arg16 : memref<184x128xf32, #tpu.memory_space<vmem>>) offsets(%arg10 : memref<184xi32, #tpu.memory_space<vmem>>) semaphore(%arg21 : memref<!tpu.dma_semaphore, #tpu.memory_space<semaphore_mem>>)
      %add3A_244 = arith.constant 2 : i32
      %add3A_245 = arith.addi %add3A_230, %add3A_244 : i32
      %mul3A_246 = arith.constant 184 : i32
      %mul3A_247 = arith.muli %add3A_245, %mul3A_246 : i32
      %add3A_248 = arith.addi %mul3A_2, %mul3A_247 : i32
      %dma_start3A_249 = tpu.memref_slice %arg3[%add3A_248] : memref<320000xi32, #tpu.memory_space<hbm>> -> memref<184xi32, #tpu.memory_space<hbm>>
      %dma_start3A_250 = tpu.memref_slice %arg3[%add3A_248] : memref<320000xi32, #tpu.memory_space<hbm>> -> memref<184xi32, #tpu.memory_space<hbm>>
      tpu.enqueue_dma source(%dma_start3A_250 : memref<184xi32, #tpu.memory_space<hbm>>) target(%arg8 : memref<184xi32, #tpu.memory_space<vmem>>) target_semaphore(%arg25 : memref<!tpu.dma_semaphore, #tpu.memory_space<semaphore_mem>>)
      %dma_start3A_251 = tpu.memref_slice %arg4[%add3A_248] : memref<320000xi32, #tpu.memory_space<hbm>> -> memref<184xi32, #tpu.memory_space<hbm>>
      %dma_start3A_252 = tpu.memref_slice %arg4[%add3A_248] : memref<320000xi32, #tpu.memory_space<hbm>> -> memref<184xi32, #tpu.memory_space<hbm>>
      tpu.enqueue_dma source(%dma_start3A_252 : memref<184xi32, #tpu.memory_space<hbm>>) target(%arg12 : memref<184xi32, #tpu.memory_space<vmem>>) target_semaphore(%arg25 : memref<!tpu.dma_semaphore, #tpu.memory_space<semaphore_mem>>)
      %dma_wait3A_253 = arith.constant 0 : i32
      %dma_wait3A_254 = arith.constant 0 : i32
      %dma_wait3A_255 = tpu.memref_slice %arg2[%dma_wait3A_253, %dma_wait3A_254] : memref<10000x128xf32, #tpu.memory_space<hbm>> -> memref<10000x128xf32, #tpu.memory_space<hbm>>
      tpu.wait_indirect_dma semaphore(%arg20 : memref<!tpu.dma_semaphore, #tpu.memory_space<semaphore_mem>>) src(%dma_wait3A_255 : memref<10000x128xf32, #tpu.memory_space<hbm>>) dst(%arg15 : memref<184x128xf32, #tpu.memory_space<vmem>>)
      %dma_start3A_256 = arith.constant 0 : i32
      %dma_start3A_257 = arith.constant 0 : i32
      %dma_start3A_258 = tpu.memref_slice %arg19[%dma_start3A_256, %dma_start3A_257] : memref<10000x128xf32, #tpu.memory_space<vmem_shared>> -> memref<10000x128xf32, #tpu.memory_space<vmem_shared>>
      tpu.enqueue_indirect_dma source(%arg15 : memref<184x128xf32, #tpu.memory_space<vmem>>) target(%dma_start3A_258 : memref<10000x128xf32, #tpu.memory_space<vmem_shared>>) offsets(%arg13 : memref<184xi32, #tpu.memory_space<vmem>>) semaphore(%arg22 : memref<!tpu.dma_semaphore, #tpu.memory_space<semaphore_mem>>) {add = true}
      %add3A_259 = arith.constant 2 : i32
      %add3A_260 = arith.addi %add3A_200, %add3A_259 : i32
      %dma_wait3A_261 = arith.constant 0 : i32
      %dma_wait3A_262 = arith.constant 0 : i32
      %dma_wait3A_263 = tpu.memref_slice %arg19[%dma_wait3A_261, %dma_wait3A_262] : memref<10000x128xf32, #tpu.memory_space<vmem_shared>> -> memref<10000x128xf32, #tpu.memory_space<vmem_shared>>
      tpu.wait_indirect_dma semaphore(%arg22 : memref<!tpu.dma_semaphore, #tpu.memory_space<semaphore_mem>>) src(%arg15 : memref<184x128xf32, #tpu.memory_space<vmem>>) dst(%dma_wait3A_263 : memref<10000x128xf32, #tpu.memory_space<vmem_shared>>)
      %mul3A_264 = arith.constant 184 : i32
      %mul3A_265 = arith.muli %add3A_260, %mul3A_264 : i32
      %add3A_266 = arith.addi %mul3A_2, %mul3A_265 : i32
      %dma_wait3A_267 = tpu.memref_slice %arg3[%add3A_266] : memref<320000xi32, #tpu.memory_space<hbm>> -> memref<184xi32, #tpu.memory_space<hbm>>
      %dma_wait3A_268 = tpu.memref_slice %arg3[%add3A_266] : memref<320000xi32, #tpu.memory_space<hbm>> -> memref<184xi32, #tpu.memory_space<hbm>>
      tpu.wait_dma2 semaphore(%arg24 : memref<!tpu.dma_semaphore, #tpu.memory_space<semaphore_mem>>) src(%dma_wait3A_268 : memref<184xi32, #tpu.memory_space<hbm>>) dst(%arg7 : memref<184xi32, #tpu.memory_space<vmem>>)
      %dma_wait3A_269 = tpu.memref_slice %arg4[%add3A_266] : memref<320000xi32, #tpu.memory_space<hbm>> -> memref<184xi32, #tpu.memory_space<hbm>>
      %dma_wait3A_270 = tpu.memref_slice %arg4[%add3A_266] : memref<320000xi32, #tpu.memory_space<hbm>> -> memref<184xi32, #tpu.memory_space<hbm>>
      tpu.wait_dma2 semaphore(%arg24 : memref<!tpu.dma_semaphore, #tpu.memory_space<semaphore_mem>>) src(%dma_wait3A_270 : memref<184xi32, #tpu.memory_space<hbm>>) dst(%arg11 : memref<184xi32, #tpu.memory_space<vmem>>)
      %dma_start3A_271 = arith.constant 0 : i32
      %dma_start3A_272 = arith.constant 0 : i32
      %dma_start3A_273 = tpu.memref_slice %arg2[%dma_start3A_271, %dma_start3A_272] : memref<10000x128xf32, #tpu.memory_space<hbm>> -> memref<10000x128xf32, #tpu.memory_space<hbm>>
      tpu.enqueue_indirect_dma source(%dma_start3A_273 : memref<10000x128xf32, #tpu.memory_space<hbm>>) target(%arg15 : memref<184x128xf32, #tpu.memory_space<vmem>>) offsets(%arg7 : memref<184xi32, #tpu.memory_space<vmem>>) semaphore(%arg20 : memref<!tpu.dma_semaphore, #tpu.memory_space<semaphore_mem>>)
      %add3A_274 = arith.constant 2 : i32
      %add3A_275 = arith.addi %add3A_260, %add3A_274 : i32
      %mul3A_276 = arith.constant 184 : i32
      %mul3A_277 = arith.muli %add3A_275, %mul3A_276 : i32
      %add3A_278 = arith.addi %mul3A_2, %mul3A_277 : i32
      %dma_start3A_279 = tpu.memref_slice %arg3[%add3A_278] : memref<320000xi32, #tpu.memory_space<hbm>> -> memref<184xi32, #tpu.memory_space<hbm>>
      %dma_start3A_280 = tpu.memref_slice %arg3[%add3A_278] : memref<320000xi32, #tpu.memory_space<hbm>> -> memref<184xi32, #tpu.memory_space<hbm>>
      tpu.enqueue_dma source(%dma_start3A_280 : memref<184xi32, #tpu.memory_space<hbm>>) target(%arg9 : memref<184xi32, #tpu.memory_space<vmem>>) target_semaphore(%arg26 : memref<!tpu.dma_semaphore, #tpu.memory_space<semaphore_mem>>)
      %dma_start3A_281 = tpu.memref_slice %arg4[%add3A_278] : memref<320000xi32, #tpu.memory_space<hbm>> -> memref<184xi32, #tpu.memory_space<hbm>>
      %dma_start3A_282 = tpu.memref_slice %arg4[%add3A_278] : memref<320000xi32, #tpu.memory_space<hbm>> -> memref<184xi32, #tpu.memory_space<hbm>>
      tpu.enqueue_dma source(%dma_start3A_282 : memref<184xi32, #tpu.memory_space<hbm>>) target(%arg13 : memref<184xi32, #tpu.memory_space<vmem>>) target_semaphore(%arg26 : memref<!tpu.dma_semaphore, #tpu.memory_space<semaphore_mem>>)
      %dma_wait3A_283 = arith.constant 0 : i32
      %dma_wait3A_284 = arith.constant 0 : i32
      %dma_wait3A_285 = tpu.memref_slice %arg2[%dma_wait3A_283, %dma_wait3A_284] : memref<10000x128xf32, #tpu.memory_space<hbm>> -> memref<10000x128xf32, #tpu.memory_space<hbm>>
      tpu.wait_indirect_dma semaphore(%arg21 : memref<!tpu.dma_semaphore, #tpu.memory_space<semaphore_mem>>) src(%dma_wait3A_285 : memref<10000x128xf32, #tpu.memory_space<hbm>>) dst(%arg16 : memref<184x128xf32, #tpu.memory_space<vmem>>)
      %dma_start3A_286 = arith.constant 0 : i32
      %dma_start3A_287 = arith.constant 0 : i32
      %dma_start3A_288 = tpu.memref_slice %arg19[%dma_start3A_286, %dma_start3A_287] : memref<10000x128xf32, #tpu.memory_space<vmem_shared>> -> memref<10000x128xf32, #tpu.memory_space<vmem_shared>>
      tpu.enqueue_indirect_dma source(%arg16 : memref<184x128xf32, #tpu.memory_space<vmem>>) target(%dma_start3A_288 : memref<10000x128xf32, #tpu.memory_space<vmem_shared>>) offsets(%arg14 : memref<184xi32, #tpu.memory_space<vmem>>) semaphore(%arg23 : memref<!tpu.dma_semaphore, #tpu.memory_space<semaphore_mem>>) {add = true}
      %add3A_289 = arith.constant 3 : i32
      %add3A_290 = arith.addi %add3A_200, %add3A_289 : i32
      %dma_wait3A_291 = arith.constant 0 : i32
      %dma_wait3A_292 = arith.constant 0 : i32
      %dma_wait3A_293 = tpu.memref_slice %arg19[%dma_wait3A_291, %dma_wait3A_292] : memref<10000x128xf32, #tpu.memory_space<vmem_shared>> -> memref<10000x128xf32, #tpu.memory_space<vmem_shared>>
      tpu.wait_indirect_dma semaphore(%arg23 : memref<!tpu.dma_semaphore, #tpu.memory_space<semaphore_mem>>) src(%arg16 : memref<184x128xf32, #tpu.memory_space<vmem>>) dst(%dma_wait3A_293 : memref<10000x128xf32, #tpu.memory_space<vmem_shared>>)
      %mul3A_294 = arith.constant 184 : i32
      %mul3A_295 = arith.muli %add3A_290, %mul3A_294 : i32
      %add3A_296 = arith.addi %mul3A_2, %mul3A_295 : i32
      %dma_wait3A_297 = tpu.memref_slice %arg3[%add3A_296] : memref<320000xi32, #tpu.memory_space<hbm>> -> memref<184xi32, #tpu.memory_space<hbm>>
      %dma_wait3A_298 = tpu.memref_slice %arg3[%add3A_296] : memref<320000xi32, #tpu.memory_space<hbm>> -> memref<184xi32, #tpu.memory_space<hbm>>
      tpu.wait_dma2 semaphore(%arg25 : memref<!tpu.dma_semaphore, #tpu.memory_space<semaphore_mem>>) src(%dma_wait3A_298 : memref<184xi32, #tpu.memory_space<hbm>>) dst(%arg8 : memref<184xi32, #tpu.memory_space<vmem>>)
      %dma_wait3A_299 = tpu.memref_slice %arg4[%add3A_296] : memref<320000xi32, #tpu.memory_space<hbm>> -> memref<184xi32, #tpu.memory_space<hbm>>
      %dma_wait3A_300 = tpu.memref_slice %arg4[%add3A_296] : memref<320000xi32, #tpu.memory_space<hbm>> -> memref<184xi32, #tpu.memory_space<hbm>>
      tpu.wait_dma2 semaphore(%arg25 : memref<!tpu.dma_semaphore, #tpu.memory_space<semaphore_mem>>) src(%dma_wait3A_300 : memref<184xi32, #tpu.memory_space<hbm>>) dst(%arg12 : memref<184xi32, #tpu.memory_space<vmem>>)
      %dma_start3A_301 = arith.constant 0 : i32
      %dma_start3A_302 = arith.constant 0 : i32
      %dma_start3A_303 = tpu.memref_slice %arg2[%dma_start3A_301, %dma_start3A_302] : memref<10000x128xf32, #tpu.memory_space<hbm>> -> memref<10000x128xf32, #tpu.memory_space<hbm>>
      tpu.enqueue_indirect_dma source(%dma_start3A_303 : memref<10000x128xf32, #tpu.memory_space<hbm>>) target(%arg16 : memref<184x128xf32, #tpu.memory_space<vmem>>) offsets(%arg8 : memref<184xi32, #tpu.memory_space<vmem>>) semaphore(%arg21 : memref<!tpu.dma_semaphore, #tpu.memory_space<semaphore_mem>>)
      %add3A_304 = arith.constant 2 : i32
      %add3A_305 = arith.addi %add3A_290, %add3A_304 : i32
      %mul3A_306 = arith.constant 184 : i32
      %mul3A_307 = arith.muli %add3A_305, %mul3A_306 : i32
      %add3A_308 = arith.addi %mul3A_2, %mul3A_307 : i32
      %dma_start3A_309 = tpu.memref_slice %arg3[%add3A_308] : memref<320000xi32, #tpu.memory_space<hbm>> -> memref<184xi32, #tpu.memory_space<hbm>>
      %dma_start3A_310 = tpu.memref_slice %arg3[%add3A_308] : memref<320000xi32, #tpu.memory_space<hbm>> -> memref<184xi32, #tpu.memory_space<hbm>>
      tpu.enqueue_dma source(%dma_start3A_310 : memref<184xi32, #tpu.memory_space<hbm>>) target(%arg10 : memref<184xi32, #tpu.memory_space<vmem>>) target_semaphore(%arg27 : memref<!tpu.dma_semaphore, #tpu.memory_space<semaphore_mem>>)
      %dma_start3A_311 = tpu.memref_slice %arg4[%add3A_308] : memref<320000xi32, #tpu.memory_space<hbm>> -> memref<184xi32, #tpu.memory_space<hbm>>
      %dma_start3A_312 = tpu.memref_slice %arg4[%add3A_308] : memref<320000xi32, #tpu.memory_space<hbm>> -> memref<184xi32, #tpu.memory_space<hbm>>
      tpu.enqueue_dma source(%dma_start3A_312 : memref<184xi32, #tpu.memory_space<hbm>>) target(%arg14 : memref<184xi32, #tpu.memory_space<vmem>>) target_semaphore(%arg27 : memref<!tpu.dma_semaphore, #tpu.memory_space<semaphore_mem>>)
      %dma_wait3A_313 = arith.constant 0 : i32
      %dma_wait3A_314 = arith.constant 0 : i32
      %dma_wait3A_315 = tpu.memref_slice %arg2[%dma_wait3A_313, %dma_wait3A_314] : memref<10000x128xf32, #tpu.memory_space<hbm>> -> memref<10000x128xf32, #tpu.memory_space<hbm>>
      tpu.wait_indirect_dma semaphore(%arg20 : memref<!tpu.dma_semaphore, #tpu.memory_space<semaphore_mem>>) src(%dma_wait3A_315 : memref<10000x128xf32, #tpu.memory_space<hbm>>) dst(%arg15 : memref<184x128xf32, #tpu.memory_space<vmem>>)
      %dma_start3A_316 = arith.constant 0 : i32
      %dma_start3A_317 = arith.constant 0 : i32
      %dma_start3A_318 = tpu.memref_slice %arg19[%dma_start3A_316, %dma_start3A_317] : memref<10000x128xf32, #tpu.memory_space<vmem_shared>> -> memref<10000x128xf32, #tpu.memory_space<vmem_shared>>
      tpu.enqueue_indirect_dma source(%arg15 : memref<184x128xf32, #tpu.memory_space<vmem>>) target(%dma_start3A_318 : memref<10000x128xf32, #tpu.memory_space<vmem_shared>>) offsets(%arg11 : memref<184xi32, #tpu.memory_space<vmem>>) semaphore(%arg22 : memref<!tpu.dma_semaphore, #tpu.memory_space<semaphore_mem>>) {add = true}
    }
    %scan3A_75 = arith.constant 12 : i32
    %dma_wait3A_76 = arith.constant 0 : i32
    %dma_wait3A_77 = arith.constant 0 : i32
    %dma_wait3A_78 = tpu.memref_slice %arg19[%dma_wait3A_76, %dma_wait3A_77] : memref<10000x128xf32, #tpu.memory_space<vmem_shared>> -> memref<10000x128xf32, #tpu.memory_space<vmem_shared>>
    tpu.wait_indirect_dma semaphore(%arg22 : memref<!tpu.dma_semaphore, #tpu.memory_space<semaphore_mem>>) src(%arg15 : memref<184x128xf32, #tpu.memory_space<vmem>>) dst(%dma_wait3A_78 : memref<10000x128xf32, #tpu.memory_space<vmem_shared>>)
    %add3A_79 = arith.constant 9200 : i32
    %add3A_80 = arith.addi %mul3A_2, %add3A_79 : i32
    %dma_wait3A_81 = tpu.memref_slice %arg3[%add3A_80] : memref<320000xi32, #tpu.memory_space<hbm>> -> memref<184xi32, #tpu.memory_space<hbm>>
    %dma_wait3A_82 = tpu.memref_slice %arg3[%add3A_80] : memref<320000xi32, #tpu.memory_space<hbm>> -> memref<184xi32, #tpu.memory_space<hbm>>
    tpu.wait_dma2 semaphore(%arg26 : memref<!tpu.dma_semaphore, #tpu.memory_space<semaphore_mem>>) src(%dma_wait3A_82 : memref<184xi32, #tpu.memory_space<hbm>>) dst(%arg9 : memref<184xi32, #tpu.memory_space<vmem>>)
    %dma_wait3A_83 = tpu.memref_slice %arg4[%add3A_80] : memref<320000xi32, #tpu.memory_space<hbm>> -> memref<184xi32, #tpu.memory_space<hbm>>
    %dma_wait3A_84 = tpu.memref_slice %arg4[%add3A_80] : memref<320000xi32, #tpu.memory_space<hbm>> -> memref<184xi32, #tpu.memory_space<hbm>>
    tpu.wait_dma2 semaphore(%arg26 : memref<!tpu.dma_semaphore, #tpu.memory_space<semaphore_mem>>) src(%dma_wait3A_84 : memref<184xi32, #tpu.memory_space<hbm>>) dst(%arg13 : memref<184xi32, #tpu.memory_space<vmem>>)
    %dma_start3A_85 = arith.constant 0 : i32
    %dma_start3A_86 = arith.constant 0 : i32
    %dma_start3A_87 = tpu.memref_slice %arg2[%dma_start3A_85, %dma_start3A_86] : memref<10000x128xf32, #tpu.memory_space<hbm>> -> memref<10000x128xf32, #tpu.memory_space<hbm>>
    tpu.enqueue_indirect_dma source(%dma_start3A_87 : memref<10000x128xf32, #tpu.memory_space<hbm>>) target(%arg15 : memref<184x128xf32, #tpu.memory_space<vmem>>) offsets(%arg9 : memref<184xi32, #tpu.memory_space<vmem>>) semaphore(%arg20 : memref<!tpu.dma_semaphore, #tpu.memory_space<semaphore_mem>>)
    %add3A_88 = arith.constant 9568 : i32
    %add3A_89 = arith.addi %mul3A_2, %add3A_88 : i32
    %dma_start3A_90 = tpu.memref_slice %arg3[%add3A_89] : memref<320000xi32, #tpu.memory_space<hbm>> -> memref<184xi32, #tpu.memory_space<hbm>>
    %dma_start3A_91 = tpu.memref_slice %arg3[%add3A_89] : memref<320000xi32, #tpu.memory_space<hbm>> -> memref<184xi32, #tpu.memory_space<hbm>>
    tpu.enqueue_dma source(%dma_start3A_91 : memref<184xi32, #tpu.memory_space<hbm>>) target(%arg7 : memref<184xi32, #tpu.memory_space<vmem>>) target_semaphore(%arg24 : memref<!tpu.dma_semaphore, #tpu.memory_space<semaphore_mem>>)
    %dma_start3A_92 = tpu.memref_slice %arg4[%add3A_89] : memref<320000xi32, #tpu.memory_space<hbm>> -> memref<184xi32, #tpu.memory_space<hbm>>
    %dma_start3A_93 = tpu.memref_slice %arg4[%add3A_89] : memref<320000xi32, #tpu.memory_space<hbm>> -> memref<184xi32, #tpu.memory_space<hbm>>
    tpu.enqueue_dma source(%dma_start3A_93 : memref<184xi32, #tpu.memory_space<hbm>>) target(%arg11 : memref<184xi32, #tpu.memory_space<vmem>>) target_semaphore(%arg24 : memref<!tpu.dma_semaphore, #tpu.memory_space<semaphore_mem>>)
    %dma_wait3A_94 = arith.constant 0 : i32
    %dma_wait3A_95 = arith.constant 0 : i32
    %dma_wait3A_96 = tpu.memref_slice %arg2[%dma_wait3A_94, %dma_wait3A_95] : memref<10000x128xf32, #tpu.memory_space<hbm>> -> memref<10000x128xf32, #tpu.memory_space<hbm>>
    tpu.wait_indirect_dma semaphore(%arg21 : memref<!tpu.dma_semaphore, #tpu.memory_space<semaphore_mem>>) src(%dma_wait3A_96 : memref<10000x128xf32, #tpu.memory_space<hbm>>) dst(%arg16 : memref<184x128xf32, #tpu.memory_space<vmem>>)
    %dma_start3A_97 = arith.constant 0 : i32
    %dma_start3A_98 = arith.constant 0 : i32
    %dma_start3A_99 = tpu.memref_slice %arg19[%dma_start3A_97, %dma_start3A_98] : memref<10000x128xf32, #tpu.memory_space<vmem_shared>> -> memref<10000x128xf32, #tpu.memory_space<vmem_shared>>
    tpu.enqueue_indirect_dma source(%arg16 : memref<184x128xf32, #tpu.memory_space<vmem>>) target(%dma_start3A_99 : memref<10000x128xf32, #tpu.memory_space<vmem_shared>>) offsets(%arg12 : memref<184xi32, #tpu.memory_space<vmem>>) semaphore(%arg23 : memref<!tpu.dma_semaphore, #tpu.memory_space<semaphore_mem>>) {add = true}
    %dma_wait3A_100 = arith.constant 0 : i32
    %dma_wait3A_101 = arith.constant 0 : i32
    %dma_wait3A_102 = tpu.memref_slice %arg19[%dma_wait3A_100, %dma_wait3A_101] : memref<10000x128xf32, #tpu.memory_space<vmem_shared>> -> memref<10000x128xf32, #tpu.memory_space<vmem_shared>>
    tpu.wait_indirect_dma semaphore(%arg23 : memref<!tpu.dma_semaphore, #tpu.memory_space<semaphore_mem>>) src(%arg16 : memref<184x128xf32, #tpu.memory_space<vmem>>) dst(%dma_wait3A_102 : memref<10000x128xf32, #tpu.memory_space<vmem_shared>>)
    %add3A_103 = arith.constant 9384 : i32
    %add3A_104 = arith.addi %mul3A_2, %add3A_103 : i32
    %dma_wait3A_105 = tpu.memref_slice %arg3[%add3A_104] : memref<320000xi32, #tpu.memory_space<hbm>> -> memref<184xi32, #tpu.memory_space<hbm>>
    %dma_wait3A_106 = tpu.memref_slice %arg3[%add3A_104] : memref<320000xi32, #tpu.memory_space<hbm>> -> memref<184xi32, #tpu.memory_space<hbm>>
    tpu.wait_dma2 semaphore(%arg27 : memref<!tpu.dma_semaphore, #tpu.memory_space<semaphore_mem>>) src(%dma_wait3A_106 : memref<184xi32, #tpu.memory_space<hbm>>) dst(%arg10 : memref<184xi32, #tpu.memory_space<vmem>>)
    %dma_wait3A_107 = tpu.memref_slice %arg4[%add3A_104] : memref<320000xi32, #tpu.memory_space<hbm>> -> memref<184xi32, #tpu.memory_space<hbm>>
    %dma_wait3A_108 = tpu.memref_slice %arg4[%add3A_104] : memref<320000xi32, #tpu.memory_space<hbm>> -> memref<184xi32, #tpu.memory_space<hbm>>
    tpu.wait_dma2 semaphore(%arg27 : memref<!tpu.dma_semaphore, #tpu.memory_space<semaphore_mem>>) src(%dma_wait3A_108 : memref<184xi32, #tpu.memory_space<hbm>>) dst(%arg14 : memref<184xi32, #tpu.memory_space<vmem>>)
    %dma_start3A_109 = arith.constant 0 : i32
    %dma_start3A_110 = arith.constant 0 : i32
    %dma_start3A_111 = tpu.memref_slice %arg2[%dma_start3A_109, %dma_start3A_110] : memref<10000x128xf32, #tpu.memory_space<hbm>> -> memref<10000x128xf32, #tpu.memory_space<hbm>>
    tpu.enqueue_indirect_dma source(%dma_start3A_111 : memref<10000x128xf32, #tpu.memory_space<hbm>>) target(%arg16 : memref<184x128xf32, #tpu.memory_space<vmem>>) offsets(%arg10 : memref<184xi32, #tpu.memory_space<vmem>>) semaphore(%arg21 : memref<!tpu.dma_semaphore, #tpu.memory_space<semaphore_mem>>)
    %add3A_112 = arith.constant 9752 : i32
    %add3A_113 = arith.addi %mul3A_2, %add3A_112 : i32
    %dma_start3A_114 = tpu.memref_slice %arg3[%add3A_113] : memref<320000xi32, #tpu.memory_space<hbm>> -> memref<184xi32, #tpu.memory_space<hbm>>
    %dma_start3A_115 = tpu.memref_slice %arg3[%add3A_113] : memref<320000xi32, #tpu.memory_space<hbm>> -> memref<184xi32, #tpu.memory_space<hbm>>
    tpu.enqueue_dma source(%dma_start3A_115 : memref<184xi32, #tpu.memory_space<hbm>>) target(%arg8 : memref<184xi32, #tpu.memory_space<vmem>>) target_semaphore(%arg25 : memref<!tpu.dma_semaphore, #tpu.memory_space<semaphore_mem>>)
    %dma_start3A_116 = tpu.memref_slice %arg4[%add3A_113] : memref<320000xi32, #tpu.memory_space<hbm>> -> memref<184xi32, #tpu.memory_space<hbm>>
    %dma_start3A_117 = tpu.memref_slice %arg4[%add3A_113] : memref<320000xi32, #tpu.memory_space<hbm>> -> memref<184xi32, #tpu.memory_space<hbm>>
    tpu.enqueue_dma source(%dma_start3A_117 : memref<184xi32, #tpu.memory_space<hbm>>) target(%arg12 : memref<184xi32, #tpu.memory_space<vmem>>) target_semaphore(%arg25 : memref<!tpu.dma_semaphore, #tpu.memory_space<semaphore_mem>>)
    %dma_wait3A_118 = arith.constant 0 : i32
    %dma_wait3A_119 = arith.constant 0 : i32
    %dma_wait3A_120 = tpu.memref_slice %arg2[%dma_wait3A_118, %dma_wait3A_119] : memref<10000x128xf32, #tpu.memory_space<hbm>> -> memref<10000x128xf32, #tpu.memory_space<hbm>>
    tpu.wait_indirect_dma semaphore(%arg20 : memref<!tpu.dma_semaphore, #tpu.memory_space<semaphore_mem>>) src(%dma_wait3A_120 : memref<10000x128xf32, #tpu.memory_space<hbm>>) dst(%arg15 : memref<184x128xf32, #tpu.memory_space<vmem>>)
    %dma_start3A_121 = arith.constant 0 : i32
    %dma_start3A_122 = arith.constant 0 : i32
    %dma_start3A_123 = tpu.memref_slice %arg19[%dma_start3A_121, %dma_start3A_122] : memref<10000x128xf32, #tpu.memory_space<vmem_shared>> -> memref<10000x128xf32, #tpu.memory_space<vmem_shared>>
    tpu.enqueue_indirect_dma source(%arg15 : memref<184x128xf32, #tpu.memory_space<vmem>>) target(%dma_start3A_123 : memref<10000x128xf32, #tpu.memory_space<vmem_shared>>) offsets(%arg13 : memref<184xi32, #tpu.memory_space<vmem>>) semaphore(%arg22 : memref<!tpu.dma_semaphore, #tpu.memory_space<semaphore_mem>>) {add = true}
    %dma_wait3A_124 = arith.constant 0 : i32
    %dma_wait3A_125 = arith.constant 0 : i32
    %dma_wait3A_126 = tpu.memref_slice %arg19[%dma_wait3A_124, %dma_wait3A_125] : memref<10000x128xf32, #tpu.memory_space<vmem_shared>> -> memref<10000x128xf32, #tpu.memory_space<vmem_shared>>
    tpu.wait_indirect_dma semaphore(%arg22 : memref<!tpu.dma_semaphore, #tpu.memory_space<semaphore_mem>>) src(%arg15 : memref<184x128xf32, #tpu.memory_space<vmem>>) dst(%dma_wait3A_126 : memref<10000x128xf32, #tpu.memory_space<vmem_shared>>)
    %add3A_127 = arith.constant 9568 : i32
    %add3A_128 = arith.addi %mul3A_2, %add3A_127 : i32
    %dma_wait3A_129 = tpu.memref_slice %arg3[%add3A_128] : memref<320000xi32, #tpu.memory_space<hbm>> -> memref<184xi32, #tpu.memory_space<hbm>>
    %dma_wait3A_130 = tpu.memref_slice %arg3[%add3A_128] : memref<320000xi32, #tpu.memory_space<hbm>> -> memref<184xi32, #tpu.memory_space<hbm>>
    tpu.wait_dma2 semaphore(%arg24 : memref<!tpu.dma_semaphore, #tpu.memory_space<semaphore_mem>>) src(%dma_wait3A_130 : memref<184xi32, #tpu.memory_space<hbm>>) dst(%arg7 : memref<184xi32, #tpu.memory_space<vmem>>)
    %dma_wait3A_131 = tpu.memref_slice %arg4[%add3A_128] : memref<320000xi32, #tpu.memory_space<hbm>> -> memref<184xi32, #tpu.memory_space<hbm>>
    %dma_wait3A_132 = tpu.memref_slice %arg4[%add3A_128] : memref<320000xi32, #tpu.memory_space<hbm>> -> memref<184xi32, #tpu.memory_space<hbm>>
    tpu.wait_dma2 semaphore(%arg24 : memref<!tpu.dma_semaphore, #tpu.memory_space<semaphore_mem>>) src(%dma_wait3A_132 : memref<184xi32, #tpu.memory_space<hbm>>) dst(%arg11 : memref<184xi32, #tpu.memory_space<vmem>>)
    %dma_start3A_133 = arith.constant 0 : i32
    %dma_start3A_134 = arith.constant 0 : i32
    %dma_start3A_135 = tpu.memref_slice %arg2[%dma_start3A_133, %dma_start3A_134] : memref<10000x128xf32, #tpu.memory_space<hbm>> -> memref<10000x128xf32, #tpu.memory_space<hbm>>
    tpu.enqueue_indirect_dma source(%dma_start3A_135 : memref<10000x128xf32, #tpu.memory_space<hbm>>) target(%arg15 : memref<184x128xf32, #tpu.memory_space<vmem>>) offsets(%arg7 : memref<184xi32, #tpu.memory_space<vmem>>) semaphore(%arg20 : memref<!tpu.dma_semaphore, #tpu.memory_space<semaphore_mem>>)
    %dma_wait3A_136 = arith.constant 0 : i32
    %dma_wait3A_137 = arith.constant 0 : i32
    %dma_wait3A_138 = tpu.memref_slice %arg2[%dma_wait3A_136, %dma_wait3A_137] : memref<10000x128xf32, #tpu.memory_space<hbm>> -> memref<10000x128xf32, #tpu.memory_space<hbm>>
    tpu.wait_indirect_dma semaphore(%arg21 : memref<!tpu.dma_semaphore, #tpu.memory_space<semaphore_mem>>) src(%dma_wait3A_138 : memref<10000x128xf32, #tpu.memory_space<hbm>>) dst(%arg16 : memref<184x128xf32, #tpu.memory_space<vmem>>)
    %dma_start3A_139 = arith.constant 0 : i32
    %dma_start3A_140 = arith.constant 0 : i32
    %dma_start3A_141 = tpu.memref_slice %arg19[%dma_start3A_139, %dma_start3A_140] : memref<10000x128xf32, #tpu.memory_space<vmem_shared>> -> memref<10000x128xf32, #tpu.memory_space<vmem_shared>>
    tpu.enqueue_indirect_dma source(%arg16 : memref<184x128xf32, #tpu.memory_space<vmem>>) target(%dma_start3A_141 : memref<10000x128xf32, #tpu.memory_space<vmem_shared>>) offsets(%arg14 : memref<184xi32, #tpu.memory_space<vmem>>) semaphore(%arg23 : memref<!tpu.dma_semaphore, #tpu.memory_space<semaphore_mem>>) {add = true}
    %dma_wait3A_142 = arith.constant 0 : i32
    %dma_wait3A_143 = arith.constant 0 : i32
    %dma_wait3A_144 = tpu.memref_slice %arg19[%dma_wait3A_142, %dma_wait3A_143] : memref<10000x128xf32, #tpu.memory_space<vmem_shared>> -> memref<10000x128xf32, #tpu.memory_space<vmem_shared>>
    tpu.wait_indirect_dma semaphore(%arg23 : memref<!tpu.dma_semaphore, #tpu.memory_space<semaphore_mem>>) src(%arg16 : memref<184x128xf32, #tpu.memory_space<vmem>>) dst(%dma_wait3A_144 : memref<10000x128xf32, #tpu.memory_space<vmem_shared>>)
    %add3A_145 = arith.constant 9752 : i32
    %add3A_146 = arith.addi %mul3A_2, %add3A_145 : i32
    %dma_wait3A_147 = tpu.memref_slice %arg3[%add3A_146] : memref<320000xi32, #tpu.memory_space<hbm>> -> memref<184xi32, #tpu.memory_space<hbm>>
    %dma_wait3A_148 = tpu.memref_slice %arg3[%add3A_146] : memref<320000xi32, #tpu.memory_space<hbm>> -> memref<184xi32, #tpu.memory_space<hbm>>
    tpu.wait_dma2 semaphore(%arg25 : memref<!tpu.dma_semaphore, #tpu.memory_space<semaphore_mem>>) src(%dma_wait3A_148 : memref<184xi32, #tpu.memory_space<hbm>>) dst(%arg8 : memref<184xi32, #tpu.memory_space<vmem>>)
    %dma_wait3A_149 = tpu.memref_slice %arg4[%add3A_146] : memref<320000xi32, #tpu.memory_space<hbm>> -> memref<184xi32, #tpu.memory_space<hbm>>
    %dma_wait3A_150 = tpu.memref_slice %arg4[%add3A_146] : memref<320000xi32, #tpu.memory_space<hbm>> -> memref<184xi32, #tpu.memory_space<hbm>>
    tpu.wait_dma2 semaphore(%arg25 : memref<!tpu.dma_semaphore, #tpu.memory_space<semaphore_mem>>) src(%dma_wait3A_150 : memref<184xi32, #tpu.memory_space<hbm>>) dst(%arg12 : memref<184xi32, #tpu.memory_space<vmem>>)
    %dma_start3A_151 = arith.constant 0 : i32
    %dma_start3A_152 = arith.constant 0 : i32
    %dma_start3A_153 = tpu.memref_slice %arg2[%dma_start3A_151, %dma_start3A_152] : memref<10000x128xf32, #tpu.memory_space<hbm>> -> memref<10000x128xf32, #tpu.memory_space<hbm>>
    tpu.enqueue_indirect_dma source(%dma_start3A_153 : memref<10000x128xf32, #tpu.memory_space<hbm>>) target(%arg16 : memref<184x128xf32, #tpu.memory_space<vmem>>) offsets(%arg8 : memref<184xi32, #tpu.memory_space<vmem>>) semaphore(%arg21 : memref<!tpu.dma_semaphore, #tpu.memory_space<semaphore_mem>>)
    %dma_wait3A_154 = arith.constant 0 : i32
    %dma_wait3A_155 = arith.constant 0 : i32
    %dma_wait3A_156 = tpu.memref_slice %arg2[%dma_wait3A_154, %dma_wait3A_155] : memref<10000x128xf32, #tpu.memory_space<hbm>> -> memref<10000x128xf32, #tpu.memory_space<hbm>>
    tpu.wait_indirect_dma semaphore(%arg20 : memref<!tpu.dma_semaphore, #tpu.memory_space<semaphore_mem>>) src(%dma_wait3A_156 : memref<10000x128xf32, #tpu.memory_space<hbm>>) dst(%arg15 : memref<184x128xf32, #tpu.memory_space<vmem>>)
    %dma_start3A_157 = arith.constant 0 : i32
    %dma_start3A_158 = arith.constant 0 : i32
    %dma_start3A_159 = tpu.memref_slice %arg19[%dma_start3A_157, %dma_start3A_158] : memref<10000x128xf32, #tpu.memory_space<vmem_shared>> -> memref<10000x128xf32, #tpu.memory_space<vmem_shared>>
    tpu.enqueue_indirect_dma source(%arg15 : memref<184x128xf32, #tpu.memory_space<vmem>>) target(%dma_start3A_159 : memref<10000x128xf32, #tpu.memory_space<vmem_shared>>) offsets(%arg11 : memref<184xi32, #tpu.memory_space<vmem>>) semaphore(%arg22 : memref<!tpu.dma_semaphore, #tpu.memory_space<semaphore_mem>>) {add = true}
    %dma_wait3A_160 = arith.constant 0 : i32
    %dma_wait3A_161 = arith.constant 0 : i32
    %dma_wait3A_162 = tpu.memref_slice %arg2[%dma_wait3A_160, %dma_wait3A_161] : memref<10000x128xf32, #tpu.memory_space<hbm>> -> memref<10000x128xf32, #tpu.memory_space<hbm>>
    tpu.wait_indirect_dma semaphore(%arg21 : memref<!tpu.dma_semaphore, #tpu.memory_space<semaphore_mem>>) src(%dma_wait3A_162 : memref<10000x128xf32, #tpu.memory_space<hbm>>) dst(%arg16 : memref<184x128xf32, #tpu.memory_space<vmem>>)
    %dma_start3A_163 = arith.constant 0 : i32
    %dma_start3A_164 = arith.constant 0 : i32
    %dma_start3A_165 = tpu.memref_slice %arg19[%dma_start3A_163, %dma_start3A_164] : memref<10000x128xf32, #tpu.memory_space<vmem_shared>> -> memref<10000x128xf32, #tpu.memory_space<vmem_shared>>
    tpu.enqueue_indirect_dma source(%arg16 : memref<184x128xf32, #tpu.memory_space<vmem>>) target(%dma_start3A_165 : memref<10000x128xf32, #tpu.memory_space<vmem_shared>>) offsets(%arg12 : memref<184xi32, #tpu.memory_space<vmem>>) semaphore(%arg23 : memref<!tpu.dma_semaphore, #tpu.memory_space<semaphore_mem>>) {add = true}
    %dma_wait3A_166 = arith.constant 0 : i32
    %dma_wait3A_167 = arith.constant 0 : i32
    %dma_wait3A_168 = tpu.memref_slice %arg19[%dma_wait3A_166, %dma_wait3A_167] : memref<10000x128xf32, #tpu.memory_space<vmem_shared>> -> memref<10000x128xf32, #tpu.memory_space<vmem_shared>>
    tpu.wait_indirect_dma semaphore(%arg22 : memref<!tpu.dma_semaphore, #tpu.memory_space<semaphore_mem>>) src(%arg15 : memref<184x128xf32, #tpu.memory_space<vmem>>) dst(%dma_wait3A_168 : memref<10000x128xf32, #tpu.memory_space<vmem_shared>>)
    %dma_wait3A_169 = arith.constant 0 : i32
    %dma_wait3A_170 = arith.constant 0 : i32
    %dma_wait3A_171 = tpu.memref_slice %arg19[%dma_wait3A_169, %dma_wait3A_170] : memref<10000x128xf32, #tpu.memory_space<vmem_shared>> -> memref<10000x128xf32, #tpu.memory_space<vmem_shared>>
    tpu.wait_indirect_dma semaphore(%arg23 : memref<!tpu.dma_semaphore, #tpu.memory_space<semaphore_mem>>) src(%arg16 : memref<184x128xf32, #tpu.memory_space<vmem>>) dst(%dma_wait3A_171 : memref<10000x128xf32, #tpu.memory_space<vmem_shared>>)
    %add3A_172 = arith.constant 9936 : i32
    %add3A_173 = arith.addi %mul3A_2, %add3A_172 : i32
    "tpu.region"() ({
      %run_scoped3A = tpu.sem_alloc : memref<!tpu.dma_semaphore, #tpu.memory_space<semaphore_mem>>
      %dma_start3A_196 = tpu.memref_slice %arg3[%add3A_173] : memref<320000xi32, #tpu.memory_space<hbm>> -> memref<64xi32, #tpu.memory_space<hbm>>
      %dma_start3A_197 = tpu.memref_slice %arg3[%add3A_173] : memref<320000xi32, #tpu.memory_space<hbm>> -> memref<64xi32, #tpu.memory_space<hbm>>
      tpu.enqueue_dma source(%dma_start3A_197 : memref<64xi32, #tpu.memory_space<hbm>>) target(%arg17 : memref<64xi32, #tpu.memory_space<vmem>>) target_semaphore(%run_scoped3A : memref<!tpu.dma_semaphore, #tpu.memory_space<semaphore_mem>>)
      %dma_wait3A_198 = tpu.memref_slice %arg3[%add3A_173] : memref<320000xi32, #tpu.memory_space<hbm>> -> memref<64xi32, #tpu.memory_space<hbm>>
      %dma_wait3A_199 = tpu.memref_slice %arg3[%add3A_173] : memref<320000xi32, #tpu.memory_space<hbm>> -> memref<64xi32, #tpu.memory_space<hbm>>
      tpu.wait_dma2 semaphore(%run_scoped3A : memref<!tpu.dma_semaphore, #tpu.memory_space<semaphore_mem>>) src(%dma_wait3A_199 : memref<64xi32, #tpu.memory_space<hbm>>) dst(%arg17 : memref<64xi32, #tpu.memory_space<vmem>>)
      tpu.yield
    }) : () -> ()
    "tpu.region"() ({
      %run_scoped3A = tpu.sem_alloc : memref<!tpu.dma_semaphore, #tpu.memory_space<semaphore_mem>>
      %dma_start3A_196 = tpu.memref_slice %arg4[%add3A_173] : memref<320000xi32, #tpu.memory_space<hbm>> -> memref<64xi32, #tpu.memory_space<hbm>>
      %dma_start3A_197 = tpu.memref_slice %arg4[%add3A_173] : memref<320000xi32, #tpu.memory_space<hbm>> -> memref<64xi32, #tpu.memory_space<hbm>>
      tpu.enqueue_dma source(%dma_start3A_197 : memref<64xi32, #tpu.memory_space<hbm>>) target(%arg18 : memref<64xi32, #tpu.memory_space<vmem>>) target_semaphore(%run_scoped3A : memref<!tpu.dma_semaphore, #tpu.memory_space<semaphore_mem>>)
      %dma_wait3A_198 = tpu.memref_slice %arg4[%add3A_173] : memref<320000xi32, #tpu.memory_space<hbm>> -> memref<64xi32, #tpu.memory_space<hbm>>
      %dma_wait3A_199 = tpu.memref_slice %arg4[%add3A_173] : memref<320000xi32, #tpu.memory_space<hbm>> -> memref<64xi32, #tpu.memory_space<hbm>>
      tpu.wait_dma2 semaphore(%run_scoped3A : memref<!tpu.dma_semaphore, #tpu.memory_space<semaphore_mem>>) src(%dma_wait3A_199 : memref<64xi32, #tpu.memory_space<hbm>>) dst(%arg18 : memref<64xi32, #tpu.memory_space<vmem>>)
      tpu.yield
    }) : () -> ()
    %dma_start3A_174 = arith.constant 0 : i32
    %dma_start3A_175 = arith.constant 0 : i32
    %dma_start3A_176 = tpu.memref_slice %arg15[%dma_start3A_174, %dma_start3A_175] : memref<184x128xf32, #tpu.memory_space<vmem>> -> memref<64x128xf32, #tpu.memory_space<vmem>>
    %dma_start3A_177 = arith.constant 0 : i32
    %dma_start3A_178 = arith.constant 0 : i32
    %dma_start3A_179 = tpu.memref_slice %arg2[%dma_start3A_177, %dma_start3A_178] : memref<10000x128xf32, #tpu.memory_space<hbm>> -> memref<10000x128xf32, #tpu.memory_space<hbm>>
    tpu.enqueue_indirect_dma source(%dma_start3A_179 : memref<10000x128xf32, #tpu.memory_space<hbm>>) target(%dma_start3A_176 : memref<64x128xf32, #tpu.memory_space<vmem>>) offsets(%arg17 : memref<64xi32, #tpu.memory_space<vmem>>) semaphore(%arg20 : memref<!tpu.dma_semaphore, #tpu.memory_space<semaphore_mem>>)
    %dma_wait3A_180 = arith.constant 0 : i32
    %dma_wait3A_181 = arith.constant 0 : i32
    %dma_wait3A_182 = tpu.memref_slice %arg15[%dma_wait3A_180, %dma_wait3A_181] : memref<184x128xf32, #tpu.memory_space<vmem>> -> memref<64x128xf32, #tpu.memory_space<vmem>>
    %dma_wait3A_183 = arith.constant 0 : i32
    %dma_wait3A_184 = arith.constant 0 : i32
    %dma_wait3A_185 = tpu.memref_slice %arg2[%dma_wait3A_183, %dma_wait3A_184] : memref<10000x128xf32, #tpu.memory_space<hbm>> -> memref<10000x128xf32, #tpu.memory_space<hbm>>
    tpu.wait_indirect_dma semaphore(%arg20 : memref<!tpu.dma_semaphore, #tpu.memory_space<semaphore_mem>>) src(%dma_wait3A_185 : memref<10000x128xf32, #tpu.memory_space<hbm>>) dst(%dma_wait3A_182 : memref<64x128xf32, #tpu.memory_space<vmem>>)
    "tpu.region"() ({
      %run_scoped3A = tpu.sem_alloc : memref<!tpu.dma_semaphore, #tpu.memory_space<semaphore_mem>>
      %dma_start3A_196 = arith.constant 0 : i32
      %dma_start3A_197 = arith.constant 0 : i32
      %dma_start3A_198 = tpu.memref_slice %arg15[%dma_start3A_196, %dma_start3A_197] : memref<184x128xf32, #tpu.memory_space<vmem>> -> memref<64x128xf32, #tpu.memory_space<vmem>>
      %dma_start3A_199 = arith.constant 0 : i32
      %dma_start3A_200 = arith.constant 0 : i32
      %dma_start3A_201 = tpu.memref_slice %arg19[%dma_start3A_199, %dma_start3A_200] : memref<10000x128xf32, #tpu.memory_space<vmem_shared>> -> memref<10000x128xf32, #tpu.memory_space<vmem_shared>>
      tpu.enqueue_indirect_dma source(%dma_start3A_198 : memref<64x128xf32, #tpu.memory_space<vmem>>) target(%dma_start3A_201 : memref<10000x128xf32, #tpu.memory_space<vmem_shared>>) offsets(%arg18 : memref<64xi32, #tpu.memory_space<vmem>>) semaphore(%run_scoped3A : memref<!tpu.dma_semaphore, #tpu.memory_space<semaphore_mem>>) {add = true}
      %dma_wait3A_202 = arith.constant 0 : i32
      %dma_wait3A_203 = arith.constant 0 : i32
      %dma_wait3A_204 = tpu.memref_slice %arg15[%dma_wait3A_202, %dma_wait3A_203] : memref<184x128xf32, #tpu.memory_space<vmem>> -> memref<64x128xf32, #tpu.memory_space<vmem>>
      %dma_wait3A_205 = arith.constant 0 : i32
      %dma_wait3A_206 = arith.constant 0 : i32
      %dma_wait3A_207 = tpu.memref_slice %arg19[%dma_wait3A_205, %dma_wait3A_206] : memref<10000x128xf32, #tpu.memory_space<vmem_shared>> -> memref<10000x128xf32, #tpu.memory_space<vmem_shared>>
      tpu.wait_indirect_dma semaphore(%run_scoped3A : memref<!tpu.dma_semaphore, #tpu.memory_space<semaphore_mem>>) src(%dma_wait3A_204 : memref<64x128xf32, #tpu.memory_space<vmem>>) dst(%dma_wait3A_207 : memref<10000x128xf32, #tpu.memory_space<vmem_shared>>)
      tpu.yield
    }) : () -> ()
    %barrier3A_186 = arith.constant 0 : index
    tpu.barrier barrier_id(%barrier3A_186)
    %mul3A_187 = arith.constant 624 : i32
    %mul3A_188 = arith.muli %arg1, %mul3A_187 : i32
    %mul3A_189 = arith.constant 624 : i32
    %mul3A_190 = arith.muli %arg1, %mul3A_189 : i32
    "tpu.region"() ({
      %run_scoped3A = tpu.sem_alloc : memref<!tpu.dma_semaphore, #tpu.memory_space<semaphore_mem>>
      %dma_start3A_196 = arith.constant 0 : i32
      %dma_start3A_197 = tpu.memref_slice %arg6[%arg0, %mul3A_190, %dma_start3A_196] : memref<2x10000x128xf32, #tpu.memory_space<hbm>> -> memref<1x624x128xf32, #tpu.memory_space<hbm>>
      %dma_start3A_198 = tpu.memref_squeeze %dma_start3A_197 : memref<1x624x128xf32, #tpu.memory_space<hbm>> -> memref<624x128xf32, #tpu.memory_space<hbm>>
      %dma_start3A_199 = arith.constant 0 : i32
      %dma_start3A_200 = tpu.memref_slice %arg19[%mul3A_188, %dma_start3A_199] : memref<10000x128xf32, #tpu.memory_space<vmem_shared>> -> memref<624x128xf32, #tpu.memory_space<vmem_shared>>
      tpu.enqueue_dma source(%dma_start3A_200 : memref<624x128xf32, #tpu.memory_space<vmem_shared>>) target(%dma_start3A_198 : memref<624x128xf32, #tpu.memory_space<hbm>>) target_semaphore(%run_scoped3A : memref<!tpu.dma_semaphore, #tpu.memory_space<semaphore_mem>>)
      %dma_wait3A_201 = arith.constant 0 : i32
      %dma_wait3A_202 = tpu.memref_slice %arg6[%arg0, %mul3A_190, %dma_wait3A_201] : memref<2x10000x128xf32, #tpu.memory_space<hbm>> -> memref<1x624x128xf32, #tpu.memory_space<hbm>>
      %dma_wait3A_203 = tpu.memref_squeeze %dma_wait3A_202 : memref<1x624x128xf32, #tpu.memory_space<hbm>> -> memref<624x128xf32, #tpu.memory_space<hbm>>
      %dma_wait3A_204 = arith.constant 0 : i32
      %dma_wait3A_205 = tpu.memref_slice %arg19[%mul3A_188, %dma_wait3A_204] : memref<10000x128xf32, #tpu.memory_space<vmem_shared>> -> memref<624x128xf32, #tpu.memory_space<vmem_shared>>
      tpu.wait_dma2 semaphore(%run_scoped3A : memref<!tpu.dma_semaphore, #tpu.memory_space<semaphore_mem>>) src(%dma_wait3A_205 : memref<624x128xf32, #tpu.memory_space<vmem_shared>>) dst(%dma_wait3A_203 : memref<624x128xf32, #tpu.memory_space<hbm>>)
      tpu.yield
    }) : () -> ()
    %eq3A_191 = arith.constant 0 : i32
    %eq3A_192 = arith.cmpi eq, %arg1, %eq3A_191 : i32
    %convert_element_type3A_193 = arith.extui %eq3A_192 : i1 to i32
    %cond3A_194 = arith.constant 0 : i32
    %cond3A_195 = arith.cmpi ne, %convert_element_type3A_193, %cond3A_194 : i32
    scf.if %cond3A_195 {
      "tpu.region"() ({
        %run_scoped3A = tpu.sem_alloc : memref<!tpu.dma_semaphore, #tpu.memory_space<semaphore_mem>>
        %dma_start3A_196 = arith.constant 9984 : i32
        %dma_start3A_197 = arith.constant 0 : i32
        %dma_start3A_198 = tpu.memref_slice %arg6[%arg0, %dma_start3A_196, %dma_start3A_197] : memref<2x10000x128xf32, #tpu.memory_space<hbm>> -> memref<1x16x128xf32, #tpu.memory_space<hbm>>
        %dma_start3A_199 = tpu.memref_squeeze %dma_start3A_198 : memref<1x16x128xf32, #tpu.memory_space<hbm>> -> memref<16x128xf32, #tpu.memory_space<hbm>>
        %dma_start3A_200 = arith.constant 9984 : i32
        %dma_start3A_201 = arith.constant 0 : i32
        %dma_start3A_202 = tpu.memref_slice %arg19[%dma_start3A_200, %dma_start3A_201] : memref<10000x128xf32, #tpu.memory_space<vmem_shared>> -> memref<16x128xf32, #tpu.memory_space<vmem_shared>>
        tpu.enqueue_dma source(%dma_start3A_202 : memref<16x128xf32, #tpu.memory_space<vmem_shared>>) target(%dma_start3A_199 : memref<16x128xf32, #tpu.memory_space<hbm>>) target_semaphore(%run_scoped3A : memref<!tpu.dma_semaphore, #tpu.memory_space<semaphore_mem>>)
        %dma_wait3A_203 = arith.constant 9984 : i32
        %dma_wait3A_204 = arith.constant 0 : i32
        %dma_wait3A_205 = tpu.memref_slice %arg6[%arg0, %dma_wait3A_203, %dma_wait3A_204] : memref<2x10000x128xf32, #tpu.memory_space<hbm>> -> memref<1x16x128xf32, #tpu.memory_space<hbm>>
        %dma_wait3A_206 = tpu.memref_squeeze %dma_wait3A_205 : memref<1x16x128xf32, #tpu.memory_space<hbm>> -> memref<16x128xf32, #tpu.memory_space<hbm>>
        %dma_wait3A_207 = arith.constant 9984 : i32
        %dma_wait3A_208 = arith.constant 0 : i32
        %dma_wait3A_209 = tpu.memref_slice %arg19[%dma_wait3A_207, %dma_wait3A_208] : memref<10000x128xf32, #tpu.memory_space<vmem_shared>> -> memref<16x128xf32, #tpu.memory_space<vmem_shared>>
        tpu.wait_dma2 semaphore(%run_scoped3A : memref<!tpu.dma_semaphore, #tpu.memory_space<semaphore_mem>>) src(%dma_wait3A_209 : memref<16x128xf32, #tpu.memory_space<vmem_shared>>) dst(%dma_wait3A_206 : memref<16x128xf32, #tpu.memory_space<hbm>>)
        tpu.yield
      }) : () -> ()
    } else {
    }
    return
  }
}

#map = affine_map<(d0, d1) -> (0, 0)>
#map1 = affine_map<(d0, d1) -> (0)>
#map2 = affine_map<(d0, d1) -> (0, 0, 0)>
module attributes {stable_mosaic.version = 14 : i64} {
  func.func @_sc_agg_body(%arg0: i32, %arg1: i32, %arg2: memref<10000x128xf32, #tpu.memory_space<hbm>>, %arg3: memref<320000xi32, #tpu.memory_space<hbm>>, %arg4: memref<320000xi32, #tpu.memory_space<hbm>>, %arg5: memref<10000x128xf32, #tpu.memory_space<hbm>>, %arg6: memref<2x10000x128xf32, #tpu.memory_space<hbm>>, %arg7: memref<184xi32, #tpu.memory_space<vmem>>, %arg8: memref<184xi32, #tpu.memory_space<vmem>>, %arg9: memref<184xi32, #tpu.memory_space<vmem>>, %arg10: memref<184xi32, #tpu.memory_space<vmem>>, %arg11: memref<184xi32, #tpu.memory_space<vmem>>, %arg12: memref<184xi32, #tpu.memory_space<vmem>>, %arg13: memref<184xi32, #tpu.memory_space<vmem>>, %arg14: memref<184xi32, #tpu.memory_space<vmem>>, %arg15: memref<184x128xf32, #tpu.memory_space<vmem>>, %arg16: memref<184x128xf32, #tpu.memory_space<vmem>>, %arg17: memref<64xi32, #tpu.memory_space<vmem>>, %arg18: memref<64xi32, #tpu.memory_space<vmem>>, %arg19: memref<10000x128xf32, #tpu.memory_space<vmem_shared>>, %arg20: memref<!tpu.dma_semaphore, #tpu.memory_space<semaphore_mem>>, %arg21: memref<!tpu.dma_semaphore, #tpu.memory_space<semaphore_mem>>, %arg22: memref<!tpu.dma_semaphore, #tpu.memory_space<semaphore_mem>>, %arg23: memref<!tpu.dma_semaphore, #tpu.memory_space<semaphore_mem>>, %arg24: memref<!tpu.dma_semaphore, #tpu.memory_space<semaphore_mem>>, %arg25: memref<!tpu.dma_semaphore, #tpu.memory_space<semaphore_mem>>, %arg26: memref<!tpu.dma_semaphore, #tpu.memory_space<semaphore_mem>>, %arg27: memref<!tpu.dma_semaphore, #tpu.memory_space<semaphore_mem>>) attributes {dimension_semantics = [#tpu.dimension_semantics<core_parallel>, #tpu.dimension_semantics<subcore_parallel>], iteration_bounds = array<i64: 2, 16>, scalar_prefetch = 0 : i64, scratch_operands = 21 : i64, tpu.core_type = #tpu.core_type<sc_vector_subcore>, window_params = [{transform_indices = #map}, {transform_indices = #map1}, {transform_indices = #map1}, {transform_indices = #map}, {transform_indices = #map2}]} {
    %mul3A = arith.constant 2 : i32
    %mul3A_0 = arith.muli %arg1, %mul3A : i32
    %add3A = arith.addi %mul3A_0, %arg0 : i32
    %mul3A_1 = arith.constant 10000 : i32
    %mul3A_2 = arith.muli %add3A, %mul3A_1 : i32
    %add3A_3 = arith.constant 0 : i32
    %add3A_4 = arith.addi %mul3A_2, %add3A_3 : i32
    %dma_start3A = tpu.memref_slice %arg3[%add3A_4] : memref<320000xi32, #tpu.memory_space<hbm>> -> memref<184xi32, #tpu.memory_space<hbm>>
    %dma_start3A_5 = tpu.memref_slice %arg3[%add3A_4] : memref<320000xi32, #tpu.memory_space<hbm>> -> memref<184xi32, #tpu.memory_space<hbm>>
    tpu.enqueue_dma source(%dma_start3A_5 : memref<184xi32, #tpu.memory_space<hbm>>) target(%arg7 : memref<184xi32, #tpu.memory_space<vmem>>) target_semaphore(%arg24 : memref<!tpu.dma_semaphore, #tpu.memory_space<semaphore_mem>>)
    %dma_start3A_6 = tpu.memref_slice %arg4[%add3A_4] : memref<320000xi32, #tpu.memory_space<hbm>> -> memref<184xi32, #tpu.memory_space<hbm>>
    %dma_start3A_7 = tpu.memref_slice %arg4[%add3A_4] : memref<320000xi32, #tpu.memory_space<hbm>> -> memref<184xi32, #tpu.memory_space<hbm>>
    tpu.enqueue_dma source(%dma_start3A_7 : memref<184xi32, #tpu.memory_space<hbm>>) target(%arg11 : memref<184xi32, #tpu.memory_space<vmem>>) target_semaphore(%arg24 : memref<!tpu.dma_semaphore, #tpu.memory_space<semaphore_mem>>)
    %add3A_8 = arith.constant 184 : i32
    %add3A_9 = arith.addi %mul3A_2, %add3A_8 : i32
    %dma_start3A_10 = tpu.memref_slice %arg3[%add3A_9] : memref<320000xi32, #tpu.memory_space<hbm>> -> memref<184xi32, #tpu.memory_space<hbm>>
    %dma_start3A_11 = tpu.memref_slice %arg3[%add3A_9] : memref<320000xi32, #tpu.memory_space<hbm>> -> memref<184xi32, #tpu.memory_space<hbm>>
    tpu.enqueue_dma source(%dma_start3A_11 : memref<184xi32, #tpu.memory_space<hbm>>) target(%arg8 : memref<184xi32, #tpu.memory_space<vmem>>) target_semaphore(%arg25 : memref<!tpu.dma_semaphore, #tpu.memory_space<semaphore_mem>>)
    %dma_start3A_12 = tpu.memref_slice %arg4[%add3A_9] : memref<320000xi32, #tpu.memory_space<hbm>> -> memref<184xi32, #tpu.memory_space<hbm>>
    %dma_start3A_13 = tpu.memref_slice %arg4[%add3A_9] : memref<320000xi32, #tpu.memory_space<hbm>> -> memref<184xi32, #tpu.memory_space<hbm>>
    tpu.enqueue_dma source(%dma_start3A_13 : memref<184xi32, #tpu.memory_space<hbm>>) target(%arg12 : memref<184xi32, #tpu.memory_space<vmem>>) target_semaphore(%arg25 : memref<!tpu.dma_semaphore, #tpu.memory_space<semaphore_mem>>)
    %eq3A = arith.constant 0 : i32
    %eq3A_14 = arith.cmpi eq, %arg0, %eq3A : i32
    %convert_element_type3A = arith.extui %eq3A_14 : i1 to i32
    %cond3A = arith.constant 0 : i32
    %cond3A_15 = arith.cmpi ne, %convert_element_type3A, %cond3A : i32
    scf.if %cond3A_15 {
      %mul3A_196 = arith.constant 624 : i32
      %mul3A_197 = arith.muli %arg1, %mul3A_196 : i32
      %mul3A_198 = arith.constant 624 : i32
      %mul3A_199 = arith.muli %arg1, %mul3A_198 : i32
      "tpu.region"() ({
        %run_scoped3A = tpu.sem_alloc : memref<!tpu.dma_semaphore, #tpu.memory_space<semaphore_mem>>
        %dma_start3A_200 = arith.constant 0 : i32
        %dma_start3A_201 = tpu.memref_slice %arg19[%mul3A_199, %dma_start3A_200] : memref<10000x128xf32, #tpu.memory_space<vmem_shared>> -> memref<624x128xf32, #tpu.memory_space<vmem_shared>>
        %dma_start3A_202 = arith.constant 0 : i32
        %dma_start3A_203 = tpu.memref_slice %arg2[%mul3A_197, %dma_start3A_202] : memref<10000x128xf32, #tpu.memory_space<hbm>> -> memref<624x128xf32, #tpu.memory_space<hbm>>
        tpu.enqueue_dma source(%dma_start3A_203 : memref<624x128xf32, #tpu.memory_space<hbm>>) target(%dma_start3A_201 : memref<624x128xf32, #tpu.memory_space<vmem_shared>>) target_semaphore(%run_scoped3A : memref<!tpu.dma_semaphore, #tpu.memory_space<semaphore_mem>>)
        %dma_wait3A_204 = arith.constant 0 : i32
        %dma_wait3A_205 = tpu.memref_slice %arg19[%mul3A_199, %dma_wait3A_204] : memref<10000x128xf32, #tpu.memory_space<vmem_shared>> -> memref<624x128xf32, #tpu.memory_space<vmem_shared>>
        %dma_wait3A_206 = arith.constant 0 : i32
        %dma_wait3A_207 = tpu.memref_slice %arg2[%mul3A_197, %dma_wait3A_206] : memref<10000x128xf32, #tpu.memory_space<hbm>> -> memref<624x128xf32, #tpu.memory_space<hbm>>
        tpu.wait_dma2 semaphore(%run_scoped3A : memref<!tpu.dma_semaphore, #tpu.memory_space<semaphore_mem>>) src(%dma_wait3A_207 : memref<624x128xf32, #tpu.memory_space<hbm>>) dst(%dma_wait3A_205 : memref<624x128xf32, #tpu.memory_space<vmem_shared>>)
        tpu.yield
      }) : () -> ()
    } else {
    }
    %eq3A_16 = arith.constant 1 : i32
    %eq3A_17 = arith.cmpi eq, %arg0, %eq3A_16 : i32
    %convert_element_type3A_18 = arith.extui %eq3A_17 : i1 to i32
    %cond3A_19 = arith.constant 0 : i32
    %cond3A_20 = arith.cmpi ne, %convert_element_type3A_18, %cond3A_19 : i32
    scf.if %cond3A_20 {
      %mul3A_196 = arith.constant 624 : i32
      %mul3A_197 = arith.muli %arg1, %mul3A_196 : i32
      %mul3A_198 = arith.constant 624 : i32
      %mul3A_199 = arith.muli %arg1, %mul3A_198 : i32
      "tpu.region"() ({
        %run_scoped3A = tpu.sem_alloc : memref<!tpu.dma_semaphore, #tpu.memory_space<semaphore_mem>>
        %dma_start3A_200 = arith.constant 0 : i32
        %dma_start3A_201 = tpu.memref_slice %arg19[%mul3A_199, %dma_start3A_200] : memref<10000x128xf32, #tpu.memory_space<vmem_shared>> -> memref<624x128xf32, #tpu.memory_space<vmem_shared>>
        %dma_start3A_202 = arith.constant 0 : i32
        %dma_start3A_203 = tpu.memref_slice %arg5[%mul3A_197, %dma_start3A_202] : memref<10000x128xf32, #tpu.memory_space<hbm>> -> memref<624x128xf32, #tpu.memory_space<hbm>>
        tpu.enqueue_dma source(%dma_start3A_203 : memref<624x128xf32, #tpu.memory_space<hbm>>) target(%dma_start3A_201 : memref<624x128xf32, #tpu.memory_space<vmem_shared>>) target_semaphore(%run_scoped3A : memref<!tpu.dma_semaphore, #tpu.memory_space<semaphore_mem>>)
        %dma_wait3A_204 = arith.constant 0 : i32
        %dma_wait3A_205 = tpu.memref_slice %arg19[%mul3A_199, %dma_wait3A_204] : memref<10000x128xf32, #tpu.memory_space<vmem_shared>> -> memref<624x128xf32, #tpu.memory_space<vmem_shared>>
        %dma_wait3A_206 = arith.constant 0 : i32
        %dma_wait3A_207 = tpu.memref_slice %arg5[%mul3A_197, %dma_wait3A_206] : memref<10000x128xf32, #tpu.memory_space<hbm>> -> memref<624x128xf32, #tpu.memory_space<hbm>>
        tpu.wait_dma2 semaphore(%run_scoped3A : memref<!tpu.dma_semaphore, #tpu.memory_space<semaphore_mem>>) src(%dma_wait3A_207 : memref<624x128xf32, #tpu.memory_space<hbm>>) dst(%dma_wait3A_205 : memref<624x128xf32, #tpu.memory_space<vmem_shared>>)
        tpu.yield
      }) : () -> ()
    } else {
    }
    %eq3A_21 = arith.constant 0 : i32
    %eq3A_22 = arith.cmpi eq, %arg1, %eq3A_21 : i32
    %eq3A_23 = arith.constant 0 : i32
    %eq3A_24 = arith.cmpi eq, %arg0, %eq3A_23 : i32
    %and3A = arith.andi %eq3A_22, %eq3A_24 : i1
    %convert_element_type3A_25 = arith.extui %and3A : i1 to i32
    %cond3A_26 = arith.constant 0 : i32
    %cond3A_27 = arith.cmpi ne, %convert_element_type3A_25, %cond3A_26 : i32
    scf.if %cond3A_27 {
      "tpu.region"() ({
        %run_scoped3A = tpu.sem_alloc : memref<!tpu.dma_semaphore, #tpu.memory_space<semaphore_mem>>
        %dma_start3A_196 = arith.constant 9984 : i32
        %dma_start3A_197 = arith.constant 0 : i32
        %dma_start3A_198 = tpu.memref_slice %arg19[%dma_start3A_196, %dma_start3A_197] : memref<10000x128xf32, #tpu.memory_space<vmem_shared>> -> memref<16x128xf32, #tpu.memory_space<vmem_shared>>
        %dma_start3A_199 = arith.constant 9984 : i32
        %dma_start3A_200 = arith.constant 0 : i32
        %dma_start3A_201 = tpu.memref_slice %arg2[%dma_start3A_199, %dma_start3A_200] : memref<10000x128xf32, #tpu.memory_space<hbm>> -> memref<16x128xf32, #tpu.memory_space<hbm>>
        tpu.enqueue_dma source(%dma_start3A_201 : memref<16x128xf32, #tpu.memory_space<hbm>>) target(%dma_start3A_198 : memref<16x128xf32, #tpu.memory_space<vmem_shared>>) target_semaphore(%run_scoped3A : memref<!tpu.dma_semaphore, #tpu.memory_space<semaphore_mem>>)
        %dma_wait3A_202 = arith.constant 9984 : i32
        %dma_wait3A_203 = arith.constant 0 : i32
        %dma_wait3A_204 = tpu.memref_slice %arg19[%dma_wait3A_202, %dma_wait3A_203] : memref<10000x128xf32, #tpu.memory_space<vmem_shared>> -> memref<16x128xf32, #tpu.memory_space<vmem_shared>>
        %dma_wait3A_205 = arith.constant 9984 : i32
        %dma_wait3A_206 = arith.constant 0 : i32
        %dma_wait3A_207 = tpu.memref_slice %arg2[%dma_wait3A_205, %dma_wait3A_206] : memref<10000x128xf32, #tpu.memory_space<hbm>> -> memref<16x128xf32, #tpu.memory_space<hbm>>
        tpu.wait_dma2 semaphore(%run_scoped3A : memref<!tpu.dma_semaphore, #tpu.memory_space<semaphore_mem>>) src(%dma_wait3A_207 : memref<16x128xf32, #tpu.memory_space<hbm>>) dst(%dma_wait3A_204 : memref<16x128xf32, #tpu.memory_space<vmem_shared>>)
        tpu.yield
      }) : () -> ()
    } else {
    }
    %eq3A_28 = arith.constant 0 : i32
    %eq3A_29 = arith.cmpi eq, %arg1, %eq3A_28 : i32
    %eq3A_30 = arith.constant 1 : i32
    %eq3A_31 = arith.cmpi eq, %arg0, %eq3A_30 : i32
    %and3A_32 = arith.andi %eq3A_29, %eq3A_31 : i1
    %convert_element_type3A_33 = arith.extui %and3A_32 : i1 to i32
    %cond3A_34 = arith.constant 0 : i32
    %cond3A_35 = arith.cmpi ne, %convert_element_type3A_33, %cond3A_34 : i32
    scf.if %cond3A_35 {
      "tpu.region"() ({
        %run_scoped3A = tpu.sem_alloc : memref<!tpu.dma_semaphore, #tpu.memory_space<semaphore_mem>>
        %dma_start3A_196 = arith.constant 9984 : i32
        %dma_start3A_197 = arith.constant 0 : i32
        %dma_start3A_198 = tpu.memref_slice %arg19[%dma_start3A_196, %dma_start3A_197] : memref<10000x128xf32, #tpu.memory_space<vmem_shared>> -> memref<16x128xf32, #tpu.memory_space<vmem_shared>>
        %dma_start3A_199 = arith.constant 9984 : i32
        %dma_start3A_200 = arith.constant 0 : i32
        %dma_start3A_201 = tpu.memref_slice %arg5[%dma_start3A_199, %dma_start3A_200] : memref<10000x128xf32, #tpu.memory_space<hbm>> -> memref<16x128xf32, #tpu.memory_space<hbm>>
        tpu.enqueue_dma source(%dma_start3A_201 : memref<16x128xf32, #tpu.memory_space<hbm>>) target(%dma_start3A_198 : memref<16x128xf32, #tpu.memory_space<vmem_shared>>) target_semaphore(%run_scoped3A : memref<!tpu.dma_semaphore, #tpu.memory_space<semaphore_mem>>)
        %dma_wait3A_202 = arith.constant 9984 : i32
        %dma_wait3A_203 = arith.constant 0 : i32
        %dma_wait3A_204 = tpu.memref_slice %arg19[%dma_wait3A_202, %dma_wait3A_203] : memref<10000x128xf32, #tpu.memory_space<vmem_shared>> -> memref<16x128xf32, #tpu.memory_space<vmem_shared>>
        %dma_wait3A_205 = arith.constant 9984 : i32
        %dma_wait3A_206 = arith.constant 0 : i32
        %dma_wait3A_207 = tpu.memref_slice %arg5[%dma_wait3A_205, %dma_wait3A_206] : memref<10000x128xf32, #tpu.memory_space<hbm>> -> memref<16x128xf32, #tpu.memory_space<hbm>>
        tpu.wait_dma2 semaphore(%run_scoped3A : memref<!tpu.dma_semaphore, #tpu.memory_space<semaphore_mem>>) src(%dma_wait3A_207 : memref<16x128xf32, #tpu.memory_space<hbm>>) dst(%dma_wait3A_204 : memref<16x128xf32, #tpu.memory_space<vmem_shared>>)
        tpu.yield
      }) : () -> ()
    } else {
    }
    %barrier3A = arith.constant 0 : index
    tpu.barrier barrier_id(%barrier3A)
    %add3A_36 = arith.constant 0 : i32
    %add3A_37 = arith.addi %mul3A_2, %add3A_36 : i32
    %dma_wait3A = tpu.memref_slice %arg3[%add3A_37] : memref<320000xi32, #tpu.memory_space<hbm>> -> memref<184xi32, #tpu.memory_space<hbm>>
    %dma_wait3A_38 = tpu.memref_slice %arg3[%add3A_37] : memref<320000xi32, #tpu.memory_space<hbm>> -> memref<184xi32, #tpu.memory_space<hbm>>
    tpu.wait_dma2 semaphore(%arg24 : memref<!tpu.dma_semaphore, #tpu.memory_space<semaphore_mem>>) src(%dma_wait3A_38 : memref<184xi32, #tpu.memory_space<hbm>>) dst(%arg7 : memref<184xi32, #tpu.memory_space<vmem>>)
    %dma_wait3A_39 = tpu.memref_slice %arg4[%add3A_37] : memref<320000xi32, #tpu.memory_space<hbm>> -> memref<184xi32, #tpu.memory_space<hbm>>
    %dma_wait3A_40 = tpu.memref_slice %arg4[%add3A_37] : memref<320000xi32, #tpu.memory_space<hbm>> -> memref<184xi32, #tpu.memory_space<hbm>>
    tpu.wait_dma2 semaphore(%arg24 : memref<!tpu.dma_semaphore, #tpu.memory_space<semaphore_mem>>) src(%dma_wait3A_40 : memref<184xi32, #tpu.memory_space<hbm>>) dst(%arg11 : memref<184xi32, #tpu.memory_space<vmem>>)
    %dma_start3A_41 = arith.constant 0 : i32
    %dma_start3A_42 = arith.constant 0 : i32
    %dma_start3A_43 = tpu.memref_slice %arg2[%dma_start3A_41, %dma_start3A_42] : memref<10000x128xf32, #tpu.memory_space<hbm>> -> memref<10000x128xf32, #tpu.memory_space<hbm>>
    tpu.enqueue_indirect_dma source(%dma_start3A_43 : memref<10000x128xf32, #tpu.memory_space<hbm>>) target(%arg15 : memref<184x128xf32, #tpu.memory_space<vmem>>) offsets(%arg7 : memref<184xi32, #tpu.memory_space<vmem>>) semaphore(%arg20 : memref<!tpu.dma_semaphore, #tpu.memory_space<semaphore_mem>>)
    %add3A_44 = arith.constant 368 : i32
    %add3A_45 = arith.addi %mul3A_2, %add3A_44 : i32
    %dma_start3A_46 = tpu.memref_slice %arg3[%add3A_45] : memref<320000xi32, #tpu.memory_space<hbm>> -> memref<184xi32, #tpu.memory_space<hbm>>
    %dma_start3A_47 = tpu.memref_slice %arg3[%add3A_45] : memref<320000xi32, #tpu.memory_space<hbm>> -> memref<184xi32, #tpu.memory_space<hbm>>
    tpu.enqueue_dma source(%dma_start3A_47 : memref<184xi32, #tpu.memory_space<hbm>>) target(%arg9 : memref<184xi32, #tpu.memory_space<vmem>>) target_semaphore(%arg26 : memref<!tpu.dma_semaphore, #tpu.memory_space<semaphore_mem>>)
    %dma_start3A_48 = tpu.memref_slice %arg4[%add3A_45] : memref<320000xi32, #tpu.memory_space<hbm>> -> memref<184xi32, #tpu.memory_space<hbm>>
    %dma_start3A_49 = tpu.memref_slice %arg4[%add3A_45] : memref<320000xi32, #tpu.memory_space<hbm>> -> memref<184xi32, #tpu.memory_space<hbm>>
    tpu.enqueue_dma source(%dma_start3A_49 : memref<184xi32, #tpu.memory_space<hbm>>) target(%arg13 : memref<184xi32, #tpu.memory_space<vmem>>) target_semaphore(%arg26 : memref<!tpu.dma_semaphore, #tpu.memory_space<semaphore_mem>>)
    %add3A_50 = arith.constant 184 : i32
    %add3A_51 = arith.addi %mul3A_2, %add3A_50 : i32
    %dma_wait3A_52 = tpu.memref_slice %arg3[%add3A_51] : memref<320000xi32, #tpu.memory_space<hbm>> -> memref<184xi32, #tpu.memory_space<hbm>>
    %dma_wait3A_53 = tpu.memref_slice %arg3[%add3A_51] : memref<320000xi32, #tpu.memory_space<hbm>> -> memref<184xi32, #tpu.memory_space<hbm>>
    tpu.wait_dma2 semaphore(%arg25 : memref<!tpu.dma_semaphore, #tpu.memory_space<semaphore_mem>>) src(%dma_wait3A_53 : memref<184xi32, #tpu.memory_space<hbm>>) dst(%arg8 : memref<184xi32, #tpu.memory_space<vmem>>)
    %dma_wait3A_54 = tpu.memref_slice %arg4[%add3A_51] : memref<320000xi32, #tpu.memory_space<hbm>> -> memref<184xi32, #tpu.memory_space<hbm>>
    %dma_wait3A_55 = tpu.memref_slice %arg4[%add3A_51] : memref<320000xi32, #tpu.memory_space<hbm>> -> memref<184xi32, #tpu.memory_space<hbm>>
    tpu.wait_dma2 semaphore(%arg25 : memref<!tpu.dma_semaphore, #tpu.memory_space<semaphore_mem>>) src(%dma_wait3A_55 : memref<184xi32, #tpu.memory_space<hbm>>) dst(%arg12 : memref<184xi32, #tpu.memory_space<vmem>>)
    %dma_start3A_56 = arith.constant 0 : i32
    %dma_start3A_57 = arith.constant 0 : i32
    %dma_start3A_58 = tpu.memref_slice %arg2[%dma_start3A_56, %dma_start3A_57] : memref<10000x128xf32, #tpu.memory_space<hbm>> -> memref<10000x128xf32, #tpu.memory_space<hbm>>
    tpu.enqueue_indirect_dma source(%dma_start3A_58 : memref<10000x128xf32, #tpu.memory_space<hbm>>) target(%arg16 : memref<184x128xf32, #tpu.memory_space<vmem>>) offsets(%arg8 : memref<184xi32, #tpu.memory_space<vmem>>) semaphore(%arg21 : memref<!tpu.dma_semaphore, #tpu.memory_space<semaphore_mem>>)
    %add3A_59 = arith.constant 552 : i32
    %add3A_60 = arith.addi %mul3A_2, %add3A_59 : i32
    %dma_start3A_61 = tpu.memref_slice %arg3[%add3A_60] : memref<320000xi32, #tpu.memory_space<hbm>> -> memref<184xi32, #tpu.memory_space<hbm>>
    %dma_start3A_62 = tpu.memref_slice %arg3[%add3A_60] : memref<320000xi32, #tpu.memory_space<hbm>> -> memref<184xi32, #tpu.memory_space<hbm>>
    tpu.enqueue_dma source(%dma_start3A_62 : memref<184xi32, #tpu.memory_space<hbm>>) target(%arg10 : memref<184xi32, #tpu.memory_space<vmem>>) target_semaphore(%arg27 : memref<!tpu.dma_semaphore, #tpu.memory_space<semaphore_mem>>)
    %dma_start3A_63 = tpu.memref_slice %arg4[%add3A_60] : memref<320000xi32, #tpu.memory_space<hbm>> -> memref<184xi32, #tpu.memory_space<hbm>>
    %dma_start3A_64 = tpu.memref_slice %arg4[%add3A_60] : memref<320000xi32, #tpu.memory_space<hbm>> -> memref<184xi32, #tpu.memory_space<hbm>>
    tpu.enqueue_dma source(%dma_start3A_64 : memref<184xi32, #tpu.memory_space<hbm>>) target(%arg14 : memref<184xi32, #tpu.memory_space<vmem>>) target_semaphore(%arg27 : memref<!tpu.dma_semaphore, #tpu.memory_space<semaphore_mem>>)
    %dma_wait3A_65 = arith.constant 0 : i32
    %dma_wait3A_66 = arith.constant 0 : i32
    %dma_wait3A_67 = tpu.memref_slice %arg2[%dma_wait3A_65, %dma_wait3A_66] : memref<10000x128xf32, #tpu.memory_space<hbm>> -> memref<10000x128xf32, #tpu.memory_space<hbm>>
    tpu.wait_indirect_dma semaphore(%arg20 : memref<!tpu.dma_semaphore, #tpu.memory_space<semaphore_mem>>) src(%dma_wait3A_67 : memref<10000x128xf32, #tpu.memory_space<hbm>>) dst(%arg15 : memref<184x128xf32, #tpu.memory_space<vmem>>)
    %dma_start3A_68 = arith.constant 0 : i32
    %dma_start3A_69 = arith.constant 0 : i32
    %dma_start3A_70 = tpu.memref_slice %arg19[%dma_start3A_68, %dma_start3A_69] : memref<10000x128xf32, #tpu.memory_space<vmem_shared>> -> memref<10000x128xf32, #tpu.memory_space<vmem_shared>>
    tpu.enqueue_indirect_dma source(%arg15 : memref<184x128xf32, #tpu.memory_space<vmem>>) target(%dma_start3A_70 : memref<10000x128xf32, #tpu.memory_space<vmem_shared>>) offsets(%arg11 : memref<184xi32, #tpu.memory_space<vmem>>) semaphore(%arg22 : memref<!tpu.dma_semaphore, #tpu.memory_space<semaphore_mem>>) {add = true}
    %scan3A = arith.constant 0 : i32
    %scan3A_71 = arith.constant 0 : i32
    %scan3A_72 = arith.constant 12 : i32
    %scan3A_73 = arith.addi %scan3A_71, %scan3A_72 : i32
    %scan3A_74 = arith.constant 1 : i32
    scf.for %scan3A_196 = %scan3A_71 to %scan3A_73 step %scan3A_74  : i32 {
      %mul3A_197 = arith.constant 4 : i32
      %mul3A_198 = arith.muli %mul3A_197, %scan3A_196 : i32
      %add3A_199 = arith.constant 2 : i32
      %add3A_200 = arith.addi %add3A_199, %mul3A_198 : i32
      %dma_wait3A_201 = arith.constant 0 : i32
      %dma_wait3A_202 = arith.constant 0 : i32
      %dma_wait3A_203 = tpu.memref_slice %arg19[%dma_wait3A_201, %dma_wait3A_202] : memref<10000x128xf32, #tpu.memory_space<vmem_shared>> -> memref<10000x128xf32, #tpu.memory_space<vmem_shared>>
      tpu.wait_indirect_dma semaphore(%arg22 : memref<!tpu.dma_semaphore, #tpu.memory_space<semaphore_mem>>) src(%arg15 : memref<184x128xf32, #tpu.memory_space<vmem>>) dst(%dma_wait3A_203 : memref<10000x128xf32, #tpu.memory_space<vmem_shared>>)
      %mul3A_204 = arith.constant 184 : i32
      %mul3A_205 = arith.muli %add3A_200, %mul3A_204 : i32
      %add3A_206 = arith.addi %mul3A_2, %mul3A_205 : i32
      %dma_wait3A_207 = tpu.memref_slice %arg3[%add3A_206] : memref<320000xi32, #tpu.memory_space<hbm>> -> memref<184xi32, #tpu.memory_space<hbm>>
      %dma_wait3A_208 = tpu.memref_slice %arg3[%add3A_206] : memref<320000xi32, #tpu.memory_space<hbm>> -> memref<184xi32, #tpu.memory_space<hbm>>
      tpu.wait_dma2 semaphore(%arg26 : memref<!tpu.dma_semaphore, #tpu.memory_space<semaphore_mem>>) src(%dma_wait3A_208 : memref<184xi32, #tpu.memory_space<hbm>>) dst(%arg9 : memref<184xi32, #tpu.memory_space<vmem>>)
      %dma_wait3A_209 = tpu.memref_slice %arg4[%add3A_206] : memref<320000xi32, #tpu.memory_space<hbm>> -> memref<184xi32, #tpu.memory_space<hbm>>
      %dma_wait3A_210 = tpu.memref_slice %arg4[%add3A_206] : memref<320000xi32, #tpu.memory_space<hbm>> -> memref<184xi32, #tpu.memory_space<hbm>>
      tpu.wait_dma2 semaphore(%arg26 : memref<!tpu.dma_semaphore, #tpu.memory_space<semaphore_mem>>) src(%dma_wait3A_210 : memref<184xi32, #tpu.memory_space<hbm>>) dst(%arg13 : memref<184xi32, #tpu.memory_space<vmem>>)
      %dma_start3A_211 = arith.constant 0 : i32
      %dma_start3A_212 = arith.constant 0 : i32
      %dma_start3A_213 = tpu.memref_slice %arg2[%dma_start3A_211, %dma_start3A_212] : memref<10000x128xf32, #tpu.memory_space<hbm>> -> memref<10000x128xf32, #tpu.memory_space<hbm>>
      tpu.enqueue_indirect_dma source(%dma_start3A_213 : memref<10000x128xf32, #tpu.memory_space<hbm>>) target(%arg15 : memref<184x128xf32, #tpu.memory_space<vmem>>) offsets(%arg9 : memref<184xi32, #tpu.memory_space<vmem>>) semaphore(%arg20 : memref<!tpu.dma_semaphore, #tpu.memory_space<semaphore_mem>>)
      %add3A_214 = arith.constant 2 : i32
      %add3A_215 = arith.addi %add3A_200, %add3A_214 : i32
      %mul3A_216 = arith.constant 184 : i32
      %mul3A_217 = arith.muli %add3A_215, %mul3A_216 : i32
      %add3A_218 = arith.addi %mul3A_2, %mul3A_217 : i32
      %dma_start3A_219 = tpu.memref_slice %arg3[%add3A_218] : memref<320000xi32, #tpu.memory_space<hbm>> -> memref<184xi32, #tpu.memory_space<hbm>>
      %dma_start3A_220 = tpu.memref_slice %arg3[%add3A_218] : memref<320000xi32, #tpu.memory_space<hbm>> -> memref<184xi32, #tpu.memory_space<hbm>>
      tpu.enqueue_dma source(%dma_start3A_220 : memref<184xi32, #tpu.memory_space<hbm>>) target(%arg7 : memref<184xi32, #tpu.memory_space<vmem>>) target_semaphore(%arg24 : memref<!tpu.dma_semaphore, #tpu.memory_space<semaphore_mem>>)
      %dma_start3A_221 = tpu.memref_slice %arg4[%add3A_218] : memref<320000xi32, #tpu.memory_space<hbm>> -> memref<184xi32, #tpu.memory_space<hbm>>
      %dma_start3A_222 = tpu.memref_slice %arg4[%add3A_218] : memref<320000xi32, #tpu.memory_space<hbm>> -> memref<184xi32, #tpu.memory_space<hbm>>
      tpu.enqueue_dma source(%dma_start3A_222 : memref<184xi32, #tpu.memory_space<hbm>>) target(%arg11 : memref<184xi32, #tpu.memory_space<vmem>>) target_semaphore(%arg24 : memref<!tpu.dma_semaphore, #tpu.memory_space<semaphore_mem>>)
      %dma_wait3A_223 = arith.constant 0 : i32
      %dma_wait3A_224 = arith.constant 0 : i32
      %dma_wait3A_225 = tpu.memref_slice %arg2[%dma_wait3A_223, %dma_wait3A_224] : memref<10000x128xf32, #tpu.memory_space<hbm>> -> memref<10000x128xf32, #tpu.memory_space<hbm>>
      tpu.wait_indirect_dma semaphore(%arg21 : memref<!tpu.dma_semaphore, #tpu.memory_space<semaphore_mem>>) src(%dma_wait3A_225 : memref<10000x128xf32, #tpu.memory_space<hbm>>) dst(%arg16 : memref<184x128xf32, #tpu.memory_space<vmem>>)
      %dma_start3A_226 = arith.constant 0 : i32
      %dma_start3A_227 = arith.constant 0 : i32
      %dma_start3A_228 = tpu.memref_slice %arg19[%dma_start3A_226, %dma_start3A_227] : memref<10000x128xf32, #tpu.memory_space<vmem_shared>> -> memref<10000x128xf32, #tpu.memory_space<vmem_shared>>
      tpu.enqueue_indirect_dma source(%arg16 : memref<184x128xf32, #tpu.memory_space<vmem>>) target(%dma_start3A_228 : memref<10000x128xf32, #tpu.memory_space<vmem_shared>>) offsets(%arg12 : memref<184xi32, #tpu.memory_space<vmem>>) semaphore(%arg23 : memref<!tpu.dma_semaphore, #tpu.memory_space<semaphore_mem>>) {add = true}
      %add3A_229 = arith.constant 1 : i32
      %add3A_230 = arith.addi %add3A_200, %add3A_229 : i32
      %dma_wait3A_231 = arith.constant 0 : i32
      %dma_wait3A_232 = arith.constant 0 : i32
      %dma_wait3A_233 = tpu.memref_slice %arg19[%dma_wait3A_231, %dma_wait3A_232] : memref<10000x128xf32, #tpu.memory_space<vmem_shared>> -> memref<10000x128xf32, #tpu.memory_space<vmem_shared>>
      tpu.wait_indirect_dma semaphore(%arg23 : memref<!tpu.dma_semaphore, #tpu.memory_space<semaphore_mem>>) src(%arg16 : memref<184x128xf32, #tpu.memory_space<vmem>>) dst(%dma_wait3A_233 : memref<10000x128xf32, #tpu.memory_space<vmem_shared>>)
      %mul3A_234 = arith.constant 184 : i32
      %mul3A_235 = arith.muli %add3A_230, %mul3A_234 : i32
      %add3A_236 = arith.addi %mul3A_2, %mul3A_235 : i32
      %dma_wait3A_237 = tpu.memref_slice %arg3[%add3A_236] : memref<320000xi32, #tpu.memory_space<hbm>> -> memref<184xi32, #tpu.memory_space<hbm>>
      %dma_wait3A_238 = tpu.memref_slice %arg3[%add3A_236] : memref<320000xi32, #tpu.memory_space<hbm>> -> memref<184xi32, #tpu.memory_space<hbm>>
      tpu.wait_dma2 semaphore(%arg27 : memref<!tpu.dma_semaphore, #tpu.memory_space<semaphore_mem>>) src(%dma_wait3A_238 : memref<184xi32, #tpu.memory_space<hbm>>) dst(%arg10 : memref<184xi32, #tpu.memory_space<vmem>>)
      %dma_wait3A_239 = tpu.memref_slice %arg4[%add3A_236] : memref<320000xi32, #tpu.memory_space<hbm>> -> memref<184xi32, #tpu.memory_space<hbm>>
      %dma_wait3A_240 = tpu.memref_slice %arg4[%add3A_236] : memref<320000xi32, #tpu.memory_space<hbm>> -> memref<184xi32, #tpu.memory_space<hbm>>
      tpu.wait_dma2 semaphore(%arg27 : memref<!tpu.dma_semaphore, #tpu.memory_space<semaphore_mem>>) src(%dma_wait3A_240 : memref<184xi32, #tpu.memory_space<hbm>>) dst(%arg14 : memref<184xi32, #tpu.memory_space<vmem>>)
      %dma_start3A_241 = arith.constant 0 : i32
      %dma_start3A_242 = arith.constant 0 : i32
      %dma_start3A_243 = tpu.memref_slice %arg2[%dma_start3A_241, %dma_start3A_242] : memref<10000x128xf32, #tpu.memory_space<hbm>> -> memref<10000x128xf32, #tpu.memory_space<hbm>>
      tpu.enqueue_indirect_dma source(%dma_start3A_243 : memref<10000x128xf32, #tpu.memory_space<hbm>>) target(%arg16 : memref<184x128xf32, #tpu.memory_space<vmem>>) offsets(%arg10 : memref<184xi32, #tpu.memory_space<vmem>>) semaphore(%arg21 : memref<!tpu.dma_semaphore, #tpu.memory_space<semaphore_mem>>)
      %add3A_244 = arith.constant 2 : i32
      %add3A_245 = arith.addi %add3A_230, %add3A_244 : i32
      %mul3A_246 = arith.constant 184 : i32
      %mul3A_247 = arith.muli %add3A_245, %mul3A_246 : i32
      %add3A_248 = arith.addi %mul3A_2, %mul3A_247 : i32
      %dma_start3A_249 = tpu.memref_slice %arg3[%add3A_248] : memref<320000xi32, #tpu.memory_space<hbm>> -> memref<184xi32, #tpu.memory_space<hbm>>
      %dma_start3A_250 = tpu.memref_slice %arg3[%add3A_248] : memref<320000xi32, #tpu.memory_space<hbm>> -> memref<184xi32, #tpu.memory_space<hbm>>
      tpu.enqueue_dma source(%dma_start3A_250 : memref<184xi32, #tpu.memory_space<hbm>>) target(%arg8 : memref<184xi32, #tpu.memory_space<vmem>>) target_semaphore(%arg25 : memref<!tpu.dma_semaphore, #tpu.memory_space<semaphore_mem>>)
      %dma_start3A_251 = tpu.memref_slice %arg4[%add3A_248] : memref<320000xi32, #tpu.memory_space<hbm>> -> memref<184xi32, #tpu.memory_space<hbm>>
      %dma_start3A_252 = tpu.memref_slice %arg4[%add3A_248] : memref<320000xi32, #tpu.memory_space<hbm>> -> memref<184xi32, #tpu.memory_space<hbm>>
      tpu.enqueue_dma source(%dma_start3A_252 : memref<184xi32, #tpu.memory_space<hbm>>) target(%arg12 : memref<184xi32, #tpu.memory_space<vmem>>) target_semaphore(%arg25 : memref<!tpu.dma_semaphore, #tpu.memory_space<semaphore_mem>>)
      %dma_wait3A_253 = arith.constant 0 : i32
      %dma_wait3A_254 = arith.constant 0 : i32
      %dma_wait3A_255 = tpu.memref_slice %arg2[%dma_wait3A_253, %dma_wait3A_254] : memref<10000x128xf32, #tpu.memory_space<hbm>> -> memref<10000x128xf32, #tpu.memory_space<hbm>>
      tpu.wait_indirect_dma semaphore(%arg20 : memref<!tpu.dma_semaphore, #tpu.memory_space<semaphore_mem>>) src(%dma_wait3A_255 : memref<10000x128xf32, #tpu.memory_space<hbm>>) dst(%arg15 : memref<184x128xf32, #tpu.memory_space<vmem>>)
      %dma_start3A_256 = arith.constant 0 : i32
      %dma_start3A_257 = arith.constant 0 : i32
      %dma_start3A_258 = tpu.memref_slice %arg19[%dma_start3A_256, %dma_start3A_257] : memref<10000x128xf32, #tpu.memory_space<vmem_shared>> -> memref<10000x128xf32, #tpu.memory_space<vmem_shared>>
      tpu.enqueue_indirect_dma source(%arg15 : memref<184x128xf32, #tpu.memory_space<vmem>>) target(%dma_start3A_258 : memref<10000x128xf32, #tpu.memory_space<vmem_shared>>) offsets(%arg13 : memref<184xi32, #tpu.memory_space<vmem>>) semaphore(%arg22 : memref<!tpu.dma_semaphore, #tpu.memory_space<semaphore_mem>>) {add = true}
      %add3A_259 = arith.constant 2 : i32
      %add3A_260 = arith.addi %add3A_200, %add3A_259 : i32
      %dma_wait3A_261 = arith.constant 0 : i32
      %dma_wait3A_262 = arith.constant 0 : i32
      %dma_wait3A_263 = tpu.memref_slice %arg19[%dma_wait3A_261, %dma_wait3A_262] : memref<10000x128xf32, #tpu.memory_space<vmem_shared>> -> memref<10000x128xf32, #tpu.memory_space<vmem_shared>>
      tpu.wait_indirect_dma semaphore(%arg22 : memref<!tpu.dma_semaphore, #tpu.memory_space<semaphore_mem>>) src(%arg15 : memref<184x128xf32, #tpu.memory_space<vmem>>) dst(%dma_wait3A_263 : memref<10000x128xf32, #tpu.memory_space<vmem_shared>>)
      %mul3A_264 = arith.constant 184 : i32
      %mul3A_265 = arith.muli %add3A_260, %mul3A_264 : i32
      %add3A_266 = arith.addi %mul3A_2, %mul3A_265 : i32
      %dma_wait3A_267 = tpu.memref_slice %arg3[%add3A_266] : memref<320000xi32, #tpu.memory_space<hbm>> -> memref<184xi32, #tpu.memory_space<hbm>>
      %dma_wait3A_268 = tpu.memref_slice %arg3[%add3A_266] : memref<320000xi32, #tpu.memory_space<hbm>> -> memref<184xi32, #tpu.memory_space<hbm>>
      tpu.wait_dma2 semaphore(%arg24 : memref<!tpu.dma_semaphore, #tpu.memory_space<semaphore_mem>>) src(%dma_wait3A_268 : memref<184xi32, #tpu.memory_space<hbm>>) dst(%arg7 : memref<184xi32, #tpu.memory_space<vmem>>)
      %dma_wait3A_269 = tpu.memref_slice %arg4[%add3A_266] : memref<320000xi32, #tpu.memory_space<hbm>> -> memref<184xi32, #tpu.memory_space<hbm>>
      %dma_wait3A_270 = tpu.memref_slice %arg4[%add3A_266] : memref<320000xi32, #tpu.memory_space<hbm>> -> memref<184xi32, #tpu.memory_space<hbm>>
      tpu.wait_dma2 semaphore(%arg24 : memref<!tpu.dma_semaphore, #tpu.memory_space<semaphore_mem>>) src(%dma_wait3A_270 : memref<184xi32, #tpu.memory_space<hbm>>) dst(%arg11 : memref<184xi32, #tpu.memory_space<vmem>>)
      %dma_start3A_271 = arith.constant 0 : i32
      %dma_start3A_272 = arith.constant 0 : i32
      %dma_start3A_273 = tpu.memref_slice %arg2[%dma_start3A_271, %dma_start3A_272] : memref<10000x128xf32, #tpu.memory_space<hbm>> -> memref<10000x128xf32, #tpu.memory_space<hbm>>
      tpu.enqueue_indirect_dma source(%dma_start3A_273 : memref<10000x128xf32, #tpu.memory_space<hbm>>) target(%arg15 : memref<184x128xf32, #tpu.memory_space<vmem>>) offsets(%arg7 : memref<184xi32, #tpu.memory_space<vmem>>) semaphore(%arg20 : memref<!tpu.dma_semaphore, #tpu.memory_space<semaphore_mem>>)
      %add3A_274 = arith.constant 2 : i32
      %add3A_275 = arith.addi %add3A_260, %add3A_274 : i32
      %mul3A_276 = arith.constant 184 : i32
      %mul3A_277 = arith.muli %add3A_275, %mul3A_276 : i32
      %add3A_278 = arith.addi %mul3A_2, %mul3A_277 : i32
      %dma_start3A_279 = tpu.memref_slice %arg3[%add3A_278] : memref<320000xi32, #tpu.memory_space<hbm>> -> memref<184xi32, #tpu.memory_space<hbm>>
      %dma_start3A_280 = tpu.memref_slice %arg3[%add3A_278] : memref<320000xi32, #tpu.memory_space<hbm>> -> memref<184xi32, #tpu.memory_space<hbm>>
      tpu.enqueue_dma source(%dma_start3A_280 : memref<184xi32, #tpu.memory_space<hbm>>) target(%arg9 : memref<184xi32, #tpu.memory_space<vmem>>) target_semaphore(%arg26 : memref<!tpu.dma_semaphore, #tpu.memory_space<semaphore_mem>>)
      %dma_start3A_281 = tpu.memref_slice %arg4[%add3A_278] : memref<320000xi32, #tpu.memory_space<hbm>> -> memref<184xi32, #tpu.memory_space<hbm>>
      %dma_start3A_282 = tpu.memref_slice %arg4[%add3A_278] : memref<320000xi32, #tpu.memory_space<hbm>> -> memref<184xi32, #tpu.memory_space<hbm>>
      tpu.enqueue_dma source(%dma_start3A_282 : memref<184xi32, #tpu.memory_space<hbm>>) target(%arg13 : memref<184xi32, #tpu.memory_space<vmem>>) target_semaphore(%arg26 : memref<!tpu.dma_semaphore, #tpu.memory_space<semaphore_mem>>)
      %dma_wait3A_283 = arith.constant 0 : i32
      %dma_wait3A_284 = arith.constant 0 : i32
      %dma_wait3A_285 = tpu.memref_slice %arg2[%dma_wait3A_283, %dma_wait3A_284] : memref<10000x128xf32, #tpu.memory_space<hbm>> -> memref<10000x128xf32, #tpu.memory_space<hbm>>
      tpu.wait_indirect_dma semaphore(%arg21 : memref<!tpu.dma_semaphore, #tpu.memory_space<semaphore_mem>>) src(%dma_wait3A_285 : memref<10000x128xf32, #tpu.memory_space<hbm>>) dst(%arg16 : memref<184x128xf32, #tpu.memory_space<vmem>>)
      %dma_start3A_286 = arith.constant 0 : i32
      %dma_start3A_287 = arith.constant 0 : i32
      %dma_start3A_288 = tpu.memref_slice %arg19[%dma_start3A_286, %dma_start3A_287] : memref<10000x128xf32, #tpu.memory_space<vmem_shared>> -> memref<10000x128xf32, #tpu.memory_space<vmem_shared>>
      tpu.enqueue_indirect_dma source(%arg16 : memref<184x128xf32, #tpu.memory_space<vmem>>) target(%dma_start3A_288 : memref<10000x128xf32, #tpu.memory_space<vmem_shared>>) offsets(%arg14 : memref<184xi32, #tpu.memory_space<vmem>>) semaphore(%arg23 : memref<!tpu.dma_semaphore, #tpu.memory_space<semaphore_mem>>) {add = true}
      %add3A_289 = arith.constant 3 : i32
      %add3A_290 = arith.addi %add3A_200, %add3A_289 : i32
      %dma_wait3A_291 = arith.constant 0 : i32
      %dma_wait3A_292 = arith.constant 0 : i32
      %dma_wait3A_293 = tpu.memref_slice %arg19[%dma_wait3A_291, %dma_wait3A_292] : memref<10000x128xf32, #tpu.memory_space<vmem_shared>> -> memref<10000x128xf32, #tpu.memory_space<vmem_shared>>
      tpu.wait_indirect_dma semaphore(%arg23 : memref<!tpu.dma_semaphore, #tpu.memory_space<semaphore_mem>>) src(%arg16 : memref<184x128xf32, #tpu.memory_space<vmem>>) dst(%dma_wait3A_293 : memref<10000x128xf32, #tpu.memory_space<vmem_shared>>)
      %mul3A_294 = arith.constant 184 : i32
      %mul3A_295 = arith.muli %add3A_290, %mul3A_294 : i32
      %add3A_296 = arith.addi %mul3A_2, %mul3A_295 : i32
      %dma_wait3A_297 = tpu.memref_slice %arg3[%add3A_296] : memref<320000xi32, #tpu.memory_space<hbm>> -> memref<184xi32, #tpu.memory_space<hbm>>
      %dma_wait3A_298 = tpu.memref_slice %arg3[%add3A_296] : memref<320000xi32, #tpu.memory_space<hbm>> -> memref<184xi32, #tpu.memory_space<hbm>>
      tpu.wait_dma2 semaphore(%arg25 : memref<!tpu.dma_semaphore, #tpu.memory_space<semaphore_mem>>) src(%dma_wait3A_298 : memref<184xi32, #tpu.memory_space<hbm>>) dst(%arg8 : memref<184xi32, #tpu.memory_space<vmem>>)
      %dma_wait3A_299 = tpu.memref_slice %arg4[%add3A_296] : memref<320000xi32, #tpu.memory_space<hbm>> -> memref<184xi32, #tpu.memory_space<hbm>>
      %dma_wait3A_300 = tpu.memref_slice %arg4[%add3A_296] : memref<320000xi32, #tpu.memory_space<hbm>> -> memref<184xi32, #tpu.memory_space<hbm>>
      tpu.wait_dma2 semaphore(%arg25 : memref<!tpu.dma_semaphore, #tpu.memory_space<semaphore_mem>>) src(%dma_wait3A_300 : memref<184xi32, #tpu.memory_space<hbm>>) dst(%arg12 : memref<184xi32, #tpu.memory_space<vmem>>)
      %dma_start3A_301 = arith.constant 0 : i32
      %dma_start3A_302 = arith.constant 0 : i32
      %dma_start3A_303 = tpu.memref_slice %arg2[%dma_start3A_301, %dma_start3A_302] : memref<10000x128xf32, #tpu.memory_space<hbm>> -> memref<10000x128xf32, #tpu.memory_space<hbm>>
      tpu.enqueue_indirect_dma source(%dma_start3A_303 : memref<10000x128xf32, #tpu.memory_space<hbm>>) target(%arg16 : memref<184x128xf32, #tpu.memory_space<vmem>>) offsets(%arg8 : memref<184xi32, #tpu.memory_space<vmem>>) semaphore(%arg21 : memref<!tpu.dma_semaphore, #tpu.memory_space<semaphore_mem>>)
      %add3A_304 = arith.constant 2 : i32
      %add3A_305 = arith.addi %add3A_290, %add3A_304 : i32
      %mul3A_306 = arith.constant 184 : i32
      %mul3A_307 = arith.muli %add3A_305, %mul3A_306 : i32
      %add3A_308 = arith.addi %mul3A_2, %mul3A_307 : i32
      %dma_start3A_309 = tpu.memref_slice %arg3[%add3A_308] : memref<320000xi32, #tpu.memory_space<hbm>> -> memref<184xi32, #tpu.memory_space<hbm>>
      %dma_start3A_310 = tpu.memref_slice %arg3[%add3A_308] : memref<320000xi32, #tpu.memory_space<hbm>> -> memref<184xi32, #tpu.memory_space<hbm>>
      tpu.enqueue_dma source(%dma_start3A_310 : memref<184xi32, #tpu.memory_space<hbm>>) target(%arg10 : memref<184xi32, #tpu.memory_space<vmem>>) target_semaphore(%arg27 : memref<!tpu.dma_semaphore, #tpu.memory_space<semaphore_mem>>)
      %dma_start3A_311 = tpu.memref_slice %arg4[%add3A_308] : memref<320000xi32, #tpu.memory_space<hbm>> -> memref<184xi32, #tpu.memory_space<hbm>>
      %dma_start3A_312 = tpu.memref_slice %arg4[%add3A_308] : memref<320000xi32, #tpu.memory_space<hbm>> -> memref<184xi32, #tpu.memory_space<hbm>>
      tpu.enqueue_dma source(%dma_start3A_312 : memref<184xi32, #tpu.memory_space<hbm>>) target(%arg14 : memref<184xi32, #tpu.memory_space<vmem>>) target_semaphore(%arg27 : memref<!tpu.dma_semaphore, #tpu.memory_space<semaphore_mem>>)
      %dma_wait3A_313 = arith.constant 0 : i32
      %dma_wait3A_314 = arith.constant 0 : i32
      %dma_wait3A_315 = tpu.memref_slice %arg2[%dma_wait3A_313, %dma_wait3A_314] : memref<10000x128xf32, #tpu.memory_space<hbm>> -> memref<10000x128xf32, #tpu.memory_space<hbm>>
      tpu.wait_indirect_dma semaphore(%arg20 : memref<!tpu.dma_semaphore, #tpu.memory_space<semaphore_mem>>) src(%dma_wait3A_315 : memref<10000x128xf32, #tpu.memory_space<hbm>>) dst(%arg15 : memref<184x128xf32, #tpu.memory_space<vmem>>)
      %dma_start3A_316 = arith.constant 0 : i32
      %dma_start3A_317 = arith.constant 0 : i32
      %dma_start3A_318 = tpu.memref_slice %arg19[%dma_start3A_316, %dma_start3A_317] : memref<10000x128xf32, #tpu.memory_space<vmem_shared>> -> memref<10000x128xf32, #tpu.memory_space<vmem_shared>>
      tpu.enqueue_indirect_dma source(%arg15 : memref<184x128xf32, #tpu.memory_space<vmem>>) target(%dma_start3A_318 : memref<10000x128xf32, #tpu.memory_space<vmem_shared>>) offsets(%arg11 : memref<184xi32, #tpu.memory_space<vmem>>) semaphore(%arg22 : memref<!tpu.dma_semaphore, #tpu.memory_space<semaphore_mem>>) {add = true}
    }
    %scan3A_75 = arith.constant 12 : i32
    %dma_wait3A_76 = arith.constant 0 : i32
    %dma_wait3A_77 = arith.constant 0 : i32
    %dma_wait3A_78 = tpu.memref_slice %arg19[%dma_wait3A_76, %dma_wait3A_77] : memref<10000x128xf32, #tpu.memory_space<vmem_shared>> -> memref<10000x128xf32, #tpu.memory_space<vmem_shared>>
    tpu.wait_indirect_dma semaphore(%arg22 : memref<!tpu.dma_semaphore, #tpu.memory_space<semaphore_mem>>) src(%arg15 : memref<184x128xf32, #tpu.memory_space<vmem>>) dst(%dma_wait3A_78 : memref<10000x128xf32, #tpu.memory_space<vmem_shared>>)
    %add3A_79 = arith.constant 9200 : i32
    %add3A_80 = arith.addi %mul3A_2, %add3A_79 : i32
    %dma_wait3A_81 = tpu.memref_slice %arg3[%add3A_80] : memref<320000xi32, #tpu.memory_space<hbm>> -> memref<184xi32, #tpu.memory_space<hbm>>
    %dma_wait3A_82 = tpu.memref_slice %arg3[%add3A_80] : memref<320000xi32, #tpu.memory_space<hbm>> -> memref<184xi32, #tpu.memory_space<hbm>>
    tpu.wait_dma2 semaphore(%arg26 : memref<!tpu.dma_semaphore, #tpu.memory_space<semaphore_mem>>) src(%dma_wait3A_82 : memref<184xi32, #tpu.memory_space<hbm>>) dst(%arg9 : memref<184xi32, #tpu.memory_space<vmem>>)
    %dma_wait3A_83 = tpu.memref_slice %arg4[%add3A_80] : memref<320000xi32, #tpu.memory_space<hbm>> -> memref<184xi32, #tpu.memory_space<hbm>>
    %dma_wait3A_84 = tpu.memref_slice %arg4[%add3A_80] : memref<320000xi32, #tpu.memory_space<hbm>> -> memref<184xi32, #tpu.memory_space<hbm>>
    tpu.wait_dma2 semaphore(%arg26 : memref<!tpu.dma_semaphore, #tpu.memory_space<semaphore_mem>>) src(%dma_wait3A_84 : memref<184xi32, #tpu.memory_space<hbm>>) dst(%arg13 : memref<184xi32, #tpu.memory_space<vmem>>)
    %dma_start3A_85 = arith.constant 0 : i32
    %dma_start3A_86 = arith.constant 0 : i32
    %dma_start3A_87 = tpu.memref_slice %arg2[%dma_start3A_85, %dma_start3A_86] : memref<10000x128xf32, #tpu.memory_space<hbm>> -> memref<10000x128xf32, #tpu.memory_space<hbm>>
    tpu.enqueue_indirect_dma source(%dma_start3A_87 : memref<10000x128xf32, #tpu.memory_space<hbm>>) target(%arg15 : memref<184x128xf32, #tpu.memory_space<vmem>>) offsets(%arg9 : memref<184xi32, #tpu.memory_space<vmem>>) semaphore(%arg20 : memref<!tpu.dma_semaphore, #tpu.memory_space<semaphore_mem>>)
    %add3A_88 = arith.constant 9568 : i32
    %add3A_89 = arith.addi %mul3A_2, %add3A_88 : i32
    %dma_start3A_90 = tpu.memref_slice %arg3[%add3A_89] : memref<320000xi32, #tpu.memory_space<hbm>> -> memref<184xi32, #tpu.memory_space<hbm>>
    %dma_start3A_91 = tpu.memref_slice %arg3[%add3A_89] : memref<320000xi32, #tpu.memory_space<hbm>> -> memref<184xi32, #tpu.memory_space<hbm>>
    tpu.enqueue_dma source(%dma_start3A_91 : memref<184xi32, #tpu.memory_space<hbm>>) target(%arg7 : memref<184xi32, #tpu.memory_space<vmem>>) target_semaphore(%arg24 : memref<!tpu.dma_semaphore, #tpu.memory_space<semaphore_mem>>)
    %dma_start3A_92 = tpu.memref_slice %arg4[%add3A_89] : memref<320000xi32, #tpu.memory_space<hbm>> -> memref<184xi32, #tpu.memory_space<hbm>>
    %dma_start3A_93 = tpu.memref_slice %arg4[%add3A_89] : memref<320000xi32, #tpu.memory_space<hbm>> -> memref<184xi32, #tpu.memory_space<hbm>>
    tpu.enqueue_dma source(%dma_start3A_93 : memref<184xi32, #tpu.memory_space<hbm>>) target(%arg11 : memref<184xi32, #tpu.memory_space<vmem>>) target_semaphore(%arg24 : memref<!tpu.dma_semaphore, #tpu.memory_space<semaphore_mem>>)
    %dma_wait3A_94 = arith.constant 0 : i32
    %dma_wait3A_95 = arith.constant 0 : i32
    %dma_wait3A_96 = tpu.memref_slice %arg2[%dma_wait3A_94, %dma_wait3A_95] : memref<10000x128xf32, #tpu.memory_space<hbm>> -> memref<10000x128xf32, #tpu.memory_space<hbm>>
    tpu.wait_indirect_dma semaphore(%arg21 : memref<!tpu.dma_semaphore, #tpu.memory_space<semaphore_mem>>) src(%dma_wait3A_96 : memref<10000x128xf32, #tpu.memory_space<hbm>>) dst(%arg16 : memref<184x128xf32, #tpu.memory_space<vmem>>)
    %dma_start3A_97 = arith.constant 0 : i32
    %dma_start3A_98 = arith.constant 0 : i32
    %dma_start3A_99 = tpu.memref_slice %arg19[%dma_start3A_97, %dma_start3A_98] : memref<10000x128xf32, #tpu.memory_space<vmem_shared>> -> memref<10000x128xf32, #tpu.memory_space<vmem_shared>>
    tpu.enqueue_indirect_dma source(%arg16 : memref<184x128xf32, #tpu.memory_space<vmem>>) target(%dma_start3A_99 : memref<10000x128xf32, #tpu.memory_space<vmem_shared>>) offsets(%arg12 : memref<184xi32, #tpu.memory_space<vmem>>) semaphore(%arg23 : memref<!tpu.dma_semaphore, #tpu.memory_space<semaphore_mem>>) {add = true}
    %dma_wait3A_100 = arith.constant 0 : i32
    %dma_wait3A_101 = arith.constant 0 : i32
    %dma_wait3A_102 = tpu.memref_slice %arg19[%dma_wait3A_100, %dma_wait3A_101] : memref<10000x128xf32, #tpu.memory_space<vmem_shared>> -> memref<10000x128xf32, #tpu.memory_space<vmem_shared>>
    tpu.wait_indirect_dma semaphore(%arg23 : memref<!tpu.dma_semaphore, #tpu.memory_space<semaphore_mem>>) src(%arg16 : memref<184x128xf32, #tpu.memory_space<vmem>>) dst(%dma_wait3A_102 : memref<10000x128xf32, #tpu.memory_space<vmem_shared>>)
    %add3A_103 = arith.constant 9384 : i32
    %add3A_104 = arith.addi %mul3A_2, %add3A_103 : i32
    %dma_wait3A_105 = tpu.memref_slice %arg3[%add3A_104] : memref<320000xi32, #tpu.memory_space<hbm>> -> memref<184xi32, #tpu.memory_space<hbm>>
    %dma_wait3A_106 = tpu.memref_slice %arg3[%add3A_104] : memref<320000xi32, #tpu.memory_space<hbm>> -> memref<184xi32, #tpu.memory_space<hbm>>
    tpu.wait_dma2 semaphore(%arg27 : memref<!tpu.dma_semaphore, #tpu.memory_space<semaphore_mem>>) src(%dma_wait3A_106 : memref<184xi32, #tpu.memory_space<hbm>>) dst(%arg10 : memref<184xi32, #tpu.memory_space<vmem>>)
    %dma_wait3A_107 = tpu.memref_slice %arg4[%add3A_104] : memref<320000xi32, #tpu.memory_space<hbm>> -> memref<184xi32, #tpu.memory_space<hbm>>
    %dma_wait3A_108 = tpu.memref_slice %arg4[%add3A_104] : memref<320000xi32, #tpu.memory_space<hbm>> -> memref<184xi32, #tpu.memory_space<hbm>>
    tpu.wait_dma2 semaphore(%arg27 : memref<!tpu.dma_semaphore, #tpu.memory_space<semaphore_mem>>) src(%dma_wait3A_108 : memref<184xi32, #tpu.memory_space<hbm>>) dst(%arg14 : memref<184xi32, #tpu.memory_space<vmem>>)
    %dma_start3A_109 = arith.constant 0 : i32
    %dma_start3A_110 = arith.constant 0 : i32
    %dma_start3A_111 = tpu.memref_slice %arg2[%dma_start3A_109, %dma_start3A_110] : memref<10000x128xf32, #tpu.memory_space<hbm>> -> memref<10000x128xf32, #tpu.memory_space<hbm>>
    tpu.enqueue_indirect_dma source(%dma_start3A_111 : memref<10000x128xf32, #tpu.memory_space<hbm>>) target(%arg16 : memref<184x128xf32, #tpu.memory_space<vmem>>) offsets(%arg10 : memref<184xi32, #tpu.memory_space<vmem>>) semaphore(%arg21 : memref<!tpu.dma_semaphore, #tpu.memory_space<semaphore_mem>>)
    %add3A_112 = arith.constant 9752 : i32
    %add3A_113 = arith.addi %mul3A_2, %add3A_112 : i32
    %dma_start3A_114 = tpu.memref_slice %arg3[%add3A_113] : memref<320000xi32, #tpu.memory_space<hbm>> -> memref<184xi32, #tpu.memory_space<hbm>>
    %dma_start3A_115 = tpu.memref_slice %arg3[%add3A_113] : memref<320000xi32, #tpu.memory_space<hbm>> -> memref<184xi32, #tpu.memory_space<hbm>>
    tpu.enqueue_dma source(%dma_start3A_115 : memref<184xi32, #tpu.memory_space<hbm>>) target(%arg8 : memref<184xi32, #tpu.memory_space<vmem>>) target_semaphore(%arg25 : memref<!tpu.dma_semaphore, #tpu.memory_space<semaphore_mem>>)
    %dma_start3A_116 = tpu.memref_slice %arg4[%add3A_113] : memref<320000xi32, #tpu.memory_space<hbm>> -> memref<184xi32, #tpu.memory_space<hbm>>
    %dma_start3A_117 = tpu.memref_slice %arg4[%add3A_113] : memref<320000xi32, #tpu.memory_space<hbm>> -> memref<184xi32, #tpu.memory_space<hbm>>
    tpu.enqueue_dma source(%dma_start3A_117 : memref<184xi32, #tpu.memory_space<hbm>>) target(%arg12 : memref<184xi32, #tpu.memory_space<vmem>>) target_semaphore(%arg25 : memref<!tpu.dma_semaphore, #tpu.memory_space<semaphore_mem>>)
    %dma_wait3A_118 = arith.constant 0 : i32
    %dma_wait3A_119 = arith.constant 0 : i32
    %dma_wait3A_120 = tpu.memref_slice %arg2[%dma_wait3A_118, %dma_wait3A_119] : memref<10000x128xf32, #tpu.memory_space<hbm>> -> memref<10000x128xf32, #tpu.memory_space<hbm>>
    tpu.wait_indirect_dma semaphore(%arg20 : memref<!tpu.dma_semaphore, #tpu.memory_space<semaphore_mem>>) src(%dma_wait3A_120 : memref<10000x128xf32, #tpu.memory_space<hbm>>) dst(%arg15 : memref<184x128xf32, #tpu.memory_space<vmem>>)
    %dma_start3A_121 = arith.constant 0 : i32
    %dma_start3A_122 = arith.constant 0 : i32
    %dma_start3A_123 = tpu.memref_slice %arg19[%dma_start3A_121, %dma_start3A_122] : memref<10000x128xf32, #tpu.memory_space<vmem_shared>> -> memref<10000x128xf32, #tpu.memory_space<vmem_shared>>
    tpu.enqueue_indirect_dma source(%arg15 : memref<184x128xf32, #tpu.memory_space<vmem>>) target(%dma_start3A_123 : memref<10000x128xf32, #tpu.memory_space<vmem_shared>>) offsets(%arg13 : memref<184xi32, #tpu.memory_space<vmem>>) semaphore(%arg22 : memref<!tpu.dma_semaphore, #tpu.memory_space<semaphore_mem>>) {add = true}
    %dma_wait3A_124 = arith.constant 0 : i32
    %dma_wait3A_125 = arith.constant 0 : i32
    %dma_wait3A_126 = tpu.memref_slice %arg19[%dma_wait3A_124, %dma_wait3A_125] : memref<10000x128xf32, #tpu.memory_space<vmem_shared>> -> memref<10000x128xf32, #tpu.memory_space<vmem_shared>>
    tpu.wait_indirect_dma semaphore(%arg22 : memref<!tpu.dma_semaphore, #tpu.memory_space<semaphore_mem>>) src(%arg15 : memref<184x128xf32, #tpu.memory_space<vmem>>) dst(%dma_wait3A_126 : memref<10000x128xf32, #tpu.memory_space<vmem_shared>>)
    %add3A_127 = arith.constant 9568 : i32
    %add3A_128 = arith.addi %mul3A_2, %add3A_127 : i32
    %dma_wait3A_129 = tpu.memref_slice %arg3[%add3A_128] : memref<320000xi32, #tpu.memory_space<hbm>> -> memref<184xi32, #tpu.memory_space<hbm>>
    %dma_wait3A_130 = tpu.memref_slice %arg3[%add3A_128] : memref<320000xi32, #tpu.memory_space<hbm>> -> memref<184xi32, #tpu.memory_space<hbm>>
    tpu.wait_dma2 semaphore(%arg24 : memref<!tpu.dma_semaphore, #tpu.memory_space<semaphore_mem>>) src(%dma_wait3A_130 : memref<184xi32, #tpu.memory_space<hbm>>) dst(%arg7 : memref<184xi32, #tpu.memory_space<vmem>>)
    %dma_wait3A_131 = tpu.memref_slice %arg4[%add3A_128] : memref<320000xi32, #tpu.memory_space<hbm>> -> memref<184xi32, #tpu.memory_space<hbm>>
    %dma_wait3A_132 = tpu.memref_slice %arg4[%add3A_128] : memref<320000xi32, #tpu.memory_space<hbm>> -> memref<184xi32, #tpu.memory_space<hbm>>
    tpu.wait_dma2 semaphore(%arg24 : memref<!tpu.dma_semaphore, #tpu.memory_space<semaphore_mem>>) src(%dma_wait3A_132 : memref<184xi32, #tpu.memory_space<hbm>>) dst(%arg11 : memref<184xi32, #tpu.memory_space<vmem>>)
    %dma_start3A_133 = arith.constant 0 : i32
    %dma_start3A_134 = arith.constant 0 : i32
    %dma_start3A_135 = tpu.memref_slice %arg2[%dma_start3A_133, %dma_start3A_134] : memref<10000x128xf32, #tpu.memory_space<hbm>> -> memref<10000x128xf32, #tpu.memory_space<hbm>>
    tpu.enqueue_indirect_dma source(%dma_start3A_135 : memref<10000x128xf32, #tpu.memory_space<hbm>>) target(%arg15 : memref<184x128xf32, #tpu.memory_space<vmem>>) offsets(%arg7 : memref<184xi32, #tpu.memory_space<vmem>>) semaphore(%arg20 : memref<!tpu.dma_semaphore, #tpu.memory_space<semaphore_mem>>)
    %dma_wait3A_136 = arith.constant 0 : i32
    %dma_wait3A_137 = arith.constant 0 : i32
    %dma_wait3A_138 = tpu.memref_slice %arg2[%dma_wait3A_136, %dma_wait3A_137] : memref<10000x128xf32, #tpu.memory_space<hbm>> -> memref<10000x128xf32, #tpu.memory_space<hbm>>
    tpu.wait_indirect_dma semaphore(%arg21 : memref<!tpu.dma_semaphore, #tpu.memory_space<semaphore_mem>>) src(%dma_wait3A_138 : memref<10000x128xf32, #tpu.memory_space<hbm>>) dst(%arg16 : memref<184x128xf32, #tpu.memory_space<vmem>>)
    %dma_start3A_139 = arith.constant 0 : i32
    %dma_start3A_140 = arith.constant 0 : i32
    %dma_start3A_141 = tpu.memref_slice %arg19[%dma_start3A_139, %dma_start3A_140] : memref<10000x128xf32, #tpu.memory_space<vmem_shared>> -> memref<10000x128xf32, #tpu.memory_space<vmem_shared>>
    tpu.enqueue_indirect_dma source(%arg16 : memref<184x128xf32, #tpu.memory_space<vmem>>) target(%dma_start3A_141 : memref<10000x128xf32, #tpu.memory_space<vmem_shared>>) offsets(%arg14 : memref<184xi32, #tpu.memory_space<vmem>>) semaphore(%arg23 : memref<!tpu.dma_semaphore, #tpu.memory_space<semaphore_mem>>) {add = true}
    %dma_wait3A_142 = arith.constant 0 : i32
    %dma_wait3A_143 = arith.constant 0 : i32
    %dma_wait3A_144 = tpu.memref_slice %arg19[%dma_wait3A_142, %dma_wait3A_143] : memref<10000x128xf32, #tpu.memory_space<vmem_shared>> -> memref<10000x128xf32, #tpu.memory_space<vmem_shared>>
    tpu.wait_indirect_dma semaphore(%arg23 : memref<!tpu.dma_semaphore, #tpu.memory_space<semaphore_mem>>) src(%arg16 : memref<184x128xf32, #tpu.memory_space<vmem>>) dst(%dma_wait3A_144 : memref<10000x128xf32, #tpu.memory_space<vmem_shared>>)
    %add3A_145 = arith.constant 9752 : i32
    %add3A_146 = arith.addi %mul3A_2, %add3A_145 : i32
    %dma_wait3A_147 = tpu.memref_slice %arg3[%add3A_146] : memref<320000xi32, #tpu.memory_space<hbm>> -> memref<184xi32, #tpu.memory_space<hbm>>
    %dma_wait3A_148 = tpu.memref_slice %arg3[%add3A_146] : memref<320000xi32, #tpu.memory_space<hbm>> -> memref<184xi32, #tpu.memory_space<hbm>>
    tpu.wait_dma2 semaphore(%arg25 : memref<!tpu.dma_semaphore, #tpu.memory_space<semaphore_mem>>) src(%dma_wait3A_148 : memref<184xi32, #tpu.memory_space<hbm>>) dst(%arg8 : memref<184xi32, #tpu.memory_space<vmem>>)
    %dma_wait3A_149 = tpu.memref_slice %arg4[%add3A_146] : memref<320000xi32, #tpu.memory_space<hbm>> -> memref<184xi32, #tpu.memory_space<hbm>>
    %dma_wait3A_150 = tpu.memref_slice %arg4[%add3A_146] : memref<320000xi32, #tpu.memory_space<hbm>> -> memref<184xi32, #tpu.memory_space<hbm>>
    tpu.wait_dma2 semaphore(%arg25 : memref<!tpu.dma_semaphore, #tpu.memory_space<semaphore_mem>>) src(%dma_wait3A_150 : memref<184xi32, #tpu.memory_space<hbm>>) dst(%arg12 : memref<184xi32, #tpu.memory_space<vmem>>)
    %dma_start3A_151 = arith.constant 0 : i32
    %dma_start3A_152 = arith.constant 0 : i32
    %dma_start3A_153 = tpu.memref_slice %arg2[%dma_start3A_151, %dma_start3A_152] : memref<10000x128xf32, #tpu.memory_space<hbm>> -> memref<10000x128xf32, #tpu.memory_space<hbm>>
    tpu.enqueue_indirect_dma source(%dma_start3A_153 : memref<10000x128xf32, #tpu.memory_space<hbm>>) target(%arg16 : memref<184x128xf32, #tpu.memory_space<vmem>>) offsets(%arg8 : memref<184xi32, #tpu.memory_space<vmem>>) semaphore(%arg21 : memref<!tpu.dma_semaphore, #tpu.memory_space<semaphore_mem>>)
    %dma_wait3A_154 = arith.constant 0 : i32
    %dma_wait3A_155 = arith.constant 0 : i32
    %dma_wait3A_156 = tpu.memref_slice %arg2[%dma_wait3A_154, %dma_wait3A_155] : memref<10000x128xf32, #tpu.memory_space<hbm>> -> memref<10000x128xf32, #tpu.memory_space<hbm>>
    tpu.wait_indirect_dma semaphore(%arg20 : memref<!tpu.dma_semaphore, #tpu.memory_space<semaphore_mem>>) src(%dma_wait3A_156 : memref<10000x128xf32, #tpu.memory_space<hbm>>) dst(%arg15 : memref<184x128xf32, #tpu.memory_space<vmem>>)
    %dma_start3A_157 = arith.constant 0 : i32
    %dma_start3A_158 = arith.constant 0 : i32
    %dma_start3A_159 = tpu.memref_slice %arg19[%dma_start3A_157, %dma_start3A_158] : memref<10000x128xf32, #tpu.memory_space<vmem_shared>> -> memref<10000x128xf32, #tpu.memory_space<vmem_shared>>
    tpu.enqueue_indirect_dma source(%arg15 : memref<184x128xf32, #tpu.memory_space<vmem>>) target(%dma_start3A_159 : memref<10000x128xf32, #tpu.memory_space<vmem_shared>>) offsets(%arg11 : memref<184xi32, #tpu.memory_space<vmem>>) semaphore(%arg22 : memref<!tpu.dma_semaphore, #tpu.memory_space<semaphore_mem>>) {add = true}
    %dma_wait3A_160 = arith.constant 0 : i32
    %dma_wait3A_161 = arith.constant 0 : i32
    %dma_wait3A_162 = tpu.memref_slice %arg2[%dma_wait3A_160, %dma_wait3A_161] : memref<10000x128xf32, #tpu.memory_space<hbm>> -> memref<10000x128xf32, #tpu.memory_space<hbm>>
    tpu.wait_indirect_dma semaphore(%arg21 : memref<!tpu.dma_semaphore, #tpu.memory_space<semaphore_mem>>) src(%dma_wait3A_162 : memref<10000x128xf32, #tpu.memory_space<hbm>>) dst(%arg16 : memref<184x128xf32, #tpu.memory_space<vmem>>)
    %dma_start3A_163 = arith.constant 0 : i32
    %dma_start3A_164 = arith.constant 0 : i32
    %dma_start3A_165 = tpu.memref_slice %arg19[%dma_start3A_163, %dma_start3A_164] : memref<10000x128xf32, #tpu.memory_space<vmem_shared>> -> memref<10000x128xf32, #tpu.memory_space<vmem_shared>>
    tpu.enqueue_indirect_dma source(%arg16 : memref<184x128xf32, #tpu.memory_space<vmem>>) target(%dma_start3A_165 : memref<10000x128xf32, #tpu.memory_space<vmem_shared>>) offsets(%arg12 : memref<184xi32, #tpu.memory_space<vmem>>) semaphore(%arg23 : memref<!tpu.dma_semaphore, #tpu.memory_space<semaphore_mem>>) {add = true}
    %dma_wait3A_166 = arith.constant 0 : i32
    %dma_wait3A_167 = arith.constant 0 : i32
    %dma_wait3A_168 = tpu.memref_slice %arg19[%dma_wait3A_166, %dma_wait3A_167] : memref<10000x128xf32, #tpu.memory_space<vmem_shared>> -> memref<10000x128xf32, #tpu.memory_space<vmem_shared>>
    tpu.wait_indirect_dma semaphore(%arg22 : memref<!tpu.dma_semaphore, #tpu.memory_space<semaphore_mem>>) src(%arg15 : memref<184x128xf32, #tpu.memory_space<vmem>>) dst(%dma_wait3A_168 : memref<10000x128xf32, #tpu.memory_space<vmem_shared>>)
    %dma_wait3A_169 = arith.constant 0 : i32
    %dma_wait3A_170 = arith.constant 0 : i32
    %dma_wait3A_171 = tpu.memref_slice %arg19[%dma_wait3A_169, %dma_wait3A_170] : memref<10000x128xf32, #tpu.memory_space<vmem_shared>> -> memref<10000x128xf32, #tpu.memory_space<vmem_shared>>
    tpu.wait_indirect_dma semaphore(%arg23 : memref<!tpu.dma_semaphore, #tpu.memory_space<semaphore_mem>>) src(%arg16 : memref<184x128xf32, #tpu.memory_space<vmem>>) dst(%dma_wait3A_171 : memref<10000x128xf32, #tpu.memory_space<vmem_shared>>)
    %add3A_172 = arith.constant 9936 : i32
    %add3A_173 = arith.addi %mul3A_2, %add3A_172 : i32
    "tpu.region"() ({
      %run_scoped3A = tpu.sem_alloc : memref<!tpu.dma_semaphore, #tpu.memory_space<semaphore_mem>>
      %dma_start3A_196 = tpu.memref_slice %arg3[%add3A_173] : memref<320000xi32, #tpu.memory_space<hbm>> -> memref<64xi32, #tpu.memory_space<hbm>>
      %dma_start3A_197 = tpu.memref_slice %arg3[%add3A_173] : memref<320000xi32, #tpu.memory_space<hbm>> -> memref<64xi32, #tpu.memory_space<hbm>>
      tpu.enqueue_dma source(%dma_start3A_197 : memref<64xi32, #tpu.memory_space<hbm>>) target(%arg17 : memref<64xi32, #tpu.memory_space<vmem>>) target_semaphore(%run_scoped3A : memref<!tpu.dma_semaphore, #tpu.memory_space<semaphore_mem>>)
      %dma_wait3A_198 = tpu.memref_slice %arg3[%add3A_173] : memref<320000xi32, #tpu.memory_space<hbm>> -> memref<64xi32, #tpu.memory_space<hbm>>
      %dma_wait3A_199 = tpu.memref_slice %arg3[%add3A_173] : memref<320000xi32, #tpu.memory_space<hbm>> -> memref<64xi32, #tpu.memory_space<hbm>>
      tpu.wait_dma2 semaphore(%run_scoped3A : memref<!tpu.dma_semaphore, #tpu.memory_space<semaphore_mem>>) src(%dma_wait3A_199 : memref<64xi32, #tpu.memory_space<hbm>>) dst(%arg17 : memref<64xi32, #tpu.memory_space<vmem>>)
      tpu.yield
    }) : () -> ()
    "tpu.region"() ({
      %run_scoped3A = tpu.sem_alloc : memref<!tpu.dma_semaphore, #tpu.memory_space<semaphore_mem>>
      %dma_start3A_196 = tpu.memref_slice %arg4[%add3A_173] : memref<320000xi32, #tpu.memory_space<hbm>> -> memref<64xi32, #tpu.memory_space<hbm>>
      %dma_start3A_197 = tpu.memref_slice %arg4[%add3A_173] : memref<320000xi32, #tpu.memory_space<hbm>> -> memref<64xi32, #tpu.memory_space<hbm>>
      tpu.enqueue_dma source(%dma_start3A_197 : memref<64xi32, #tpu.memory_space<hbm>>) target(%arg18 : memref<64xi32, #tpu.memory_space<vmem>>) target_semaphore(%run_scoped3A : memref<!tpu.dma_semaphore, #tpu.memory_space<semaphore_mem>>)
      %dma_wait3A_198 = tpu.memref_slice %arg4[%add3A_173] : memref<320000xi32, #tpu.memory_space<hbm>> -> memref<64xi32, #tpu.memory_space<hbm>>
      %dma_wait3A_199 = tpu.memref_slice %arg4[%add3A_173] : memref<320000xi32, #tpu.memory_space<hbm>> -> memref<64xi32, #tpu.memory_space<hbm>>
      tpu.wait_dma2 semaphore(%run_scoped3A : memref<!tpu.dma_semaphore, #tpu.memory_space<semaphore_mem>>) src(%dma_wait3A_199 : memref<64xi32, #tpu.memory_space<hbm>>) dst(%arg18 : memref<64xi32, #tpu.memory_space<vmem>>)
      tpu.yield
    }) : () -> ()
    %dma_start3A_174 = arith.constant 0 : i32
    %dma_start3A_175 = arith.constant 0 : i32
    %dma_start3A_176 = tpu.memref_slice %arg15[%dma_start3A_174, %dma_start3A_175] : memref<184x128xf32, #tpu.memory_space<vmem>> -> memref<64x128xf32, #tpu.memory_space<vmem>>
    %dma_start3A_177 = arith.constant 0 : i32
    %dma_start3A_178 = arith.constant 0 : i32
    %dma_start3A_179 = tpu.memref_slice %arg2[%dma_start3A_177, %dma_start3A_178] : memref<10000x128xf32, #tpu.memory_space<hbm>> -> memref<10000x128xf32, #tpu.memory_space<hbm>>
    tpu.enqueue_indirect_dma source(%dma_start3A_179 : memref<10000x128xf32, #tpu.memory_space<hbm>>) target(%dma_start3A_176 : memref<64x128xf32, #tpu.memory_space<vmem>>) offsets(%arg17 : memref<64xi32, #tpu.memory_space<vmem>>) semaphore(%arg20 : memref<!tpu.dma_semaphore, #tpu.memory_space<semaphore_mem>>)
    %dma_wait3A_180 = arith.constant 0 : i32
    %dma_wait3A_181 = arith.constant 0 : i32
    %dma_wait3A_182 = tpu.memref_slice %arg15[%dma_wait3A_180, %dma_wait3A_181] : memref<184x128xf32, #tpu.memory_space<vmem>> -> memref<64x128xf32, #tpu.memory_space<vmem>>
    %dma_wait3A_183 = arith.constant 0 : i32
    %dma_wait3A_184 = arith.constant 0 : i32
    %dma_wait3A_185 = tpu.memref_slice %arg2[%dma_wait3A_183, %dma_wait3A_184] : memref<10000x128xf32, #tpu.memory_space<hbm>> -> memref<10000x128xf32, #tpu.memory_space<hbm>>
    tpu.wait_indirect_dma semaphore(%arg20 : memref<!tpu.dma_semaphore, #tpu.memory_space<semaphore_mem>>) src(%dma_wait3A_185 : memref<10000x128xf32, #tpu.memory_space<hbm>>) dst(%dma_wait3A_182 : memref<64x128xf32, #tpu.memory_space<vmem>>)
    "tpu.region"() ({
      %run_scoped3A = tpu.sem_alloc : memref<!tpu.dma_semaphore, #tpu.memory_space<semaphore_mem>>
      %dma_start3A_196 = arith.constant 0 : i32
      %dma_start3A_197 = arith.constant 0 : i32
      %dma_start3A_198 = tpu.memref_slice %arg15[%dma_start3A_196, %dma_start3A_197] : memref<184x128xf32, #tpu.memory_space<vmem>> -> memref<64x128xf32, #tpu.memory_space<vmem>>
      %dma_start3A_199 = arith.constant 0 : i32
      %dma_start3A_200 = arith.constant 0 : i32
      %dma_start3A_201 = tpu.memref_slice %arg19[%dma_start3A_199, %dma_start3A_200] : memref<10000x128xf32, #tpu.memory_space<vmem_shared>> -> memref<10000x128xf32, #tpu.memory_space<vmem_shared>>
      tpu.enqueue_indirect_dma source(%dma_start3A_198 : memref<64x128xf32, #tpu.memory_space<vmem>>) target(%dma_start3A_201 : memref<10000x128xf32, #tpu.memory_space<vmem_shared>>) offsets(%arg18 : memref<64xi32, #tpu.memory_space<vmem>>) semaphore(%run_scoped3A : memref<!tpu.dma_semaphore, #tpu.memory_space<semaphore_mem>>) {add = true}
      %dma_wait3A_202 = arith.constant 0 : i32
      %dma_wait3A_203 = arith.constant 0 : i32
      %dma_wait3A_204 = tpu.memref_slice %arg15[%dma_wait3A_202, %dma_wait3A_203] : memref<184x128xf32, #tpu.memory_space<vmem>> -> memref<64x128xf32, #tpu.memory_space<vmem>>
      %dma_wait3A_205 = arith.constant 0 : i32
      %dma_wait3A_206 = arith.constant 0 : i32
      %dma_wait3A_207 = tpu.memref_slice %arg19[%dma_wait3A_205, %dma_wait3A_206] : memref<10000x128xf32, #tpu.memory_space<vmem_shared>> -> memref<10000x128xf32, #tpu.memory_space<vmem_shared>>
      tpu.wait_indirect_dma semaphore(%run_scoped3A : memref<!tpu.dma_semaphore, #tpu.memory_space<semaphore_mem>>) src(%dma_wait3A_204 : memref<64x128xf32, #tpu.memory_space<vmem>>) dst(%dma_wait3A_207 : memref<10000x128xf32, #tpu.memory_space<vmem_shared>>)
      tpu.yield
    }) : () -> ()
    %barrier3A_186 = arith.constant 0 : index
    tpu.barrier barrier_id(%barrier3A_186)
    %mul3A_187 = arith.constant 624 : i32
    %mul3A_188 = arith.muli %arg1, %mul3A_187 : i32
    %mul3A_189 = arith.constant 624 : i32
    %mul3A_190 = arith.muli %arg1, %mul3A_189 : i32
    "tpu.region"() ({
      %run_scoped3A = tpu.sem_alloc : memref<!tpu.dma_semaphore, #tpu.memory_space<semaphore_mem>>
      %dma_start3A_196 = arith.constant 0 : i32
      %dma_start3A_197 = tpu.memref_slice %arg6[%arg0, %mul3A_190, %dma_start3A_196] : memref<2x10000x128xf32, #tpu.memory_space<hbm>> -> memref<1x624x128xf32, #tpu.memory_space<hbm>>
      %dma_start3A_198 = tpu.memref_squeeze %dma_start3A_197 : memref<1x624x128xf32, #tpu.memory_space<hbm>> -> memref<624x128xf32, #tpu.memory_space<hbm>>
      %dma_start3A_199 = arith.constant 0 : i32
      %dma_start3A_200 = tpu.memref_slice %arg19[%mul3A_188, %dma_start3A_199] : memref<10000x128xf32, #tpu.memory_space<vmem_shared>> -> memref<624x128xf32, #tpu.memory_space<vmem_shared>>
      tpu.enqueue_dma source(%dma_start3A_200 : memref<624x128xf32, #tpu.memory_space<vmem_shared>>) target(%dma_start3A_198 : memref<624x128xf32, #tpu.memory_space<hbm>>) target_semaphore(%run_scoped3A : memref<!tpu.dma_semaphore, #tpu.memory_space<semaphore_mem>>)
      %dma_wait3A_201 = arith.constant 0 : i32
      %dma_wait3A_202 = tpu.memref_slice %arg6[%arg0, %mul3A_190, %dma_wait3A_201] : memref<2x10000x128xf32, #tpu.memory_space<hbm>> -> memref<1x624x128xf32, #tpu.memory_space<hbm>>
      %dma_wait3A_203 = tpu.memref_squeeze %dma_wait3A_202 : memref<1x624x128xf32, #tpu.memory_space<hbm>> -> memref<624x128xf32, #tpu.memory_space<hbm>>
      %dma_wait3A_204 = arith.constant 0 : i32
      %dma_wait3A_205 = tpu.memref_slice %arg19[%mul3A_188, %dma_wait3A_204] : memref<10000x128xf32, #tpu.memory_space<vmem_shared>> -> memref<624x128xf32, #tpu.memory_space<vmem_shared>>
      tpu.wait_dma2 semaphore(%run_scoped3A : memref<!tpu.dma_semaphore, #tpu.memory_space<semaphore_mem>>) src(%dma_wait3A_205 : memref<624x128xf32, #tpu.memory_space<vmem_shared>>) dst(%dma_wait3A_203 : memref<624x128xf32, #tpu.memory_space<hbm>>)
      tpu.yield
    }) : () -> ()
    %eq3A_191 = arith.constant 0 : i32
    %eq3A_192 = arith.cmpi eq, %arg1, %eq3A_191 : i32
    %convert_element_type3A_193 = arith.extui %eq3A_192 : i1 to i32
    %cond3A_194 = arith.constant 0 : i32
    %cond3A_195 = arith.cmpi ne, %convert_element_type3A_193, %cond3A_194 : i32
    scf.if %cond3A_195 {
      "tpu.region"() ({
        %run_scoped3A = tpu.sem_alloc : memref<!tpu.dma_semaphore, #tpu.memory_space<semaphore_mem>>
        %dma_start3A_196 = arith.constant 9984 : i32
        %dma_start3A_197 = arith.constant 0 : i32
        %dma_start3A_198 = tpu.memref_slice %arg6[%arg0, %dma_start3A_196, %dma_start3A_197] : memref<2x10000x128xf32, #tpu.memory_space<hbm>> -> memref<1x16x128xf32, #tpu.memory_space<hbm>>
        %dma_start3A_199 = tpu.memref_squeeze %dma_start3A_198 : memref<1x16x128xf32, #tpu.memory_space<hbm>> -> memref<16x128xf32, #tpu.memory_space<hbm>>
        %dma_start3A_200 = arith.constant 9984 : i32
        %dma_start3A_201 = arith.constant 0 : i32
        %dma_start3A_202 = tpu.memref_slice %arg19[%dma_start3A_200, %dma_start3A_201] : memref<10000x128xf32, #tpu.memory_space<vmem_shared>> -> memref<16x128xf32, #tpu.memory_space<vmem_shared>>
        tpu.enqueue_dma source(%dma_start3A_202 : memref<16x128xf32, #tpu.memory_space<vmem_shared>>) target(%dma_start3A_199 : memref<16x128xf32, #tpu.memory_space<hbm>>) target_semaphore(%run_scoped3A : memref<!tpu.dma_semaphore, #tpu.memory_space<semaphore_mem>>)
        %dma_wait3A_203 = arith.constant 9984 : i32
        %dma_wait3A_204 = arith.constant 0 : i32
        %dma_wait3A_205 = tpu.memref_slice %arg6[%arg0, %dma_wait3A_203, %dma_wait3A_204] : memref<2x10000x128xf32, #tpu.memory_space<hbm>> -> memref<1x16x128xf32, #tpu.memory_space<hbm>>
        %dma_wait3A_206 = tpu.memref_squeeze %dma_wait3A_205 : memref<1x16x128xf32, #tpu.memory_space<hbm>> -> memref<16x128xf32, #tpu.memory_space<hbm>>
        %dma_wait3A_207 = arith.constant 9984 : i32
        %dma_wait3A_208 = arith.constant 0 : i32
        %dma_wait3A_209 = tpu.memref_slice %arg19[%dma_wait3A_207, %dma_wait3A_208] : memref<10000x128xf32, #tpu.memory_space<vmem_shared>> -> memref<16x128xf32, #tpu.memory_space<vmem_shared>>
        tpu.wait_dma2 semaphore(%run_scoped3A : memref<!tpu.dma_semaphore, #tpu.memory_space<semaphore_mem>>) src(%dma_wait3A_209 : memref<16x128xf32, #tpu.memory_space<vmem_shared>>) dst(%dma_wait3A_206 : memref<16x128xf32, #tpu.memory_space<hbm>>)
        tpu.yield
      }) : () -> ()
    } else {
    }
    return
  }
}

#map = affine_map<(d0, d1) -> (0, 0)>
#map1 = affine_map<(d0, d1) -> (0)>
#map2 = affine_map<(d0, d1) -> (0, 0, 0)>
module attributes {stable_mosaic.version = 14 : i64} {
  func.func @_sc_agg_body(%arg0: i32, %arg1: i32, %arg2: memref<10000x128xf32, #tpu.memory_space<hbm>>, %arg3: memref<320000xi32, #tpu.memory_space<hbm>>, %arg4: memref<320000xi32, #tpu.memory_space<hbm>>, %arg5: memref<10000x128xf32, #tpu.memory_space<hbm>>, %arg6: memref<2x10000x128xf32, #tpu.memory_space<hbm>>, %arg7: memref<184xi32, #tpu.memory_space<vmem>>, %arg8: memref<184xi32, #tpu.memory_space<vmem>>, %arg9: memref<184xi32, #tpu.memory_space<vmem>>, %arg10: memref<184xi32, #tpu.memory_space<vmem>>, %arg11: memref<184xi32, #tpu.memory_space<vmem>>, %arg12: memref<184xi32, #tpu.memory_space<vmem>>, %arg13: memref<184xi32, #tpu.memory_space<vmem>>, %arg14: memref<184xi32, #tpu.memory_space<vmem>>, %arg15: memref<184x128xf32, #tpu.memory_space<vmem>>, %arg16: memref<184x128xf32, #tpu.memory_space<vmem>>, %arg17: memref<64xi32, #tpu.memory_space<vmem>>, %arg18: memref<64xi32, #tpu.memory_space<vmem>>, %arg19: memref<10000x128xf32, #tpu.memory_space<vmem_shared>>, %arg20: memref<!tpu.dma_semaphore, #tpu.memory_space<semaphore_mem>>, %arg21: memref<!tpu.dma_semaphore, #tpu.memory_space<semaphore_mem>>, %arg22: memref<!tpu.dma_semaphore, #tpu.memory_space<semaphore_mem>>, %arg23: memref<!tpu.dma_semaphore, #tpu.memory_space<semaphore_mem>>, %arg24: memref<!tpu.dma_semaphore, #tpu.memory_space<semaphore_mem>>, %arg25: memref<!tpu.dma_semaphore, #tpu.memory_space<semaphore_mem>>, %arg26: memref<!tpu.dma_semaphore, #tpu.memory_space<semaphore_mem>>, %arg27: memref<!tpu.dma_semaphore, #tpu.memory_space<semaphore_mem>>) attributes {dimension_semantics = [#tpu.dimension_semantics<core_parallel>, #tpu.dimension_semantics<subcore_parallel>], iteration_bounds = array<i64: 2, 16>, scalar_prefetch = 0 : i64, scratch_operands = 21 : i64, tpu.core_type = #tpu.core_type<sc_vector_subcore>, window_params = [{transform_indices = #map}, {transform_indices = #map1}, {transform_indices = #map1}, {transform_indices = #map}, {transform_indices = #map2}]} {
    %mul3A = arith.constant 2 : i32
    %mul3A_0 = arith.muli %arg1, %mul3A : i32
    %add3A = arith.addi %mul3A_0, %arg0 : i32
    %mul3A_1 = arith.constant 10000 : i32
    %mul3A_2 = arith.muli %add3A, %mul3A_1 : i32
    %add3A_3 = arith.constant 0 : i32
    %add3A_4 = arith.addi %mul3A_2, %add3A_3 : i32
    %dma_start3A = tpu.memref_slice %arg3[%add3A_4] : memref<320000xi32, #tpu.memory_space<hbm>> -> memref<184xi32, #tpu.memory_space<hbm>>
    %dma_start3A_5 = tpu.memref_slice %arg3[%add3A_4] : memref<320000xi32, #tpu.memory_space<hbm>> -> memref<184xi32, #tpu.memory_space<hbm>>
    tpu.enqueue_dma source(%dma_start3A_5 : memref<184xi32, #tpu.memory_space<hbm>>) target(%arg7 : memref<184xi32, #tpu.memory_space<vmem>>) target_semaphore(%arg24 : memref<!tpu.dma_semaphore, #tpu.memory_space<semaphore_mem>>)
    %dma_start3A_6 = tpu.memref_slice %arg4[%add3A_4] : memref<320000xi32, #tpu.memory_space<hbm>> -> memref<184xi32, #tpu.memory_space<hbm>>
    %dma_start3A_7 = tpu.memref_slice %arg4[%add3A_4] : memref<320000xi32, #tpu.memory_space<hbm>> -> memref<184xi32, #tpu.memory_space<hbm>>
    tpu.enqueue_dma source(%dma_start3A_7 : memref<184xi32, #tpu.memory_space<hbm>>) target(%arg11 : memref<184xi32, #tpu.memory_space<vmem>>) target_semaphore(%arg24 : memref<!tpu.dma_semaphore, #tpu.memory_space<semaphore_mem>>)
    %add3A_8 = arith.constant 184 : i32
    %add3A_9 = arith.addi %mul3A_2, %add3A_8 : i32
    %dma_start3A_10 = tpu.memref_slice %arg3[%add3A_9] : memref<320000xi32, #tpu.memory_space<hbm>> -> memref<184xi32, #tpu.memory_space<hbm>>
    %dma_start3A_11 = tpu.memref_slice %arg3[%add3A_9] : memref<320000xi32, #tpu.memory_space<hbm>> -> memref<184xi32, #tpu.memory_space<hbm>>
    tpu.enqueue_dma source(%dma_start3A_11 : memref<184xi32, #tpu.memory_space<hbm>>) target(%arg8 : memref<184xi32, #tpu.memory_space<vmem>>) target_semaphore(%arg25 : memref<!tpu.dma_semaphore, #tpu.memory_space<semaphore_mem>>)
    %dma_start3A_12 = tpu.memref_slice %arg4[%add3A_9] : memref<320000xi32, #tpu.memory_space<hbm>> -> memref<184xi32, #tpu.memory_space<hbm>>
    %dma_start3A_13 = tpu.memref_slice %arg4[%add3A_9] : memref<320000xi32, #tpu.memory_space<hbm>> -> memref<184xi32, #tpu.memory_space<hbm>>
    tpu.enqueue_dma source(%dma_start3A_13 : memref<184xi32, #tpu.memory_space<hbm>>) target(%arg12 : memref<184xi32, #tpu.memory_space<vmem>>) target_semaphore(%arg25 : memref<!tpu.dma_semaphore, #tpu.memory_space<semaphore_mem>>)
    %eq3A = arith.constant 0 : i32
    %eq3A_14 = arith.cmpi eq, %arg0, %eq3A : i32
    %convert_element_type3A = arith.extui %eq3A_14 : i1 to i32
    %cond3A = arith.constant 0 : i32
    %cond3A_15 = arith.cmpi ne, %convert_element_type3A, %cond3A : i32
    scf.if %cond3A_15 {
      %mul3A_196 = arith.constant 624 : i32
      %mul3A_197 = arith.muli %arg1, %mul3A_196 : i32
      %mul3A_198 = arith.constant 624 : i32
      %mul3A_199 = arith.muli %arg1, %mul3A_198 : i32
      "tpu.region"() ({
        %run_scoped3A = tpu.sem_alloc : memref<!tpu.dma_semaphore, #tpu.memory_space<semaphore_mem>>
        %dma_start3A_200 = arith.constant 0 : i32
        %dma_start3A_201 = tpu.memref_slice %arg19[%mul3A_199, %dma_start3A_200] : memref<10000x128xf32, #tpu.memory_space<vmem_shared>> -> memref<624x128xf32, #tpu.memory_space<vmem_shared>>
        %dma_start3A_202 = arith.constant 0 : i32
        %dma_start3A_203 = tpu.memref_slice %arg2[%mul3A_197, %dma_start3A_202] : memref<10000x128xf32, #tpu.memory_space<hbm>> -> memref<624x128xf32, #tpu.memory_space<hbm>>
        tpu.enqueue_dma source(%dma_start3A_203 : memref<624x128xf32, #tpu.memory_space<hbm>>) target(%dma_start3A_201 : memref<624x128xf32, #tpu.memory_space<vmem_shared>>) target_semaphore(%run_scoped3A : memref<!tpu.dma_semaphore, #tpu.memory_space<semaphore_mem>>)
        %dma_wait3A_204 = arith.constant 0 : i32
        %dma_wait3A_205 = tpu.memref_slice %arg19[%mul3A_199, %dma_wait3A_204] : memref<10000x128xf32, #tpu.memory_space<vmem_shared>> -> memref<624x128xf32, #tpu.memory_space<vmem_shared>>
        %dma_wait3A_206 = arith.constant 0 : i32
        %dma_wait3A_207 = tpu.memref_slice %arg2[%mul3A_197, %dma_wait3A_206] : memref<10000x128xf32, #tpu.memory_space<hbm>> -> memref<624x128xf32, #tpu.memory_space<hbm>>
        tpu.wait_dma2 semaphore(%run_scoped3A : memref<!tpu.dma_semaphore, #tpu.memory_space<semaphore_mem>>) src(%dma_wait3A_207 : memref<624x128xf32, #tpu.memory_space<hbm>>) dst(%dma_wait3A_205 : memref<624x128xf32, #tpu.memory_space<vmem_shared>>)
        tpu.yield
      }) : () -> ()
    } else {
    }
    %eq3A_16 = arith.constant 1 : i32
    %eq3A_17 = arith.cmpi eq, %arg0, %eq3A_16 : i32
    %convert_element_type3A_18 = arith.extui %eq3A_17 : i1 to i32
    %cond3A_19 = arith.constant 0 : i32
    %cond3A_20 = arith.cmpi ne, %convert_element_type3A_18, %cond3A_19 : i32
    scf.if %cond3A_20 {
      %mul3A_196 = arith.constant 624 : i32
      %mul3A_197 = arith.muli %arg1, %mul3A_196 : i32
      %mul3A_198 = arith.constant 624 : i32
      %mul3A_199 = arith.muli %arg1, %mul3A_198 : i32
      "tpu.region"() ({
        %run_scoped3A = tpu.sem_alloc : memref<!tpu.dma_semaphore, #tpu.memory_space<semaphore_mem>>
        %dma_start3A_200 = arith.constant 0 : i32
        %dma_start3A_201 = tpu.memref_slice %arg19[%mul3A_199, %dma_start3A_200] : memref<10000x128xf32, #tpu.memory_space<vmem_shared>> -> memref<624x128xf32, #tpu.memory_space<vmem_shared>>
        %dma_start3A_202 = arith.constant 0 : i32
        %dma_start3A_203 = tpu.memref_slice %arg5[%mul3A_197, %dma_start3A_202] : memref<10000x128xf32, #tpu.memory_space<hbm>> -> memref<624x128xf32, #tpu.memory_space<hbm>>
        tpu.enqueue_dma source(%dma_start3A_203 : memref<624x128xf32, #tpu.memory_space<hbm>>) target(%dma_start3A_201 : memref<624x128xf32, #tpu.memory_space<vmem_shared>>) target_semaphore(%run_scoped3A : memref<!tpu.dma_semaphore, #tpu.memory_space<semaphore_mem>>)
        %dma_wait3A_204 = arith.constant 0 : i32
        %dma_wait3A_205 = tpu.memref_slice %arg19[%mul3A_199, %dma_wait3A_204] : memref<10000x128xf32, #tpu.memory_space<vmem_shared>> -> memref<624x128xf32, #tpu.memory_space<vmem_shared>>
        %dma_wait3A_206 = arith.constant 0 : i32
        %dma_wait3A_207 = tpu.memref_slice %arg5[%mul3A_197, %dma_wait3A_206] : memref<10000x128xf32, #tpu.memory_space<hbm>> -> memref<624x128xf32, #tpu.memory_space<hbm>>
        tpu.wait_dma2 semaphore(%run_scoped3A : memref<!tpu.dma_semaphore, #tpu.memory_space<semaphore_mem>>) src(%dma_wait3A_207 : memref<624x128xf32, #tpu.memory_space<hbm>>) dst(%dma_wait3A_205 : memref<624x128xf32, #tpu.memory_space<vmem_shared>>)
        tpu.yield
      }) : () -> ()
    } else {
    }
    %eq3A_21 = arith.constant 0 : i32
    %eq3A_22 = arith.cmpi eq, %arg1, %eq3A_21 : i32
    %eq3A_23 = arith.constant 0 : i32
    %eq3A_24 = arith.cmpi eq, %arg0, %eq3A_23 : i32
    %and3A = arith.andi %eq3A_22, %eq3A_24 : i1
    %convert_element_type3A_25 = arith.extui %and3A : i1 to i32
    %cond3A_26 = arith.constant 0 : i32
    %cond3A_27 = arith.cmpi ne, %convert_element_type3A_25, %cond3A_26 : i32
    scf.if %cond3A_27 {
      "tpu.region"() ({
        %run_scoped3A = tpu.sem_alloc : memref<!tpu.dma_semaphore, #tpu.memory_space<semaphore_mem>>
        %dma_start3A_196 = arith.constant 9984 : i32
        %dma_start3A_197 = arith.constant 0 : i32
        %dma_start3A_198 = tpu.memref_slice %arg19[%dma_start3A_196, %dma_start3A_197] : memref<10000x128xf32, #tpu.memory_space<vmem_shared>> -> memref<16x128xf32, #tpu.memory_space<vmem_shared>>
        %dma_start3A_199 = arith.constant 9984 : i32
        %dma_start3A_200 = arith.constant 0 : i32
        %dma_start3A_201 = tpu.memref_slice %arg2[%dma_start3A_199, %dma_start3A_200] : memref<10000x128xf32, #tpu.memory_space<hbm>> -> memref<16x128xf32, #tpu.memory_space<hbm>>
        tpu.enqueue_dma source(%dma_start3A_201 : memref<16x128xf32, #tpu.memory_space<hbm>>) target(%dma_start3A_198 : memref<16x128xf32, #tpu.memory_space<vmem_shared>>) target_semaphore(%run_scoped3A : memref<!tpu.dma_semaphore, #tpu.memory_space<semaphore_mem>>)
        %dma_wait3A_202 = arith.constant 9984 : i32
        %dma_wait3A_203 = arith.constant 0 : i32
        %dma_wait3A_204 = tpu.memref_slice %arg19[%dma_wait3A_202, %dma_wait3A_203] : memref<10000x128xf32, #tpu.memory_space<vmem_shared>> -> memref<16x128xf32, #tpu.memory_space<vmem_shared>>
        %dma_wait3A_205 = arith.constant 9984 : i32
        %dma_wait3A_206 = arith.constant 0 : i32
        %dma_wait3A_207 = tpu.memref_slice %arg2[%dma_wait3A_205, %dma_wait3A_206] : memref<10000x128xf32, #tpu.memory_space<hbm>> -> memref<16x128xf32, #tpu.memory_space<hbm>>
        tpu.wait_dma2 semaphore(%run_scoped3A : memref<!tpu.dma_semaphore, #tpu.memory_space<semaphore_mem>>) src(%dma_wait3A_207 : memref<16x128xf32, #tpu.memory_space<hbm>>) dst(%dma_wait3A_204 : memref<16x128xf32, #tpu.memory_space<vmem_shared>>)
        tpu.yield
      }) : () -> ()
    } else {
    }
    %eq3A_28 = arith.constant 0 : i32
    %eq3A_29 = arith.cmpi eq, %arg1, %eq3A_28 : i32
    %eq3A_30 = arith.constant 1 : i32
    %eq3A_31 = arith.cmpi eq, %arg0, %eq3A_30 : i32
    %and3A_32 = arith.andi %eq3A_29, %eq3A_31 : i1
    %convert_element_type3A_33 = arith.extui %and3A_32 : i1 to i32
    %cond3A_34 = arith.constant 0 : i32
    %cond3A_35 = arith.cmpi ne, %convert_element_type3A_33, %cond3A_34 : i32
    scf.if %cond3A_35 {
      "tpu.region"() ({
        %run_scoped3A = tpu.sem_alloc : memref<!tpu.dma_semaphore, #tpu.memory_space<semaphore_mem>>
        %dma_start3A_196 = arith.constant 9984 : i32
        %dma_start3A_197 = arith.constant 0 : i32
        %dma_start3A_198 = tpu.memref_slice %arg19[%dma_start3A_196, %dma_start3A_197] : memref<10000x128xf32, #tpu.memory_space<vmem_shared>> -> memref<16x128xf32, #tpu.memory_space<vmem_shared>>
        %dma_start3A_199 = arith.constant 9984 : i32
        %dma_start3A_200 = arith.constant 0 : i32
        %dma_start3A_201 = tpu.memref_slice %arg5[%dma_start3A_199, %dma_start3A_200] : memref<10000x128xf32, #tpu.memory_space<hbm>> -> memref<16x128xf32, #tpu.memory_space<hbm>>
        tpu.enqueue_dma source(%dma_start3A_201 : memref<16x128xf32, #tpu.memory_space<hbm>>) target(%dma_start3A_198 : memref<16x128xf32, #tpu.memory_space<vmem_shared>>) target_semaphore(%run_scoped3A : memref<!tpu.dma_semaphore, #tpu.memory_space<semaphore_mem>>)
        %dma_wait3A_202 = arith.constant 9984 : i32
        %dma_wait3A_203 = arith.constant 0 : i32
        %dma_wait3A_204 = tpu.memref_slice %arg19[%dma_wait3A_202, %dma_wait3A_203] : memref<10000x128xf32, #tpu.memory_space<vmem_shared>> -> memref<16x128xf32, #tpu.memory_space<vmem_shared>>
        %dma_wait3A_205 = arith.constant 9984 : i32
        %dma_wait3A_206 = arith.constant 0 : i32
        %dma_wait3A_207 = tpu.memref_slice %arg5[%dma_wait3A_205, %dma_wait3A_206] : memref<10000x128xf32, #tpu.memory_space<hbm>> -> memref<16x128xf32, #tpu.memory_space<hbm>>
        tpu.wait_dma2 semaphore(%run_scoped3A : memref<!tpu.dma_semaphore, #tpu.memory_space<semaphore_mem>>) src(%dma_wait3A_207 : memref<16x128xf32, #tpu.memory_space<hbm>>) dst(%dma_wait3A_204 : memref<16x128xf32, #tpu.memory_space<vmem_shared>>)
        tpu.yield
      }) : () -> ()
    } else {
    }
    %barrier3A = arith.constant 0 : index
    tpu.barrier barrier_id(%barrier3A)
    %add3A_36 = arith.constant 0 : i32
    %add3A_37 = arith.addi %mul3A_2, %add3A_36 : i32
    %dma_wait3A = tpu.memref_slice %arg3[%add3A_37] : memref<320000xi32, #tpu.memory_space<hbm>> -> memref<184xi32, #tpu.memory_space<hbm>>
    %dma_wait3A_38 = tpu.memref_slice %arg3[%add3A_37] : memref<320000xi32, #tpu.memory_space<hbm>> -> memref<184xi32, #tpu.memory_space<hbm>>
    tpu.wait_dma2 semaphore(%arg24 : memref<!tpu.dma_semaphore, #tpu.memory_space<semaphore_mem>>) src(%dma_wait3A_38 : memref<184xi32, #tpu.memory_space<hbm>>) dst(%arg7 : memref<184xi32, #tpu.memory_space<vmem>>)
    %dma_wait3A_39 = tpu.memref_slice %arg4[%add3A_37] : memref<320000xi32, #tpu.memory_space<hbm>> -> memref<184xi32, #tpu.memory_space<hbm>>
    %dma_wait3A_40 = tpu.memref_slice %arg4[%add3A_37] : memref<320000xi32, #tpu.memory_space<hbm>> -> memref<184xi32, #tpu.memory_space<hbm>>
    tpu.wait_dma2 semaphore(%arg24 : memref<!tpu.dma_semaphore, #tpu.memory_space<semaphore_mem>>) src(%dma_wait3A_40 : memref<184xi32, #tpu.memory_space<hbm>>) dst(%arg11 : memref<184xi32, #tpu.memory_space<vmem>>)
    %dma_start3A_41 = arith.constant 0 : i32
    %dma_start3A_42 = arith.constant 0 : i32
    %dma_start3A_43 = tpu.memref_slice %arg2[%dma_start3A_41, %dma_start3A_42] : memref<10000x128xf32, #tpu.memory_space<hbm>> -> memref<10000x128xf32, #tpu.memory_space<hbm>>
    tpu.enqueue_indirect_dma source(%dma_start3A_43 : memref<10000x128xf32, #tpu.memory_space<hbm>>) target(%arg15 : memref<184x128xf32, #tpu.memory_space<vmem>>) offsets(%arg7 : memref<184xi32, #tpu.memory_space<vmem>>) semaphore(%arg20 : memref<!tpu.dma_semaphore, #tpu.memory_space<semaphore_mem>>)
    %add3A_44 = arith.constant 368 : i32
    %add3A_45 = arith.addi %mul3A_2, %add3A_44 : i32
    %dma_start3A_46 = tpu.memref_slice %arg3[%add3A_45] : memref<320000xi32, #tpu.memory_space<hbm>> -> memref<184xi32, #tpu.memory_space<hbm>>
    %dma_start3A_47 = tpu.memref_slice %arg3[%add3A_45] : memref<320000xi32, #tpu.memory_space<hbm>> -> memref<184xi32, #tpu.memory_space<hbm>>
    tpu.enqueue_dma source(%dma_start3A_47 : memref<184xi32, #tpu.memory_space<hbm>>) target(%arg9 : memref<184xi32, #tpu.memory_space<vmem>>) target_semaphore(%arg26 : memref<!tpu.dma_semaphore, #tpu.memory_space<semaphore_mem>>)
    %dma_start3A_48 = tpu.memref_slice %arg4[%add3A_45] : memref<320000xi32, #tpu.memory_space<hbm>> -> memref<184xi32, #tpu.memory_space<hbm>>
    %dma_start3A_49 = tpu.memref_slice %arg4[%add3A_45] : memref<320000xi32, #tpu.memory_space<hbm>> -> memref<184xi32, #tpu.memory_space<hbm>>
    tpu.enqueue_dma source(%dma_start3A_49 : memref<184xi32, #tpu.memory_space<hbm>>) target(%arg13 : memref<184xi32, #tpu.memory_space<vmem>>) target_semaphore(%arg26 : memref<!tpu.dma_semaphore, #tpu.memory_space<semaphore_mem>>)
    %add3A_50 = arith.constant 184 : i32
    %add3A_51 = arith.addi %mul3A_2, %add3A_50 : i32
    %dma_wait3A_52 = tpu.memref_slice %arg3[%add3A_51] : memref<320000xi32, #tpu.memory_space<hbm>> -> memref<184xi32, #tpu.memory_space<hbm>>
    %dma_wait3A_53 = tpu.memref_slice %arg3[%add3A_51] : memref<320000xi32, #tpu.memory_space<hbm>> -> memref<184xi32, #tpu.memory_space<hbm>>
    tpu.wait_dma2 semaphore(%arg25 : memref<!tpu.dma_semaphore, #tpu.memory_space<semaphore_mem>>) src(%dma_wait3A_53 : memref<184xi32, #tpu.memory_space<hbm>>) dst(%arg8 : memref<184xi32, #tpu.memory_space<vmem>>)
    %dma_wait3A_54 = tpu.memref_slice %arg4[%add3A_51] : memref<320000xi32, #tpu.memory_space<hbm>> -> memref<184xi32, #tpu.memory_space<hbm>>
    %dma_wait3A_55 = tpu.memref_slice %arg4[%add3A_51] : memref<320000xi32, #tpu.memory_space<hbm>> -> memref<184xi32, #tpu.memory_space<hbm>>
    tpu.wait_dma2 semaphore(%arg25 : memref<!tpu.dma_semaphore, #tpu.memory_space<semaphore_mem>>) src(%dma_wait3A_55 : memref<184xi32, #tpu.memory_space<hbm>>) dst(%arg12 : memref<184xi32, #tpu.memory_space<vmem>>)
    %dma_start3A_56 = arith.constant 0 : i32
    %dma_start3A_57 = arith.constant 0 : i32
    %dma_start3A_58 = tpu.memref_slice %arg2[%dma_start3A_56, %dma_start3A_57] : memref<10000x128xf32, #tpu.memory_space<hbm>> -> memref<10000x128xf32, #tpu.memory_space<hbm>>
    tpu.enqueue_indirect_dma source(%dma_start3A_58 : memref<10000x128xf32, #tpu.memory_space<hbm>>) target(%arg16 : memref<184x128xf32, #tpu.memory_space<vmem>>) offsets(%arg8 : memref<184xi32, #tpu.memory_space<vmem>>) semaphore(%arg21 : memref<!tpu.dma_semaphore, #tpu.memory_space<semaphore_mem>>)
    %add3A_59 = arith.constant 552 : i32
    %add3A_60 = arith.addi %mul3A_2, %add3A_59 : i32
    %dma_start3A_61 = tpu.memref_slice %arg3[%add3A_60] : memref<320000xi32, #tpu.memory_space<hbm>> -> memref<184xi32, #tpu.memory_space<hbm>>
    %dma_start3A_62 = tpu.memref_slice %arg3[%add3A_60] : memref<320000xi32, #tpu.memory_space<hbm>> -> memref<184xi32, #tpu.memory_space<hbm>>
    tpu.enqueue_dma source(%dma_start3A_62 : memref<184xi32, #tpu.memory_space<hbm>>) target(%arg10 : memref<184xi32, #tpu.memory_space<vmem>>) target_semaphore(%arg27 : memref<!tpu.dma_semaphore, #tpu.memory_space<semaphore_mem>>)
    %dma_start3A_63 = tpu.memref_slice %arg4[%add3A_60] : memref<320000xi32, #tpu.memory_space<hbm>> -> memref<184xi32, #tpu.memory_space<hbm>>
    %dma_start3A_64 = tpu.memref_slice %arg4[%add3A_60] : memref<320000xi32, #tpu.memory_space<hbm>> -> memref<184xi32, #tpu.memory_space<hbm>>
    tpu.enqueue_dma source(%dma_start3A_64 : memref<184xi32, #tpu.memory_space<hbm>>) target(%arg14 : memref<184xi32, #tpu.memory_space<vmem>>) target_semaphore(%arg27 : memref<!tpu.dma_semaphore, #tpu.memory_space<semaphore_mem>>)
    %dma_wait3A_65 = arith.constant 0 : i32
    %dma_wait3A_66 = arith.constant 0 : i32
    %dma_wait3A_67 = tpu.memref_slice %arg2[%dma_wait3A_65, %dma_wait3A_66] : memref<10000x128xf32, #tpu.memory_space<hbm>> -> memref<10000x128xf32, #tpu.memory_space<hbm>>
    tpu.wait_indirect_dma semaphore(%arg20 : memref<!tpu.dma_semaphore, #tpu.memory_space<semaphore_mem>>) src(%dma_wait3A_67 : memref<10000x128xf32, #tpu.memory_space<hbm>>) dst(%arg15 : memref<184x128xf32, #tpu.memory_space<vmem>>)
    %dma_start3A_68 = arith.constant 0 : i32
    %dma_start3A_69 = arith.constant 0 : i32
    %dma_start3A_70 = tpu.memref_slice %arg19[%dma_start3A_68, %dma_start3A_69] : memref<10000x128xf32, #tpu.memory_space<vmem_shared>> -> memref<10000x128xf32, #tpu.memory_space<vmem_shared>>
    tpu.enqueue_indirect_dma source(%arg15 : memref<184x128xf32, #tpu.memory_space<vmem>>) target(%dma_start3A_70 : memref<10000x128xf32, #tpu.memory_space<vmem_shared>>) offsets(%arg11 : memref<184xi32, #tpu.memory_space<vmem>>) semaphore(%arg22 : memref<!tpu.dma_semaphore, #tpu.memory_space<semaphore_mem>>) {add = true}
    %scan3A = arith.constant 0 : i32
    %scan3A_71 = arith.constant 0 : i32
    %scan3A_72 = arith.constant 12 : i32
    %scan3A_73 = arith.addi %scan3A_71, %scan3A_72 : i32
    %scan3A_74 = arith.constant 1 : i32
    scf.for %scan3A_196 = %scan3A_71 to %scan3A_73 step %scan3A_74  : i32 {
      %mul3A_197 = arith.constant 4 : i32
      %mul3A_198 = arith.muli %mul3A_197, %scan3A_196 : i32
      %add3A_199 = arith.constant 2 : i32
      %add3A_200 = arith.addi %add3A_199, %mul3A_198 : i32
      %dma_wait3A_201 = arith.constant 0 : i32
      %dma_wait3A_202 = arith.constant 0 : i32
      %dma_wait3A_203 = tpu.memref_slice %arg19[%dma_wait3A_201, %dma_wait3A_202] : memref<10000x128xf32, #tpu.memory_space<vmem_shared>> -> memref<10000x128xf32, #tpu.memory_space<vmem_shared>>
      tpu.wait_indirect_dma semaphore(%arg22 : memref<!tpu.dma_semaphore, #tpu.memory_space<semaphore_mem>>) src(%arg15 : memref<184x128xf32, #tpu.memory_space<vmem>>) dst(%dma_wait3A_203 : memref<10000x128xf32, #tpu.memory_space<vmem_shared>>)
      %mul3A_204 = arith.constant 184 : i32
      %mul3A_205 = arith.muli %add3A_200, %mul3A_204 : i32
      %add3A_206 = arith.addi %mul3A_2, %mul3A_205 : i32
      %dma_wait3A_207 = tpu.memref_slice %arg3[%add3A_206] : memref<320000xi32, #tpu.memory_space<hbm>> -> memref<184xi32, #tpu.memory_space<hbm>>
      %dma_wait3A_208 = tpu.memref_slice %arg3[%add3A_206] : memref<320000xi32, #tpu.memory_space<hbm>> -> memref<184xi32, #tpu.memory_space<hbm>>
      tpu.wait_dma2 semaphore(%arg26 : memref<!tpu.dma_semaphore, #tpu.memory_space<semaphore_mem>>) src(%dma_wait3A_208 : memref<184xi32, #tpu.memory_space<hbm>>) dst(%arg9 : memref<184xi32, #tpu.memory_space<vmem>>)
      %dma_wait3A_209 = tpu.memref_slice %arg4[%add3A_206] : memref<320000xi32, #tpu.memory_space<hbm>> -> memref<184xi32, #tpu.memory_space<hbm>>
      %dma_wait3A_210 = tpu.memref_slice %arg4[%add3A_206] : memref<320000xi32, #tpu.memory_space<hbm>> -> memref<184xi32, #tpu.memory_space<hbm>>
      tpu.wait_dma2 semaphore(%arg26 : memref<!tpu.dma_semaphore, #tpu.memory_space<semaphore_mem>>) src(%dma_wait3A_210 : memref<184xi32, #tpu.memory_space<hbm>>) dst(%arg13 : memref<184xi32, #tpu.memory_space<vmem>>)
      %dma_start3A_211 = arith.constant 0 : i32
      %dma_start3A_212 = arith.constant 0 : i32
      %dma_start3A_213 = tpu.memref_slice %arg2[%dma_start3A_211, %dma_start3A_212] : memref<10000x128xf32, #tpu.memory_space<hbm>> -> memref<10000x128xf32, #tpu.memory_space<hbm>>
      tpu.enqueue_indirect_dma source(%dma_start3A_213 : memref<10000x128xf32, #tpu.memory_space<hbm>>) target(%arg15 : memref<184x128xf32, #tpu.memory_space<vmem>>) offsets(%arg9 : memref<184xi32, #tpu.memory_space<vmem>>) semaphore(%arg20 : memref<!tpu.dma_semaphore, #tpu.memory_space<semaphore_mem>>)
      %add3A_214 = arith.constant 2 : i32
      %add3A_215 = arith.addi %add3A_200, %add3A_214 : i32
      %mul3A_216 = arith.constant 184 : i32
      %mul3A_217 = arith.muli %add3A_215, %mul3A_216 : i32
      %add3A_218 = arith.addi %mul3A_2, %mul3A_217 : i32
      %dma_start3A_219 = tpu.memref_slice %arg3[%add3A_218] : memref<320000xi32, #tpu.memory_space<hbm>> -> memref<184xi32, #tpu.memory_space<hbm>>
      %dma_start3A_220 = tpu.memref_slice %arg3[%add3A_218] : memref<320000xi32, #tpu.memory_space<hbm>> -> memref<184xi32, #tpu.memory_space<hbm>>
      tpu.enqueue_dma source(%dma_start3A_220 : memref<184xi32, #tpu.memory_space<hbm>>) target(%arg7 : memref<184xi32, #tpu.memory_space<vmem>>) target_semaphore(%arg24 : memref<!tpu.dma_semaphore, #tpu.memory_space<semaphore_mem>>)
      %dma_start3A_221 = tpu.memref_slice %arg4[%add3A_218] : memref<320000xi32, #tpu.memory_space<hbm>> -> memref<184xi32, #tpu.memory_space<hbm>>
      %dma_start3A_222 = tpu.memref_slice %arg4[%add3A_218] : memref<320000xi32, #tpu.memory_space<hbm>> -> memref<184xi32, #tpu.memory_space<hbm>>
      tpu.enqueue_dma source(%dma_start3A_222 : memref<184xi32, #tpu.memory_space<hbm>>) target(%arg11 : memref<184xi32, #tpu.memory_space<vmem>>) target_semaphore(%arg24 : memref<!tpu.dma_semaphore, #tpu.memory_space<semaphore_mem>>)
      %dma_wait3A_223 = arith.constant 0 : i32
      %dma_wait3A_224 = arith.constant 0 : i32
      %dma_wait3A_225 = tpu.memref_slice %arg2[%dma_wait3A_223, %dma_wait3A_224] : memref<10000x128xf32, #tpu.memory_space<hbm>> -> memref<10000x128xf32, #tpu.memory_space<hbm>>
      tpu.wait_indirect_dma semaphore(%arg21 : memref<!tpu.dma_semaphore, #tpu.memory_space<semaphore_mem>>) src(%dma_wait3A_225 : memref<10000x128xf32, #tpu.memory_space<hbm>>) dst(%arg16 : memref<184x128xf32, #tpu.memory_space<vmem>>)
      %dma_start3A_226 = arith.constant 0 : i32
      %dma_start3A_227 = arith.constant 0 : i32
      %dma_start3A_228 = tpu.memref_slice %arg19[%dma_start3A_226, %dma_start3A_227] : memref<10000x128xf32, #tpu.memory_space<vmem_shared>> -> memref<10000x128xf32, #tpu.memory_space<vmem_shared>>
      tpu.enqueue_indirect_dma source(%arg16 : memref<184x128xf32, #tpu.memory_space<vmem>>) target(%dma_start3A_228 : memref<10000x128xf32, #tpu.memory_space<vmem_shared>>) offsets(%arg12 : memref<184xi32, #tpu.memory_space<vmem>>) semaphore(%arg23 : memref<!tpu.dma_semaphore, #tpu.memory_space<semaphore_mem>>) {add = true}
      %add3A_229 = arith.constant 1 : i32
      %add3A_230 = arith.addi %add3A_200, %add3A_229 : i32
      %dma_wait3A_231 = arith.constant 0 : i32
      %dma_wait3A_232 = arith.constant 0 : i32
      %dma_wait3A_233 = tpu.memref_slice %arg19[%dma_wait3A_231, %dma_wait3A_232] : memref<10000x128xf32, #tpu.memory_space<vmem_shared>> -> memref<10000x128xf32, #tpu.memory_space<vmem_shared>>
      tpu.wait_indirect_dma semaphore(%arg23 : memref<!tpu.dma_semaphore, #tpu.memory_space<semaphore_mem>>) src(%arg16 : memref<184x128xf32, #tpu.memory_space<vmem>>) dst(%dma_wait3A_233 : memref<10000x128xf32, #tpu.memory_space<vmem_shared>>)
      %mul3A_234 = arith.constant 184 : i32
      %mul3A_235 = arith.muli %add3A_230, %mul3A_234 : i32
      %add3A_236 = arith.addi %mul3A_2, %mul3A_235 : i32
      %dma_wait3A_237 = tpu.memref_slice %arg3[%add3A_236] : memref<320000xi32, #tpu.memory_space<hbm>> -> memref<184xi32, #tpu.memory_space<hbm>>
      %dma_wait3A_238 = tpu.memref_slice %arg3[%add3A_236] : memref<320000xi32, #tpu.memory_space<hbm>> -> memref<184xi32, #tpu.memory_space<hbm>>
      tpu.wait_dma2 semaphore(%arg27 : memref<!tpu.dma_semaphore, #tpu.memory_space<semaphore_mem>>) src(%dma_wait3A_238 : memref<184xi32, #tpu.memory_space<hbm>>) dst(%arg10 : memref<184xi32, #tpu.memory_space<vmem>>)
      %dma_wait3A_239 = tpu.memref_slice %arg4[%add3A_236] : memref<320000xi32, #tpu.memory_space<hbm>> -> memref<184xi32, #tpu.memory_space<hbm>>
      %dma_wait3A_240 = tpu.memref_slice %arg4[%add3A_236] : memref<320000xi32, #tpu.memory_space<hbm>> -> memref<184xi32, #tpu.memory_space<hbm>>
      tpu.wait_dma2 semaphore(%arg27 : memref<!tpu.dma_semaphore, #tpu.memory_space<semaphore_mem>>) src(%dma_wait3A_240 : memref<184xi32, #tpu.memory_space<hbm>>) dst(%arg14 : memref<184xi32, #tpu.memory_space<vmem>>)
      %dma_start3A_241 = arith.constant 0 : i32
      %dma_start3A_242 = arith.constant 0 : i32
      %dma_start3A_243 = tpu.memref_slice %arg2[%dma_start3A_241, %dma_start3A_242] : memref<10000x128xf32, #tpu.memory_space<hbm>> -> memref<10000x128xf32, #tpu.memory_space<hbm>>
      tpu.enqueue_indirect_dma source(%dma_start3A_243 : memref<10000x128xf32, #tpu.memory_space<hbm>>) target(%arg16 : memref<184x128xf32, #tpu.memory_space<vmem>>) offsets(%arg10 : memref<184xi32, #tpu.memory_space<vmem>>) semaphore(%arg21 : memref<!tpu.dma_semaphore, #tpu.memory_space<semaphore_mem>>)
      %add3A_244 = arith.constant 2 : i32
      %add3A_245 = arith.addi %add3A_230, %add3A_244 : i32
      %mul3A_246 = arith.constant 184 : i32
      %mul3A_247 = arith.muli %add3A_245, %mul3A_246 : i32
      %add3A_248 = arith.addi %mul3A_2, %mul3A_247 : i32
      %dma_start3A_249 = tpu.memref_slice %arg3[%add3A_248] : memref<320000xi32, #tpu.memory_space<hbm>> -> memref<184xi32, #tpu.memory_space<hbm>>
      %dma_start3A_250 = tpu.memref_slice %arg3[%add3A_248] : memref<320000xi32, #tpu.memory_space<hbm>> -> memref<184xi32, #tpu.memory_space<hbm>>
      tpu.enqueue_dma source(%dma_start3A_250 : memref<184xi32, #tpu.memory_space<hbm>>) target(%arg8 : memref<184xi32, #tpu.memory_space<vmem>>) target_semaphore(%arg25 : memref<!tpu.dma_semaphore, #tpu.memory_space<semaphore_mem>>)
      %dma_start3A_251 = tpu.memref_slice %arg4[%add3A_248] : memref<320000xi32, #tpu.memory_space<hbm>> -> memref<184xi32, #tpu.memory_space<hbm>>
      %dma_start3A_252 = tpu.memref_slice %arg4[%add3A_248] : memref<320000xi32, #tpu.memory_space<hbm>> -> memref<184xi32, #tpu.memory_space<hbm>>
      tpu.enqueue_dma source(%dma_start3A_252 : memref<184xi32, #tpu.memory_space<hbm>>) target(%arg12 : memref<184xi32, #tpu.memory_space<vmem>>) target_semaphore(%arg25 : memref<!tpu.dma_semaphore, #tpu.memory_space<semaphore_mem>>)
      %dma_wait3A_253 = arith.constant 0 : i32
      %dma_wait3A_254 = arith.constant 0 : i32
      %dma_wait3A_255 = tpu.memref_slice %arg2[%dma_wait3A_253, %dma_wait3A_254] : memref<10000x128xf32, #tpu.memory_space<hbm>> -> memref<10000x128xf32, #tpu.memory_space<hbm>>
      tpu.wait_indirect_dma semaphore(%arg20 : memref<!tpu.dma_semaphore, #tpu.memory_space<semaphore_mem>>) src(%dma_wait3A_255 : memref<10000x128xf32, #tpu.memory_space<hbm>>) dst(%arg15 : memref<184x128xf32, #tpu.memory_space<vmem>>)
      %dma_start3A_256 = arith.constant 0 : i32
      %dma_start3A_257 = arith.constant 0 : i32
      %dma_start3A_258 = tpu.memref_slice %arg19[%dma_start3A_256, %dma_start3A_257] : memref<10000x128xf32, #tpu.memory_space<vmem_shared>> -> memref<10000x128xf32, #tpu.memory_space<vmem_shared>>
      tpu.enqueue_indirect_dma source(%arg15 : memref<184x128xf32, #tpu.memory_space<vmem>>) target(%dma_start3A_258 : memref<10000x128xf32, #tpu.memory_space<vmem_shared>>) offsets(%arg13 : memref<184xi32, #tpu.memory_space<vmem>>) semaphore(%arg22 : memref<!tpu.dma_semaphore, #tpu.memory_space<semaphore_mem>>) {add = true}
      %add3A_259 = arith.constant 2 : i32
      %add3A_260 = arith.addi %add3A_200, %add3A_259 : i32
      %dma_wait3A_261 = arith.constant 0 : i32
      %dma_wait3A_262 = arith.constant 0 : i32
      %dma_wait3A_263 = tpu.memref_slice %arg19[%dma_wait3A_261, %dma_wait3A_262] : memref<10000x128xf32, #tpu.memory_space<vmem_shared>> -> memref<10000x128xf32, #tpu.memory_space<vmem_shared>>
      tpu.wait_indirect_dma semaphore(%arg22 : memref<!tpu.dma_semaphore, #tpu.memory_space<semaphore_mem>>) src(%arg15 : memref<184x128xf32, #tpu.memory_space<vmem>>) dst(%dma_wait3A_263 : memref<10000x128xf32, #tpu.memory_space<vmem_shared>>)
      %mul3A_264 = arith.constant 184 : i32
      %mul3A_265 = arith.muli %add3A_260, %mul3A_264 : i32
      %add3A_266 = arith.addi %mul3A_2, %mul3A_265 : i32
      %dma_wait3A_267 = tpu.memref_slice %arg3[%add3A_266] : memref<320000xi32, #tpu.memory_space<hbm>> -> memref<184xi32, #tpu.memory_space<hbm>>
      %dma_wait3A_268 = tpu.memref_slice %arg3[%add3A_266] : memref<320000xi32, #tpu.memory_space<hbm>> -> memref<184xi32, #tpu.memory_space<hbm>>
      tpu.wait_dma2 semaphore(%arg24 : memref<!tpu.dma_semaphore, #tpu.memory_space<semaphore_mem>>) src(%dma_wait3A_268 : memref<184xi32, #tpu.memory_space<hbm>>) dst(%arg7 : memref<184xi32, #tpu.memory_space<vmem>>)
      %dma_wait3A_269 = tpu.memref_slice %arg4[%add3A_266] : memref<320000xi32, #tpu.memory_space<hbm>> -> memref<184xi32, #tpu.memory_space<hbm>>
      %dma_wait3A_270 = tpu.memref_slice %arg4[%add3A_266] : memref<320000xi32, #tpu.memory_space<hbm>> -> memref<184xi32, #tpu.memory_space<hbm>>
      tpu.wait_dma2 semaphore(%arg24 : memref<!tpu.dma_semaphore, #tpu.memory_space<semaphore_mem>>) src(%dma_wait3A_270 : memref<184xi32, #tpu.memory_space<hbm>>) dst(%arg11 : memref<184xi32, #tpu.memory_space<vmem>>)
      %dma_start3A_271 = arith.constant 0 : i32
      %dma_start3A_272 = arith.constant 0 : i32
      %dma_start3A_273 = tpu.memref_slice %arg2[%dma_start3A_271, %dma_start3A_272] : memref<10000x128xf32, #tpu.memory_space<hbm>> -> memref<10000x128xf32, #tpu.memory_space<hbm>>
      tpu.enqueue_indirect_dma source(%dma_start3A_273 : memref<10000x128xf32, #tpu.memory_space<hbm>>) target(%arg15 : memref<184x128xf32, #tpu.memory_space<vmem>>) offsets(%arg7 : memref<184xi32, #tpu.memory_space<vmem>>) semaphore(%arg20 : memref<!tpu.dma_semaphore, #tpu.memory_space<semaphore_mem>>)
      %add3A_274 = arith.constant 2 : i32
      %add3A_275 = arith.addi %add3A_260, %add3A_274 : i32
      %mul3A_276 = arith.constant 184 : i32
      %mul3A_277 = arith.muli %add3A_275, %mul3A_276 : i32
      %add3A_278 = arith.addi %mul3A_2, %mul3A_277 : i32
      %dma_start3A_279 = tpu.memref_slice %arg3[%add3A_278] : memref<320000xi32, #tpu.memory_space<hbm>> -> memref<184xi32, #tpu.memory_space<hbm>>
      %dma_start3A_280 = tpu.memref_slice %arg3[%add3A_278] : memref<320000xi32, #tpu.memory_space<hbm>> -> memref<184xi32, #tpu.memory_space<hbm>>
      tpu.enqueue_dma source(%dma_start3A_280 : memref<184xi32, #tpu.memory_space<hbm>>) target(%arg9 : memref<184xi32, #tpu.memory_space<vmem>>) target_semaphore(%arg26 : memref<!tpu.dma_semaphore, #tpu.memory_space<semaphore_mem>>)
      %dma_start3A_281 = tpu.memref_slice %arg4[%add3A_278] : memref<320000xi32, #tpu.memory_space<hbm>> -> memref<184xi32, #tpu.memory_space<hbm>>
      %dma_start3A_282 = tpu.memref_slice %arg4[%add3A_278] : memref<320000xi32, #tpu.memory_space<hbm>> -> memref<184xi32, #tpu.memory_space<hbm>>
      tpu.enqueue_dma source(%dma_start3A_282 : memref<184xi32, #tpu.memory_space<hbm>>) target(%arg13 : memref<184xi32, #tpu.memory_space<vmem>>) target_semaphore(%arg26 : memref<!tpu.dma_semaphore, #tpu.memory_space<semaphore_mem>>)
      %dma_wait3A_283 = arith.constant 0 : i32
      %dma_wait3A_284 = arith.constant 0 : i32
      %dma_wait3A_285 = tpu.memref_slice %arg2[%dma_wait3A_283, %dma_wait3A_284] : memref<10000x128xf32, #tpu.memory_space<hbm>> -> memref<10000x128xf32, #tpu.memory_space<hbm>>
      tpu.wait_indirect_dma semaphore(%arg21 : memref<!tpu.dma_semaphore, #tpu.memory_space<semaphore_mem>>) src(%dma_wait3A_285 : memref<10000x128xf32, #tpu.memory_space<hbm>>) dst(%arg16 : memref<184x128xf32, #tpu.memory_space<vmem>>)
      %dma_start3A_286 = arith.constant 0 : i32
      %dma_start3A_287 = arith.constant 0 : i32
      %dma_start3A_288 = tpu.memref_slice %arg19[%dma_start3A_286, %dma_start3A_287] : memref<10000x128xf32, #tpu.memory_space<vmem_shared>> -> memref<10000x128xf32, #tpu.memory_space<vmem_shared>>
      tpu.enqueue_indirect_dma source(%arg16 : memref<184x128xf32, #tpu.memory_space<vmem>>) target(%dma_start3A_288 : memref<10000x128xf32, #tpu.memory_space<vmem_shared>>) offsets(%arg14 : memref<184xi32, #tpu.memory_space<vmem>>) semaphore(%arg23 : memref<!tpu.dma_semaphore, #tpu.memory_space<semaphore_mem>>) {add = true}
      %add3A_289 = arith.constant 3 : i32
      %add3A_290 = arith.addi %add3A_200, %add3A_289 : i32
      %dma_wait3A_291 = arith.constant 0 : i32
      %dma_wait3A_292 = arith.constant 0 : i32
      %dma_wait3A_293 = tpu.memref_slice %arg19[%dma_wait3A_291, %dma_wait3A_292] : memref<10000x128xf32, #tpu.memory_space<vmem_shared>> -> memref<10000x128xf32, #tpu.memory_space<vmem_shared>>
      tpu.wait_indirect_dma semaphore(%arg23 : memref<!tpu.dma_semaphore, #tpu.memory_space<semaphore_mem>>) src(%arg16 : memref<184x128xf32, #tpu.memory_space<vmem>>) dst(%dma_wait3A_293 : memref<10000x128xf32, #tpu.memory_space<vmem_shared>>)
      %mul3A_294 = arith.constant 184 : i32
      %mul3A_295 = arith.muli %add3A_290, %mul3A_294 : i32
      %add3A_296 = arith.addi %mul3A_2, %mul3A_295 : i32
      %dma_wait3A_297 = tpu.memref_slice %arg3[%add3A_296] : memref<320000xi32, #tpu.memory_space<hbm>> -> memref<184xi32, #tpu.memory_space<hbm>>
      %dma_wait3A_298 = tpu.memref_slice %arg3[%add3A_296] : memref<320000xi32, #tpu.memory_space<hbm>> -> memref<184xi32, #tpu.memory_space<hbm>>
      tpu.wait_dma2 semaphore(%arg25 : memref<!tpu.dma_semaphore, #tpu.memory_space<semaphore_mem>>) src(%dma_wait3A_298 : memref<184xi32, #tpu.memory_space<hbm>>) dst(%arg8 : memref<184xi32, #tpu.memory_space<vmem>>)
      %dma_wait3A_299 = tpu.memref_slice %arg4[%add3A_296] : memref<320000xi32, #tpu.memory_space<hbm>> -> memref<184xi32, #tpu.memory_space<hbm>>
      %dma_wait3A_300 = tpu.memref_slice %arg4[%add3A_296] : memref<320000xi32, #tpu.memory_space<hbm>> -> memref<184xi32, #tpu.memory_space<hbm>>
      tpu.wait_dma2 semaphore(%arg25 : memref<!tpu.dma_semaphore, #tpu.memory_space<semaphore_mem>>) src(%dma_wait3A_300 : memref<184xi32, #tpu.memory_space<hbm>>) dst(%arg12 : memref<184xi32, #tpu.memory_space<vmem>>)
      %dma_start3A_301 = arith.constant 0 : i32
      %dma_start3A_302 = arith.constant 0 : i32
      %dma_start3A_303 = tpu.memref_slice %arg2[%dma_start3A_301, %dma_start3A_302] : memref<10000x128xf32, #tpu.memory_space<hbm>> -> memref<10000x128xf32, #tpu.memory_space<hbm>>
      tpu.enqueue_indirect_dma source(%dma_start3A_303 : memref<10000x128xf32, #tpu.memory_space<hbm>>) target(%arg16 : memref<184x128xf32, #tpu.memory_space<vmem>>) offsets(%arg8 : memref<184xi32, #tpu.memory_space<vmem>>) semaphore(%arg21 : memref<!tpu.dma_semaphore, #tpu.memory_space<semaphore_mem>>)
      %add3A_304 = arith.constant 2 : i32
      %add3A_305 = arith.addi %add3A_290, %add3A_304 : i32
      %mul3A_306 = arith.constant 184 : i32
      %mul3A_307 = arith.muli %add3A_305, %mul3A_306 : i32
      %add3A_308 = arith.addi %mul3A_2, %mul3A_307 : i32
      %dma_start3A_309 = tpu.memref_slice %arg3[%add3A_308] : memref<320000xi32, #tpu.memory_space<hbm>> -> memref<184xi32, #tpu.memory_space<hbm>>
      %dma_start3A_310 = tpu.memref_slice %arg3[%add3A_308] : memref<320000xi32, #tpu.memory_space<hbm>> -> memref<184xi32, #tpu.memory_space<hbm>>
      tpu.enqueue_dma source(%dma_start3A_310 : memref<184xi32, #tpu.memory_space<hbm>>) target(%arg10 : memref<184xi32, #tpu.memory_space<vmem>>) target_semaphore(%arg27 : memref<!tpu.dma_semaphore, #tpu.memory_space<semaphore_mem>>)
      %dma_start3A_311 = tpu.memref_slice %arg4[%add3A_308] : memref<320000xi32, #tpu.memory_space<hbm>> -> memref<184xi32, #tpu.memory_space<hbm>>
      %dma_start3A_312 = tpu.memref_slice %arg4[%add3A_308] : memref<320000xi32, #tpu.memory_space<hbm>> -> memref<184xi32, #tpu.memory_space<hbm>>
      tpu.enqueue_dma source(%dma_start3A_312 : memref<184xi32, #tpu.memory_space<hbm>>) target(%arg14 : memref<184xi32, #tpu.memory_space<vmem>>) target_semaphore(%arg27 : memref<!tpu.dma_semaphore, #tpu.memory_space<semaphore_mem>>)
      %dma_wait3A_313 = arith.constant 0 : i32
      %dma_wait3A_314 = arith.constant 0 : i32
      %dma_wait3A_315 = tpu.memref_slice %arg2[%dma_wait3A_313, %dma_wait3A_314] : memref<10000x128xf32, #tpu.memory_space<hbm>> -> memref<10000x128xf32, #tpu.memory_space<hbm>>
      tpu.wait_indirect_dma semaphore(%arg20 : memref<!tpu.dma_semaphore, #tpu.memory_space<semaphore_mem>>) src(%dma_wait3A_315 : memref<10000x128xf32, #tpu.memory_space<hbm>>) dst(%arg15 : memref<184x128xf32, #tpu.memory_space<vmem>>)
      %dma_start3A_316 = arith.constant 0 : i32
      %dma_start3A_317 = arith.constant 0 : i32
      %dma_start3A_318 = tpu.memref_slice %arg19[%dma_start3A_316, %dma_start3A_317] : memref<10000x128xf32, #tpu.memory_space<vmem_shared>> -> memref<10000x128xf32, #tpu.memory_space<vmem_shared>>
      tpu.enqueue_indirect_dma source(%arg15 : memref<184x128xf32, #tpu.memory_space<vmem>>) target(%dma_start3A_318 : memref<10000x128xf32, #tpu.memory_space<vmem_shared>>) offsets(%arg11 : memref<184xi32, #tpu.memory_space<vmem>>) semaphore(%arg22 : memref<!tpu.dma_semaphore, #tpu.memory_space<semaphore_mem>>) {add = true}
    }
    %scan3A_75 = arith.constant 12 : i32
    %dma_wait3A_76 = arith.constant 0 : i32
    %dma_wait3A_77 = arith.constant 0 : i32
    %dma_wait3A_78 = tpu.memref_slice %arg19[%dma_wait3A_76, %dma_wait3A_77] : memref<10000x128xf32, #tpu.memory_space<vmem_shared>> -> memref<10000x128xf32, #tpu.memory_space<vmem_shared>>
    tpu.wait_indirect_dma semaphore(%arg22 : memref<!tpu.dma_semaphore, #tpu.memory_space<semaphore_mem>>) src(%arg15 : memref<184x128xf32, #tpu.memory_space<vmem>>) dst(%dma_wait3A_78 : memref<10000x128xf32, #tpu.memory_space<vmem_shared>>)
    %add3A_79 = arith.constant 9200 : i32
    %add3A_80 = arith.addi %mul3A_2, %add3A_79 : i32
    %dma_wait3A_81 = tpu.memref_slice %arg3[%add3A_80] : memref<320000xi32, #tpu.memory_space<hbm>> -> memref<184xi32, #tpu.memory_space<hbm>>
    %dma_wait3A_82 = tpu.memref_slice %arg3[%add3A_80] : memref<320000xi32, #tpu.memory_space<hbm>> -> memref<184xi32, #tpu.memory_space<hbm>>
    tpu.wait_dma2 semaphore(%arg26 : memref<!tpu.dma_semaphore, #tpu.memory_space<semaphore_mem>>) src(%dma_wait3A_82 : memref<184xi32, #tpu.memory_space<hbm>>) dst(%arg9 : memref<184xi32, #tpu.memory_space<vmem>>)
    %dma_wait3A_83 = tpu.memref_slice %arg4[%add3A_80] : memref<320000xi32, #tpu.memory_space<hbm>> -> memref<184xi32, #tpu.memory_space<hbm>>
    %dma_wait3A_84 = tpu.memref_slice %arg4[%add3A_80] : memref<320000xi32, #tpu.memory_space<hbm>> -> memref<184xi32, #tpu.memory_space<hbm>>
    tpu.wait_dma2 semaphore(%arg26 : memref<!tpu.dma_semaphore, #tpu.memory_space<semaphore_mem>>) src(%dma_wait3A_84 : memref<184xi32, #tpu.memory_space<hbm>>) dst(%arg13 : memref<184xi32, #tpu.memory_space<vmem>>)
    %dma_start3A_85 = arith.constant 0 : i32
    %dma_start3A_86 = arith.constant 0 : i32
    %dma_start3A_87 = tpu.memref_slice %arg2[%dma_start3A_85, %dma_start3A_86] : memref<10000x128xf32, #tpu.memory_space<hbm>> -> memref<10000x128xf32, #tpu.memory_space<hbm>>
    tpu.enqueue_indirect_dma source(%dma_start3A_87 : memref<10000x128xf32, #tpu.memory_space<hbm>>) target(%arg15 : memref<184x128xf32, #tpu.memory_space<vmem>>) offsets(%arg9 : memref<184xi32, #tpu.memory_space<vmem>>) semaphore(%arg20 : memref<!tpu.dma_semaphore, #tpu.memory_space<semaphore_mem>>)
    %add3A_88 = arith.constant 9568 : i32
    %add3A_89 = arith.addi %mul3A_2, %add3A_88 : i32
    %dma_start3A_90 = tpu.memref_slice %arg3[%add3A_89] : memref<320000xi32, #tpu.memory_space<hbm>> -> memref<184xi32, #tpu.memory_space<hbm>>
    %dma_start3A_91 = tpu.memref_slice %arg3[%add3A_89] : memref<320000xi32, #tpu.memory_space<hbm>> -> memref<184xi32, #tpu.memory_space<hbm>>
    tpu.enqueue_dma source(%dma_start3A_91 : memref<184xi32, #tpu.memory_space<hbm>>) target(%arg7 : memref<184xi32, #tpu.memory_space<vmem>>) target_semaphore(%arg24 : memref<!tpu.dma_semaphore, #tpu.memory_space<semaphore_mem>>)
    %dma_start3A_92 = tpu.memref_slice %arg4[%add3A_89] : memref<320000xi32, #tpu.memory_space<hbm>> -> memref<184xi32, #tpu.memory_space<hbm>>
    %dma_start3A_93 = tpu.memref_slice %arg4[%add3A_89] : memref<320000xi32, #tpu.memory_space<hbm>> -> memref<184xi32, #tpu.memory_space<hbm>>
    tpu.enqueue_dma source(%dma_start3A_93 : memref<184xi32, #tpu.memory_space<hbm>>) target(%arg11 : memref<184xi32, #tpu.memory_space<vmem>>) target_semaphore(%arg24 : memref<!tpu.dma_semaphore, #tpu.memory_space<semaphore_mem>>)
    %dma_wait3A_94 = arith.constant 0 : i32
    %dma_wait3A_95 = arith.constant 0 : i32
    %dma_wait3A_96 = tpu.memref_slice %arg2[%dma_wait3A_94, %dma_wait3A_95] : memref<10000x128xf32, #tpu.memory_space<hbm>> -> memref<10000x128xf32, #tpu.memory_space<hbm>>
    tpu.wait_indirect_dma semaphore(%arg21 : memref<!tpu.dma_semaphore, #tpu.memory_space<semaphore_mem>>) src(%dma_wait3A_96 : memref<10000x128xf32, #tpu.memory_space<hbm>>) dst(%arg16 : memref<184x128xf32, #tpu.memory_space<vmem>>)
    %dma_start3A_97 = arith.constant 0 : i32
    %dma_start3A_98 = arith.constant 0 : i32
    %dma_start3A_99 = tpu.memref_slice %arg19[%dma_start3A_97, %dma_start3A_98] : memref<10000x128xf32, #tpu.memory_space<vmem_shared>> -> memref<10000x128xf32, #tpu.memory_space<vmem_shared>>
    tpu.enqueue_indirect_dma source(%arg16 : memref<184x128xf32, #tpu.memory_space<vmem>>) target(%dma_start3A_99 : memref<10000x128xf32, #tpu.memory_space<vmem_shared>>) offsets(%arg12 : memref<184xi32, #tpu.memory_space<vmem>>) semaphore(%arg23 : memref<!tpu.dma_semaphore, #tpu.memory_space<semaphore_mem>>) {add = true}
    %dma_wait3A_100 = arith.constant 0 : i32
    %dma_wait3A_101 = arith.constant 0 : i32
    %dma_wait3A_102 = tpu.memref_slice %arg19[%dma_wait3A_100, %dma_wait3A_101] : memref<10000x128xf32, #tpu.memory_space<vmem_shared>> -> memref<10000x128xf32, #tpu.memory_space<vmem_shared>>
    tpu.wait_indirect_dma semaphore(%arg23 : memref<!tpu.dma_semaphore, #tpu.memory_space<semaphore_mem>>) src(%arg16 : memref<184x128xf32, #tpu.memory_space<vmem>>) dst(%dma_wait3A_102 : memref<10000x128xf32, #tpu.memory_space<vmem_shared>>)
    %add3A_103 = arith.constant 9384 : i32
    %add3A_104 = arith.addi %mul3A_2, %add3A_103 : i32
    %dma_wait3A_105 = tpu.memref_slice %arg3[%add3A_104] : memref<320000xi32, #tpu.memory_space<hbm>> -> memref<184xi32, #tpu.memory_space<hbm>>
    %dma_wait3A_106 = tpu.memref_slice %arg3[%add3A_104] : memref<320000xi32, #tpu.memory_space<hbm>> -> memref<184xi32, #tpu.memory_space<hbm>>
    tpu.wait_dma2 semaphore(%arg27 : memref<!tpu.dma_semaphore, #tpu.memory_space<semaphore_mem>>) src(%dma_wait3A_106 : memref<184xi32, #tpu.memory_space<hbm>>) dst(%arg10 : memref<184xi32, #tpu.memory_space<vmem>>)
    %dma_wait3A_107 = tpu.memref_slice %arg4[%add3A_104] : memref<320000xi32, #tpu.memory_space<hbm>> -> memref<184xi32, #tpu.memory_space<hbm>>
    %dma_wait3A_108 = tpu.memref_slice %arg4[%add3A_104] : memref<320000xi32, #tpu.memory_space<hbm>> -> memref<184xi32, #tpu.memory_space<hbm>>
    tpu.wait_dma2 semaphore(%arg27 : memref<!tpu.dma_semaphore, #tpu.memory_space<semaphore_mem>>) src(%dma_wait3A_108 : memref<184xi32, #tpu.memory_space<hbm>>) dst(%arg14 : memref<184xi32, #tpu.memory_space<vmem>>)
    %dma_start3A_109 = arith.constant 0 : i32
    %dma_start3A_110 = arith.constant 0 : i32
    %dma_start3A_111 = tpu.memref_slice %arg2[%dma_start3A_109, %dma_start3A_110] : memref<10000x128xf32, #tpu.memory_space<hbm>> -> memref<10000x128xf32, #tpu.memory_space<hbm>>
    tpu.enqueue_indirect_dma source(%dma_start3A_111 : memref<10000x128xf32, #tpu.memory_space<hbm>>) target(%arg16 : memref<184x128xf32, #tpu.memory_space<vmem>>) offsets(%arg10 : memref<184xi32, #tpu.memory_space<vmem>>) semaphore(%arg21 : memref<!tpu.dma_semaphore, #tpu.memory_space<semaphore_mem>>)
    %add3A_112 = arith.constant 9752 : i32
    %add3A_113 = arith.addi %mul3A_2, %add3A_112 : i32
    %dma_start3A_114 = tpu.memref_slice %arg3[%add3A_113] : memref<320000xi32, #tpu.memory_space<hbm>> -> memref<184xi32, #tpu.memory_space<hbm>>
    %dma_start3A_115 = tpu.memref_slice %arg3[%add3A_113] : memref<320000xi32, #tpu.memory_space<hbm>> -> memref<184xi32, #tpu.memory_space<hbm>>
    tpu.enqueue_dma source(%dma_start3A_115 : memref<184xi32, #tpu.memory_space<hbm>>) target(%arg8 : memref<184xi32, #tpu.memory_space<vmem>>) target_semaphore(%arg25 : memref<!tpu.dma_semaphore, #tpu.memory_space<semaphore_mem>>)
    %dma_start3A_116 = tpu.memref_slice %arg4[%add3A_113] : memref<320000xi32, #tpu.memory_space<hbm>> -> memref<184xi32, #tpu.memory_space<hbm>>
    %dma_start3A_117 = tpu.memref_slice %arg4[%add3A_113] : memref<320000xi32, #tpu.memory_space<hbm>> -> memref<184xi32, #tpu.memory_space<hbm>>
    tpu.enqueue_dma source(%dma_start3A_117 : memref<184xi32, #tpu.memory_space<hbm>>) target(%arg12 : memref<184xi32, #tpu.memory_space<vmem>>) target_semaphore(%arg25 : memref<!tpu.dma_semaphore, #tpu.memory_space<semaphore_mem>>)
    %dma_wait3A_118 = arith.constant 0 : i32
    %dma_wait3A_119 = arith.constant 0 : i32
    %dma_wait3A_120 = tpu.memref_slice %arg2[%dma_wait3A_118, %dma_wait3A_119] : memref<10000x128xf32, #tpu.memory_space<hbm>> -> memref<10000x128xf32, #tpu.memory_space<hbm>>
    tpu.wait_indirect_dma semaphore(%arg20 : memref<!tpu.dma_semaphore, #tpu.memory_space<semaphore_mem>>) src(%dma_wait3A_120 : memref<10000x128xf32, #tpu.memory_space<hbm>>) dst(%arg15 : memref<184x128xf32, #tpu.memory_space<vmem>>)
    %dma_start3A_121 = arith.constant 0 : i32
    %dma_start3A_122 = arith.constant 0 : i32
    %dma_start3A_123 = tpu.memref_slice %arg19[%dma_start3A_121, %dma_start3A_122] : memref<10000x128xf32, #tpu.memory_space<vmem_shared>> -> memref<10000x128xf32, #tpu.memory_space<vmem_shared>>
    tpu.enqueue_indirect_dma source(%arg15 : memref<184x128xf32, #tpu.memory_space<vmem>>) target(%dma_start3A_123 : memref<10000x128xf32, #tpu.memory_space<vmem_shared>>) offsets(%arg13 : memref<184xi32, #tpu.memory_space<vmem>>) semaphore(%arg22 : memref<!tpu.dma_semaphore, #tpu.memory_space<semaphore_mem>>) {add = true}
    %dma_wait3A_124 = arith.constant 0 : i32
    %dma_wait3A_125 = arith.constant 0 : i32
    %dma_wait3A_126 = tpu.memref_slice %arg19[%dma_wait3A_124, %dma_wait3A_125] : memref<10000x128xf32, #tpu.memory_space<vmem_shared>> -> memref<10000x128xf32, #tpu.memory_space<vmem_shared>>
    tpu.wait_indirect_dma semaphore(%arg22 : memref<!tpu.dma_semaphore, #tpu.memory_space<semaphore_mem>>) src(%arg15 : memref<184x128xf32, #tpu.memory_space<vmem>>) dst(%dma_wait3A_126 : memref<10000x128xf32, #tpu.memory_space<vmem_shared>>)
    %add3A_127 = arith.constant 9568 : i32
    %add3A_128 = arith.addi %mul3A_2, %add3A_127 : i32
    %dma_wait3A_129 = tpu.memref_slice %arg3[%add3A_128] : memref<320000xi32, #tpu.memory_space<hbm>> -> memref<184xi32, #tpu.memory_space<hbm>>
    %dma_wait3A_130 = tpu.memref_slice %arg3[%add3A_128] : memref<320000xi32, #tpu.memory_space<hbm>> -> memref<184xi32, #tpu.memory_space<hbm>>
    tpu.wait_dma2 semaphore(%arg24 : memref<!tpu.dma_semaphore, #tpu.memory_space<semaphore_mem>>) src(%dma_wait3A_130 : memref<184xi32, #tpu.memory_space<hbm>>) dst(%arg7 : memref<184xi32, #tpu.memory_space<vmem>>)
    %dma_wait3A_131 = tpu.memref_slice %arg4[%add3A_128] : memref<320000xi32, #tpu.memory_space<hbm>> -> memref<184xi32, #tpu.memory_space<hbm>>
    %dma_wait3A_132 = tpu.memref_slice %arg4[%add3A_128] : memref<320000xi32, #tpu.memory_space<hbm>> -> memref<184xi32, #tpu.memory_space<hbm>>
    tpu.wait_dma2 semaphore(%arg24 : memref<!tpu.dma_semaphore, #tpu.memory_space<semaphore_mem>>) src(%dma_wait3A_132 : memref<184xi32, #tpu.memory_space<hbm>>) dst(%arg11 : memref<184xi32, #tpu.memory_space<vmem>>)
    %dma_start3A_133 = arith.constant 0 : i32
    %dma_start3A_134 = arith.constant 0 : i32
    %dma_start3A_135 = tpu.memref_slice %arg2[%dma_start3A_133, %dma_start3A_134] : memref<10000x128xf32, #tpu.memory_space<hbm>> -> memref<10000x128xf32, #tpu.memory_space<hbm>>
    tpu.enqueue_indirect_dma source(%dma_start3A_135 : memref<10000x128xf32, #tpu.memory_space<hbm>>) target(%arg15 : memref<184x128xf32, #tpu.memory_space<vmem>>) offsets(%arg7 : memref<184xi32, #tpu.memory_space<vmem>>) semaphore(%arg20 : memref<!tpu.dma_semaphore, #tpu.memory_space<semaphore_mem>>)
    %dma_wait3A_136 = arith.constant 0 : i32
    %dma_wait3A_137 = arith.constant 0 : i32
    %dma_wait3A_138 = tpu.memref_slice %arg2[%dma_wait3A_136, %dma_wait3A_137] : memref<10000x128xf32, #tpu.memory_space<hbm>> -> memref<10000x128xf32, #tpu.memory_space<hbm>>
    tpu.wait_indirect_dma semaphore(%arg21 : memref<!tpu.dma_semaphore, #tpu.memory_space<semaphore_mem>>) src(%dma_wait3A_138 : memref<10000x128xf32, #tpu.memory_space<hbm>>) dst(%arg16 : memref<184x128xf32, #tpu.memory_space<vmem>>)
    %dma_start3A_139 = arith.constant 0 : i32
    %dma_start3A_140 = arith.constant 0 : i32
    %dma_start3A_141 = tpu.memref_slice %arg19[%dma_start3A_139, %dma_start3A_140] : memref<10000x128xf32, #tpu.memory_space<vmem_shared>> -> memref<10000x128xf32, #tpu.memory_space<vmem_shared>>
    tpu.enqueue_indirect_dma source(%arg16 : memref<184x128xf32, #tpu.memory_space<vmem>>) target(%dma_start3A_141 : memref<10000x128xf32, #tpu.memory_space<vmem_shared>>) offsets(%arg14 : memref<184xi32, #tpu.memory_space<vmem>>) semaphore(%arg23 : memref<!tpu.dma_semaphore, #tpu.memory_space<semaphore_mem>>) {add = true}
    %dma_wait3A_142 = arith.constant 0 : i32
    %dma_wait3A_143 = arith.constant 0 : i32
    %dma_wait3A_144 = tpu.memref_slice %arg19[%dma_wait3A_142, %dma_wait3A_143] : memref<10000x128xf32, #tpu.memory_space<vmem_shared>> -> memref<10000x128xf32, #tpu.memory_space<vmem_shared>>
    tpu.wait_indirect_dma semaphore(%arg23 : memref<!tpu.dma_semaphore, #tpu.memory_space<semaphore_mem>>) src(%arg16 : memref<184x128xf32, #tpu.memory_space<vmem>>) dst(%dma_wait3A_144 : memref<10000x128xf32, #tpu.memory_space<vmem_shared>>)
    %add3A_145 = arith.constant 9752 : i32
    %add3A_146 = arith.addi %mul3A_2, %add3A_145 : i32
    %dma_wait3A_147 = tpu.memref_slice %arg3[%add3A_146] : memref<320000xi32, #tpu.memory_space<hbm>> -> memref<184xi32, #tpu.memory_space<hbm>>
    %dma_wait3A_148 = tpu.memref_slice %arg3[%add3A_146] : memref<320000xi32, #tpu.memory_space<hbm>> -> memref<184xi32, #tpu.memory_space<hbm>>
    tpu.wait_dma2 semaphore(%arg25 : memref<!tpu.dma_semaphore, #tpu.memory_space<semaphore_mem>>) src(%dma_wait3A_148 : memref<184xi32, #tpu.memory_space<hbm>>) dst(%arg8 : memref<184xi32, #tpu.memory_space<vmem>>)
    %dma_wait3A_149 = tpu.memref_slice %arg4[%add3A_146] : memref<320000xi32, #tpu.memory_space<hbm>> -> memref<184xi32, #tpu.memory_space<hbm>>
    %dma_wait3A_150 = tpu.memref_slice %arg4[%add3A_146] : memref<320000xi32, #tpu.memory_space<hbm>> -> memref<184xi32, #tpu.memory_space<hbm>>
    tpu.wait_dma2 semaphore(%arg25 : memref<!tpu.dma_semaphore, #tpu.memory_space<semaphore_mem>>) src(%dma_wait3A_150 : memref<184xi32, #tpu.memory_space<hbm>>) dst(%arg12 : memref<184xi32, #tpu.memory_space<vmem>>)
    %dma_start3A_151 = arith.constant 0 : i32
    %dma_start3A_152 = arith.constant 0 : i32
    %dma_start3A_153 = tpu.memref_slice %arg2[%dma_start3A_151, %dma_start3A_152] : memref<10000x128xf32, #tpu.memory_space<hbm>> -> memref<10000x128xf32, #tpu.memory_space<hbm>>
    tpu.enqueue_indirect_dma source(%dma_start3A_153 : memref<10000x128xf32, #tpu.memory_space<hbm>>) target(%arg16 : memref<184x128xf32, #tpu.memory_space<vmem>>) offsets(%arg8 : memref<184xi32, #tpu.memory_space<vmem>>) semaphore(%arg21 : memref<!tpu.dma_semaphore, #tpu.memory_space<semaphore_mem>>)
    %dma_wait3A_154 = arith.constant 0 : i32
    %dma_wait3A_155 = arith.constant 0 : i32
    %dma_wait3A_156 = tpu.memref_slice %arg2[%dma_wait3A_154, %dma_wait3A_155] : memref<10000x128xf32, #tpu.memory_space<hbm>> -> memref<10000x128xf32, #tpu.memory_space<hbm>>
    tpu.wait_indirect_dma semaphore(%arg20 : memref<!tpu.dma_semaphore, #tpu.memory_space<semaphore_mem>>) src(%dma_wait3A_156 : memref<10000x128xf32, #tpu.memory_space<hbm>>) dst(%arg15 : memref<184x128xf32, #tpu.memory_space<vmem>>)
    %dma_start3A_157 = arith.constant 0 : i32
    %dma_start3A_158 = arith.constant 0 : i32
    %dma_start3A_159 = tpu.memref_slice %arg19[%dma_start3A_157, %dma_start3A_158] : memref<10000x128xf32, #tpu.memory_space<vmem_shared>> -> memref<10000x128xf32, #tpu.memory_space<vmem_shared>>
    tpu.enqueue_indirect_dma source(%arg15 : memref<184x128xf32, #tpu.memory_space<vmem>>) target(%dma_start3A_159 : memref<10000x128xf32, #tpu.memory_space<vmem_shared>>) offsets(%arg11 : memref<184xi32, #tpu.memory_space<vmem>>) semaphore(%arg22 : memref<!tpu.dma_semaphore, #tpu.memory_space<semaphore_mem>>) {add = true}
    %dma_wait3A_160 = arith.constant 0 : i32
    %dma_wait3A_161 = arith.constant 0 : i32
    %dma_wait3A_162 = tpu.memref_slice %arg2[%dma_wait3A_160, %dma_wait3A_161] : memref<10000x128xf32, #tpu.memory_space<hbm>> -> memref<10000x128xf32, #tpu.memory_space<hbm>>
    tpu.wait_indirect_dma semaphore(%arg21 : memref<!tpu.dma_semaphore, #tpu.memory_space<semaphore_mem>>) src(%dma_wait3A_162 : memref<10000x128xf32, #tpu.memory_space<hbm>>) dst(%arg16 : memref<184x128xf32, #tpu.memory_space<vmem>>)
    %dma_start3A_163 = arith.constant 0 : i32
    %dma_start3A_164 = arith.constant 0 : i32
    %dma_start3A_165 = tpu.memref_slice %arg19[%dma_start3A_163, %dma_start3A_164] : memref<10000x128xf32, #tpu.memory_space<vmem_shared>> -> memref<10000x128xf32, #tpu.memory_space<vmem_shared>>
    tpu.enqueue_indirect_dma source(%arg16 : memref<184x128xf32, #tpu.memory_space<vmem>>) target(%dma_start3A_165 : memref<10000x128xf32, #tpu.memory_space<vmem_shared>>) offsets(%arg12 : memref<184xi32, #tpu.memory_space<vmem>>) semaphore(%arg23 : memref<!tpu.dma_semaphore, #tpu.memory_space<semaphore_mem>>) {add = true}
    %dma_wait3A_166 = arith.constant 0 : i32
    %dma_wait3A_167 = arith.constant 0 : i32
    %dma_wait3A_168 = tpu.memref_slice %arg19[%dma_wait3A_166, %dma_wait3A_167] : memref<10000x128xf32, #tpu.memory_space<vmem_shared>> -> memref<10000x128xf32, #tpu.memory_space<vmem_shared>>
    tpu.wait_indirect_dma semaphore(%arg22 : memref<!tpu.dma_semaphore, #tpu.memory_space<semaphore_mem>>) src(%arg15 : memref<184x128xf32, #tpu.memory_space<vmem>>) dst(%dma_wait3A_168 : memref<10000x128xf32, #tpu.memory_space<vmem_shared>>)
    %dma_wait3A_169 = arith.constant 0 : i32
    %dma_wait3A_170 = arith.constant 0 : i32
    %dma_wait3A_171 = tpu.memref_slice %arg19[%dma_wait3A_169, %dma_wait3A_170] : memref<10000x128xf32, #tpu.memory_space<vmem_shared>> -> memref<10000x128xf32, #tpu.memory_space<vmem_shared>>
    tpu.wait_indirect_dma semaphore(%arg23 : memref<!tpu.dma_semaphore, #tpu.memory_space<semaphore_mem>>) src(%arg16 : memref<184x128xf32, #tpu.memory_space<vmem>>) dst(%dma_wait3A_171 : memref<10000x128xf32, #tpu.memory_space<vmem_shared>>)
    %add3A_172 = arith.constant 9936 : i32
    %add3A_173 = arith.addi %mul3A_2, %add3A_172 : i32
    "tpu.region"() ({
      %run_scoped3A = tpu.sem_alloc : memref<!tpu.dma_semaphore, #tpu.memory_space<semaphore_mem>>
      %dma_start3A_196 = tpu.memref_slice %arg3[%add3A_173] : memref<320000xi32, #tpu.memory_space<hbm>> -> memref<64xi32, #tpu.memory_space<hbm>>
      %dma_start3A_197 = tpu.memref_slice %arg3[%add3A_173] : memref<320000xi32, #tpu.memory_space<hbm>> -> memref<64xi32, #tpu.memory_space<hbm>>
      tpu.enqueue_dma source(%dma_start3A_197 : memref<64xi32, #tpu.memory_space<hbm>>) target(%arg17 : memref<64xi32, #tpu.memory_space<vmem>>) target_semaphore(%run_scoped3A : memref<!tpu.dma_semaphore, #tpu.memory_space<semaphore_mem>>)
      %dma_wait3A_198 = tpu.memref_slice %arg3[%add3A_173] : memref<320000xi32, #tpu.memory_space<hbm>> -> memref<64xi32, #tpu.memory_space<hbm>>
      %dma_wait3A_199 = tpu.memref_slice %arg3[%add3A_173] : memref<320000xi32, #tpu.memory_space<hbm>> -> memref<64xi32, #tpu.memory_space<hbm>>
      tpu.wait_dma2 semaphore(%run_scoped3A : memref<!tpu.dma_semaphore, #tpu.memory_space<semaphore_mem>>) src(%dma_wait3A_199 : memref<64xi32, #tpu.memory_space<hbm>>) dst(%arg17 : memref<64xi32, #tpu.memory_space<vmem>>)
      tpu.yield
    }) : () -> ()
    "tpu.region"() ({
      %run_scoped3A = tpu.sem_alloc : memref<!tpu.dma_semaphore, #tpu.memory_space<semaphore_mem>>
      %dma_start3A_196 = tpu.memref_slice %arg4[%add3A_173] : memref<320000xi32, #tpu.memory_space<hbm>> -> memref<64xi32, #tpu.memory_space<hbm>>
      %dma_start3A_197 = tpu.memref_slice %arg4[%add3A_173] : memref<320000xi32, #tpu.memory_space<hbm>> -> memref<64xi32, #tpu.memory_space<hbm>>
      tpu.enqueue_dma source(%dma_start3A_197 : memref<64xi32, #tpu.memory_space<hbm>>) target(%arg18 : memref<64xi32, #tpu.memory_space<vmem>>) target_semaphore(%run_scoped3A : memref<!tpu.dma_semaphore, #tpu.memory_space<semaphore_mem>>)
      %dma_wait3A_198 = tpu.memref_slice %arg4[%add3A_173] : memref<320000xi32, #tpu.memory_space<hbm>> -> memref<64xi32, #tpu.memory_space<hbm>>
      %dma_wait3A_199 = tpu.memref_slice %arg4[%add3A_173] : memref<320000xi32, #tpu.memory_space<hbm>> -> memref<64xi32, #tpu.memory_space<hbm>>
      tpu.wait_dma2 semaphore(%run_scoped3A : memref<!tpu.dma_semaphore, #tpu.memory_space<semaphore_mem>>) src(%dma_wait3A_199 : memref<64xi32, #tpu.memory_space<hbm>>) dst(%arg18 : memref<64xi32, #tpu.memory_space<vmem>>)
      tpu.yield
    }) : () -> ()
    %dma_start3A_174 = arith.constant 0 : i32
    %dma_start3A_175 = arith.constant 0 : i32
    %dma_start3A_176 = tpu.memref_slice %arg15[%dma_start3A_174, %dma_start3A_175] : memref<184x128xf32, #tpu.memory_space<vmem>> -> memref<64x128xf32, #tpu.memory_space<vmem>>
    %dma_start3A_177 = arith.constant 0 : i32
    %dma_start3A_178 = arith.constant 0 : i32
    %dma_start3A_179 = tpu.memref_slice %arg2[%dma_start3A_177, %dma_start3A_178] : memref<10000x128xf32, #tpu.memory_space<hbm>> -> memref<10000x128xf32, #tpu.memory_space<hbm>>
    tpu.enqueue_indirect_dma source(%dma_start3A_179 : memref<10000x128xf32, #tpu.memory_space<hbm>>) target(%dma_start3A_176 : memref<64x128xf32, #tpu.memory_space<vmem>>) offsets(%arg17 : memref<64xi32, #tpu.memory_space<vmem>>) semaphore(%arg20 : memref<!tpu.dma_semaphore, #tpu.memory_space<semaphore_mem>>)
    %dma_wait3A_180 = arith.constant 0 : i32
    %dma_wait3A_181 = arith.constant 0 : i32
    %dma_wait3A_182 = tpu.memref_slice %arg15[%dma_wait3A_180, %dma_wait3A_181] : memref<184x128xf32, #tpu.memory_space<vmem>> -> memref<64x128xf32, #tpu.memory_space<vmem>>
    %dma_wait3A_183 = arith.constant 0 : i32
    %dma_wait3A_184 = arith.constant 0 : i32
    %dma_wait3A_185 = tpu.memref_slice %arg2[%dma_wait3A_183, %dma_wait3A_184] : memref<10000x128xf32, #tpu.memory_space<hbm>> -> memref<10000x128xf32, #tpu.memory_space<hbm>>
    tpu.wait_indirect_dma semaphore(%arg20 : memref<!tpu.dma_semaphore, #tpu.memory_space<semaphore_mem>>) src(%dma_wait3A_185 : memref<10000x128xf32, #tpu.memory_space<hbm>>) dst(%dma_wait3A_182 : memref<64x128xf32, #tpu.memory_space<vmem>>)
    "tpu.region"() ({
      %run_scoped3A = tpu.sem_alloc : memref<!tpu.dma_semaphore, #tpu.memory_space<semaphore_mem>>
      %dma_start3A_196 = arith.constant 0 : i32
      %dma_start3A_197 = arith.constant 0 : i32
      %dma_start3A_198 = tpu.memref_slice %arg15[%dma_start3A_196, %dma_start3A_197] : memref<184x128xf32, #tpu.memory_space<vmem>> -> memref<64x128xf32, #tpu.memory_space<vmem>>
      %dma_start3A_199 = arith.constant 0 : i32
      %dma_start3A_200 = arith.constant 0 : i32
      %dma_start3A_201 = tpu.memref_slice %arg19[%dma_start3A_199, %dma_start3A_200] : memref<10000x128xf32, #tpu.memory_space<vmem_shared>> -> memref<10000x128xf32, #tpu.memory_space<vmem_shared>>
      tpu.enqueue_indirect_dma source(%dma_start3A_198 : memref<64x128xf32, #tpu.memory_space<vmem>>) target(%dma_start3A_201 : memref<10000x128xf32, #tpu.memory_space<vmem_shared>>) offsets(%arg18 : memref<64xi32, #tpu.memory_space<vmem>>) semaphore(%run_scoped3A : memref<!tpu.dma_semaphore, #tpu.memory_space<semaphore_mem>>) {add = true}
      %dma_wait3A_202 = arith.constant 0 : i32
      %dma_wait3A_203 = arith.constant 0 : i32
      %dma_wait3A_204 = tpu.memref_slice %arg15[%dma_wait3A_202, %dma_wait3A_203] : memref<184x128xf32, #tpu.memory_space<vmem>> -> memref<64x128xf32, #tpu.memory_space<vmem>>
      %dma_wait3A_205 = arith.constant 0 : i32
      %dma_wait3A_206 = arith.constant 0 : i32
      %dma_wait3A_207 = tpu.memref_slice %arg19[%dma_wait3A_205, %dma_wait3A_206] : memref<10000x128xf32, #tpu.memory_space<vmem_shared>> -> memref<10000x128xf32, #tpu.memory_space<vmem_shared>>
      tpu.wait_indirect_dma semaphore(%run_scoped3A : memref<!tpu.dma_semaphore, #tpu.memory_space<semaphore_mem>>) src(%dma_wait3A_204 : memref<64x128xf32, #tpu.memory_space<vmem>>) dst(%dma_wait3A_207 : memref<10000x128xf32, #tpu.memory_space<vmem_shared>>)
      tpu.yield
    }) : () -> ()
    %barrier3A_186 = arith.constant 0 : index
    tpu.barrier barrier_id(%barrier3A_186)
    %mul3A_187 = arith.constant 624 : i32
    %mul3A_188 = arith.muli %arg1, %mul3A_187 : i32
    %mul3A_189 = arith.constant 624 : i32
    %mul3A_190 = arith.muli %arg1, %mul3A_189 : i32
    "tpu.region"() ({
      %run_scoped3A = tpu.sem_alloc : memref<!tpu.dma_semaphore, #tpu.memory_space<semaphore_mem>>
      %dma_start3A_196 = arith.constant 0 : i32
      %dma_start3A_197 = tpu.memref_slice %arg6[%arg0, %mul3A_190, %dma_start3A_196] : memref<2x10000x128xf32, #tpu.memory_space<hbm>> -> memref<1x624x128xf32, #tpu.memory_space<hbm>>
      %dma_start3A_198 = tpu.memref_squeeze %dma_start3A_197 : memref<1x624x128xf32, #tpu.memory_space<hbm>> -> memref<624x128xf32, #tpu.memory_space<hbm>>
      %dma_start3A_199 = arith.constant 0 : i32
      %dma_start3A_200 = tpu.memref_slice %arg19[%mul3A_188, %dma_start3A_199] : memref<10000x128xf32, #tpu.memory_space<vmem_shared>> -> memref<624x128xf32, #tpu.memory_space<vmem_shared>>
      tpu.enqueue_dma source(%dma_start3A_200 : memref<624x128xf32, #tpu.memory_space<vmem_shared>>) target(%dma_start3A_198 : memref<624x128xf32, #tpu.memory_space<hbm>>) target_semaphore(%run_scoped3A : memref<!tpu.dma_semaphore, #tpu.memory_space<semaphore_mem>>)
      %dma_wait3A_201 = arith.constant 0 : i32
      %dma_wait3A_202 = tpu.memref_slice %arg6[%arg0, %mul3A_190, %dma_wait3A_201] : memref<2x10000x128xf32, #tpu.memory_space<hbm>> -> memref<1x624x128xf32, #tpu.memory_space<hbm>>
      %dma_wait3A_203 = tpu.memref_squeeze %dma_wait3A_202 : memref<1x624x128xf32, #tpu.memory_space<hbm>> -> memref<624x128xf32, #tpu.memory_space<hbm>>
      %dma_wait3A_204 = arith.constant 0 : i32
      %dma_wait3A_205 = tpu.memref_slice %arg19[%mul3A_188, %dma_wait3A_204] : memref<10000x128xf32, #tpu.memory_space<vmem_shared>> -> memref<624x128xf32, #tpu.memory_space<vmem_shared>>
      tpu.wait_dma2 semaphore(%run_scoped3A : memref<!tpu.dma_semaphore, #tpu.memory_space<semaphore_mem>>) src(%dma_wait3A_205 : memref<624x128xf32, #tpu.memory_space<vmem_shared>>) dst(%dma_wait3A_203 : memref<624x128xf32, #tpu.memory_space<hbm>>)
      tpu.yield
    }) : () -> ()
    %eq3A_191 = arith.constant 0 : i32
    %eq3A_192 = arith.cmpi eq, %arg1, %eq3A_191 : i32
    %convert_element_type3A_193 = arith.extui %eq3A_192 : i1 to i32
    %cond3A_194 = arith.constant 0 : i32
    %cond3A_195 = arith.cmpi ne, %convert_element_type3A_193, %cond3A_194 : i32
    scf.if %cond3A_195 {
      "tpu.region"() ({
        %run_scoped3A = tpu.sem_alloc : memref<!tpu.dma_semaphore, #tpu.memory_space<semaphore_mem>>
        %dma_start3A_196 = arith.constant 9984 : i32
        %dma_start3A_197 = arith.constant 0 : i32
        %dma_start3A_198 = tpu.memref_slice %arg6[%arg0, %dma_start3A_196, %dma_start3A_197] : memref<2x10000x128xf32, #tpu.memory_space<hbm>> -> memref<1x16x128xf32, #tpu.memory_space<hbm>>
        %dma_start3A_199 = tpu.memref_squeeze %dma_start3A_198 : memref<1x16x128xf32, #tpu.memory_space<hbm>> -> memref<16x128xf32, #tpu.memory_space<hbm>>
        %dma_start3A_200 = arith.constant 9984 : i32
        %dma_start3A_201 = arith.constant 0 : i32
        %dma_start3A_202 = tpu.memref_slice %arg19[%dma_start3A_200, %dma_start3A_201] : memref<10000x128xf32, #tpu.memory_space<vmem_shared>> -> memref<16x128xf32, #tpu.memory_space<vmem_shared>>
        tpu.enqueue_dma source(%dma_start3A_202 : memref<16x128xf32, #tpu.memory_space<vmem_shared>>) target(%dma_start3A_199 : memref<16x128xf32, #tpu.memory_space<hbm>>) target_semaphore(%run_scoped3A : memref<!tpu.dma_semaphore, #tpu.memory_space<semaphore_mem>>)
        %dma_wait3A_203 = arith.constant 9984 : i32
        %dma_wait3A_204 = arith.constant 0 : i32
        %dma_wait3A_205 = tpu.memref_slice %arg6[%arg0, %dma_wait3A_203, %dma_wait3A_204] : memref<2x10000x128xf32, #tpu.memory_space<hbm>> -> memref<1x16x128xf32, #tpu.memory_space<hbm>>
        %dma_wait3A_206 = tpu.memref_squeeze %dma_wait3A_205 : memref<1x16x128xf32, #tpu.memory_space<hbm>> -> memref<16x128xf32, #tpu.memory_space<hbm>>
        %dma_wait3A_207 = arith.constant 9984 : i32
        %dma_wait3A_208 = arith.constant 0 : i32
        %dma_wait3A_209 = tpu.memref_slice %arg19[%dma_wait3A_207, %dma_wait3A_208] : memref<10000x128xf32, #tpu.memory_space<vmem_shared>> -> memref<16x128xf32, #tpu.memory_space<vmem_shared>>
        tpu.wait_dma2 semaphore(%run_scoped3A : memref<!tpu.dma_semaphore, #tpu.memory_space<semaphore_mem>>) src(%dma_wait3A_209 : memref<16x128xf32, #tpu.memory_space<vmem_shared>>) dst(%dma_wait3A_206 : memref<16x128xf32, #tpu.memory_space<hbm>>)
        tpu.yield
      }) : () -> ()
    } else {
    }
    return
  }
}

module attributes {stable_mosaic.version = 14 : i64} {
  func.func @_tc_layer_bn_body(%arg0: memref<2x10000x128xf32, #tpu.memory_space<vmem>>, %arg1: memref<128x128xf32, #tpu.memory_space<vmem>>, %arg2: memref<1x128xf32, #tpu.memory_space<vmem>>, %arg3: memref<1x128xf32, #tpu.memory_space<vmem>>, %arg4: memref<1x128xf32, #tpu.memory_space<vmem>>, %arg5: memref<10000x128xf32, #tpu.memory_space<vmem>>) attributes {dimension_semantics = [], scalar_prefetch = 0 : i64, scratch_operands = 0 : i64, tpu.core_type = #tpu.core_type<tc>} {
    %get3A = arith.constant 0 : index
    %get3A_0 = arith.constant 0 : index
    %get3A_1 = arith.constant 0 : index
    %get3A_2 = vector.load %arg0[%get3A, %get3A_0, %get3A_1] : memref<2x10000x128xf32, #tpu.memory_space<vmem>>, vector<1x10000x128xf32>
    %get3A_3 = vector.shape_cast %get3A_2 : vector<1x10000x128xf32> to vector<10000x128xf32>
    %get3A_4 = arith.constant 1 : index
    %get3A_5 = arith.constant 0 : index
    %get3A_6 = arith.constant 0 : index
    %get3A_7 = vector.load %arg0[%get3A_4, %get3A_5, %get3A_6] : memref<2x10000x128xf32, #tpu.memory_space<vmem>>, vector<1x10000x128xf32>
    %get3A_8 = vector.shape_cast %get3A_7 : vector<1x10000x128xf32> to vector<10000x128xf32>
    %add3A = arith.addf %get3A_3, %get3A_8 : vector<10000x128xf32>
    %get3A_9 = arith.constant 0 : index
    %get3A_10 = arith.constant 0 : index
    %get3A_11 = vector.load %arg1[%get3A_9, %get3A_10] : memref<128x128xf32, #tpu.memory_space<vmem>>, vector<128x128xf32>
    %dot_general3A = arith.constant dense<0.000000e+00> : vector<10000x128xf32>
    %dot_general3A_12 = tpu.matmul %add3A, %get3A_11, %dot_general3A {dimension_numbers = #tpu.dot_dimension_numbers<[1], [0], [0], [1], [0, 0, 1, 1], [], []>, transpose_lhs_hint = false} : vector<10000x128xf32>, vector<128x128xf32>, vector<10000x128xf32> -> vector<10000x128xf32>
    %get3A_13 = arith.constant 0 : index
    %get3A_14 = arith.constant 0 : index
    %get3A_15 = vector.load %arg2[%get3A_13, %get3A_14] : memref<1x128xf32, #tpu.memory_space<vmem>>, vector<1x128xf32>
    %add3A_16 = vector.broadcast %get3A_15 : vector<1x128xf32> to vector<10000x128xf32>
    %add3A_17 = arith.addf %dot_general3A_12, %add3A_16 : vector<10000x128xf32>
    %reduce_sum3A = arith.constant dense<0.000000e+00> : vector<128xf32>
    %reduce_sum3A_18 = vector.multi_reduction <add>, %add3A_17, %reduce_sum3A [0] : vector<10000x128xf32> to vector<128xf32>
    %broadcast_in_dim3A = vector.shape_cast %reduce_sum3A_18 : vector<128xf32> to vector<1x128xf32>
    %div3A = arith.constant 1.000000e+04 : f32
    %div3A_19 = vector.broadcast %div3A : f32 to vector<1x128xf32>
    %div3A_20 = arith.divf %broadcast_in_dim3A, %div3A_19 : vector<1x128xf32>
    %mul3A = arith.mulf %add3A_17, %add3A_17 : vector<10000x128xf32>
    %reduce_sum3A_21 = arith.constant dense<0.000000e+00> : vector<128xf32>
    %reduce_sum3A_22 = vector.multi_reduction <add>, %mul3A, %reduce_sum3A_21 [0] : vector<10000x128xf32> to vector<128xf32>
    %broadcast_in_dim3A_23 = vector.shape_cast %reduce_sum3A_22 : vector<128xf32> to vector<1x128xf32>
    %div3A_24 = arith.constant 1.000000e+04 : f32
    %div3A_25 = vector.broadcast %div3A_24 : f32 to vector<1x128xf32>
    %div3A_26 = arith.divf %broadcast_in_dim3A_23, %div3A_25 : vector<1x128xf32>
    %mul3A_27 = arith.mulf %div3A_20, %div3A_20 : vector<1x128xf32>
    %sub3A = arith.subf %div3A_26, %mul3A_27 : vector<1x128xf32>
    %get3A_28 = arith.constant 0 : index
    %get3A_29 = arith.constant 0 : index
    %get3A_30 = vector.load %arg3[%get3A_28, %get3A_29] : memref<1x128xf32, #tpu.memory_space<vmem>>, vector<1x128xf32>
    %sub3A_31 = vector.broadcast %div3A_20 : vector<1x128xf32> to vector<10000x128xf32>
    %sub3A_32 = arith.subf %add3A_17, %sub3A_31 : vector<10000x128xf32>
    %mul3A_33 = vector.broadcast %get3A_30 : vector<1x128xf32> to vector<10000x128xf32>
    %mul3A_34 = arith.mulf %mul3A_33, %sub3A_32 : vector<10000x128xf32>
    %add3A_35 = arith.constant 9.99999974E-6 : f32
    %add3A_36 = vector.broadcast %add3A_35 : f32 to vector<1x128xf32>
    %add3A_37 = arith.addf %sub3A, %add3A_36 : vector<1x128xf32>
    %rsqrt3A = math.rsqrt %add3A_37 : vector<1x128xf32>
    %mul3A_38 = vector.broadcast %rsqrt3A : vector<1x128xf32> to vector<10000x128xf32>
    %mul3A_39 = arith.mulf %mul3A_34, %mul3A_38 : vector<10000x128xf32>
    %get3A_40 = arith.constant 0 : index
    %get3A_41 = arith.constant 0 : index
    %get3A_42 = vector.load %arg4[%get3A_40, %get3A_41] : memref<1x128xf32, #tpu.memory_space<vmem>>, vector<1x128xf32>
    %add3A_43 = vector.broadcast %get3A_42 : vector<1x128xf32> to vector<10000x128xf32>
    %add3A_44 = arith.addf %mul3A_39, %add3A_43 : vector<10000x128xf32>
    %max3A = arith.constant 0.000000e+00 : f32
    %max3A_45 = vector.broadcast %max3A : f32 to vector<10000x128xf32>
    %max3A_46 = arith.maximumf %add3A_44, %max3A_45 : vector<10000x128xf32>
    %swap3A = arith.constant 0 : index
    %swap3A_47 = arith.constant 0 : index
    %swap3A_48 = vector.load %arg5[%swap3A, %swap3A_47] : memref<10000x128xf32, #tpu.memory_space<vmem>>, vector<10000x128xf32>
    tpu.vector_store %arg5[%swap3A, %swap3A_47], %max3A_46 {strides = array<i32>} : memref<10000x128xf32, #tpu.memory_space<vmem>>, vector<10000x128xf32>,
    return
  }
}

module attributes {stable_mosaic.version = 14 : i64} {
  func.func @_tc_layer_plain_body(%arg0: memref<2x10000x128xf32, #tpu.memory_space<vmem>>, %arg1: memref<128x128xf32, #tpu.memory_space<vmem>>, %arg2: memref<1x128xf32, #tpu.memory_space<vmem>>, %arg3: memref<10000x128xf32, #tpu.memory_space<vmem>>) attributes {dimension_semantics = [], scalar_prefetch = 0 : i64, scratch_operands = 0 : i64, tpu.core_type = #tpu.core_type<tc>} {
    %get3A = arith.constant 0 : index
    %get3A_0 = arith.constant 0 : index
    %get3A_1 = arith.constant 0 : index
    %get3A_2 = vector.load %arg0[%get3A, %get3A_0, %get3A_1] : memref<2x10000x128xf32, #tpu.memory_space<vmem>>, vector<1x10000x128xf32>
    %get3A_3 = vector.shape_cast %get3A_2 : vector<1x10000x128xf32> to vector<10000x128xf32>
    %get3A_4 = arith.constant 1 : index
    %get3A_5 = arith.constant 0 : index
    %get3A_6 = arith.constant 0 : index
    %get3A_7 = vector.load %arg0[%get3A_4, %get3A_5, %get3A_6] : memref<2x10000x128xf32, #tpu.memory_space<vmem>>, vector<1x10000x128xf32>
    %get3A_8 = vector.shape_cast %get3A_7 : vector<1x10000x128xf32> to vector<10000x128xf32>
    %add3A = arith.addf %get3A_3, %get3A_8 : vector<10000x128xf32>
    %get3A_9 = arith.constant 0 : index
    %get3A_10 = arith.constant 0 : index
    %get3A_11 = vector.load %arg1[%get3A_9, %get3A_10] : memref<128x128xf32, #tpu.memory_space<vmem>>, vector<128x128xf32>
    %dot_general3A = arith.constant dense<0.000000e+00> : vector<10000x128xf32>
    %dot_general3A_12 = tpu.matmul %add3A, %get3A_11, %dot_general3A {dimension_numbers = #tpu.dot_dimension_numbers<[1], [0], [0], [1], [0, 0, 1, 1], [], []>, transpose_lhs_hint = false} : vector<10000x128xf32>, vector<128x128xf32>, vector<10000x128xf32> -> vector<10000x128xf32>
    %get3A_13 = arith.constant 0 : index
    %get3A_14 = arith.constant 0 : index
    %get3A_15 = vector.load %arg2[%get3A_13, %get3A_14] : memref<1x128xf32, #tpu.memory_space<vmem>>, vector<1x128xf32>
    %add3A_16 = vector.broadcast %get3A_15 : vector<1x128xf32> to vector<10000x128xf32>
    %add3A_17 = arith.addf %dot_general3A_12, %add3A_16 : vector<10000x128xf32>
    %swap3A = arith.constant 0 : index
    %swap3A_18 = arith.constant 0 : index
    %swap3A_19 = vector.load %arg3[%swap3A, %swap3A_18] : memref<10000x128xf32, #tpu.memory_space<vmem>>, vector<10000x128xf32>
    tpu.vector_store %arg3[%swap3A, %swap3A_18], %add3A_17 {strides = array<i32>} : memref<10000x128xf32, #tpu.memory_space<vmem>>, vector<10000x128xf32>,
    return
  }
}

</mosaic_0001>

<sc_bundles>
// kernel: kernel.11.cloned.1.call-start
scs
__scs_entry_jumppad:
0x0: {  	(pc) =	sbr.rel $0x88, $3  }
0x1: {  	(tag) =	ssettag $0x0;
	lr =	simm.s32 $0x1  }
0x2: {  	[smem:$0x3F95] =	sst lr;
	_ =	strace $0xD0000000  }
0x3: {  	_ = 	snop  }
0x4: {  	_ = 	snop  }
0x5: {  	_ = 	snop  }
0x6: {  	_ = 	snop  }
0x7: {  	_ = 	snop  }
__scs_overlays_trampoline_lowered:
0x8: {  	[smem:$0x3FA4] =	sst s0  }
0x9: {  	[smem:$0x3FA5] =	sst s1  }
0xa: {  	[smem:$0x3FA6] =	sst s2  }
0xb: {  	[smem:$0x3FA7] =	sst s3  }
0xc: {  	[smem:$0x3FA8] =	sst s4  }
0xd: {  	[smem:$0x3FA9] =	sst s5  }
0xe: {  	[smem:$0x3FAA] =	sst s6  }
0xf: {  	[smem:$0x3FAB] =	sst s7  }
0x10: {  	[smem:$0x3FAC] =	sst s8  }
0x11: {  	[smem:$0x3FAD] =	sst s9;
	s0 =	simm.s32 @!p0 $0x0  }
0x12: {  	s1 =	sld [smem:$0x3F93];
	s0 =	simm.s32 @p0 $0x1  }
0x13: {  	[smem:$0x3FAE] =	sst s0;
	s0 =	simm.s32 @!p1 $0x0  }
0x14: {  	s2 =	sld [smem:$0x3F92];
	s0 =	simm.s32 @p1 $0x1  }
0x15: {  	[smem:$0x3FAF] =	sst s0;
	s0 =	simm.s32 @!p2 $0x0  }
0x16: {  	s3 =	sld [smem:$0x3FDB];
	s0 =	simm.s32 @p2 $0x1  }
0x17: {  	s4 =	simm.s32 $0x1BF5;
	[smem:$0x3FB1] =	sst s0  }
0x18: {  	s0 =	sld [smem:$0x3F94];
	_ =	swait.ge [sflag:s4], $0x0  }
0x19: {  	s7 =	sld [smem:$0x3F95]  }
0x1a: {  	s8 =	sadd.s32 $0xFFFFE003, lr  }
0x1b: {  	s9 =	sadd.s32 $0xFFFFFEF7, lr;
	s5 =	simm.s32 $0xFFFFFFFF;
	p2 =	slt.u32 s8, $0xFFFFF086  }
0x1c: {  	p1 =	slt.u32 s9, $0xF7A;
	s5 =	simm.s32 @!p2 $0x0  }
0x1d: {  	s5 =	simm.s32 @p1 $0x1;
	p0 =	seq.s32 s7, s2  }
0x1e: {  	s7 =	smul.u32 @!p0 $0xF7A, s2;
	p2 =	seq.s32 @!p0 s5, $0x0  }
0x1f: {  	s9 =	smul.u32 $0xF7A, s1;
	s8 =	simm.s32 @!p0 $0x1BF5;
	p2 =	por !p2, p0  }
0x20: {  	[sflag:s8] =	ssyncset.s32 @!p0 $0xFFFFF086;
	s6 =	sadd.s32 @!p0 s3, s7;
	s7 =	simm.s32 @!p0 $0x108  }
0x21: {  	s3 =	sadd.s32 s3, s9;
	s6 =	sadd.s32 @!p0 $0x88, s6;
	s7 =	simm.s32 @p2 $0x1082  }
0x22: {  	[simem:s7], [sflag:s8] =	dma.local @!p0 [hbm:s6], $0xF7A  }
0x23: {  	s9 =	sor.u32 $0xD0000000, s2;
	s6 =	simm.s32 $0x108;
	_ =	swait.ge @!p0 [sflag:s8], $0x0  }
0x24: {  	s3 =	sadd.s32 $0x88, s3;
	s6 =	simm.s32 @!p1 $0x1082;
	[sflag:s4] =	ssyncset.s32 $0xFFFFF086  }
0x25: {  	[simem:s6], [sflag:s4] =	dma.local [hbm:s3], $0xF7A  }
0x26: {  	[smem:$0x3F95] =	sst s1;
	(tag) =	ssettag s2;
	_ =	strace s9  }
0x27: {  	s1 =	sld [smem:$0x3FA5]  }
0x28: {  	s2 =	sld [smem:$0x3FA6]  }
0x29: {  	s4 =	sld [smem:$0x3FA8]  }
0x2a: {  	p0 =	seq.s32 s5, $0x0;
	s5 =	sld [smem:$0x3FA9]  }
0x2b: {  	s6 =	sld [smem:$0x3FAA]  }
0x2c: {  	s7 =	sld [smem:$0x3FAB]  }
0x2d: {  	s3 =	simm.s32 $0x108;
	s8 =	sld [smem:$0x3FAC]  }
0x2e: {  	s3 =	simm.s32 @!p0 $0x1082;
	s9 =	sld [smem:$0x3FAD]  }
0x2f: {  	lr =	sadd.s32 s0, s3;
	s0 =	sld [smem:$0x3FA4]  }
0x30: {  	s3 =	sld [smem:$0x3FA7]  }
0x31: {  	[smem:$0x3FB0] =	sst s10  }
0x32: {  	s10 =	sld [smem:$0x3FAE];
	_ =	sdelay $0x3  }
0x33: {  	p0 =	seq.s32 s10, $0x1;
	s10 =	sld [smem:$0x3FB0];
	_ =	sdelay $0x3  }
0x34: {  	[smem:$0x3FB0] =	sst s10  }
0x35: {  	s10 =	sld [smem:$0x3FAF];
	_ =	sdelay $0x3  }
0x36: {  	p1 =	seq.s32 s10, $0x1;
	s10 =	sld [smem:$0x3FB0];
	_ =	sdelay $0x3  }
0x37: {  	[smem:$0x3FB0] =	sst s10  }
0x38: {  	s10 =	sld [smem:$0x3FB1]  }
0x39: {  	_ = 	snop;
	(pc) =	sbr.ind lr, $3  }
0x3a: {  	_ = 	snop  }
0x3b: {  	_ = 	snop  }
0x3c: {  	p2 =	seq.s32 s10, $0x1;
	s10 =	sld [smem:$0x3FB0]  }
0x3d: {  	_ =	shalt  }
0x3e: {  	_ =	shalt  }
0x3f: {  	_ =	shalt  }
0x40: {  	_ =	shalt  }
0x41: {  	_ =	shalt  }
0x42: {  	_ =	shalt  }
0x43: {  	_ =	shalt  }
0x44: {  	_ =	shalt  }
0x45: {  	_ =	shalt  }
0x46: {  	_ =	shalt  }
0x47: {  	_ =	shalt  }
0x48: {  	_ =	shalt  }
0x49: {  	_ =	shalt  }
0x4a: {  	_ =	shalt  }
0x4b: {  	_ =	shalt  }
0x4c: {  	_ =	shalt  }
0x4d: {  	_ =	shalt  }
0x4e: {  	_ =	shalt  }
0x4f: {  	_ =	shalt  }
0x50: {  	_ =	shalt  }
0x51: {  	_ =	shalt  }
0x52: {  	_ =	shalt  }
0x53: {  	_ =	shalt  }
0x54: {  	_ =	shalt  }
0x55: {  	_ =	shalt  }
0x56: {  	_ =	shalt  }
0x57: {  	_ =	shalt  }
0x58: {  	_ =	shalt  }
0x59: {  	_ =	shalt  }
0x5a: {  	_ =	shalt  }
0x5b: {  	_ =	shalt  }
0x5c: {  	_ =	shalt  }
0x5d: {  	_ =	shalt  }
0x5e: {  	_ =	shalt  }
0x5f: {  	_ =	shalt  }
0x60: {  	_ =	shalt  }
0x61: {  	_ =	shalt  }
0x62: {  	_ =	shalt  }
0x63: {  	_ =	shalt  }
0x64: {  	_ =	shalt  }
0x65: {  	_ =	shalt  }
0x66: {  	_ =	shalt  }
0x67: {  	_ =	shalt  }
0x68: {  	_ =	shalt  }
0x69: {  	_ =	shalt  }
0x6a: {  	_ =	shalt  }
0x6b: {  	_ =	shalt  }
0x6c: {  	_ =	shalt  }
0x6d: {  	_ =	shalt  }
0x6e: {  	_ =	shalt  }
0x6f: {  	_ =	shalt  }
0x70: {  	_ =	shalt  }
0x71: {  	_ =	shalt  }
0x72: {  	_ =	shalt  }
0x73: {  	_ =	shalt  }
0x74: {  	_ =	shalt  }
0x75: {  	_ =	shalt  }
0x76: {  	_ =	shalt  }
0x77: {  	_ =	shalt  }
0x78: {  	_ =	shalt  }
0x79: {  	_ =	shalt  }
0x7a: {  	_ =	shalt  }
0x7b: {  	_ =	shalt  }
0x7c: {  	_ =	shalt  }
0x7d: {  	_ =	shalt  }
0x7e: {  	_ =	shalt  }
0x7f: {  	_ =	shalt  }
0x80: {  	_ =	shalt  }
0x81: {  	_ =	shalt  }
0x82: {  	_ =	shalt  }
0x83: {  	_ =	shalt  }
0x84: {  	_ =	shalt  }
0x85: {  	_ =	shalt  }
0x86: {  	_ =	shalt  }
0x87: {  	_ =	shalt  }
.Lfunc_end0:
.L_simem_size_0:
called_computation.1_lowered:
.L_overlay_start_0:
0x88: {  	s2 =	sld [smem:$0x3FD9]  }
0x89: {  	s3 =	sld [smem:$0x3FFE];
	_ =	sdelay $0x1  }
0x8a: {  	s1 =	srdreg.scid  }
0x8b: {  	s0 =	sand.u32 $0x1, s1  }
0x8c: {  	s17 =	sshll.u32 s0, $0xA;
	s2 =	sadd.s32 s3, s2  }
0x8d: {  	s2 =	sadd.s32 s2, s17  }
0x8e: {  	[smem:$0x3FBC] =	sst s2  }
0x8f: {  	_ = 	snop  }
0x90: {  	s2 =	sld [smem:$0x3FD0];
	(tm) =	ssettm $0x1  }
0x91: {  	s18 =	sld [smem:$0x3FFB];
	_ =	sdelay $0x3  }
0x92: {  	_ =	strace s18  }
0x93: {  	s3 =	sld [smem:$0x3FFC];
	_ =	sdelay $0x3  }
0x94: {  	_ =	strace s3  }
0x95: {  	s3 =	sld [smem:$0x3FFD];
	_ =	sdelay $0x3  }
0x96: {  	_ =	strace s3  }
0x97: {  	_ =	strace $0x8FFFFFFF  }
0x98: {  	s19 =	sld [smem:$0x3FDB];
	_ =	sdelay $0x1  }
0x99: {  	s4 =	simm.s32 $_scs_section_size  }
0x9a: {  	s5 =	simm.s32 $_size__tile_overlayer_lowered;
	s6 =	simm.s32 $_tile_overlayer_lowered  }
0x9b: {  	s22 =	simm.s32 $0x1BFF;
	s21 =	sshll.u32 s6, $0x1;
	s3 =	sadd.s32 s4, s19  }
0x9c: {  	s7 =	simm.s32 $0x0;
	s20 =	sshll.u32 s5, $0x1;
	s5 =	sadd.s32 s21, s3  }
0x9d: {  	[timem:s7], [sflag:s22] =	dma.local [hbm:s5], s20  }
0x9e: {  	_ =	swait.ge [sflag:s22], s20  }
0x9f: {  	s4 =	ssub.s32 $0x0, s20;
	[sflag:s22] =	ssyncset.done $0x0  }
0xa0: {  	[sflag:s22] =	ssyncadd.s32 s4;
	_ =	sdelay $0x1  }
0xa1: {  	s23 =	simm.s32 $0x1B8B  }
0xa2: {  	_ =	swait.ge [sflag:s23], $0x1  }
0xa3: {  	[sflag:s23] =	ssyncset.done $0x0  }
0xa4: {  	s25 =	simm.s32 $0x1B8E;
	s24 =	sld [smem:$0x3FFE];
	[sflag:s23] =	ssyncadd.s32 $0xFFFFFFFF  }
0xa5: {  	s26 =	simm.s32 $execute0_lowered;
	[smem:$0x3FD2] =	sst s25  }
0xa6: {  	s5 =	sshll.u32 s26, $0x1;
	_ =	strace $0x80000049;
	[dreg:$0x1] =	wrdreg $0xFFFFFFFF  }
0xa7: {  	s28 =	simm.s32 $_size_execute0_lowered;
	s3 =	sadd.s32 s3, s5;
	[dreg:$0x0] =	wrdreg $0x0  }
0xa8: {  	s5 =	sshll.u32 s28, $0x1;
	[dreg:$0x2] =	wrdreg s3  }
0xa9: {  	[dreg:$0x3] =	wrdreg s5  }
0xaa: {  	[dreg:$0x4] =	wrdreg $0xC0  }
0xab: {  	_ =	task [dreg:s7], $0x5FFFF  }
0xac: {  	[dreg:$0x1] =	wrdreg $0xFFFFFFFF  }
0xad: {  	[dreg:$0x0] =	wrdreg $0x60  }
0xae: {  	[dreg:$0x2] =	wrdreg s24  }
0xaf: {  	[dreg:$0x3] =	wrdreg s2  }
0xb0: {  	[dreg:$0x4] =	wrdreg $0xC1000  }
0xb1: {  	[dreg:$0x5] =	wrdreg $0x9  }
0xb2: {  	_ =	task.clear_ibuf [dreg:s7], $0x6FFFF;
	_ =	strace $0x90000049  }
0xb3: {  	s29 =	simm.s32 $0x9;
	_ =	strace $0x8000004B  }
0xb4: {  	_ =	swait.ge [sflag:s29], $0x1  }
0xb5: {  	[sflag:s29] =	ssyncadd.s32 $0xFFFFFFFF  }
0xb6: {  	_ =	strace $0x9000004B  }
0xb7: {  	_ =	sfence  }
0xb8: {  	s30 =	sld [smem:$0x0];
	_ =	sdelay $0x2  }
0xb9: {  	s31 =	sshll.u32 s1, $0xD;
	s1 =	sshrl.u32 s1, $0x2  }
0xba: {  	s3 =	sand.u32 $0x4000, s31;
	s1 =	sadd.s32 s1, s30  }
0xbb: {  	s0 =	sor.u32 s3, s0;
	s1 =	sshll.u32 s1, $0x11  }
0xbc: {  	s0 =	sor.u32 s1, s0  }
0xbd: {  	s0 =	sadd.s32 $0x8F2B, s0  }
0xbe: {  	[sflag:s0] =	ssyncadd.remote.s32 $0x1  }
0xbf: {  	_ =	sfence.sel $0xFFFF  }
0xc0: {  	[dreg:$0x0] =	wrdreg $0xFFFFFFFF;
	(pc) =	sbr.abs _section_cstart, $3  }
0xc1: {  	[dreg:$0x1] =	wrdreg $0xFFFFFFFF  }
0xc2: {  	_ =	task.clear_ibuf [dreg:s7], $0x2FFFF;
	_ =	strace $0x9FFFFFFF  }
0xc3: {  	(tm) =	ssettm $0x7FFFFFFF  }
tec
execute0_lowered:
.L_overlay_start_1:
0x0: {  	(tag) =	ssettag $0x1  }
0x1: {  	s7 =	rddreg [dreg:$0x0]  }
0x2: {  	s8 =	rddreg [dreg:$0x1]  }
0x3: {  	s1 =	rddreg [dreg:$0x2];
	s2 =	simm.s32 $0x0;
	s0 =	srdreg.scid  }
0x4: {  	s29 =	stileid.u32;
	[smem:$0x7FF] =	sst s2;
	s3 =	sand.u32 $0x1, s0  }
0x5: {  	s20 =	sshll.u32 s29, $0x1;
	s4 =	sadd.s32 $0x15E00, s7;
	s12 =	smul.u32 $0x4E000, s29  }
0x6: {  	s5 =	sadd.s32 $0xC000, s7;
	s6 =	sadd.s32 $0x2200, s7;
	s14 =	smul.u32 $0x2700, s29  }
0x7: {  	s11 =	sadd.s32 $0x3D000, s7;
	s23 =	smul.u32 $0x4E20, s29;
	p1 =	seq.s32 s29, $0x0  }
0x8: {  	s7 =	sadd.s32 $0x3CE00, s7;
	s18 =	smul.u32 $0x13800, s29;
	p4 =	sne.s32 s29, $0x0  }
0x9: {  	s31 =	sadd.s32 $0x138000, s1;
	_ =	strace $0x8000004A;
	s0 =	sor.u32 s3, s20  }
0xa: {  	s9 =	ssub.s32 $0x2, s3;
	s24 =	smul.u32 $0x2710, s3;
	p0 =	seq.s32 s3, $0x1  }
0xb: {  	[dreg:$0xf] =	wrdreg s7;
	p2 =	sne.s32 s3, $0x0;
	s10 =	smul.u32 $0x2710, s0  }
0xc: {  	s21 =	sshrl.u32 s9, $0x1;
	s12 =	sshrl.u32 s12, $0x2;
	s25 =	sadd.s32 s4, s14  }
0xd: {  	s26 =	sadd.s32 s8, s14;
	s14 =	sor.u32 s3, s29;
	p1 =	por !p1, !p0  }
0xe: {  	s8 =	sadd.s32 $0x27000, s8;
	s0 =	ssub.s32 s9, s21;
	[dreg:$0xd] =	wrdreg s25  }
0xf: {  	s30 =	sadd.s32 s12, s1;
	[dreg:$0xe] =	wrdreg s26;
	s12 =	sadd.s32 s24, s23  }
0x10: {  	p1 =	por !p1, !p1;
	[dreg:$0x10] =	wrdreg s8;
	p3 =	sne.s32 s14, $0x0  }
0x11: {  	s14 =	simm.s32 $0x600;
	s22 =	sadd.s32 $0xB8, s10;
	s13 =	sshrl.u32 s10, $0x3  }
0x12: {  	s28 =	sadd.s32 $0x508, s12;
	s19 =	sadd.s32 $0x450, s12;
	s21 =	sadd.s32 $0x398, s12  }
0x13: {  	s0 =	smax.u32 s0, $0x1;
	[dreg:$0xc] =	wrdreg s30;
	s9 =	sshrl.u32 s22, $0x3  }
0x14: {  	s26 =	sadd.s32 $0x228, s10;
	[dreg:$0x1f] =	wrdreg s0;
	s15 =	sadd.s32 s5, s9  }
0x15: {  	s7 =	sshrl.u32 s28, $0x3;
	s9 =	sadd.s32 s6, s9;
	[dreg:$0xa] =	wrdreg s15  }
0x16: {  	s17 =	sadd.s32 $0x2E, s13;
	s16 =	sadd.s32 s7, s6;
	[dreg:$0xb] =	wrdreg s9  }
0x17: {  	s0 =	simm.s32 $0x400;
	s7 =	sadd.s32 s7, s5;
	[dreg:$0x4] =	wrdreg s16  }
0x18: {  	s25 =	sadd.s32 s5, s17;
	s28 =	sadd.s32 s6, s17;
	[dreg:$0x5] =	wrdreg s7  }
0x19: {  	s17 =	sadd.s32 $0x4AC, s13;
	s9 =	smul.u32 $0x138800, s3;
	[dreg:$0x12] =	wrdreg s25  }
0x1a: {  	s16 =	sshrl.u32 s19, $0x3;
	[dreg:$0x13] =	wrdreg s28;
	s19 =	sadd.s32 s5, s17  }
0x1b: {  	s7 =	sshrl.u32 s21, $0x3;
	s3 =	sadd.s32 s6, s17;
	[dreg:$0x16] =	wrdreg s19  }
0x1c: {  	s28 =	sadd.s32 $0x2E0, s12;
	s12 =	simm.s32 $0x800;
	[dreg:$0x17] =	wrdreg s3  }
0x1d: {  	s17 =	simm.s32 $0x300;
	s20 =	sadd.s32 s16, s6;
	[smem:$0x7FD] =	sst s28  }
0x1e: {  	s23 =	sadd.s32 s16, s5;
	s24 =	sadd.s32 s7, s6;
	[dreg:$0x6] =	wrdreg s20  }
0x1f: {  	s7 =	sadd.s32 s7, s5;
	s19 =	simm.s32 $0x1;
	[dreg:$0x7] =	wrdreg s23  }
0x20: {  	s8 =	sadd.s32 s18, s9;
	s22 =	sshrl.u32 s9, $0x3;
	[dreg:$0x8] =	wrdreg s24  }
0x21: {  	[dreg:$0x9] =	wrdreg s7;
	s18 =	sadd.s32 $0x2618, s10;
	s23 =	sadd.s32 s6, s13  }
0x22: {  	s24 =	sadd.s32 $0x4DA, s13;
	s10 =	simm.s32 $0x5;
	s8 =	sshrl.u32 s8, $0x3  }
0x23: {  	s7 =	sshrl.u32 s18, $0x3;
	[dreg:$0x1b] =	wrdreg s23;
	s25 =	sadd.s32 s5, s24  }
0x24: {  	s3 =	sadd.s32 s6, s24;
	s18 =	simm.s32 $0x700;
	s23 =	simm.s32 $0x4  }
0x25: {  	s24 =	simm.s32 $0x8;
	s8 =	sadd.s32 s11, s8;
	[dreg:$0x1c] =	wrdreg s25  }
0x26: {  	s20 =	sadd.s32 s5, s7;
	s21 =	sadd.s32 s6, s7;
	[dreg:$0x1d] =	wrdreg s3  }
0x27: {  	s7 =	simm.s32 $0x100;
	s25 =	simm.s32 $0x0;
	[dreg:$0x11] =	wrdreg s8  }
0x28: {  	s8 =	sadd.s32 s11, s22;
	s11 =	sshrl.u32 s26, $0x3;
	[dreg:$0x18] =	wrdreg s20  }
0x29: {  	[dreg:$0x19] =	wrdreg s21;
	s22 =	sadd.s32 s5, s13;
	s13 =	simm.s32 $0x200  }
0x2a: {  	s20 =	simm.s32 $0x3;
	s15 =	sadd.s32 s5, s11;
	[dreg:$0x1a] =	wrdreg s22  }
0x2b: {  	s21 =	simm.s32 $0x7;
	s16 =	sadd.s32 s6, s11;
	[dreg:$0x14] =	wrdreg s15  }
0x2c: {  	s26 =	sadd.s32 $0x27000, s8;
	s8 =	simm.s32 $0x500;
	[dreg:$0x15] =	wrdreg s16  }
0x2d: {  	s11 =	simm.s32 $0xB8;
	s22 =	simm.s32 $0x2;
	[dreg:$0x1e] =	wrdreg s26  }
0x2e: {  	s15 =	simm.s32 $0x6;
	s16 =	simm.s32 $0x6400;
	s26 =	simm.s32 $0x9  }
.LBB2_1:
0x2f: {  	s3 =	rddreg [dreg:$0x1a]  }
0x30: {  	[tilespmem:s2], [sflag:$0x5] =	stream.linear.gather [hbm4b:s3+s2], $0xB8, $0x38;
	[tilespmem:$0x1F980] =	vst v63  }
0x31: {  	s9 =	rddreg [dreg:$0x1b]  }
0x32: {  	[tilespmem:s0], [sflag:$0x5] =	stream.linear.gather [hbm4b:s9+s2], $0xB8, $0x38;
	[tilespmem:$0x1F980] =	vst v63  }
0x33: {  	s9 =	rddreg [dreg:$0xa]  }
0x34: {  	[tilespmem:s7], [sflag:$0x6] =	stream.linear.gather [hbm4b:s9+s2], $0xB8, $0x38;
	[tilespmem:$0x1F980] =	vst v63  }
0x35: {  	s3 =	sshll.u32 @!p2 s29, $0x6;
	s9 =	rddreg [dreg:$0xb]  }
0x36: {  	[tilespmem:s8], [sflag:$0x6] =	stream.linear.gather [hbm4b:s9+s2], $0xB8, $0x38;
	[tilespmem:$0x1F980] =	vst v63  }
0x37: {  	s28 =	sshrl.u32 @!p2 s30, $0x3;
	s3 =	sor.u32 @!p2 $0x1C09, s3;
	s9 =	rddreg [dreg:$0xd]  }
0x38: {  	[spmem:s28], [sflag:s3] =	dma.local @!p2 [hbm:s9], $0x2700  }
0x39: {  	s3 =	simm.s32 @!p2 $0x9  }
0x3a: {  	_ =	swait.ge @!p2 [sflag:s3], $0x2700  }
0x3b: {  	s28 =	sshll.u32 @p0 s29, $0x6;
	[sflag:s3] =	ssyncset.done @!p2 $0x0;
	s9 =	rddreg [dreg:$0xe]  }
0x3c: {  	[sflag:s3] =	ssyncadd.s32 @!p2 $0xFFFFD900;
	s3 =	sor.u32 @p0 $0x1C09, s28;
	s28 =	sshrl.u32 @p0 s30, $0x3  }
0x3d: {  	[spmem:s28], [sflag:s3] =	dma.local @p0 [hbm:s9], $0x2700  }
0x3e: {  	s3 =	simm.s32 @p0 $0x9  }
0x3f: {  	_ =	swait.ge @p0 [sflag:s3], $0x2700  }
0x40: {  	s28 =	sshll.u32 @!p3 s29, $0x6;
	[sflag:s3] =	ssyncset.done @p0 $0x0;
	s9 =	rddreg [dreg:$0xf]  }
0x41: {  	[sflag:s3] =	ssyncadd.s32 @p0 $0xFFFFD900;
	s3 =	sor.u32 @!p3 $0x1C09, s28;
	s28 =	sshrl.u32 @!p3 s31, $0x3  }
0x42: {  	[spmem:s28], [sflag:s3] =	dma.local @!p3 [hbm:s9], $0x100  }
0x43: {  	s3 =	simm.s32 @!p3 $0x9  }
0x44: {  	_ =	swait.ge @!p3 [sflag:s3], $0x100  }
0x45: {  	s28 =	simm.s32 @p1 $0x1C09;
	[sflag:s3] =	ssyncset.done @!p3 $0x0  }
0x46: {  	s9 =	rddreg [dreg:$0x10];
	[sflag:s3] =	ssyncadd.s32 @!p3 $0xFFFFFF00;
	s3 =	sshrl.u32 @p1 s31, $0x3  }
0x47: {  	[spmem:s3], [sflag:s28] =	dma.local @p1 [hbm:s9], $0x100  }
0x48: {  	s3 =	simm.s32 @p1 $0x9  }
0x49: {  	_ =	swait.ge @p1 [sflag:s3], $0x100  }
0x4a: {  	[sflag:s3] =	ssyncset.done @p1 $0x0  }
0x4b: {  	[sflag:s3] =	ssyncadd.s32 @p1 $0xFFFFFF00  }
0x4c: {  	[bflag:$0x0] =	sbarrier.arrive $0xFFFF  }
0x4d: {  	_ =	swait.ge [sflag:s10], $0xB8  }
0x4e: {  	[sflag:s10] =	ssyncset.done $0x0  }
0x4f: {  	[sflag:s10] =	ssyncadd.s32 $0xFFFFFF48  }
0x50: {  	_ =	swait.ge [sflag:s10], $0xB8  }
0x51: {  	[sflag:s10] =	ssyncset.done $0x0  }
0x52: {  	[sflag:s10] =	ssyncadd.s32 $0xFFFFFF48  }
0x53: {  	[tilespmem:s12], [sflag:$0x1] =	stream.indirect.gather [hbm4b:s4+s11], $0x80, s2, s11, $0xb8;
	[tilespmem:$0x1F980] =	vst v63  }
0x54: {  	s30 =	rddreg [dreg:$0x12]  }
0x55: {  	[tilespmem:s13], [sflag:$0x7] =	stream.linear.gather [hbm4b:s30+s2], $0xB8, $0x38;
	[tilespmem:$0x1F980] =	vst v63  }
0x56: {  	s9 =	rddreg [dreg:$0x13]  }
0x57: {  	[tilespmem:s14], [sflag:$0x7] =	stream.linear.gather [hbm4b:s9+s2], $0xB8, $0x38;
	[tilespmem:$0x1F980] =	vst v63  }
0x58: {  	_ =	swait.ge [sflag:s15], $0xB8  }
0x59: {  	[sflag:s15] =	ssyncset.done $0x0  }
0x5a: {  	[sflag:s15] =	ssyncadd.s32 $0xFFFFFF48  }
0x5b: {  	_ =	swait.ge [sflag:s15], $0xB8  }
0x5c: {  	[sflag:s15] =	ssyncset.done $0x0  }
0x5d: {  	[sflag:s15] =	ssyncadd.s32 $0xFFFFFF48  }
0x5e: {  	[tilespmem:s16], [sflag:$0x2] =	stream.indirect.gather [hbm4b:s4+s11], $0x80, s7, s11, $0xb8;
	[tilespmem:$0x1F980] =	vst v63  }
0x5f: {  	s30 =	rddreg [dreg:$0x14]  }
0x60: {  	[tilespmem:s17], [sflag:$0x8] =	stream.linear.gather [hbm4b:s30+s2], $0xB8, $0x38;
	[tilespmem:$0x1F980] =	vst v63  }
0x61: {  	s9 =	rddreg [dreg:$0x15]  }
0x62: {  	[tilespmem:s18], [sflag:$0x8] =	stream.linear.gather [hbm4b:s9+s2], $0xB8, $0x38;
	[tilespmem:$0x1F980] =	vst v63  }
0x63: {  	_ =	swait.ge [sflag:s19], $0x5C00  }
0x64: {  	[sflag:s19] =	ssyncset.done $0x0  }
0x65: {  	[sflag:s19] =	ssyncadd.s32 $0xFFFFA400  }
0x66: {  	[spmem:s1] =	stream.indirect.scatter.add.f32 [tilespmem:s12], [sflag:$0x3], $0x80, s0, s11, $0xb8;
	[tilespmem:$0x1F980] =	vst v63  }
0x67: {  	_ =	swait.ge [sflag:s20], $0x5C00  }
0x68: {  	[sflag:s20] =	ssyncset.done $0x0  }
0x69: {  	[sflag:s20] =	ssyncadd.s32 $0xFFFFA400  }
0x6a: {  	_ =	swait.ge [sflag:s21], $0xB8  }
0x6b: {  	[sflag:s21] =	ssyncset.done $0x0  }
0x6c: {  	[sflag:s21] =	ssyncadd.s32 $0xFFFFFF48  }
0x6d: {  	_ =	swait.ge [sflag:s21], $0xB8  }
0x6e: {  	[sflag:s21] =	ssyncset.done $0x0;
	s9 =	sld [smem:$0x7FD]  }
0x6f: {  	[sflag:s21] =	ssyncadd.s32 $0xFFFFFF48  }
0x70: {  	[tilespmem:s12], [sflag:$0x1] =	stream.indirect.gather [hbm4b:s4+s11], $0x80, s13, s11, $0xb8;
	[tilespmem:$0x1F980] =	vst v63  }
0x71: {  	s30 =	sshrl.u32 s9, $0x3  }
0x72: {  	s28 =	sadd.s32 s5, s30  }
0x73: {  	[tilespmem:s2], [sflag:$0x5] =	stream.linear.gather [hbm4b:s28+s2], $0xB8, $0x38;
	[tilespmem:$0x1F980] =	vst v63  }
0x74: {  	s3 =	sadd.s32 s6, s30  }
0x75: {  	[tilespmem:s0], [sflag:$0x5] =	stream.linear.gather [hbm4b:s3+s2], $0xB8, $0x38;
	[tilespmem:$0x1F980] =	vst v63  }
0x76: {  	_ =	swait.ge [sflag:s22], $0x5C00  }
0x77: {  	[sflag:s22] =	ssyncset.done $0x0  }
0x78: {  	[sflag:s22] =	ssyncadd.s32 $0xFFFFA400  }
0x79: {  	[spmem:s1] =	stream.indirect.scatter.add.f32 [tilespmem:s16], [sflag:$0x4], $0x80, s8, s11, $0xb8;
	[tilespmem:$0x1F980] =	vst v63  }
0x7a: {  	_ =	swait.ge [sflag:s23], $0x5C00  }
0x7b: {  	[sflag:s23] =	ssyncset.done $0x0  }
0x7c: {  	[sflag:s23] =	ssyncadd.s32 $0xFFFFA400  }
0x7d: {  	_ =	swait.ge [sflag:s24], $0xB8  }
0x7e: {  	[sflag:s24] =	ssyncset.done $0x0  }
0x7f: {  	[sflag:s24] =	ssyncadd.s32 $0xFFFFFF48  }
0x80: {  	_ =	swait.ge [sflag:s24], $0xB8  }
0x81: {  	[sflag:s24] =	ssyncset.done $0x0  }
0x82: {  	s30 =	rddreg [dreg:$0x9];
	[sflag:s24] =	ssyncadd.s32 $0xFFFFFF48  }
0x83: {  	[tilespmem:s16], [sflag:$0x2] =	stream.indirect.gather [hbm4b:s4+s11], $0x80, s17, s11, $0xb8;
	[tilespmem:$0x1F980] =	vst v63  }
0x84: {  	s28 =	rddreg [dreg:$0x8];
	s3 =	sadd.s32 $0x0, s30  }
0x85: {  	[tilespmem:s7], [sflag:$0x6] =	stream.linear.gather [hbm4b:s3+s2], $0xB8, $0x38;
	[tilespmem:$0x1F980] =	vst v63  }
0x86: {  	s30 =	sadd.s32 $0x0, s28  }
0x87: {  	[tilespmem:s8], [sflag:$0x6] =	stream.linear.gather [hbm4b:s30+s2], $0xB8, $0x38;
	[tilespmem:$0x1F980] =	vst v63  }
0x88: {  	_ =	swait.ge [sflag:s19], $0x5C00  }
0x89: {  	[sflag:s19] =	ssyncset.done $0x0  }
0x8a: {  	[sflag:s19] =	ssyncadd.s32 $0xFFFFA400  }
0x8b: {  	[spmem:s1] =	stream.indirect.scatter.add.f32 [tilespmem:s12], [sflag:$0x3], $0x80, s14, s11, $0xb8;
	[tilespmem:$0x1F980] =	vst v63  }
0x8c: {  	_ =	swait.ge [sflag:s20], $0x5C00  }
0x8d: {  	[sflag:s20] =	ssyncset.done $0x0  }
0x8e: {  	[sflag:s20] =	ssyncadd.s32 $0xFFFFA400  }
0x8f: {  	_ =	swait.ge [sflag:s10], $0xB8  }
0x90: {  	[sflag:s10] =	ssyncset.done $0x0  }
0x91: {  	[sflag:s10] =	ssyncadd.s32 $0xFFFFFF48  }
0x92: {  	_ =	swait.ge [sflag:s10], $0xB8  }
0x93: {  	[sflag:s10] =	ssyncset.done $0x0  }
0x94: {  	s30 =	rddreg [dreg:$0x7];
	[sflag:s10] =	ssyncadd.s32 $0xFFFFFF48  }
0x95: {  	[tilespmem:s12], [sflag:$0x1] =	stream.indirect.gather [hbm4b:s4+s11], $0x80, s2, s11, $0xb8;
	[tilespmem:$0x1F980] =	vst v63  }
0x96: {  	s28 =	rddreg [dreg:$0x6];
	s3 =	sadd.s32 $0x0, s30  }
0x97: {  	[tilespmem:s13], [sflag:$0x7] =	stream.linear.gather [hbm4b:s3+s2], $0xB8, $0x38;
	[tilespmem:$0x1F980] =	vst v63  }
0x98: {  	s30 =	sadd.s32 $0x0, s28  }
0x99: {  	[tilespmem:s14], [sflag:$0x7] =	stream.linear.gather [hbm4b:s30+s2], $0xB8, $0x38;
	[tilespmem:$0x1F980] =	vst v63  }
0x9a: {  	_ =	swait.ge [sflag:s22], $0x5C00  }
0x9b: {  	[sflag:s22] =	ssyncset.done $0x0  }
0x9c: {  	[sflag:s22] =	ssyncadd.s32 $0xFFFFA400  }
0x9d: {  	[spmem:s1] =	stream.indirect.scatter.add.f32 [tilespmem:s16], [sflag:$0x4], $0x80, s18, s11, $0xb8;
	[tilespmem:$0x1F980] =	vst v63  }
0x9e: {  	_ =	swait.ge [sflag:s23], $0x5C00  }
0x9f: {  	[sflag:s23] =	ssyncset.done $0x0  }
0xa0: {  	[sflag:s23] =	ssyncadd.s32 $0xFFFFA400  }
0xa1: {  	_ =	swait.ge [sflag:s15], $0xB8  }
0xa2: {  	[sflag:s15] =	ssyncset.done $0x0  }
0xa3: {  	[sflag:s15] =	ssyncadd.s32 $0xFFFFFF48  }
0xa4: {  	_ =	swait.ge [sflag:s15], $0xB8  }
0xa5: {  	[sflag:s15] =	ssyncset.done $0x0  }
0xa6: {  	s30 =	rddreg [dreg:$0x5];
	[sflag:s15] =	ssyncadd.s32 $0xFFFFFF48  }
0xa7: {  	[tilespmem:s16], [sflag:$0x2] =	stream.indirect.gather [hbm4b:s4+s11], $0x80, s7, s11, $0xb8;
	[tilespmem:$0x1F980] =	vst v63  }
0xa8: {  	s28 =	rddreg [dreg:$0x4];
	s3 =	sadd.s32 $0x0, s30  }
0xa9: {  	[tilespmem:s17], [sflag:$0x8] =	stream.linear.gather [hbm4b:s3+s2], $0xB8, $0x38;
	[tilespmem:$0x1F980] =	vst v63  }
0xaa: {  	s30 =	sadd.s32 $0x0, s28  }
0xab: {  	[tilespmem:s18], [sflag:$0x8] =	stream.linear.gather [hbm4b:s30+s2], $0xB8, $0x38;
	[tilespmem:$0x1F980] =	vst v63  }
0xac: {  	_ =	swait.ge [sflag:s19], $0x5C00  }
0xad: {  	[sflag:s19] =	ssyncset.done $0x0  }
0xae: {  	s29 =	sadd.s32 $0x2E0, s9;
	s28 =	simm.s32 $0x5C;
	[sflag:s19] =	ssyncadd.s32 $0xFFFFA400  }
.LBB2_2:
0xaf: {  	[spmem:s1] =	stream.indirect.scatter.add.f32 [tilespmem:s12], [sflag:$0x3], $0x80, s0, s11, $0xb8;
	[tilespmem:$0x1F980] =	vst v63  }
0xb0: {  	_ =	swait.ge [sflag:s20], $0x5C00  }
0xb1: {  	[sflag:s20] =	ssyncset.done $0x0  }
0xb2: {  	[sflag:s20] =	ssyncadd.s32 $0xFFFFA400  }
0xb3: {  	_ =	swait.ge [sflag:s21], $0xB8  }
0xb4: {  	[sflag:s21] =	ssyncset.done $0x0  }
0xb5: {  	[sflag:s21] =	ssyncadd.s32 $0xFFFFFF48  }
0xb6: {  	_ =	swait.ge [sflag:s21], $0xB8  }
0xb7: {  	[sflag:s21] =	ssyncset.done $0x0  }
0xb8: {  	s30 =	sshrl.u32 s29, $0x3;
	[sflag:s21] =	ssyncadd.s32 $0xFFFFFF48  }
0xb9: {  	[tilespmem:s12], [sflag:$0x1] =	stream.indirect.gather [hbm4b:s4+s11], $0x80, s13, s11, $0xb8;
	[tilespmem:$0x1F980] =	vst v63  }
0xba: {  	s9 =	sadd.s32 s5, s30  }
0xbb: {  	[tilespmem:s2], [sflag:$0x5] =	stream.linear.gather [hbm4b:s9+s2], $0xB8, $0x38;
	[tilespmem:$0x1F980] =	vst v63  }
0xbc: {  	s30 =	sadd.s32 s6, s30  }
0xbd: {  	[tilespmem:s0], [sflag:$0x5] =	stream.linear.gather [hbm4b:s30+s2], $0xB8, $0x38;
	[tilespmem:$0x1F980] =	vst v63  }
0xbe: {  	_ =	swait.ge [sflag:s22], $0x5C00  }
0xbf: {  	[sflag:s22] =	ssyncset.done $0x0  }
0xc0: {  	[sflag:s22] =	ssyncadd.s32 $0xFFFFA400  }
0xc1: {  	[spmem:s1] =	stream.indirect.scatter.add.f32 [tilespmem:s16], [sflag:$0x4], $0x80, s8, s11, $0xb8;
	[tilespmem:$0x1F980] =	vst v63  }
0xc2: {  	_ =	swait.ge [sflag:s23], $0x5C00  }
0xc3: {  	[sflag:s23] =	ssyncset.done $0x0  }
0xc4: {  	[sflag:s23] =	ssyncadd.s32 $0xFFFFA400  }
0xc5: {  	_ =	swait.ge [sflag:s24], $0xB8  }
0xc6: {  	[sflag:s24] =	ssyncset.done $0x0  }
0xc7: {  	[sflag:s24] =	ssyncadd.s32 $0xFFFFFF48  }
0xc8: {  	_ =	swait.ge [sflag:s24], $0xB8  }
0xc9: {  	[sflag:s24] =	ssyncset.done $0x0  }
0xca: {  	s3 =	smov.u32 s28;
	s9 =	rddreg [dreg:$0x9];
	[sflag:s24] =	ssyncadd.s32 $0xFFFFFF48  }
0xcb: {  	[tilespmem:s16], [sflag:$0x2] =	stream.indirect.gather [hbm4b:s4+s11], $0x80, s17, s11, $0xb8;
	[tilespmem:$0x1F980] =	vst v63  }
0xcc: {  	s30 =	rddreg [dreg:$0x8];
	s9 =	sadd.s32 s3, s9  }
0xcd: {  	[tilespmem:s7], [sflag:$0x6] =	stream.linear.gather [hbm4b:s9+s2], $0xB8, $0x38;
	[tilespmem:$0x1F980] =	vst v63  }
0xce: {  	s30 =	sadd.s32 s3, s30  }
0xcf: {  	[tilespmem:s8], [sflag:$0x6] =	stream.linear.gather [hbm4b:s30+s2], $0xB8, $0x38;
	[tilespmem:$0x1F980] =	vst v63  }
0xd0: {  	_ =	swait.ge [sflag:s19], $0x5C00  }
0xd1: {  	[sflag:s19] =	ssyncset.done $0x0  }
0xd2: {  	[sflag:s19] =	ssyncadd.s32 $0xFFFFA400  }
0xd3: {  	[spmem:s1] =	stream.indirect.scatter.add.f32 [tilespmem:s12], [sflag:$0x3], $0x80, s14, s11, $0xb8;
	[tilespmem:$0x1F980] =	vst v63  }
0xd4: {  	_ =	swait.ge [sflag:s20], $0x5C00  }
0xd5: {  	[sflag:s20] =	ssyncset.done $0x0  }
0xd6: {  	[sflag:s20] =	ssyncadd.s32 $0xFFFFA400  }
0xd7: {  	_ =	swait.ge [sflag:s10], $0xB8  }
0xd8: {  	[sflag:s10] =	ssyncset.done $0x0  }
0xd9: {  	[sflag:s10] =	ssyncadd.s32 $0xFFFFFF48  }
0xda: {  	_ =	swait.ge [sflag:s10], $0xB8  }
0xdb: {  	[sflag:s10] =	ssyncset.done $0x0  }
0xdc: {  	s9 =	rddreg [dreg:$0x7];
	[sflag:s10] =	ssyncadd.s32 $0xFFFFFF48  }
0xdd: {  	[tilespmem:s12], [sflag:$0x1] =	stream.indirect.gather [hbm4b:s4+s11], $0x80, s2, s11, $0xb8;
	[tilespmem:$0x1F980] =	vst v63  }
0xde: {  	s30 =	rddreg [dreg:$0x6];
	s9 =	sadd.s32 s3, s9  }
0xdf: {  	[tilespmem:s13], [sflag:$0x7] =	stream.linear.gather [hbm4b:s9+s2], $0xB8, $0x38;
	[tilespmem:$0x1F980] =	vst v63  }
0xe0: {  	s30 =	sadd.s32 s3, s30  }
0xe1: {  	[tilespmem:s14], [sflag:$0x7] =	stream.linear.gather [hbm4b:s30+s2], $0xB8, $0x38;
	[tilespmem:$0x1F980] =	vst v63  }
0xe2: {  	_ =	swait.ge [sflag:s22], $0x5C00  }
0xe3: {  	[sflag:s22] =	ssyncset.done $0x0  }
0xe4: {  	[sflag:s22] =	ssyncadd.s32 $0xFFFFA400  }
0xe5: {  	[spmem:s1] =	stream.indirect.scatter.add.f32 [tilespmem:s16], [sflag:$0x4], $0x80, s18, s11, $0xb8;
	[tilespmem:$0x1F980] =	vst v63  }
0xe6: {  	_ =	swait.ge [sflag:s23], $0x5C00  }
0xe7: {  	[sflag:s23] =	ssyncset.done $0x0  }
0xe8: {  	[sflag:s23] =	ssyncadd.s32 $0xFFFFA400  }
0xe9: {  	_ =	swait.ge [sflag:s15], $0xB8  }
0xea: {  	[sflag:s15] =	ssyncset.done $0x0  }
0xeb: {  	[sflag:s15] =	ssyncadd.s32 $0xFFFFFF48  }
0xec: {  	_ =	swait.ge [sflag:s15], $0xB8  }
0xed: {  	[sflag:s15] =	ssyncset.done $0x0  }
0xee: {  	s9 =	rddreg [dreg:$0x5];
	[sflag:s15] =	ssyncadd.s32 $0xFFFFFF48  }
0xef: {  	[tilespmem:s16], [sflag:$0x2] =	stream.indirect.gather [hbm4b:s4+s11], $0x80, s7, s11, $0xb8;
	[tilespmem:$0x1F980] =	vst v63  }
0xf0: {  	p5 =	sne.s32 s28, $0x3F4;
	s30 =	rddreg [dreg:$0x4];
	s9 =	sadd.s32 s3, s9  }
0xf1: {  	[tilespmem:s17], [sflag:$0x8] =	stream.linear.gather [hbm4b:s9+s2], $0xB8, $0x38;
	[tilespmem:$0x1F980] =	vst v63  }
.Ltmp0:
0xf2: {  	s3 =	sadd.s32 s3, s30;
	(pc) =	sbr.rel @p5 .LBB2_2-.Ltmp0, $4  }
0xf3: {  	[tilespmem:s18], [sflag:$0x8] =	stream.linear.gather [hbm4b:s3+s2], $0xB8, $0x38;
	[tilespmem:$0x1F980] =	vst v63  }
0xf4: {  	_ =	swait.ge [sflag:s19], $0x5C00  }
0xf5: {  	[sflag:s19] =	ssyncset.done $0x0  }
0xf6: {  	s28 =	sadd.s32 $0x5C, s28;
	s29 =	sadd.s32 $0x2E0, s29;
	[sflag:s19] =	ssyncadd.s32 $0xFFFFA400  }
0xf7: {  	[spmem:s1] =	stream.indirect.scatter.add.f32 [tilespmem:s12], [sflag:$0x3], $0x80, s0, s11, $0xb8;
	[tilespmem:$0x1F980] =	vst v63  }
0xf8: {  	_ =	swait.ge [sflag:s20], $0x5C00  }
0xf9: {  	[sflag:s20] =	ssyncset.done $0x0  }
0xfa: {  	[sflag:s20] =	ssyncadd.s32 $0xFFFFA400  }
0xfb: {  	_ =	swait.ge [sflag:s21], $0xB8  }
0xfc: {  	[sflag:s21] =	ssyncset.done $0x0  }
0xfd: {  	[sflag:s21] =	ssyncadd.s32 $0xFFFFFF48  }
0xfe: {  	_ =	swait.ge [sflag:s21], $0xB8  }
0xff: {  	[sflag:s21] =	ssyncset.done $0x0  }
0x100: {  	[sflag:s21] =	ssyncadd.s32 $0xFFFFFF48  }
0x101: {  	[tilespmem:s12], [sflag:$0x1] =	stream.indirect.gather [hbm4b:s4+s11], $0x80, s13, s11, $0xb8;
	[tilespmem:$0x1F980] =	vst v63  }
0x102: {  	s3 =	rddreg [dreg:$0x16]  }
0x103: {  	[tilespmem:s2], [sflag:$0x5] =	stream.linear.gather [hbm4b:s3+s2], $0xB8, $0x38;
	[tilespmem:$0x1F980] =	vst v63  }
0x104: {  	s9 =	rddreg [dreg:$0x17]  }
0x105: {  	[tilespmem:s0], [sflag:$0x5] =	stream.linear.gather [hbm4b:s9+s2], $0xB8, $0x38;
	[tilespmem:$0x1F980] =	vst v63  }
0x106: {  	_ =	swait.ge [sflag:s22], $0x5C00  }
0x107: {  	[sflag:s22] =	ssyncset.done $0x0  }
0x108: {  	[sflag:s22] =	ssyncadd.s32 $0xFFFFA400  }
0x109: {  	[spmem:s1] =	stream.indirect.scatter.add.f32 [tilespmem:s16], [sflag:$0x4], $0x80, s8, s11, $0xb8;
	[tilespmem:$0x1F980] =	vst v63  }
0x10a: {  	_ =	swait.ge [sflag:s23], $0x5C00  }
0x10b: {  	[sflag:s23] =	ssyncset.done $0x0  }
0x10c: {  	[sflag:s23] =	ssyncadd.s32 $0xFFFFA400  }
0x10d: {  	_ =	swait.ge [sflag:s24], $0xB8  }
0x10e: {  	[sflag:s24] =	ssyncset.done $0x0  }
0x10f: {  	[sflag:s24] =	ssyncadd.s32 $0xFFFFFF48  }
0x110: {  	_ =	swait.ge [sflag:s24], $0xB8  }
0x111: {  	[sflag:s24] =	ssyncset.done $0x0  }
0x112: {  	[sflag:s24] =	ssyncadd.s32 $0xFFFFFF48  }
0x113: {  	[tilespmem:s16], [sflag:$0x2] =	stream.indirect.gather [hbm4b:s4+s11], $0x80, s17, s11, $0xb8;
	[tilespmem:$0x1F980] =	vst v63  }
0x114: {  	s28 =	rddreg [dreg:$0x18]  }
0x115: {  	[tilespmem:s7], [sflag:$0x6] =	stream.linear.gather [hbm4b:s28+s2], $0xB8, $0x38;
	[tilespmem:$0x1F980] =	vst v63  }
0x116: {  	s9 =	rddreg [dreg:$0x19]  }
0x117: {  	[tilespmem:s8], [sflag:$0x6] =	stream.linear.gather [hbm4b:s9+s2], $0xB8, $0x38;
	[tilespmem:$0x1F980] =	vst v63  }
0x118: {  	_ =	swait.ge [sflag:s19], $0x5C00  }
0x119: {  	[sflag:s19] =	ssyncset.done $0x0  }
0x11a: {  	[sflag:s19] =	ssyncadd.s32 $0xFFFFA400  }
0x11b: {  	[spmem:s1] =	stream.indirect.scatter.add.f32 [tilespmem:s12], [sflag:$0x3], $0x80, s14, s11, $0xb8;
	[tilespmem:$0x1F980] =	vst v63  }
0x11c: {  	_ =	swait.ge [sflag:s20], $0x5C00  }
0x11d: {  	[sflag:s20] =	ssyncset.done $0x0  }
0x11e: {  	[sflag:s20] =	ssyncadd.s32 $0xFFFFA400  }
0x11f: {  	_ =	swait.ge [sflag:s10], $0xB8  }
0x120: {  	[sflag:s10] =	ssyncset.done $0x0  }
0x121: {  	[sflag:s10] =	ssyncadd.s32 $0xFFFFFF48  }
0x122: {  	_ =	swait.ge [sflag:s10], $0xB8  }
0x123: {  	[sflag:s10] =	ssyncset.done $0x0  }
0x124: {  	[sflag:s10] =	ssyncadd.s32 $0xFFFFFF48  }
0x125: {  	[tilespmem:s12], [sflag:$0x1] =	stream.indirect.gather [hbm4b:s4+s11], $0x80, s2, s11, $0xb8;
	[tilespmem:$0x1F980] =	vst v63  }
0x126: {  	_ =	swait.ge [sflag:s22], $0x5C00  }
0x127: {  	[sflag:s22] =	ssyncset.done $0x0  }
0x128: {  	[sflag:s22] =	ssyncadd.s32 $0xFFFFA400  }
0x129: {  	[spmem:s1] =	stream.indirect.scatter.add.f32 [tilespmem:s16], [sflag:$0x4], $0x80, s18, s11, $0xb8;
	[tilespmem:$0x1F980] =	vst v63  }
0x12a: {  	_ =	swait.ge [sflag:s23], $0x5C00  }
0x12b: {  	[sflag:s23] =	ssyncset.done $0x0  }
0x12c: {  	[sflag:s23] =	ssyncadd.s32 $0xFFFFA400  }
0x12d: {  	_ =	swait.ge [sflag:s15], $0xB8  }
0x12e: {  	[sflag:s15] =	ssyncset.done $0x0  }
0x12f: {  	[sflag:s15] =	ssyncadd.s32 $0xFFFFFF48  }
0x130: {  	_ =	swait.ge [sflag:s15], $0xB8  }
0x131: {  	[sflag:s15] =	ssyncset.done $0x0  }
0x132: {  	[sflag:s15] =	ssyncadd.s32 $0xFFFFFF48  }
0x133: {  	[tilespmem:s16], [sflag:$0x2] =	stream.indirect.gather [hbm4b:s4+s11], $0x80, s7, s11, $0xb8;
	[tilespmem:$0x1F980] =	vst v63  }
0x134: {  	_ =	swait.ge [sflag:s19], $0x5C00  }
0x135: {  	[sflag:s19] =	ssyncset.done $0x0  }
0x136: {  	[sflag:s19] =	ssyncadd.s32 $0xFFFFA400  }
0x137: {  	[spmem:s1] =	stream.indirect.scatter.add.f32 [tilespmem:s12], [sflag:$0x3], $0x80, s0, s11, $0xb8;
	[tilespmem:$0x1F980] =	vst v63  }
0x138: {  	_ =	swait.ge [sflag:s22], $0x5C00  }
0x139: {  	[sflag:s22] =	ssyncset.done $0x0  }
0x13a: {  	[sflag:s22] =	ssyncadd.s32 $0xFFFFA400  }
0x13b: {  	[spmem:s1] =	stream.indirect.scatter.add.f32 [tilespmem:s16], [sflag:$0x4], $0x80, s8, s11, $0xb8;
	[tilespmem:$0x1F980] =	vst v63  }
0x13c: {  	_ =	swait.ge [sflag:s20], $0x5C00  }
0x13d: {  	[sflag:s20] =	ssyncset.done $0x0  }
0x13e: {  	[sflag:s20] =	ssyncadd.s32 $0xFFFFA400  }
0x13f: {  	_ =	swait.ge [sflag:s23], $0x5C00  }
0x140: {  	[sflag:s23] =	ssyncset.done $0x0  }
0x141: {  	s9 =	simm.s32 $0xC000;
	s28 =	rddreg [dreg:$0x1c];
	[sflag:s23] =	ssyncadd.s32 $0xFFFFA400  }
0x142: {  	[tilespmem:s9], [sflag:$0x9] =	stream.linear.gather [hbm4b:s28+s2], $0x40, $0x38;
	[tilespmem:$0x1F980] =	vst v63  }
0x143: {  	_ =	swait.ge [sflag:s26], $0x40  }
0x144: {  	[sflag:s26] =	ssyncset.done $0x0  }
0x145: {  	s28 =	simm.s32 $0xC080;
	s3 =	rddreg [dreg:$0x1d];
	[sflag:s26] =	ssyncadd.s32 $0xFFFFFFC0  }
0x146: {  	[tilespmem:s28], [sflag:$0x9] =	stream.linear.gather [hbm4b:s3+s2], $0x40, $0x38;
	[tilespmem:$0x1F980] =	vst v63  }
0x147: {  	_ =	swait.ge [sflag:s26], $0x40  }
0x148: {  	[sflag:s26] =	ssyncset.done $0x0  }
0x149: {  	s3 =	simm.s32 $0x40;
	[sflag:s26] =	ssyncadd.s32 $0xFFFFFFC0  }
0x14a: {  	[tilespmem:s12], [sflag:$0x1] =	stream.indirect.gather [hbm4b:s4+s3], $0x80, s9, s3, $0xb8;
	[tilespmem:$0x1F980] =	vst v63  }
0x14b: {  	_ =	swait.ge [sflag:s19], $0x2000  }
0x14c: {  	[sflag:s19] =	ssyncset.done $0x0  }
0x14d: {  	[sflag:s19] =	ssyncadd.s32 $0xFFFFE000  }
0x14e: {  	[spmem:s1] =	stream.indirect.scatter.add.f32 [tilespmem:s12], [sflag:$0x9], $0x80, s28, s3, $0xb8;
	[tilespmem:$0x1F980] =	vst v63  }
0x14f: {  	_ =	swait.ge [sflag:s26], $0x2000  }
0x150: {  	[sflag:s26] =	ssyncset.done $0x0  }
0x151: {  	[sflag:s26] =	ssyncadd.s32 $0xFFFFE000  }
0x152: {  	s29 =	stileid.u32;
	[bflag:$0x0] =	sbarrier.arrive $0xFFFF  }
0x153: {  	s9 =	sshll.u32 s29, $0x6;
	s30 =	rddreg [dreg:$0xc]  }
0x154: {  	s3 =	sor.u32 $0x1C09, s9;
	s28 =	rddreg [dreg:$0x11];
	s9 =	sshrl.u32 s30, $0x3  }
0x155: {  	[hbm:s28], [sflag:s3] =	dma.local [spmem:s9], $0x2700  }
0x156: {  	_ =	swait.ge [sflag:s26], $0x2700  }
0x157: {  	[sflag:s26] =	ssyncset.done $0x0  }
0x158: {  	s9 =	sshrl.u32 @!p4 s31, $0x3;
	s28 =	rddreg [dreg:$0x1e];
	[sflag:s26] =	ssyncadd.s32 $0xFFFFD900  }
0x159: {  	[hbm:s28], [sflag:s3] =	dma.local @!p4 [spmem:s9], $0x100  }
0x15a: {  	s3 =	simm.s32 @!p4 $0x9  }
0x15b: {  	_ =	swait.ge @!p4 [sflag:s3], $0x100  }
0x15c: {  	s25 =	sadd.s32 $0x1, s25;
	s28 =	rddreg [dreg:$0x1f]  }
0x15d: {  	p5 =	sne.s32 s25, s28  }
.Ltmp1:
0x15e: {  	_ = 	snop;
	(pc) =	sbr.rel @p5 .LBB2_1-.Ltmp1, $3  }
0x15f: {  	_ =	sdelay $0x1  }
0x160: {  	[sflag:s3] =	ssyncset.done @!p4 $0x0  }
0x161: {  	[sflag:s3] =	ssyncadd.s32 @!p4 $0xFFFFFF00  }
0x162: {  	_ =	sfence.sel $0x180000  }
0x163: {  	[bflag:$0x0] =	sbarrier.arrive $0xFFFF  }
0x164: {  	_ =	strace $0x9000004A  }
0x165: {  	[bflag:$0x2] =	sbarrier.arrive $0xFFFF  }
0x166: {  	s0 =	rddreg [dreg:$0x3]  }
0x167: {  	s0 =	sadd.s32 @!p4 $0x100000, s0  }
0x168: {  	[sflag:s0] =	ssyncadd.tile.s32 @!p4 $0x1;
	_ =	shalt  }
.Lfunc_end2:
_tile_overlayer_lowered:
.L_overlay_start_2:
0x169: {  	(tag) =	ssettag $0x2  }
0x16a: {  	s0 =	rddreg [dreg:$0x0];
	s2 =	stileid.u32  }
0x16b: {  	s1 =	rddreg [dreg:$0x1];
	p0 =	sne.s32 s2, $0x0  }
0x16c: {  	s3 =	rddreg [dreg:$0x2];
	[bflag:$0x3] =	sbarrier.arrive $0xFFFF;
	s2 =	simm.s32 @!p0 $0x1C09  }
0x16d: {  	[timem:s3], [sflag:s2] =	dma.local @!p0 [hbm:s0], s1  }
0x16e: {  	s0 =	simm.s32 @!p0 $0x9  }
0x16f: {  	_ =	swait.ge @!p0 [sflag:s0], s1  }
0x170: {  	s1 =	ssub.s32 @!p0 $0x0, s1;
	[sflag:s0] =	ssyncset.done @!p0 $0x0  }
0x171: {  	[sflag:s0] =	ssyncadd.s32 @!p0 s1  }
0x172: {  	[bflag:$0x3] =	sbarrier.arrive $0xFFFF  }
0x173: {  	_ =	shalt  }

// kernel: kernel.14.cloned.1.call-start
scs
__scs_entry_jumppad:
0x0: {  	(pc) =	sbr.rel $0x88, $3  }
0x1: {  	(tag) =	ssettag $0x0;
	lr =	simm.s32 $0x1  }
0x2: {  	[smem:$0x3F95] =	sst lr;
	_ =	strace $0xD0000000  }
0x3: {  	_ = 	snop  }
0x4: {  	_ = 	snop  }
0x5: {  	_ = 	snop  }
0x6: {  	_ = 	snop  }
0x7: {  	_ = 	snop  }
__scs_overlays_trampoline_lowered:
0x8: {  	[smem:$0x3FA4] =	sst s0  }
0x9: {  	[smem:$0x3FA5] =	sst s1  }
0xa: {  	[smem:$0x3FA6] =	sst s2  }
0xb: {  	[smem:$0x3FA7] =	sst s3  }
0xc: {  	[smem:$0x3FA8] =	sst s4  }
0xd: {  	[smem:$0x3FA9] =	sst s5  }
0xe: {  	[smem:$0x3FAA] =	sst s6  }
0xf: {  	[smem:$0x3FAB] =	sst s7  }
0x10: {  	[smem:$0x3FAC] =	sst s8  }
0x11: {  	[smem:$0x3FAD] =	sst s9;
	s0 =	simm.s32 @!p0 $0x0  }
0x12: {  	s1 =	sld [smem:$0x3F93];
	s0 =	simm.s32 @p0 $0x1  }
0x13: {  	[smem:$0x3FAE] =	sst s0;
	s0 =	simm.s32 @!p1 $0x0  }
0x14: {  	s2 =	sld [smem:$0x3F92];
	s0 =	simm.s32 @p1 $0x1  }
0x15: {  	[smem:$0x3FAF] =	sst s0;
	s0 =	simm.s32 @!p2 $0x0  }
0x16: {  	s3 =	sld [smem:$0x3FDB];
	s0 =	simm.s32 @p2 $0x1  }
0x17: {  	s4 =	simm.s32 $0x1BF5;
	[smem:$0x3FB1] =	sst s0  }
0x18: {  	s0 =	sld [smem:$0x3F94];
	_ =	swait.ge [sflag:s4], $0x0  }
0x19: {  	s7 =	sld [smem:$0x3F95]  }
0x1a: {  	s8 =	sadd.s32 $0xFFFFE003, lr  }
0x1b: {  	s9 =	sadd.s32 $0xFFFFFEF7, lr;
	s5 =	simm.s32 $0xFFFFFFFF;
	p2 =	slt.u32 s8, $0xFFFFF086  }
0x1c: {  	p1 =	slt.u32 s9, $0xF7A;
	s5 =	simm.s32 @!p2 $0x0  }
0x1d: {  	s5 =	simm.s32 @p1 $0x1;
	p0 =	seq.s32 s7, s2  }
0x1e: {  	s7 =	smul.u32 @!p0 $0xF7A, s2;
	p2 =	seq.s32 @!p0 s5, $0x0  }
0x1f: {  	s9 =	smul.u32 $0xF7A, s1;
	s8 =	simm.s32 @!p0 $0x1BF5;
	p2 =	por !p2, p0  }
0x20: {  	[sflag:s8] =	ssyncset.s32 @!p0 $0xFFFFF086;
	s6 =	sadd.s32 @!p0 s3, s7;
	s7 =	simm.s32 @!p0 $0x108  }
0x21: {  	s3 =	sadd.s32 s3, s9;
	s6 =	sadd.s32 @!p0 $0x88, s6;
	s7 =	simm.s32 @p2 $0x1082  }
0x22: {  	[simem:s7], [sflag:s8] =	dma.local @!p0 [hbm:s6], $0xF7A  }
0x23: {  	s9 =	sor.u32 $0xD0000000, s2;
	s6 =	simm.s32 $0x108;
	_ =	swait.ge @!p0 [sflag:s8], $0x0  }
0x24: {  	s3 =	sadd.s32 $0x88, s3;
	s6 =	simm.s32 @!p1 $0x1082;
	[sflag:s4] =	ssyncset.s32 $0xFFFFF086  }
0x25: {  	[simem:s6], [sflag:s4] =	dma.local [hbm:s3], $0xF7A  }
0x26: {  	[smem:$0x3F95] =	sst s1;
	(tag) =	ssettag s2;
	_ =	strace s9  }
0x27: {  	s1 =	sld [smem:$0x3FA5]  }
0x28: {  	s2 =	sld [smem:$0x3FA6]  }
0x29: {  	s4 =	sld [smem:$0x3FA8]  }
0x2a: {  	p0 =	seq.s32 s5, $0x0;
	s5 =	sld [smem:$0x3FA9]  }
0x2b: {  	s6 =	sld [smem:$0x3FAA]  }
0x2c: {  	s7 =	sld [smem:$0x3FAB]  }
0x2d: {  	s3 =	simm.s32 $0x108;
	s8 =	sld [smem:$0x3FAC]  }
0x2e: {  	s3 =	simm.s32 @!p0 $0x1082;
	s9 =	sld [smem:$0x3FAD]  }
0x2f: {  	lr =	sadd.s32 s0, s3;
	s0 =	sld [smem:$0x3FA4]  }
0x30: {  	s3 =	sld [smem:$0x3FA7]  }
0x31: {  	[smem:$0x3FB0] =	sst s10  }
0x32: {  	s10 =	sld [smem:$0x3FAE];
	_ =	sdelay $0x3  }
0x33: {  	p0 =	seq.s32 s10, $0x1;
	s10 =	sld [smem:$0x3FB0];
	_ =	sdelay $0x3  }
0x34: {  	[smem:$0x3FB0] =	sst s10  }
0x35: {  	s10 =	sld [smem:$0x3FAF];
	_ =	sdelay $0x3  }
0x36: {  	p1 =	seq.s32 s10, $0x1;
	s10 =	sld [smem:$0x3FB0];
	_ =	sdelay $0x3  }
0x37: {  	[smem:$0x3FB0] =	sst s10  }
0x38: {  	s10 =	sld [smem:$0x3FB1]  }
0x39: {  	_ = 	snop;
	(pc) =	sbr.ind lr, $3  }
0x3a: {  	_ = 	snop  }
0x3b: {  	_ = 	snop  }
0x3c: {  	p2 =	seq.s32 s10, $0x1;
	s10 =	sld [smem:$0x3FB0]  }
0x3d: {  	_ =	shalt  }
0x3e: {  	_ =	shalt  }
0x3f: {  	_ =	shalt  }
0x40: {  	_ =	shalt  }
0x41: {  	_ =	shalt  }
0x42: {  	_ =	shalt  }
0x43: {  	_ =	shalt  }
0x44: {  	_ =	shalt  }
0x45: {  	_ =	shalt  }
0x46: {  	_ =	shalt  }
0x47: {  	_ =	shalt  }
0x48: {  	_ =	shalt  }
0x49: {  	_ =	shalt  }
0x4a: {  	_ =	shalt  }
0x4b: {  	_ =	shalt  }
0x4c: {  	_ =	shalt  }
0x4d: {  	_ =	shalt  }
0x4e: {  	_ =	shalt  }
0x4f: {  	_ =	shalt  }
0x50: {  	_ =	shalt  }
0x51: {  	_ =	shalt  }
0x52: {  	_ =	shalt  }
0x53: {  	_ =	shalt  }
0x54: {  	_ =	shalt  }
0x55: {  	_ =	shalt  }
0x56: {  	_ =	shalt  }
0x57: {  	_ =	shalt  }
0x58: {  	_ =	shalt  }
0x59: {  	_ =	shalt  }
0x5a: {  	_ =	shalt  }
0x5b: {  	_ =	shalt  }
0x5c: {  	_ =	shalt  }
0x5d: {  	_ =	shalt  }
0x5e: {  	_ =	shalt  }
0x5f: {  	_ =	shalt  }
0x60: {  	_ =	shalt  }
0x61: {  	_ =	shalt  }
0x62: {  	_ =	shalt  }
0x63: {  	_ =	shalt  }
0x64: {  	_ =	shalt  }
0x65: {  	_ =	shalt  }
0x66: {  	_ =	shalt  }
0x67: {  	_ =	shalt  }
0x68: {  	_ =	shalt  }
0x69: {  	_ =	shalt  }
0x6a: {  	_ =	shalt  }
0x6b: {  	_ =	shalt  }
0x6c: {  	_ =	shalt  }
0x6d: {  	_ =	shalt  }
0x6e: {  	_ =	shalt  }
0x6f: {  	_ =	shalt  }
0x70: {  	_ =	shalt  }
0x71: {  	_ =	shalt  }
0x72: {  	_ =	shalt  }
0x73: {  	_ =	shalt  }
0x74: {  	_ =	shalt  }
0x75: {  	_ =	shalt  }
0x76: {  	_ =	shalt  }
0x77: {  	_ =	shalt  }
0x78: {  	_ =	shalt  }
0x79: {  	_ =	shalt  }
0x7a: {  	_ =	shalt  }
0x7b: {  	_ =	shalt  }
0x7c: {  	_ =	shalt  }
0x7d: {  	_ =	shalt  }
0x7e: {  	_ =	shalt  }
0x7f: {  	_ =	shalt  }
0x80: {  	_ =	shalt  }
0x81: {  	_ =	shalt  }
0x82: {  	_ =	shalt  }
0x83: {  	_ =	shalt  }
0x84: {  	_ =	shalt  }
0x85: {  	_ =	shalt  }
0x86: {  	_ =	shalt  }
0x87: {  	_ =	shalt  }
.Lfunc_end0:
.L_simem_size_0:
called_computation.2_lowered:
.L_overlay_start_0:
0x88: {  	s2 =	sld [smem:$0x3FD9]  }
0x89: {  	s3 =	sld [smem:$0x3FFE];
	_ =	sdelay $0x1  }
0x8a: {  	s1 =	srdreg.scid  }
0x8b: {  	s0 =	sand.u32 $0x1, s1  }
0x8c: {  	s17 =	sshll.u32 s0, $0xA;
	s2 =	sadd.s32 s3, s2  }
0x8d: {  	s2 =	sadd.s32 s2, s17  }
0x8e: {  	[smem:$0x3FBC] =	sst s2  }
0x8f: {  	_ = 	snop  }
0x90: {  	s2 =	sld [smem:$0x3FD0];
	(tm) =	ssettm $0x1  }
0x91: {  	s18 =	sld [smem:$0x3FFB];
	_ =	sdelay $0x3  }
0x92: {  	_ =	strace s18  }
0x93: {  	s3 =	sld [smem:$0x3FFC];
	_ =	sdelay $0x3  }
0x94: {  	_ =	strace s3  }
0x95: {  	s3 =	sld [smem:$0x3FFD];
	_ =	sdelay $0x3  }
0x96: {  	_ =	strace s3  }
0x97: {  	_ =	strace $0x8FFFFFFF  }
0x98: {  	s19 =	sld [smem:$0x3FDB];
	_ =	sdelay $0x1  }
0x99: {  	s4 =	simm.s32 $_scs_section_size  }
0x9a: {  	s5 =	simm.s32 $_size__tile_overlayer_lowered;
	s6 =	simm.s32 $_tile_overlayer_lowered  }
0x9b: {  	s22 =	simm.s32 $0x1BFF;
	s21 =	sshll.u32 s6, $0x1;
	s3 =	sadd.s32 s4, s19  }
0x9c: {  	s7 =	simm.s32 $0x0;
	s20 =	sshll.u32 s5, $0x1;
	s5 =	sadd.s32 s21, s3  }
0x9d: {  	[timem:s7], [sflag:s22] =	dma.local [hbm:s5], s20  }
0x9e: {  	_ =	swait.ge [sflag:s22], s20  }
0x9f: {  	s4 =	ssub.s32 $0x0, s20;
	[sflag:s22] =	ssyncset.done $0x0  }
0xa0: {  	[sflag:s22] =	ssyncadd.s32 s4;
	_ =	sdelay $0x1  }
0xa1: {  	s23 =	simm.s32 $0x1B8B  }
0xa2: {  	_ =	swait.ge [sflag:s23], $0x1  }
0xa3: {  	[sflag:s23] =	ssyncset.done $0x0  }
0xa4: {  	s25 =	simm.s32 $0x1B8E;
	s24 =	sld [smem:$0x3FFE];
	[sflag:s23] =	ssyncadd.s32 $0xFFFFFFFF  }
0xa5: {  	s26 =	simm.s32 $execute0_lowered;
	[smem:$0x3FD2] =	sst s25  }
0xa6: {  	s5 =	sshll.u32 s26, $0x1;
	_ =	strace $0x8000004C;
	[dreg:$0x1] =	wrdreg $0xFFFFFFFF  }
0xa7: {  	s28 =	simm.s32 $_size_execute0_lowered;
	s3 =	sadd.s32 s3, s5;
	[dreg:$0x0] =	wrdreg $0x0  }
0xa8: {  	s5 =	sshll.u32 s28, $0x1;
	[dreg:$0x2] =	wrdreg s3  }
0xa9: {  	[dreg:$0x3] =	wrdreg s5  }
0xaa: {  	[dreg:$0x4] =	wrdreg $0xC0  }
0xab: {  	_ =	task [dreg:s7], $0x5FFFF  }
0xac: {  	[dreg:$0x1] =	wrdreg $0xFFFFFFFF  }
0xad: {  	[dreg:$0x0] =	wrdreg $0x60  }
0xae: {  	[dreg:$0x2] =	wrdreg s24  }
0xaf: {  	[dreg:$0x3] =	wrdreg s2  }
0xb0: {  	[dreg:$0x4] =	wrdreg $0xC1000  }
0xb1: {  	[dreg:$0x5] =	wrdreg $0x9  }
0xb2: {  	_ =	task.clear_ibuf [dreg:s7], $0x6FFFF;
	_ =	strace $0x9000004C  }
0xb3: {  	s29 =	simm.s32 $0x9;
	_ =	strace $0x8000004E  }
0xb4: {  	_ =	swait.ge [sflag:s29], $0x1  }
0xb5: {  	[sflag:s29] =	ssyncadd.s32 $0xFFFFFFFF  }
0xb6: {  	_ =	strace $0x9000004E  }
0xb7: {  	_ =	sfence  }
0xb8: {  	s30 =	sld [smem:$0x0];
	_ =	sdelay $0x2  }
0xb9: {  	s31 =	sshll.u32 s1, $0xD;
	s1 =	sshrl.u32 s1, $0x2  }
0xba: {  	s3 =	sand.u32 $0x4000, s31;
	s1 =	sadd.s32 s1, s30  }
0xbb: {  	s0 =	sor.u32 s3, s0;
	s1 =	sshll.u32 s1, $0x11  }
0xbc: {  	s0 =	sor.u32 s1, s0  }
0xbd: {  	s0 =	sadd.s32 $0x8F2B, s0  }
0xbe: {  	[sflag:s0] =	ssyncadd.remote.s32 $0x1  }
0xbf: {  	_ =	sfence.sel $0xFFFF  }
0xc0: {  	[dreg:$0x0] =	wrdreg $0xFFFFFFFF;
	(pc) =	sbr.abs _section_cstart, $3  }
0xc1: {  	[dreg:$0x1] =	wrdreg $0xFFFFFFFF  }
0xc2: {  	_ =	task.clear_ibuf [dreg:s7], $0x2FFFF;
	_ =	strace $0x9FFFFFFF  }
0xc3: {  	(tm) =	ssettm $0x7FFFFFFF  }
tec
execute0_lowered:
.L_overlay_start_1:
0x0: {  	(tag) =	ssettag $0x1  }
0x1: {  	s7 =	rddreg [dreg:$0x0]  }
0x2: {  	s8 =	rddreg [dreg:$0x1]  }
0x3: {  	s1 =	rddreg [dreg:$0x2];
	s2 =	simm.s32 $0x0;
	s0 =	srdreg.scid  }
0x4: {  	s29 =	stileid.u32;
	[smem:$0x7FF] =	sst s2;
	s3 =	sand.u32 $0x1, s0  }
0x5: {  	s20 =	sshll.u32 s29, $0x1;
	s4 =	sadd.s32 $0x15E00, s7;
	s12 =	smul.u32 $0x4E000, s29  }
0x6: {  	s5 =	sadd.s32 $0xC000, s7;
	s6 =	sadd.s32 $0x2200, s7;
	s14 =	smul.u32 $0x2700, s29  }
0x7: {  	s11 =	sadd.s32 $0x3D000, s7;
	s23 =	smul.u32 $0x4E20, s29;
	p1 =	seq.s32 s29, $0x0  }
0x8: {  	s7 =	sadd.s32 $0x3CE00, s7;
	s18 =	smul.u32 $0x13800, s29;
	p4 =	sne.s32 s29, $0x0  }
0x9: {  	s31 =	sadd.s32 $0x138000, s1;
	_ =	strace $0x8000004D;
	s0 =	sor.u32 s3, s20  }
0xa: {  	s9 =	ssub.s32 $0x2, s3;
	s24 =	smul.u32 $0x2710, s3;
	p0 =	seq.s32 s3, $0x1  }
0xb: {  	[dreg:$0xf] =	wrdreg s7;
	p2 =	sne.s32 s3, $0x0;
	s10 =	smul.u32 $0x2710, s0  }
0xc: {  	s21 =	sshrl.u32 s9, $0x1;
	s12 =	sshrl.u32 s12, $0x2;
	s25 =	sadd.s32 s4, s14  }
0xd: {  	s26 =	sadd.s32 s8, s14;
	s14 =	sor.u32 s3, s29;
	p1 =	por !p1, !p0  }
0xe: {  	s8 =	sadd.s32 $0x27000, s8;
	s0 =	ssub.s32 s9, s21;
	[dreg:$0xd] =	wrdreg s25  }
0xf: {  	s30 =	sadd.s32 s12, s1;
	[dreg:$0xe] =	wrdreg s26;
	s12 =	sadd.s32 s24, s23  }
0x10: {  	p1 =	por !p1, !p1;
	[dreg:$0x10] =	wrdreg s8;
	p3 =	sne.s32 s14, $0x0  }
0x11: {  	s14 =	simm.s32 $0x600;
	s22 =	sadd.s32 $0xB8, s10;
	s13 =	sshrl.u32 s10, $0x3  }
0x12: {  	s28 =	sadd.s32 $0x508, s12;
	s19 =	sadd.s32 $0x450, s12;
	s21 =	sadd.s32 $0x398, s12  }
0x13: {  	s0 =	smax.u32 s0, $0x1;
	[dreg:$0xc] =	wrdreg s30;
	s9 =	sshrl.u32 s22, $0x3  }
0x14: {  	s26 =	sadd.s32 $0x228, s10;
	[dreg:$0x1f] =	wrdreg s0;
	s15 =	sadd.s32 s5, s9  }
0x15: {  	s7 =	sshrl.u32 s28, $0x3;
	s9 =	sadd.s32 s6, s9;
	[dreg:$0xa] =	wrdreg s15  }
0x16: {  	s17 =	sadd.s32 $0x2E, s13;
	s16 =	sadd.s32 s7, s6;
	[dreg:$0xb] =	wrdreg s9  }
0x17: {  	s0 =	simm.s32 $0x400;
	s7 =	sadd.s32 s7, s5;
	[dreg:$0x4] =	wrdreg s16  }
0x18: {  	s25 =	sadd.s32 s5, s17;
	s28 =	sadd.s32 s6, s17;
	[dreg:$0x5] =	wrdreg s7  }
0x19: {  	s17 =	sadd.s32 $0x4AC, s13;
	s9 =	smul.u32 $0x138800, s3;
	[dreg:$0x12] =	wrdreg s25  }
0x1a: {  	s16 =	sshrl.u32 s19, $0x3;
	[dreg:$0x13] =	wrdreg s28;
	s19 =	sadd.s32 s5, s17  }
0x1b: {  	s7 =	sshrl.u32 s21, $0x3;
	s3 =	sadd.s32 s6, s17;
	[dreg:$0x16] =	wrdreg s19  }
0x1c: {  	s28 =	sadd.s32 $0x2E0, s12;
	s12 =	simm.s32 $0x800;
	[dreg:$0x17] =	wrdreg s3  }
0x1d: {  	s17 =	simm.s32 $0x300;
	s20 =	sadd.s32 s16, s6;
	[smem:$0x7FD] =	sst s28  }
0x1e: {  	s23 =	sadd.s32 s16, s5;
	s24 =	sadd.s32 s7, s6;
	[dreg:$0x6] =	wrdreg s20  }
0x1f: {  	s7 =	sadd.s32 s7, s5;
	s19 =	simm.s32 $0x1;
	[dreg:$0x7] =	wrdreg s23  }
0x20: {  	s8 =	sadd.s32 s18, s9;
	s22 =	sshrl.u32 s9, $0x3;
	[dreg:$0x8] =	wrdreg s24  }
0x21: {  	[dreg:$0x9] =	wrdreg s7;
	s18 =	sadd.s32 $0x2618, s10;
	s23 =	sadd.s32 s6, s13  }
0x22: {  	s24 =	sadd.s32 $0x4DA, s13;
	s10 =	simm.s32 $0x5;
	s8 =	sshrl.u32 s8, $0x3  }
0x23: {  	s7 =	sshrl.u32 s18, $0x3;
	[dreg:$0x1b] =	wrdreg s23;
	s25 =	sadd.s32 s5, s24  }
0x24: {  	s3 =	sadd.s32 s6, s24;
	s18 =	simm.s32 $0x700;
	s23 =	simm.s32 $0x4  }
0x25: {  	s24 =	simm.s32 $0x8;
	s8 =	sadd.s32 s11, s8;
	[dreg:$0x1c] =	wrdreg s25  }
0x26: {  	s20 =	sadd.s32 s5, s7;
	s21 =	sadd.s32 s6, s7;
	[dreg:$0x1d] =	wrdreg s3  }
0x27: {  	s7 =	simm.s32 $0x100;
	s25 =	simm.s32 $0x0;
	[dreg:$0x11] =	wrdreg s8  }
0x28: {  	s8 =	sadd.s32 s11, s22;
	s11 =	sshrl.u32 s26, $0x3;
	[dreg:$0x18] =	wrdreg s20  }
0x29: {  	[dreg:$0x19] =	wrdreg s21;
	s22 =	sadd.s32 s5, s13;
	s13 =	simm.s32 $0x200  }
0x2a: {  	s20 =	simm.s32 $0x3;
	s15 =	sadd.s32 s5, s11;
	[dreg:$0x1a] =	wrdreg s22  }
0x2b: {  	s21 =	simm.s32 $0x7;
	s16 =	sadd.s32 s6, s11;
	[dreg:$0x14] =	wrdreg s15  }
0x2c: {  	s26 =	sadd.s32 $0x27000, s8;
	s8 =	simm.s32 $0x500;
	[dreg:$0x15] =	wrdreg s16  }
0x2d: {  	s11 =	simm.s32 $0xB8;
	s22 =	simm.s32 $0x2;
	[dreg:$0x1e] =	wrdreg s26  }
0x2e: {  	s15 =	simm.s32 $0x6;
	s16 =	simm.s32 $0x6400;
	s26 =	simm.s32 $0x9  }
.LBB2_1:
0x2f: {  	s3 =	rddreg [dreg:$0x1a]  }
0x30: {  	[tilespmem:s2], [sflag:$0x5] =	stream.linear.gather [hbm4b:s3+s2], $0xB8, $0x38;
	[tilespmem:$0x1F980] =	vst v63  }
0x31: {  	s9 =	rddreg [dreg:$0x1b]  }
0x32: {  	[tilespmem:s0], [sflag:$0x5] =	stream.linear.gather [hbm4b:s9+s2], $0xB8, $0x38;
	[tilespmem:$0x1F980] =	vst v63  }
0x33: {  	s9 =	rddreg [dreg:$0xa]  }
0x34: {  	[tilespmem:s7], [sflag:$0x6] =	stream.linear.gather [hbm4b:s9+s2], $0xB8, $0x38;
	[tilespmem:$0x1F980] =	vst v63  }
0x35: {  	s3 =	sshll.u32 @!p2 s29, $0x6;
	s9 =	rddreg [dreg:$0xb]  }
0x36: {  	[tilespmem:s8], [sflag:$0x6] =	stream.linear.gather [hbm4b:s9+s2], $0xB8, $0x38;
	[tilespmem:$0x1F980] =	vst v63  }
0x37: {  	s28 =	sshrl.u32 @!p2 s30, $0x3;
	s3 =	sor.u32 @!p2 $0x1C09, s3;
	s9 =	rddreg [dreg:$0xd]  }
0x38: {  	[spmem:s28], [sflag:s3] =	dma.local @!p2 [hbm:s9], $0x2700  }
0x39: {  	s3 =	simm.s32 @!p2 $0x9  }
0x3a: {  	_ =	swait.ge @!p2 [sflag:s3], $0x2700  }
0x3b: {  	s28 =	sshll.u32 @p0 s29, $0x6;
	[sflag:s3] =	ssyncset.done @!p2 $0x0;
	s9 =	rddreg [dreg:$0xe]  }
0x3c: {  	[sflag:s3] =	ssyncadd.s32 @!p2 $0xFFFFD900;
	s3 =	sor.u32 @p0 $0x1C09, s28;
	s28 =	sshrl.u32 @p0 s30, $0x3  }
0x3d: {  	[spmem:s28], [sflag:s3] =	dma.local @p0 [hbm:s9], $0x2700  }
0x3e: {  	s3 =	simm.s32 @p0 $0x9  }
0x3f: {  	_ =	swait.ge @p0 [sflag:s3], $0x2700  }
0x40: {  	s28 =	sshll.u32 @!p3 s29, $0x6;
	[sflag:s3] =	ssyncset.done @p0 $0x0;
	s9 =	rddreg [dreg:$0xf]  }
0x41: {  	[sflag:s3] =	ssyncadd.s32 @p0 $0xFFFFD900;
	s3 =	sor.u32 @!p3 $0x1C09, s28;
	s28 =	sshrl.u32 @!p3 s31, $0x3  }
0x42: {  	[spmem:s28], [sflag:s3] =	dma.local @!p3 [hbm:s9], $0x100  }
0x43: {  	s3 =	simm.s32 @!p3 $0x9  }
0x44: {  	_ =	swait.ge @!p3 [sflag:s3], $0x100  }
0x45: {  	s28 =	simm.s32 @p1 $0x1C09;
	[sflag:s3] =	ssyncset.done @!p3 $0x0  }
0x46: {  	s9 =	rddreg [dreg:$0x10];
	[sflag:s3] =	ssyncadd.s32 @!p3 $0xFFFFFF00;
	s3 =	sshrl.u32 @p1 s31, $0x3  }
0x47: {  	[spmem:s3], [sflag:s28] =	dma.local @p1 [hbm:s9], $0x100  }
0x48: {  	s3 =	simm.s32 @p1 $0x9  }
0x49: {  	_ =	swait.ge @p1 [sflag:s3], $0x100  }
0x4a: {  	[sflag:s3] =	ssyncset.done @p1 $0x0  }
0x4b: {  	[sflag:s3] =	ssyncadd.s32 @p1 $0xFFFFFF00  }
0x4c: {  	[bflag:$0x0] =	sbarrier.arrive $0xFFFF  }
0x4d: {  	_ =	swait.ge [sflag:s10], $0xB8  }
0x4e: {  	[sflag:s10] =	ssyncset.done $0x0  }
0x4f: {  	[sflag:s10] =	ssyncadd.s32 $0xFFFFFF48  }
0x50: {  	_ =	swait.ge [sflag:s10], $0xB8  }
0x51: {  	[sflag:s10] =	ssyncset.done $0x0  }
0x52: {  	[sflag:s10] =	ssyncadd.s32 $0xFFFFFF48  }
0x53: {  	[tilespmem:s12], [sflag:$0x1] =	stream.indirect.gather [hbm4b:s4+s11], $0x80, s2, s11, $0xb8;
	[tilespmem:$0x1F980] =	vst v63  }
0x54: {  	s30 =	rddreg [dreg:$0x12]  }
0x55: {  	[tilespmem:s13], [sflag:$0x7] =	stream.linear.gather [hbm4b:s30+s2], $0xB8, $0x38;
	[tilespmem:$0x1F980] =	vst v63  }
0x56: {  	s9 =	rddreg [dreg:$0x13]  }
0x57: {  	[tilespmem:s14], [sflag:$0x7] =	stream.linear.gather [hbm4b:s9+s2], $0xB8, $0x38;
	[tilespmem:$0x1F980] =	vst v63  }
0x58: {  	_ =	swait.ge [sflag:s15], $0xB8  }
0x59: {  	[sflag:s15] =	ssyncset.done $0x0  }
0x5a: {  	[sflag:s15] =	ssyncadd.s32 $0xFFFFFF48  }
0x5b: {  	_ =	swait.ge [sflag:s15], $0xB8  }
0x5c: {  	[sflag:s15] =	ssyncset.done $0x0  }
0x5d: {  	[sflag:s15] =	ssyncadd.s32 $0xFFFFFF48  }
0x5e: {  	[tilespmem:s16], [sflag:$0x2] =	stream.indirect.gather [hbm4b:s4+s11], $0x80, s7, s11, $0xb8;
	[tilespmem:$0x1F980] =	vst v63  }
0x5f: {  	s30 =	rddreg [dreg:$0x14]  }
0x60: {  	[tilespmem:s17], [sflag:$0x8] =	stream.linear.gather [hbm4b:s30+s2], $0xB8, $0x38;
	[tilespmem:$0x1F980] =	vst v63  }
0x61: {  	s9 =	rddreg [dreg:$0x15]  }
0x62: {  	[tilespmem:s18], [sflag:$0x8] =	stream.linear.gather [hbm4b:s9+s2], $0xB8, $0x38;
	[tilespmem:$0x1F980] =	vst v63  }
0x63: {  	_ =	swait.ge [sflag:s19], $0x5C00  }
0x64: {  	[sflag:s19] =	ssyncset.done $0x0  }
0x65: {  	[sflag:s19] =	ssyncadd.s32 $0xFFFFA400  }
0x66: {  	[spmem:s1] =	stream.indirect.scatter.add.f32 [tilespmem:s12], [sflag:$0x3], $0x80, s0, s11, $0xb8;
	[tilespmem:$0x1F980] =	vst v63  }
0x67: {  	_ =	swait.ge [sflag:s20], $0x5C00  }
0x68: {  	[sflag:s20] =	ssyncset.done $0x0  }
0x69: {  	[sflag:s20] =	ssyncadd.s32 $0xFFFFA400  }
0x6a: {  	_ =	swait.ge [sflag:s21], $0xB8  }
0x6b: {  	[sflag:s21] =	ssyncset.done $0x0  }
0x6c: {  	[sflag:s21] =	ssyncadd.s32 $0xFFFFFF48  }
0x6d: {  	_ =	swait.ge [sflag:s21], $0xB8  }
0x6e: {  	[sflag:s21] =	ssyncset.done $0x0;
	s9 =	sld [smem:$0x7FD]  }
0x6f: {  	[sflag:s21] =	ssyncadd.s32 $0xFFFFFF48  }
0x70: {  	[tilespmem:s12], [sflag:$0x1] =	stream.indirect.gather [hbm4b:s4+s11], $0x80, s13, s11, $0xb8;
	[tilespmem:$0x1F980] =	vst v63  }
0x71: {  	s30 =	sshrl.u32 s9, $0x3  }
0x72: {  	s28 =	sadd.s32 s5, s30  }
0x73: {  	[tilespmem:s2], [sflag:$0x5] =	stream.linear.gather [hbm4b:s28+s2], $0xB8, $0x38;
	[tilespmem:$0x1F980] =	vst v63  }
0x74: {  	s3 =	sadd.s32 s6, s30  }
0x75: {  	[tilespmem:s0], [sflag:$0x5] =	stream.linear.gather [hbm4b:s3+s2], $0xB8, $0x38;
	[tilespmem:$0x1F980] =	vst v63  }
0x76: {  	_ =	swait.ge [sflag:s22], $0x5C00  }
0x77: {  	[sflag:s22] =	ssyncset.done $0x0  }
0x78: {  	[sflag:s22] =	ssyncadd.s32 $0xFFFFA400  }
0x79: {  	[spmem:s1] =	stream.indirect.scatter.add.f32 [tilespmem:s16], [sflag:$0x4], $0x80, s8, s11, $0xb8;
	[tilespmem:$0x1F980] =	vst v63  }
0x7a: {  	_ =	swait.ge [sflag:s23], $0x5C00  }
0x7b: {  	[sflag:s23] =	ssyncset.done $0x0  }
0x7c: {  	[sflag:s23] =	ssyncadd.s32 $0xFFFFA400  }
0x7d: {  	_ =	swait.ge [sflag:s24], $0xB8  }
0x7e: {  	[sflag:s24] =	ssyncset.done $0x0  }
0x7f: {  	[sflag:s24] =	ssyncadd.s32 $0xFFFFFF48  }
0x80: {  	_ =	swait.ge [sflag:s24], $0xB8  }
0x81: {  	[sflag:s24] =	ssyncset.done $0x0  }
0x82: {  	s30 =	rddreg [dreg:$0x9];
	[sflag:s24] =	ssyncadd.s32 $0xFFFFFF48  }
0x83: {  	[tilespmem:s16], [sflag:$0x2] =	stream.indirect.gather [hbm4b:s4+s11], $0x80, s17, s11, $0xb8;
	[tilespmem:$0x1F980] =	vst v63  }
0x84: {  	s28 =	rddreg [dreg:$0x8];
	s3 =	sadd.s32 $0x0, s30  }
0x85: {  	[tilespmem:s7], [sflag:$0x6] =	stream.linear.gather [hbm4b:s3+s2], $0xB8, $0x38;
	[tilespmem:$0x1F980] =	vst v63  }
0x86: {  	s30 =	sadd.s32 $0x0, s28  }
0x87: {  	[tilespmem:s8], [sflag:$0x6] =	stream.linear.gather [hbm4b:s30+s2], $0xB8, $0x38;
	[tilespmem:$0x1F980] =	vst v63  }
0x88: {  	_ =	swait.ge [sflag:s19], $0x5C00  }
0x89: {  	[sflag:s19] =	ssyncset.done $0x0  }
0x8a: {  	[sflag:s19] =	ssyncadd.s32 $0xFFFFA400  }
0x8b: {  	[spmem:s1] =	stream.indirect.scatter.add.f32 [tilespmem:s12], [sflag:$0x3], $0x80, s14, s11, $0xb8;
	[tilespmem:$0x1F980] =	vst v63  }
0x8c: {  	_ =	swait.ge [sflag:s20], $0x5C00  }
0x8d: {  	[sflag:s20] =	ssyncset.done $0x0  }
0x8e: {  	[sflag:s20] =	ssyncadd.s32 $0xFFFFA400  }
0x8f: {  	_ =	swait.ge [sflag:s10], $0xB8  }
0x90: {  	[sflag:s10] =	ssyncset.done $0x0  }
0x91: {  	[sflag:s10] =	ssyncadd.s32 $0xFFFFFF48  }
0x92: {  	_ =	swait.ge [sflag:s10], $0xB8  }
0x93: {  	[sflag:s10] =	ssyncset.done $0x0  }
0x94: {  	s30 =	rddreg [dreg:$0x7];
	[sflag:s10] =	ssyncadd.s32 $0xFFFFFF48  }
0x95: {  	[tilespmem:s12], [sflag:$0x1] =	stream.indirect.gather [hbm4b:s4+s11], $0x80, s2, s11, $0xb8;
	[tilespmem:$0x1F980] =	vst v63  }
0x96: {  	s28 =	rddreg [dreg:$0x6];
	s3 =	sadd.s32 $0x0, s30  }
0x97: {  	[tilespmem:s13], [sflag:$0x7] =	stream.linear.gather [hbm4b:s3+s2], $0xB8, $0x38;
	[tilespmem:$0x1F980] =	vst v63  }
0x98: {  	s30 =	sadd.s32 $0x0, s28  }
0x99: {  	[tilespmem:s14], [sflag:$0x7] =	stream.linear.gather [hbm4b:s30+s2], $0xB8, $0x38;
	[tilespmem:$0x1F980] =	vst v63  }
0x9a: {  	_ =	swait.ge [sflag:s22], $0x5C00  }
0x9b: {  	[sflag:s22] =	ssyncset.done $0x0  }
0x9c: {  	[sflag:s22] =	ssyncadd.s32 $0xFFFFA400  }
0x9d: {  	[spmem:s1] =	stream.indirect.scatter.add.f32 [tilespmem:s16], [sflag:$0x4], $0x80, s18, s11, $0xb8;
	[tilespmem:$0x1F980] =	vst v63  }
0x9e: {  	_ =	swait.ge [sflag:s23], $0x5C00  }
0x9f: {  	[sflag:s23] =	ssyncset.done $0x0  }
0xa0: {  	[sflag:s23] =	ssyncadd.s32 $0xFFFFA400  }
0xa1: {  	_ =	swait.ge [sflag:s15], $0xB8  }
0xa2: {  	[sflag:s15] =	ssyncset.done $0x0  }
0xa3: {  	[sflag:s15] =	ssyncadd.s32 $0xFFFFFF48  }
0xa4: {  	_ =	swait.ge [sflag:s15], $0xB8  }
0xa5: {  	[sflag:s15] =	ssyncset.done $0x0  }
0xa6: {  	s30 =	rddreg [dreg:$0x5];
	[sflag:s15] =	ssyncadd.s32 $0xFFFFFF48  }
0xa7: {  	[tilespmem:s16], [sflag:$0x2] =	stream.indirect.gather [hbm4b:s4+s11], $0x80, s7, s11, $0xb8;
	[tilespmem:$0x1F980] =	vst v63  }
0xa8: {  	s28 =	rddreg [dreg:$0x4];
	s3 =	sadd.s32 $0x0, s30  }
0xa9: {  	[tilespmem:s17], [sflag:$0x8] =	stream.linear.gather [hbm4b:s3+s2], $0xB8, $0x38;
	[tilespmem:$0x1F980] =	vst v63  }
0xaa: {  	s30 =	sadd.s32 $0x0, s28  }
0xab: {  	[tilespmem:s18], [sflag:$0x8] =	stream.linear.gather [hbm4b:s30+s2], $0xB8, $0x38;
	[tilespmem:$0x1F980] =	vst v63  }
0xac: {  	_ =	swait.ge [sflag:s19], $0x5C00  }
0xad: {  	[sflag:s19] =	ssyncset.done $0x0  }
0xae: {  	s29 =	sadd.s32 $0x2E0, s9;
	s28 =	simm.s32 $0x5C;
	[sflag:s19] =	ssyncadd.s32 $0xFFFFA400  }
.LBB2_2:
0xaf: {  	[spmem:s1] =	stream.indirect.scatter.add.f32 [tilespmem:s12], [sflag:$0x3], $0x80, s0, s11, $0xb8;
	[tilespmem:$0x1F980] =	vst v63  }
0xb0: {  	_ =	swait.ge [sflag:s20], $0x5C00  }
0xb1: {  	[sflag:s20] =	ssyncset.done $0x0  }
0xb2: {  	[sflag:s20] =	ssyncadd.s32 $0xFFFFA400  }
0xb3: {  	_ =	swait.ge [sflag:s21], $0xB8  }
0xb4: {  	[sflag:s21] =	ssyncset.done $0x0  }
0xb5: {  	[sflag:s21] =	ssyncadd.s32 $0xFFFFFF48  }
0xb6: {  	_ =	swait.ge [sflag:s21], $0xB8  }
0xb7: {  	[sflag:s21] =	ssyncset.done $0x0  }
0xb8: {  	s30 =	sshrl.u32 s29, $0x3;
	[sflag:s21] =	ssyncadd.s32 $0xFFFFFF48  }
0xb9: {  	[tilespmem:s12], [sflag:$0x1] =	stream.indirect.gather [hbm4b:s4+s11], $0x80, s13, s11, $0xb8;
	[tilespmem:$0x1F980] =	vst v63  }
0xba: {  	s9 =	sadd.s32 s5, s30  }
0xbb: {  	[tilespmem:s2], [sflag:$0x5] =	stream.linear.gather [hbm4b:s9+s2], $0xB8, $0x38;
	[tilespmem:$0x1F980] =	vst v63  }
0xbc: {  	s30 =	sadd.s32 s6, s30  }
0xbd: {  	[tilespmem:s0], [sflag:$0x5] =	stream.linear.gather [hbm4b:s30+s2], $0xB8, $0x38;
	[tilespmem:$0x1F980] =	vst v63  }
0xbe: {  	_ =	swait.ge [sflag:s22], $0x5C00  }
0xbf: {  	[sflag:s22] =	ssyncset.done $0x0  }
0xc0: {  	[sflag:s22] =	ssyncadd.s32 $0xFFFFA400  }
0xc1: {  	[spmem:s1] =	stream.indirect.scatter.add.f32 [tilespmem:s16], [sflag:$0x4], $0x80, s8, s11, $0xb8;
	[tilespmem:$0x1F980] =	vst v63  }
0xc2: {  	_ =	swait.ge [sflag:s23], $0x5C00  }
0xc3: {  	[sflag:s23] =	ssyncset.done $0x0  }
0xc4: {  	[sflag:s23] =	ssyncadd.s32 $0xFFFFA400  }
0xc5: {  	_ =	swait.ge [sflag:s24], $0xB8  }
0xc6: {  	[sflag:s24] =	ssyncset.done $0x0  }
0xc7: {  	[sflag:s24] =	ssyncadd.s32 $0xFFFFFF48  }
0xc8: {  	_ =	swait.ge [sflag:s24], $0xB8  }
0xc9: {  	[sflag:s24] =	ssyncset.done $0x0  }
0xca: {  	s3 =	smov.u32 s28;
	s9 =	rddreg [dreg:$0x9];
	[sflag:s24] =	ssyncadd.s32 $0xFFFFFF48  }
0xcb: {  	[tilespmem:s16], [sflag:$0x2] =	stream.indirect.gather [hbm4b:s4+s11], $0x80, s17, s11, $0xb8;
	[tilespmem:$0x1F980] =	vst v63  }
0xcc: {  	s30 =	rddreg [dreg:$0x8];
	s9 =	sadd.s32 s3, s9  }
0xcd: {  	[tilespmem:s7], [sflag:$0x6] =	stream.linear.gather [hbm4b:s9+s2], $0xB8, $0x38;
	[tilespmem:$0x1F980] =	vst v63  }
0xce: {  	s30 =	sadd.s32 s3, s30  }
0xcf: {  	[tilespmem:s8], [sflag:$0x6] =	stream.linear.gather [hbm4b:s30+s2], $0xB8, $0x38;
	[tilespmem:$0x1F980] =	vst v63  }
0xd0: {  	_ =	swait.ge [sflag:s19], $0x5C00  }
0xd1: {  	[sflag:s19] =	ssyncset.done $0x0  }
0xd2: {  	[sflag:s19] =	ssyncadd.s32 $0xFFFFA400  }
0xd3: {  	[spmem:s1] =	stream.indirect.scatter.add.f32 [tilespmem:s12], [sflag:$0x3], $0x80, s14, s11, $0xb8;
	[tilespmem:$0x1F980] =	vst v63  }
0xd4: {  	_ =	swait.ge [sflag:s20], $0x5C00  }
0xd5: {  	[sflag:s20] =	ssyncset.done $0x0  }
0xd6: {  	[sflag:s20] =	ssyncadd.s32 $0xFFFFA400  }
0xd7: {  	_ =	swait.ge [sflag:s10], $0xB8  }
0xd8: {  	[sflag:s10] =	ssyncset.done $0x0  }
0xd9: {  	[sflag:s10] =	ssyncadd.s32 $0xFFFFFF48  }
0xda: {  	_ =	swait.ge [sflag:s10], $0xB8  }
0xdb: {  	[sflag:s10] =	ssyncset.done $0x0  }
0xdc: {  	s9 =	rddreg [dreg:$0x7];
	[sflag:s10] =	ssyncadd.s32 $0xFFFFFF48  }
0xdd: {  	[tilespmem:s12], [sflag:$0x1] =	stream.indirect.gather [hbm4b:s4+s11], $0x80, s2, s11, $0xb8;
	[tilespmem:$0x1F980] =	vst v63  }
0xde: {  	s30 =	rddreg [dreg:$0x6];
	s9 =	sadd.s32 s3, s9  }
0xdf: {  	[tilespmem:s13], [sflag:$0x7] =	stream.linear.gather [hbm4b:s9+s2], $0xB8, $0x38;
	[tilespmem:$0x1F980] =	vst v63  }
0xe0: {  	s30 =	sadd.s32 s3, s30  }
0xe1: {  	[tilespmem:s14], [sflag:$0x7] =	stream.linear.gather [hbm4b:s30+s2], $0xB8, $0x38;
	[tilespmem:$0x1F980] =	vst v63  }
0xe2: {  	_ =	swait.ge [sflag:s22], $0x5C00  }
0xe3: {  	[sflag:s22] =	ssyncset.done $0x0  }
0xe4: {  	[sflag:s22] =	ssyncadd.s32 $0xFFFFA400  }
0xe5: {  	[spmem:s1] =	stream.indirect.scatter.add.f32 [tilespmem:s16], [sflag:$0x4], $0x80, s18, s11, $0xb8;
	[tilespmem:$0x1F980] =	vst v63  }
0xe6: {  	_ =	swait.ge [sflag:s23], $0x5C00  }
0xe7: {  	[sflag:s23] =	ssyncset.done $0x0  }
0xe8: {  	[sflag:s23] =	ssyncadd.s32 $0xFFFFA400  }
0xe9: {  	_ =	swait.ge [sflag:s15], $0xB8  }
0xea: {  	[sflag:s15] =	ssyncset.done $0x0  }
0xeb: {  	[sflag:s15] =	ssyncadd.s32 $0xFFFFFF48  }
0xec: {  	_ =	swait.ge [sflag:s15], $0xB8  }
0xed: {  	[sflag:s15] =	ssyncset.done $0x0  }
0xee: {  	s9 =	rddreg [dreg:$0x5];
	[sflag:s15] =	ssyncadd.s32 $0xFFFFFF48  }
0xef: {  	[tilespmem:s16], [sflag:$0x2] =	stream.indirect.gather [hbm4b:s4+s11], $0x80, s7, s11, $0xb8;
	[tilespmem:$0x1F980] =	vst v63  }
0xf0: {  	p5 =	sne.s32 s28, $0x3F4;
	s30 =	rddreg [dreg:$0x4];
	s9 =	sadd.s32 s3, s9  }
0xf1: {  	[tilespmem:s17], [sflag:$0x8] =	stream.linear.gather [hbm4b:s9+s2], $0xB8, $0x38;
	[tilespmem:$0x1F980] =	vst v63  }
.Ltmp0:
0xf2: {  	s3 =	sadd.s32 s3, s30;
	(pc) =	sbr.rel @p5 .LBB2_2-.Ltmp0, $4  }
0xf3: {  	[tilespmem:s18], [sflag:$0x8] =	stream.linear.gather [hbm4b:s3+s2], $0xB8, $0x38;
	[tilespmem:$0x1F980] =	vst v63  }
0xf4: {  	_ =	swait.ge [sflag:s19], $0x5C00  }
0xf5: {  	[sflag:s19] =	ssyncset.done $0x0  }
0xf6: {  	s28 =	sadd.s32 $0x5C, s28;
	s29 =	sadd.s32 $0x2E0, s29;
	[sflag:s19] =	ssyncadd.s32 $0xFFFFA400  }
0xf7: {  	[spmem:s1] =	stream.indirect.scatter.add.f32 [tilespmem:s12], [sflag:$0x3], $0x80, s0, s11, $0xb8;
	[tilespmem:$0x1F980] =	vst v63  }
0xf8: {  	_ =	swait.ge [sflag:s20], $0x5C00  }
0xf9: {  	[sflag:s20] =	ssyncset.done $0x0  }
0xfa: {  	[sflag:s20] =	ssyncadd.s32 $0xFFFFA400  }
0xfb: {  	_ =	swait.ge [sflag:s21], $0xB8  }
0xfc: {  	[sflag:s21] =	ssyncset.done $0x0  }
0xfd: {  	[sflag:s21] =	ssyncadd.s32 $0xFFFFFF48  }
0xfe: {  	_ =	swait.ge [sflag:s21], $0xB8  }
0xff: {  	[sflag:s21] =	ssyncset.done $0x0  }
0x100: {  	[sflag:s21] =	ssyncadd.s32 $0xFFFFFF48  }
0x101: {  	[tilespmem:s12], [sflag:$0x1] =	stream.indirect.gather [hbm4b:s4+s11], $0x80, s13, s11, $0xb8;
	[tilespmem:$0x1F980] =	vst v63  }
0x102: {  	s3 =	rddreg [dreg:$0x16]  }
0x103: {  	[tilespmem:s2], [sflag:$0x5] =	stream.linear.gather [hbm4b:s3+s2], $0xB8, $0x38;
	[tilespmem:$0x1F980] =	vst v63  }
0x104: {  	s9 =	rddreg [dreg:$0x17]  }
0x105: {  	[tilespmem:s0], [sflag:$0x5] =	stream.linear.gather [hbm4b:s9+s2], $0xB8, $0x38;
	[tilespmem:$0x1F980] =	vst v63  }
0x106: {  	_ =	swait.ge [sflag:s22], $0x5C00  }
0x107: {  	[sflag:s22] =	ssyncset.done $0x0  }
0x108: {  	[sflag:s22] =	ssyncadd.s32 $0xFFFFA400  }
0x109: {  	[spmem:s1] =	stream.indirect.scatter.add.f32 [tilespmem:s16], [sflag:$0x4], $0x80, s8, s11, $0xb8;
	[tilespmem:$0x1F980] =	vst v63  }
0x10a: {  	_ =	swait.ge [sflag:s23], $0x5C00  }
0x10b: {  	[sflag:s23] =	ssyncset.done $0x0  }
0x10c: {  	[sflag:s23] =	ssyncadd.s32 $0xFFFFA400  }
0x10d: {  	_ =	swait.ge [sflag:s24], $0xB8  }
0x10e: {  	[sflag:s24] =	ssyncset.done $0x0  }
0x10f: {  	[sflag:s24] =	ssyncadd.s32 $0xFFFFFF48  }
0x110: {  	_ =	swait.ge [sflag:s24], $0xB8  }
0x111: {  	[sflag:s24] =	ssyncset.done $0x0  }
0x112: {  	[sflag:s24] =	ssyncadd.s32 $0xFFFFFF48  }
0x113: {  	[tilespmem:s16], [sflag:$0x2] =	stream.indirect.gather [hbm4b:s4+s11], $0x80, s17, s11, $0xb8;
	[tilespmem:$0x1F980] =	vst v63  }
0x114: {  	s28 =	rddreg [dreg:$0x18]  }
0x115: {  	[tilespmem:s7], [sflag:$0x6] =	stream.linear.gather [hbm4b:s28+s2], $0xB8, $0x38;
	[tilespmem:$0x1F980] =	vst v63  }
0x116: {  	s9 =	rddreg [dreg:$0x19]  }
0x117: {  	[tilespmem:s8], [sflag:$0x6] =	stream.linear.gather [hbm4b:s9+s2], $0xB8, $0x38;
	[tilespmem:$0x1F980] =	vst v63  }
0x118: {  	_ =	swait.ge [sflag:s19], $0x5C00  }
0x119: {  	[sflag:s19] =	ssyncset.done $0x0  }
0x11a: {  	[sflag:s19] =	ssyncadd.s32 $0xFFFFA400  }
0x11b: {  	[spmem:s1] =	stream.indirect.scatter.add.f32 [tilespmem:s12], [sflag:$0x3], $0x80, s14, s11, $0xb8;
	[tilespmem:$0x1F980] =	vst v63  }
0x11c: {  	_ =	swait.ge [sflag:s20], $0x5C00  }
0x11d: {  	[sflag:s20] =	ssyncset.done $0x0  }
0x11e: {  	[sflag:s20] =	ssyncadd.s32 $0xFFFFA400  }
0x11f: {  	_ =	swait.ge [sflag:s10], $0xB8  }
0x120: {  	[sflag:s10] =	ssyncset.done $0x0  }
0x121: {  	[sflag:s10] =	ssyncadd.s32 $0xFFFFFF48  }
0x122: {  	_ =	swait.ge [sflag:s10], $0xB8  }
0x123: {  	[sflag:s10] =	ssyncset.done $0x0  }
0x124: {  	[sflag:s10] =	ssyncadd.s32 $0xFFFFFF48  }
0x125: {  	[tilespmem:s12], [sflag:$0x1] =	stream.indirect.gather [hbm4b:s4+s11], $0x80, s2, s11, $0xb8;
	[tilespmem:$0x1F980] =	vst v63  }
0x126: {  	_ =	swait.ge [sflag:s22], $0x5C00  }
0x127: {  	[sflag:s22] =	ssyncset.done $0x0  }
0x128: {  	[sflag:s22] =	ssyncadd.s32 $0xFFFFA400  }
0x129: {  	[spmem:s1] =	stream.indirect.scatter.add.f32 [tilespmem:s16], [sflag:$0x4], $0x80, s18, s11, $0xb8;
	[tilespmem:$0x1F980] =	vst v63  }
0x12a: {  	_ =	swait.ge [sflag:s23], $0x5C00  }
0x12b: {  	[sflag:s23] =	ssyncset.done $0x0  }
0x12c: {  	[sflag:s23] =	ssyncadd.s32 $0xFFFFA400  }
0x12d: {  	_ =	swait.ge [sflag:s15], $0xB8  }
0x12e: {  	[sflag:s15] =	ssyncset.done $0x0  }
0x12f: {  	[sflag:s15] =	ssyncadd.s32 $0xFFFFFF48  }
0x130: {  	_ =	swait.ge [sflag:s15], $0xB8  }
0x131: {  	[sflag:s15] =	ssyncset.done $0x0  }
0x132: {  	[sflag:s15] =	ssyncadd.s32 $0xFFFFFF48  }
0x133: {  	[tilespmem:s16], [sflag:$0x2] =	stream.indirect.gather [hbm4b:s4+s11], $0x80, s7, s11, $0xb8;
	[tilespmem:$0x1F980] =	vst v63  }
0x134: {  	_ =	swait.ge [sflag:s19], $0x5C00  }
0x135: {  	[sflag:s19] =	ssyncset.done $0x0  }
0x136: {  	[sflag:s19] =	ssyncadd.s32 $0xFFFFA400  }
0x137: {  	[spmem:s1] =	stream.indirect.scatter.add.f32 [tilespmem:s12], [sflag:$0x3], $0x80, s0, s11, $0xb8;
	[tilespmem:$0x1F980] =	vst v63  }
0x138: {  	_ =	swait.ge [sflag:s22], $0x5C00  }
0x139: {  	[sflag:s22] =	ssyncset.done $0x0  }
0x13a: {  	[sflag:s22] =	ssyncadd.s32 $0xFFFFA400  }
0x13b: {  	[spmem:s1] =	stream.indirect.scatter.add.f32 [tilespmem:s16], [sflag:$0x4], $0x80, s8, s11, $0xb8;
	[tilespmem:$0x1F980] =	vst v63  }
0x13c: {  	_ =	swait.ge [sflag:s20], $0x5C00  }
0x13d: {  	[sflag:s20] =	ssyncset.done $0x0  }
0x13e: {  	[sflag:s20] =	ssyncadd.s32 $0xFFFFA400  }
0x13f: {  	_ =	swait.ge [sflag:s23], $0x5C00  }
0x140: {  	[sflag:s23] =	ssyncset.done $0x0  }
0x141: {  	s9 =	simm.s32 $0xC000;
	s28 =	rddreg [dreg:$0x1c];
	[sflag:s23] =	ssyncadd.s32 $0xFFFFA400  }
0x142: {  	[tilespmem:s9], [sflag:$0x9] =	stream.linear.gather [hbm4b:s28+s2], $0x40, $0x38;
	[tilespmem:$0x1F980] =	vst v63  }
0x143: {  	_ =	swait.ge [sflag:s26], $0x40  }
0x144: {  	[sflag:s26] =	ssyncset.done $0x0  }
0x145: {  	s28 =	simm.s32 $0xC080;
	s3 =	rddreg [dreg:$0x1d];
	[sflag:s26] =	ssyncadd.s32 $0xFFFFFFC0  }
0x146: {  	[tilespmem:s28], [sflag:$0x9] =	stream.linear.gather [hbm4b:s3+s2], $0x40, $0x38;
	[tilespmem:$0x1F980] =	vst v63  }
0x147: {  	_ =	swait.ge [sflag:s26], $0x40  }
0x148: {  	[sflag:s26] =	ssyncset.done $0x0  }
0x149: {  	s3 =	simm.s32 $0x40;
	[sflag:s26] =	ssyncadd.s32 $0xFFFFFFC0  }
0x14a: {  	[tilespmem:s12], [sflag:$0x1] =	stream.indirect.gather [hbm4b:s4+s3], $0x80, s9, s3, $0xb8;
	[tilespmem:$0x1F980] =	vst v63  }
0x14b: {  	_ =	swait.ge [sflag:s19], $0x2000  }
0x14c: {  	[sflag:s19] =	ssyncset.done $0x0  }
0x14d: {  	[sflag:s19] =	ssyncadd.s32 $0xFFFFE000  }
0x14e: {  	[spmem:s1] =	stream.indirect.scatter.add.f32 [tilespmem:s12], [sflag:$0x9], $0x80, s28, s3, $0xb8;
	[tilespmem:$0x1F980] =	vst v63  }
0x14f: {  	_ =	swait.ge [sflag:s26], $0x2000  }
0x150: {  	[sflag:s26] =	ssyncset.done $0x0  }
0x151: {  	[sflag:s26] =	ssyncadd.s32 $0xFFFFE000  }
0x152: {  	s29 =	stileid.u32;
	[bflag:$0x0] =	sbarrier.arrive $0xFFFF  }
0x153: {  	s9 =	sshll.u32 s29, $0x6;
	s30 =	rddreg [dreg:$0xc]  }
0x154: {  	s3 =	sor.u32 $0x1C09, s9;
	s28 =	rddreg [dreg:$0x11];
	s9 =	sshrl.u32 s30, $0x3  }
0x155: {  	[hbm:s28], [sflag:s3] =	dma.local [spmem:s9], $0x2700  }
0x156: {  	_ =	swait.ge [sflag:s26], $0x2700  }
0x157: {  	[sflag:s26] =	ssyncset.done $0x0  }
0x158: {  	s9 =	sshrl.u32 @!p4 s31, $0x3;
	s28 =	rddreg [dreg:$0x1e];
	[sflag:s26] =	ssyncadd.s32 $0xFFFFD900  }
0x159: {  	[hbm:s28], [sflag:s3] =	dma.local @!p4 [spmem:s9], $0x100  }
0x15a: {  	s3 =	simm.s32 @!p4 $0x9  }
0x15b: {  	_ =	swait.ge @!p4 [sflag:s3], $0x100  }
0x15c: {  	s25 =	sadd.s32 $0x1, s25;
	s28 =	rddreg [dreg:$0x1f]  }
0x15d: {  	p5 =	sne.s32 s25, s28  }
.Ltmp1:
0x15e: {  	_ = 	snop;
	(pc) =	sbr.rel @p5 .LBB2_1-.Ltmp1, $3  }
0x15f: {  	_ =	sdelay $0x1  }
0x160: {  	[sflag:s3] =	ssyncset.done @!p4 $0x0  }
0x161: {  	[sflag:s3] =	ssyncadd.s32 @!p4 $0xFFFFFF00  }
0x162: {  	_ =	sfence.sel $0x180000  }
0x163: {  	[bflag:$0x0] =	sbarrier.arrive $0xFFFF  }
0x164: {  	_ =	strace $0x9000004D  }
0x165: {  	[bflag:$0x2] =	sbarrier.arrive $0xFFFF  }
0x166: {  	s0 =	rddreg [dreg:$0x3]  }
0x167: {  	s0 =	sadd.s32 @!p4 $0x100000, s0  }
0x168: {  	[sflag:s0] =	ssyncadd.tile.s32 @!p4 $0x1;
	_ =	shalt  }
.Lfunc_end2:
_tile_overlayer_lowered:
.L_overlay_start_2:
0x169: {  	(tag) =	ssettag $0x2  }
0x16a: {  	s0 =	rddreg [dreg:$0x0];
	s2 =	stileid.u32  }
0x16b: {  	s1 =	rddreg [dreg:$0x1];
	p0 =	sne.s32 s2, $0x0  }
0x16c: {  	s3 =	rddreg [dreg:$0x2];
	[bflag:$0x3] =	sbarrier.arrive $0xFFFF;
	s2 =	simm.s32 @!p0 $0x1C09  }
0x16d: {  	[timem:s3], [sflag:s2] =	dma.local @!p0 [hbm:s0], s1  }
0x16e: {  	s0 =	simm.s32 @!p0 $0x9  }
0x16f: {  	_ =	swait.ge @!p0 [sflag:s0], s1  }
0x170: {  	s1 =	ssub.s32 @!p0 $0x0, s1;
	[sflag:s0] =	ssyncset.done @!p0 $0x0  }
0x171: {  	[sflag:s0] =	ssyncadd.s32 @!p0 s1  }
0x172: {  	[bflag:$0x3] =	sbarrier.arrive $0xFFFF  }
0x173: {  	_ =	shalt  }

// kernel: kernel.8.cloned.1.call-start
scs
__scs_entry_jumppad:
0x0: {  	(pc) =	sbr.rel $0x88, $3  }
0x1: {  	(tag) =	ssettag $0x0;
	lr =	simm.s32 $0x1  }
0x2: {  	[smem:$0x3F95] =	sst lr;
	_ =	strace $0xD0000000  }
0x3: {  	_ = 	snop  }
0x4: {  	_ = 	snop  }
0x5: {  	_ = 	snop  }
0x6: {  	_ = 	snop  }
0x7: {  	_ = 	snop  }
__scs_overlays_trampoline_lowered:
0x8: {  	[smem:$0x3FA4] =	sst s0  }
0x9: {  	[smem:$0x3FA5] =	sst s1  }
0xa: {  	[smem:$0x3FA6] =	sst s2  }
0xb: {  	[smem:$0x3FA7] =	sst s3  }
0xc: {  	[smem:$0x3FA8] =	sst s4  }
0xd: {  	[smem:$0x3FA9] =	sst s5  }
0xe: {  	[smem:$0x3FAA] =	sst s6  }
0xf: {  	[smem:$0x3FAB] =	sst s7  }
0x10: {  	[smem:$0x3FAC] =	sst s8  }
0x11: {  	[smem:$0x3FAD] =	sst s9;
	s0 =	simm.s32 @!p0 $0x0  }
0x12: {  	s1 =	sld [smem:$0x3F93];
	s0 =	simm.s32 @p0 $0x1  }
0x13: {  	[smem:$0x3FAE] =	sst s0;
	s0 =	simm.s32 @!p1 $0x0  }
0x14: {  	s2 =	sld [smem:$0x3F92];
	s0 =	simm.s32 @p1 $0x1  }
0x15: {  	[smem:$0x3FAF] =	sst s0;
	s0 =	simm.s32 @!p2 $0x0  }
0x16: {  	s3 =	sld [smem:$0x3FDB];
	s0 =	simm.s32 @p2 $0x1  }
0x17: {  	s4 =	simm.s32 $0x1BF5;
	[smem:$0x3FB1] =	sst s0  }
0x18: {  	s0 =	sld [smem:$0x3F94];
	_ =	swait.ge [sflag:s4], $0x0  }
0x19: {  	s7 =	sld [smem:$0x3F95]  }
0x1a: {  	s8 =	sadd.s32 $0xFFFFE003, lr  }
0x1b: {  	s9 =	sadd.s32 $0xFFFFFEF7, lr;
	s5 =	simm.s32 $0xFFFFFFFF;
	p2 =	slt.u32 s8, $0xFFFFF086  }
0x1c: {  	p1 =	slt.u32 s9, $0xF7A;
	s5 =	simm.s32 @!p2 $0x0  }
0x1d: {  	s5 =	simm.s32 @p1 $0x1;
	p0 =	seq.s32 s7, s2  }
0x1e: {  	s7 =	smul.u32 @!p0 $0xF7A, s2;
	p2 =	seq.s32 @!p0 s5, $0x0  }
0x1f: {  	s9 =	smul.u32 $0xF7A, s1;
	s8 =	simm.s32 @!p0 $0x1BF5;
	p2 =	por !p2, p0  }
0x20: {  	[sflag:s8] =	ssyncset.s32 @!p0 $0xFFFFF086;
	s6 =	sadd.s32 @!p0 s3, s7;
	s7 =	simm.s32 @!p0 $0x108  }
0x21: {  	s3 =	sadd.s32 s3, s9;
	s6 =	sadd.s32 @!p0 $0x88, s6;
	s7 =	simm.s32 @p2 $0x1082  }
0x22: {  	[simem:s7], [sflag:s8] =	dma.local @!p0 [hbm:s6], $0xF7A  }
0x23: {  	s9 =	sor.u32 $0xD0000000, s2;
	s6 =	simm.s32 $0x108;
	_ =	swait.ge @!p0 [sflag:s8], $0x0  }
0x24: {  	s3 =	sadd.s32 $0x88, s3;
	s6 =	simm.s32 @!p1 $0x1082;
	[sflag:s4] =	ssyncset.s32 $0xFFFFF086  }
0x25: {  	[simem:s6], [sflag:s4] =	dma.local [hbm:s3], $0xF7A  }
0x26: {  	[smem:$0x3F95] =	sst s1;
	(tag) =	ssettag s2;
	_ =	strace s9  }
0x27: {  	s1 =	sld [smem:$0x3FA5]  }
0x28: {  	s2 =	sld [smem:$0x3FA6]  }
0x29: {  	s4 =	sld [smem:$0x3FA8]  }
0x2a: {  	p0 =	seq.s32 s5, $0x0;
	s5 =	sld [smem:$0x3FA9]  }
0x2b: {  	s6 =	sld [smem:$0x3FAA]  }
0x2c: {  	s7 =	sld [smem:$0x3FAB]  }
0x2d: {  	s3 =	simm.s32 $0x108;
	s8 =	sld [smem:$0x3FAC]  }
0x2e: {  	s3 =	simm.s32 @!p0 $0x1082;
	s9 =	sld [smem:$0x3FAD]  }
0x2f: {  	lr =	sadd.s32 s0, s3;
	s0 =	sld [smem:$0x3FA4]  }
0x30: {  	s3 =	sld [smem:$0x3FA7]  }
0x31: {  	[smem:$0x3FB0] =	sst s10  }
0x32: {  	s10 =	sld [smem:$0x3FAE];
	_ =	sdelay $0x3  }
0x33: {  	p0 =	seq.s32 s10, $0x1;
	s10 =	sld [smem:$0x3FB0];
	_ =	sdelay $0x3  }
0x34: {  	[smem:$0x3FB0] =	sst s10  }
0x35: {  	s10 =	sld [smem:$0x3FAF];
	_ =	sdelay $0x3  }
0x36: {  	p1 =	seq.s32 s10, $0x1;
	s10 =	sld [smem:$0x3FB0];
	_ =	sdelay $0x3  }
0x37: {  	[smem:$0x3FB0] =	sst s10  }
0x38: {  	s10 =	sld [smem:$0x3FB1]  }
0x39: {  	_ = 	snop;
	(pc) =	sbr.ind lr, $3  }
0x3a: {  	_ = 	snop  }
0x3b: {  	_ = 	snop  }
0x3c: {  	p2 =	seq.s32 s10, $0x1;
	s10 =	sld [smem:$0x3FB0]  }
0x3d: {  	_ =	shalt  }
0x3e: {  	_ =	shalt  }
0x3f: {  	_ =	shalt  }
0x40: {  	_ =	shalt  }
0x41: {  	_ =	shalt  }
0x42: {  	_ =	shalt  }
0x43: {  	_ =	shalt  }
0x44: {  	_ =	shalt  }
0x45: {  	_ =	shalt  }
0x46: {  	_ =	shalt  }
0x47: {  	_ =	shalt  }
0x48: {  	_ =	shalt  }
0x49: {  	_ =	shalt  }
0x4a: {  	_ =	shalt  }
0x4b: {  	_ =	shalt  }
0x4c: {  	_ =	shalt  }
0x4d: {  	_ =	shalt  }
0x4e: {  	_ =	shalt  }
0x4f: {  	_ =	shalt  }
0x50: {  	_ =	shalt  }
0x51: {  	_ =	shalt  }
0x52: {  	_ =	shalt  }
0x53: {  	_ =	shalt  }
0x54: {  	_ =	shalt  }
0x55: {  	_ =	shalt  }
0x56: {  	_ =	shalt  }
0x57: {  	_ =	shalt  }
0x58: {  	_ =	shalt  }
0x59: {  	_ =	shalt  }
0x5a: {  	_ =	shalt  }
0x5b: {  	_ =	shalt  }
0x5c: {  	_ =	shalt  }
0x5d: {  	_ =	shalt  }
0x5e: {  	_ =	shalt  }
0x5f: {  	_ =	shalt  }
0x60: {  	_ =	shalt  }
0x61: {  	_ =	shalt  }
0x62: {  	_ =	shalt  }
0x63: {  	_ =	shalt  }
0x64: {  	_ =	shalt  }
0x65: {  	_ =	shalt  }
0x66: {  	_ =	shalt  }
0x67: {  	_ =	shalt  }
0x68: {  	_ =	shalt  }
0x69: {  	_ =	shalt  }
0x6a: {  	_ =	shalt  }
0x6b: {  	_ =	shalt  }
0x6c: {  	_ =	shalt  }
0x6d: {  	_ =	shalt  }
0x6e: {  	_ =	shalt  }
0x6f: {  	_ =	shalt  }
0x70: {  	_ =	shalt  }
0x71: {  	_ =	shalt  }
0x72: {  	_ =	shalt  }
0x73: {  	_ =	shalt  }
0x74: {  	_ =	shalt  }
0x75: {  	_ =	shalt  }
0x76: {  	_ =	shalt  }
0x77: {  	_ =	shalt  }
0x78: {  	_ =	shalt  }
0x79: {  	_ =	shalt  }
0x7a: {  	_ =	shalt  }
0x7b: {  	_ =	shalt  }
0x7c: {  	_ =	shalt  }
0x7d: {  	_ =	shalt  }
0x7e: {  	_ =	shalt  }
0x7f: {  	_ =	shalt  }
0x80: {  	_ =	shalt  }
0x81: {  	_ =	shalt  }
0x82: {  	_ =	shalt  }
0x83: {  	_ =	shalt  }
0x84: {  	_ =	shalt  }
0x85: {  	_ =	shalt  }
0x86: {  	_ =	shalt  }
0x87: {  	_ =	shalt  }
.Lfunc_end0:
.L_simem_size_0:
called_computation_lowered:
.L_overlay_start_0:
0x88: {  	s2 =	sld [smem:$0x3FD9]  }
0x89: {  	s3 =	sld [smem:$0x3FFE];
	_ =	sdelay $0x1  }
0x8a: {  	s1 =	srdreg.scid  }
0x8b: {  	s0 =	sand.u32 $0x1, s1  }
0x8c: {  	s17 =	sshll.u32 s0, $0xA;
	s2 =	sadd.s32 s3, s2  }
0x8d: {  	s2 =	sadd.s32 s2, s17  }
0x8e: {  	[smem:$0x3FBC] =	sst s2  }
0x8f: {  	_ = 	snop  }
0x90: {  	s2 =	sld [smem:$0x3FC9]  }
0x91: {  	s18 =	sld [smem:$0x3FD0];
	(tm) =	ssettm $0x1  }
0x92: {  	s4 =	sld [smem:$0x3FFB];
	_ =	sdelay $0x3  }
0x93: {  	_ =	strace s4  }
0x94: {  	s4 =	sld [smem:$0x3FFC];
	_ =	sdelay $0x3  }
0x95: {  	_ =	strace s4  }
0x96: {  	s4 =	sld [smem:$0x3FFD];
	_ =	sdelay $0x3  }
0x97: {  	_ =	strace s4  }
0x98: {  	_ =	strace $0x8FFFFFFF  }
0x99: {  	s19 =	sld [smem:$0x3FDB];
	_ =	sdelay $0x1  }
0x9a: {  	s5 =	simm.s32 $_scs_section_size  }
0x9b: {  	s6 =	simm.s32 $_size__tile_overlayer_lowered;
	s7 =	simm.s32 $_tile_overlayer_lowered  }
0x9c: {  	s22 =	simm.s32 $0x1BFF;
	s21 =	sshll.u32 s7, $0x1;
	s4 =	sadd.s32 s5, s19  }
0x9d: {  	s8 =	simm.s32 $0x0;
	s20 =	sshll.u32 s6, $0x1;
	s6 =	sadd.s32 s21, s4  }
0x9e: {  	[timem:s8], [sflag:s22] =	dma.local [hbm:s6], s20  }
0x9f: {  	_ =	swait.ge [sflag:s22], s20  }
0xa0: {  	s5 =	ssub.s32 $0x0, s20;
	[sflag:s22] =	ssyncset.done $0x0  }
0xa1: {  	[sflag:s22] =	ssyncadd.s32 s5;
	_ =	sdelay $0x1  }
0xa2: {  	s23 =	simm.s32 $0x1B8B  }
0xa3: {  	_ =	swait.ge [sflag:s23], $0x1  }
0xa4: {  	[sflag:s23] =	ssyncset.done $0x0  }
0xa5: {  	s25 =	simm.s32 $0x1B8E;
	s24 =	sld [smem:$0x3FFE];
	[sflag:s23] =	ssyncadd.s32 $0xFFFFFFFF  }
0xa6: {  	s26 =	simm.s32 $execute0_lowered;
	[smem:$0x3FD2] =	sst s25  }
0xa7: {  	s6 =	sshll.u32 s26, $0x1;
	_ =	strace $0x80000046;
	[dreg:$0x1] =	wrdreg $0xFFFFFFFF  }
0xa8: {  	s28 =	simm.s32 $_size_execute0_lowered;
	s4 =	sadd.s32 s4, s6;
	[dreg:$0x0] =	wrdreg $0x0  }
0xa9: {  	s6 =	sshll.u32 s28, $0x1;
	[dreg:$0x2] =	wrdreg s4  }
0xaa: {  	[dreg:$0x3] =	wrdreg s6  }
0xab: {  	[dreg:$0x4] =	wrdreg $0xC0  }
0xac: {  	_ =	task [dreg:s8], $0x5FFFF  }
0xad: {  	[dreg:$0x1] =	wrdreg $0xFFFFFFFF  }
0xae: {  	[dreg:$0x0] =	wrdreg $0x60  }
0xaf: {  	[dreg:$0x2] =	wrdreg s2  }
0xb0: {  	[dreg:$0x3] =	wrdreg s24  }
0xb1: {  	[dreg:$0x4] =	wrdreg s18  }
0xb2: {  	[dreg:$0x5] =	wrdreg $0xC1000  }
0xb3: {  	[dreg:$0x6] =	wrdreg $0x9  }
0xb4: {  	_ =	task.clear_ibuf [dreg:s8], $0x7FFFF;
	_ =	strace $0x90000046  }
0xb5: {  	s29 =	simm.s32 $0x9;
	_ =	strace $0x80000048  }
0xb6: {  	_ =	swait.ge [sflag:s29], $0x1  }
0xb7: {  	[sflag:s29] =	ssyncadd.s32 $0xFFFFFFFF  }
0xb8: {  	_ =	strace $0x90000048  }
0xb9: {  	_ =	sfence  }
0xba: {  	s30 =	sld [smem:$0x0];
	_ =	sdelay $0x2  }
0xbb: {  	s31 =	sshll.u32 s1, $0xD;
	s1 =	sshrl.u32 s1, $0x2  }
0xbc: {  	s3 =	sand.u32 $0x4000, s31;
	s1 =	sadd.s32 s1, s30  }
0xbd: {  	s0 =	sor.u32 s3, s0;
	s1 =	sshll.u32 s1, $0x11  }
0xbe: {  	s0 =	sor.u32 s1, s0  }
0xbf: {  	s0 =	sadd.s32 $0x8F2B, s0  }
0xc0: {  	[sflag:s0] =	ssyncadd.remote.s32 $0x1  }
0xc1: {  	_ =	sfence.sel $0xFFFF  }
0xc2: {  	[dreg:$0x0] =	wrdreg $0xFFFFFFFF;
	(pc) =	sbr.abs _section_cstart, $3  }
0xc3: {  	[dreg:$0x1] =	wrdreg $0xFFFFFFFF  }
0xc4: {  	_ =	task.clear_ibuf [dreg:s8], $0x2FFFF;
	_ =	strace $0x9FFFFFFF  }
0xc5: {  	(tm) =	ssettm $0x7FFFFFFF  }
tec
execute0_lowered:
.L_overlay_start_1:
0x0: {  	(tag) =	ssettag $0x1  }
0x1: {  	s1 =	rddreg [dreg:$0x0]  }
0x2: {  	s0 =	rddreg [dreg:$0x1]  }
0x3: {  	s8 =	rddreg [dreg:$0x2]  }
0x4: {  	s2 =	rddreg [dreg:$0x3];
	s29 =	stileid.u32  }
0x5: {  	s3 =	simm.s32 $0x0;
	s4 =	srdreg.scid;
	s10 =	smul.u32 $0x4E000, s29  }
0x6: {  	[smem:$0x7FF] =	sst s3;
	s4 =	sand.u32 $0x1, s4;
	s13 =	smul.u32 $0x2700, s29  }
0x7: {  	s5 =	sshll.u32 s29, $0x1;
	s11 =	sadd.s32 $0x15E00, s0;
	s24 =	smul.u32 $0x4E20, s29  }
0x8: {  	p1 =	seq.s32 s29, $0x0;
	s18 =	smul.u32 $0x13800, s29;
	p4 =	sne.s32 s29, $0x0  }
0x9: {  	s30 =	sadd.s32 $0x138000, s2;
	_ =	strace $0x80000047;
	s6 =	sor.u32 s4, s5  }
0xa: {  	s5 =	sadd.s32 $0xC000, s0;
	s9 =	ssub.s32 $0x2, s4;
	s15 =	smul.u32 $0x2710, s4  }
0xb: {  	p0 =	seq.s32 s4, $0x1;
	p2 =	sne.s32 s4, $0x0;
	s7 =	smul.u32 $0x2710, s6  }
0xc: {  	s6 =	sadd.s32 $0x2200, s0;
	s21 =	sshrl.u32 s9, $0x1;
	s25 =	sshrl.u32 s10, $0x2  }
0xd: {  	s26 =	sadd.s32 s1, s13;
	s28 =	sadd.s32 s8, s13;
	s13 =	sor.u32 s4, s29  }
0xe: {  	p1 =	por !p1, !p0;
	s10 =	smul.u32 $0x138800, s4;
	[dreg:$0xf] =	wrdreg s26  }
0xf: {  	s8 =	sadd.s32 $0x27000, s8;
	s0 =	ssub.s32 s9, s21;
	[dreg:$0x10] =	wrdreg s28  }
0x10: {  	s31 =	sadd.s32 s25, s2;
	p1 =	por !p1, !p1;
	[dreg:$0x11] =	wrdreg s8  }
0x11: {  	p3 =	sne.s32 s13, $0x0;
	s13 =	simm.s32 $0x200;
	s22 =	sadd.s32 $0xB8, s7  }
0x12: {  	s12 =	sshrl.u32 s7, $0x3;
	s8 =	sadd.s32 s18, s10;
	s26 =	sadd.s32 $0x228, s7  }
0x13: {  	s0 =	smax.u32 s0, $0x1;
	[dreg:$0xe] =	wrdreg s31;
	s9 =	sshrl.u32 s22, $0x3  }
0x14: {  	s14 =	sadd.s32 s5, s12;
	s17 =	sadd.s32 $0x2E, s12;
	[dreg:$0x1f] =	wrdreg s0  }
0x15: {  	s8 =	sshrl.u32 s8, $0x3;
	[dreg:$0xb] =	wrdreg s14;
	s23 =	sadd.s32 s5, s9  }
0x16: {  	s22 =	sshrl.u32 s10, $0x3;
	s9 =	sadd.s32 s6, s9;
	[dreg:$0xc] =	wrdreg s23  }
0x17: {  	s0 =	simm.s32 $0x400;
	s8 =	sadd.s32 s11, s8;
	[dreg:$0xd] =	wrdreg s9  }
0x18: {  	s11 =	sadd.s32 s11, s22;
	s25 =	sadd.s32 s5, s17;
	[dreg:$0x12] =	wrdreg s8  }
0x19: {  	s28 =	sadd.s32 s6, s17;
	s17 =	sadd.s32 $0x4AC, s12;
	[dreg:$0x13] =	wrdreg s25  }
0x1a: {  	s9 =	sadd.s32 s15, s24;
	[dreg:$0x14] =	wrdreg s28;
	s18 =	sadd.s32 s5, s17  }
0x1b: {  	s4 =	sadd.s32 s6, s17;
	s25 =	sadd.s32 $0x27000, s11;
	s28 =	sadd.s32 $0x27000, s1  }
0x1c: {  	s11 =	simm.s32 $0xB8;
	s17 =	simm.s32 $0x300;
	[dreg:$0x17] =	wrdreg s18  }
0x1d: {  	s14 =	sadd.s32 $0x508, s9;
	s19 =	sadd.s32 $0x450, s9;
	[dreg:$0x18] =	wrdreg s4  }
0x1e: {  	s21 =	sadd.s32 $0x398, s9;
	[dreg:$0x1e] =	wrdreg s25;
	s14 =	sshrl.u32 s14, $0x3  }
0x1f: {  	[smem:$0x7FD] =	sst s28;
	s18 =	simm.s32 $0x700;
	s16 =	sadd.s32 s14, s6  }
0x20: {  	s8 =	sshrl.u32 s21, $0x3;
	s14 =	sadd.s32 s14, s5;
	[dreg:$0x5] =	wrdreg s16  }
0x21: {  	s25 =	simm.s32 $0x0;
	s24 =	sadd.s32 s8, s6;
	[dreg:$0x6] =	wrdreg s14  }
0x22: {  	s21 =	sadd.s32 $0x4DA, s12;
	s8 =	sadd.s32 s8, s5;
	[dreg:$0x9] =	wrdreg s24  }
0x23: {  	s16 =	sshrl.u32 s19, $0x3;
	s14 =	sshrl.u32 s26, $0x3;
	[dreg:$0xa] =	wrdreg s8  }
0x24: {  	s19 =	sadd.s32 $0x2618, s7;
	s24 =	sadd.s32 s6, s21;
	s26 =	sadd.s32 $0x2E0, s9  }
0x25: {  	s7 =	simm.s32 $0x100;
	s8 =	simm.s32 $0x500;
	[dreg:$0x1d] =	wrdreg s24  }
0x26: {  	s9 =	simm.s32 $0x5;
	s20 =	sadd.s32 s16, s6;
	[smem:$0x7FC] =	sst s26  }
0x27: {  	s23 =	sadd.s32 s16, s5;
	s15 =	sadd.s32 s5, s14;
	[dreg:$0x7] =	wrdreg s20  }
0x28: {  	s16 =	sadd.s32 s6, s14;
	s4 =	sshrl.u32 s19, $0x3;
	[dreg:$0x8] =	wrdreg s23  }
0x29: {  	s14 =	simm.s32 $0x600;
	s19 =	simm.s32 $0x1;
	[dreg:$0x15] =	wrdreg s15  }
0x2a: {  	s24 =	simm.s32 $0x8;
	[dreg:$0x16] =	wrdreg s16;
	s20 =	sadd.s32 s6, s12  }
0x2b: {  	s26 =	simm.s32 $0x9;
	s22 =	sadd.s32 s5, s4;
	[dreg:$0x19] =	wrdreg s20  }
0x2c: {  	s4 =	sadd.s32 s6, s4;
	s23 =	sadd.s32 s5, s21;
	[dreg:$0x1a] =	wrdreg s22  }
0x2d: {  	s12 =	simm.s32 $0x800;
	s15 =	simm.s32 $0x6;
	[dreg:$0x1b] =	wrdreg s4  }
0x2e: {  	s16 =	simm.s32 $0x6400;
	s21 =	simm.s32 $0x7;
	[dreg:$0x1c] =	wrdreg s23  }
0x2f: {  	s20 =	simm.s32 $0x3;
	s22 =	simm.s32 $0x2;
	s23 =	simm.s32 $0x4  }
.LBB2_1:
0x30: {  	s4 =	rddreg [dreg:$0xb]  }
0x31: {  	[tilespmem:s3], [sflag:$0x5] =	stream.linear.gather [hbm4b:s4+s3], $0xB8, $0x38;
	[tilespmem:$0x1F980] =	vst v63  }
0x32: {  	s10 =	rddreg [dreg:$0x19]  }
0x33: {  	[tilespmem:s0], [sflag:$0x5] =	stream.linear.gather [hbm4b:s10+s3], $0xB8, $0x38;
	[tilespmem:$0x1F980] =	vst v63  }
0x34: {  	s10 =	rddreg [dreg:$0xc]  }
0x35: {  	[tilespmem:s7], [sflag:$0x6] =	stream.linear.gather [hbm4b:s10+s3], $0xB8, $0x38;
	[tilespmem:$0x1F980] =	vst v63  }
0x36: {  	s4 =	sshll.u32 @!p2 s29, $0x6;
	s10 =	rddreg [dreg:$0xd]  }
0x37: {  	[tilespmem:s8], [sflag:$0x6] =	stream.linear.gather [hbm4b:s10+s3], $0xB8, $0x38;
	[tilespmem:$0x1F980] =	vst v63  }
0x38: {  	s28 =	sshrl.u32 @!p2 s31, $0x3;
	s4 =	sor.u32 @!p2 $0x1C09, s4;
	s10 =	rddreg [dreg:$0xf]  }
0x39: {  	[spmem:s28], [sflag:s4] =	dma.local @!p2 [hbm:s10], $0x2700  }
0x3a: {  	s4 =	simm.s32 @!p2 $0x9  }
0x3b: {  	_ =	swait.ge @!p2 [sflag:s4], $0x2700  }
0x3c: {  	s28 =	sshll.u32 @p0 s29, $0x6;
	[sflag:s4] =	ssyncset.done @!p2 $0x0;
	s10 =	rddreg [dreg:$0x10]  }
0x3d: {  	[sflag:s4] =	ssyncadd.s32 @!p2 $0xFFFFD900;
	s4 =	sor.u32 @p0 $0x1C09, s28;
	s28 =	sshrl.u32 @p0 s31, $0x3  }
0x3e: {  	[spmem:s28], [sflag:s4] =	dma.local @p0 [hbm:s10], $0x2700  }
0x3f: {  	s4 =	simm.s32 @p0 $0x9  }
0x40: {  	_ =	swait.ge @p0 [sflag:s4], $0x2700  }
0x41: {  	s10 =	sld [smem:$0x7FD]  }
0x42: {  	s28 =	sshll.u32 @!p3 s29, $0x6;
	[sflag:s4] =	ssyncset.done @p0 $0x0  }
0x43: {  	[sflag:s4] =	ssyncadd.s32 @p0 $0xFFFFD900;
	s4 =	sor.u32 @!p3 $0x1C09, s28;
	s28 =	sshrl.u32 @!p3 s30, $0x3  }
0x44: {  	[spmem:s28], [sflag:s4] =	dma.local @!p3 [hbm:s10], $0x100  }
0x45: {  	s4 =	simm.s32 @!p3 $0x9  }
0x46: {  	_ =	swait.ge @!p3 [sflag:s4], $0x100  }
0x47: {  	s28 =	simm.s32 @p1 $0x1C09;
	[sflag:s4] =	ssyncset.done @!p3 $0x0  }
0x48: {  	s10 =	rddreg [dreg:$0x11];
	[sflag:s4] =	ssyncadd.s32 @!p3 $0xFFFFFF00;
	s4 =	sshrl.u32 @p1 s30, $0x3  }
0x49: {  	[spmem:s4], [sflag:s28] =	dma.local @p1 [hbm:s10], $0x100  }
0x4a: {  	s4 =	simm.s32 @p1 $0x9  }
0x4b: {  	_ =	swait.ge @p1 [sflag:s4], $0x100  }
0x4c: {  	[sflag:s4] =	ssyncset.done @p1 $0x0  }
0x4d: {  	[sflag:s4] =	ssyncadd.s32 @p1 $0xFFFFFF00  }
0x4e: {  	[bflag:$0x0] =	sbarrier.arrive $0xFFFF  }
0x4f: {  	_ =	swait.ge [sflag:s9], $0xB8  }
0x50: {  	[sflag:s9] =	ssyncset.done $0x0  }
0x51: {  	[sflag:s9] =	ssyncadd.s32 $0xFFFFFF48  }
0x52: {  	_ =	swait.ge [sflag:s9], $0xB8  }
0x53: {  	[sflag:s9] =	ssyncset.done $0x0  }
0x54: {  	[sflag:s9] =	ssyncadd.s32 $0xFFFFFF48  }
0x55: {  	[tilespmem:s12], [sflag:$0x1] =	stream.indirect.gather [hbm4b:s1+s11], $0x80, s3, s11, $0xb8;
	[tilespmem:$0x1F980] =	vst v63  }
0x56: {  	s29 =	rddreg [dreg:$0x13]  }
0x57: {  	[tilespmem:s13], [sflag:$0x7] =	stream.linear.gather [hbm4b:s29+s3], $0xB8, $0x38;
	[tilespmem:$0x1F980] =	vst v63  }
0x58: {  	s10 =	rddreg [dreg:$0x14]  }
0x59: {  	[tilespmem:s14], [sflag:$0x7] =	stream.linear.gather [hbm4b:s10+s3], $0xB8, $0x38;
	[tilespmem:$0x1F980] =	vst v63  }
0x5a: {  	_ =	swait.ge [sflag:s15], $0xB8  }
0x5b: {  	[sflag:s15] =	ssyncset.done $0x0  }
0x5c: {  	[sflag:s15] =	ssyncadd.s32 $0xFFFFFF48  }
0x5d: {  	_ =	swait.ge [sflag:s15], $0xB8  }
0x5e: {  	[sflag:s15] =	ssyncset.done $0x0  }
0x5f: {  	[sflag:s15] =	ssyncadd.s32 $0xFFFFFF48  }
0x60: {  	[tilespmem:s16], [sflag:$0x2] =	stream.indirect.gather [hbm4b:s1+s11], $0x80, s7, s11, $0xb8;
	[tilespmem:$0x1F980] =	vst v63  }
0x61: {  	s29 =	rddreg [dreg:$0x15]  }
0x62: {  	[tilespmem:s17], [sflag:$0x8] =	stream.linear.gather [hbm4b:s29+s3], $0xB8, $0x38;
	[tilespmem:$0x1F980] =	vst v63  }
0x63: {  	s10 =	rddreg [dreg:$0x16]  }
0x64: {  	[tilespmem:s18], [sflag:$0x8] =	stream.linear.gather [hbm4b:s10+s3], $0xB8, $0x38;
	[tilespmem:$0x1F980] =	vst v63  }
0x65: {  	_ =	swait.ge [sflag:s19], $0x5C00  }
0x66: {  	[sflag:s19] =	ssyncset.done $0x0  }
0x67: {  	[sflag:s19] =	ssyncadd.s32 $0xFFFFA400  }
0x68: {  	[spmem:s2] =	stream.indirect.scatter.add.f32 [tilespmem:s12], [sflag:$0x3], $0x80, s0, s11, $0xb8;
	[tilespmem:$0x1F980] =	vst v63  }
0x69: {  	_ =	swait.ge [sflag:s20], $0x5C00  }
0x6a: {  	[sflag:s20] =	ssyncset.done $0x0  }
0x6b: {  	[sflag:s20] =	ssyncadd.s32 $0xFFFFA400  }
0x6c: {  	_ =	swait.ge [sflag:s21], $0xB8  }
0x6d: {  	[sflag:s21] =	ssyncset.done $0x0  }
0x6e: {  	[sflag:s21] =	ssyncadd.s32 $0xFFFFFF48  }
0x6f: {  	_ =	swait.ge [sflag:s21], $0xB8  }
0x70: {  	[sflag:s21] =	ssyncset.done $0x0;
	s10 =	sld [smem:$0x7FC]  }
0x71: {  	[sflag:s21] =	ssyncadd.s32 $0xFFFFFF48  }
0x72: {  	[tilespmem:s12], [sflag:$0x1] =	stream.indirect.gather [hbm4b:s1+s11], $0x80, s13, s11, $0xb8;
	[tilespmem:$0x1F980] =	vst v63  }
0x73: {  	s29 =	sshrl.u32 s10, $0x3  }
0x74: {  	s28 =	sadd.s32 s5, s29  }
0x75: {  	[tilespmem:s3], [sflag:$0x5] =	stream.linear.gather [hbm4b:s28+s3], $0xB8, $0x38;
	[tilespmem:$0x1F980] =	vst v63  }
0x76: {  	s4 =	sadd.s32 s6, s29  }
0x77: {  	[tilespmem:s0], [sflag:$0x5] =	stream.linear.gather [hbm4b:s4+s3], $0xB8, $0x38;
	[tilespmem:$0x1F980] =	vst v63  }
0x78: {  	_ =	swait.ge [sflag:s22], $0x5C00  }
0x79: {  	[sflag:s22] =	ssyncset.done $0x0  }
0x7a: {  	[sflag:s22] =	ssyncadd.s32 $0xFFFFA400  }
0x7b: {  	[spmem:s2] =	stream.indirect.scatter.add.f32 [tilespmem:s16], [sflag:$0x4], $0x80, s8, s11, $0xb8;
	[tilespmem:$0x1F980] =	vst v63  }
0x7c: {  	_ =	swait.ge [sflag:s23], $0x5C00  }
0x7d: {  	[sflag:s23] =	ssyncset.done $0x0  }
0x7e: {  	[sflag:s23] =	ssyncadd.s32 $0xFFFFA400  }
0x7f: {  	_ =	swait.ge [sflag:s24], $0xB8  }
0x80: {  	[sflag:s24] =	ssyncset.done $0x0  }
0x81: {  	[sflag:s24] =	ssyncadd.s32 $0xFFFFFF48  }
0x82: {  	_ =	swait.ge [sflag:s24], $0xB8  }
0x83: {  	[sflag:s24] =	ssyncset.done $0x0  }
0x84: {  	s29 =	rddreg [dreg:$0xa];
	[sflag:s24] =	ssyncadd.s32 $0xFFFFFF48  }
0x85: {  	[tilespmem:s16], [sflag:$0x2] =	stream.indirect.gather [hbm4b:s1+s11], $0x80, s17, s11, $0xb8;
	[tilespmem:$0x1F980] =	vst v63  }
0x86: {  	s28 =	rddreg [dreg:$0x9];
	s4 =	sadd.s32 $0x0, s29  }
0x87: {  	[tilespmem:s7], [sflag:$0x6] =	stream.linear.gather [hbm4b:s4+s3], $0xB8, $0x38;
	[tilespmem:$0x1F980] =	vst v63  }
0x88: {  	s29 =	sadd.s32 $0x0, s28  }
0x89: {  	[tilespmem:s8], [sflag:$0x6] =	stream.linear.gather [hbm4b:s29+s3], $0xB8, $0x38;
	[tilespmem:$0x1F980] =	vst v63  }
0x8a: {  	_ =	swait.ge [sflag:s19], $0x5C00  }
0x8b: {  	[sflag:s19] =	ssyncset.done $0x0  }
0x8c: {  	[sflag:s19] =	ssyncadd.s32 $0xFFFFA400  }
0x8d: {  	[spmem:s2] =	stream.indirect.scatter.add.f32 [tilespmem:s12], [sflag:$0x3], $0x80, s14, s11, $0xb8;
	[tilespmem:$0x1F980] =	vst v63  }
0x8e: {  	_ =	swait.ge [sflag:s20], $0x5C00  }
0x8f: {  	[sflag:s20] =	ssyncset.done $0x0  }
0x90: {  	[sflag:s20] =	ssyncadd.s32 $0xFFFFA400  }
0x91: {  	_ =	swait.ge [sflag:s9], $0xB8  }
0x92: {  	[sflag:s9] =	ssyncset.done $0x0  }
0x93: {  	[sflag:s9] =	ssyncadd.s32 $0xFFFFFF48  }
0x94: {  	_ =	swait.ge [sflag:s9], $0xB8  }
0x95: {  	[sflag:s9] =	ssyncset.done $0x0  }
0x96: {  	s29 =	rddreg [dreg:$0x8];
	[sflag:s9] =	ssyncadd.s32 $0xFFFFFF48  }
0x97: {  	[tilespmem:s12], [sflag:$0x1] =	stream.indirect.gather [hbm4b:s1+s11], $0x80, s3, s11, $0xb8;
	[tilespmem:$0x1F980] =	vst v63  }
0x98: {  	s28 =	rddreg [dreg:$0x7];
	s4 =	sadd.s32 $0x0, s29  }
0x99: {  	[tilespmem:s13], [sflag:$0x7] =	stream.linear.gather [hbm4b:s4+s3], $0xB8, $0x38;
	[tilespmem:$0x1F980] =	vst v63  }
0x9a: {  	s29 =	sadd.s32 $0x0, s28  }
0x9b: {  	[tilespmem:s14], [sflag:$0x7] =	stream.linear.gather [hbm4b:s29+s3], $0xB8, $0x38;
	[tilespmem:$0x1F980] =	vst v63  }
0x9c: {  	_ =	swait.ge [sflag:s22], $0x5C00  }
0x9d: {  	[sflag:s22] =	ssyncset.done $0x0  }
0x9e: {  	[sflag:s22] =	ssyncadd.s32 $0xFFFFA400  }
0x9f: {  	[spmem:s2] =	stream.indirect.scatter.add.f32 [tilespmem:s16], [sflag:$0x4], $0x80, s18, s11, $0xb8;
	[tilespmem:$0x1F980] =	vst v63  }
0xa0: {  	_ =	swait.ge [sflag:s23], $0x5C00  }
0xa1: {  	[sflag:s23] =	ssyncset.done $0x0  }
0xa2: {  	[sflag:s23] =	ssyncadd.s32 $0xFFFFA400  }
0xa3: {  	_ =	swait.ge [sflag:s15], $0xB8  }
0xa4: {  	[sflag:s15] =	ssyncset.done $0x0  }
0xa5: {  	[sflag:s15] =	ssyncadd.s32 $0xFFFFFF48  }
0xa6: {  	_ =	swait.ge [sflag:s15], $0xB8  }
0xa7: {  	[sflag:s15] =	ssyncset.done $0x0  }
0xa8: {  	s29 =	rddreg [dreg:$0x6];
	[sflag:s15] =	ssyncadd.s32 $0xFFFFFF48  }
0xa9: {  	[tilespmem:s16], [sflag:$0x2] =	stream.indirect.gather [hbm4b:s1+s11], $0x80, s7, s11, $0xb8;
	[tilespmem:$0x1F980] =	vst v63  }
0xaa: {  	s28 =	rddreg [dreg:$0x5];
	s4 =	sadd.s32 $0x0, s29  }
0xab: {  	[tilespmem:s17], [sflag:$0x8] =	stream.linear.gather [hbm4b:s4+s3], $0xB8, $0x38;
	[tilespmem:$0x1F980] =	vst v63  }
0xac: {  	s29 =	sadd.s32 $0x0, s28  }
0xad: {  	[tilespmem:s18], [sflag:$0x8] =	stream.linear.gather [hbm4b:s29+s3], $0xB8, $0x38;
	[tilespmem:$0x1F980] =	vst v63  }
0xae: {  	_ =	swait.ge [sflag:s19], $0x5C00  }
0xaf: {  	[sflag:s19] =	ssyncset.done $0x0  }
0xb0: {  	s31 =	sadd.s32 $0x2E0, s10;
	s28 =	simm.s32 $0x5C;
	[sflag:s19] =	ssyncadd.s32 $0xFFFFA400  }
.LBB2_2:
0xb1: {  	[spmem:s2] =	stream.indirect.scatter.add.f32 [tilespmem:s12], [sflag:$0x3], $0x80, s0, s11, $0xb8;
	[tilespmem:$0x1F980] =	vst v63  }
0xb2: {  	_ =	swait.ge [sflag:s20], $0x5C00  }
0xb3: {  	[sflag:s20] =	ssyncset.done $0x0  }
0xb4: {  	[sflag:s20] =	ssyncadd.s32 $0xFFFFA400  }
0xb5: {  	_ =	swait.ge [sflag:s21], $0xB8  }
0xb6: {  	[sflag:s21] =	ssyncset.done $0x0  }
0xb7: {  	[sflag:s21] =	ssyncadd.s32 $0xFFFFFF48  }
0xb8: {  	_ =	swait.ge [sflag:s21], $0xB8  }
0xb9: {  	[sflag:s21] =	ssyncset.done $0x0  }
0xba: {  	s29 =	sshrl.u32 s31, $0x3;
	[sflag:s21] =	ssyncadd.s32 $0xFFFFFF48  }
0xbb: {  	[tilespmem:s12], [sflag:$0x1] =	stream.indirect.gather [hbm4b:s1+s11], $0x80, s13, s11, $0xb8;
	[tilespmem:$0x1F980] =	vst v63  }
0xbc: {  	s10 =	sadd.s32 s5, s29  }
0xbd: {  	[tilespmem:s3], [sflag:$0x5] =	stream.linear.gather [hbm4b:s10+s3], $0xB8, $0x38;
	[tilespmem:$0x1F980] =	vst v63  }
0xbe: {  	s29 =	sadd.s32 s6, s29  }
0xbf: {  	[tilespmem:s0], [sflag:$0x5] =	stream.linear.gather [hbm4b:s29+s3], $0xB8, $0x38;
	[tilespmem:$0x1F980] =	vst v63  }
0xc0: {  	_ =	swait.ge [sflag:s22], $0x5C00  }
0xc1: {  	[sflag:s22] =	ssyncset.done $0x0  }
0xc2: {  	[sflag:s22] =	ssyncadd.s32 $0xFFFFA400  }
0xc3: {  	[spmem:s2] =	stream.indirect.scatter.add.f32 [tilespmem:s16], [sflag:$0x4], $0x80, s8, s11, $0xb8;
	[tilespmem:$0x1F980] =	vst v63  }
0xc4: {  	_ =	swait.ge [sflag:s23], $0x5C00  }
0xc5: {  	[sflag:s23] =	ssyncset.done $0x0  }
0xc6: {  	[sflag:s23] =	ssyncadd.s32 $0xFFFFA400  }
0xc7: {  	_ =	swait.ge [sflag:s24], $0xB8  }
0xc8: {  	[sflag:s24] =	ssyncset.done $0x0  }
0xc9: {  	[sflag:s24] =	ssyncadd.s32 $0xFFFFFF48  }
0xca: {  	_ =	swait.ge [sflag:s24], $0xB8  }
0xcb: {  	[sflag:s24] =	ssyncset.done $0x0  }
0xcc: {  	s4 =	smov.u32 s28;
	s10 =	rddreg [dreg:$0xa];
	[sflag:s24] =	ssyncadd.s32 $0xFFFFFF48  }
0xcd: {  	[tilespmem:s16], [sflag:$0x2] =	stream.indirect.gather [hbm4b:s1+s11], $0x80, s17, s11, $0xb8;
	[tilespmem:$0x1F980] =	vst v63  }
0xce: {  	s29 =	rddreg [dreg:$0x9];
	s10 =	sadd.s32 s4, s10  }
0xcf: {  	[tilespmem:s7], [sflag:$0x6] =	stream.linear.gather [hbm4b:s10+s3], $0xB8, $0x38;
	[tilespmem:$0x1F980] =	vst v63  }
0xd0: {  	s29 =	sadd.s32 s4, s29  }
0xd1: {  	[tilespmem:s8], [sflag:$0x6] =	stream.linear.gather [hbm4b:s29+s3], $0xB8, $0x38;
	[tilespmem:$0x1F980] =	vst v63  }
0xd2: {  	_ =	swait.ge [sflag:s19], $0x5C00  }
0xd3: {  	[sflag:s19] =	ssyncset.done $0x0  }
0xd4: {  	[sflag:s19] =	ssyncadd.s32 $0xFFFFA400  }
0xd5: {  	[spmem:s2] =	stream.indirect.scatter.add.f32 [tilespmem:s12], [sflag:$0x3], $0x80, s14, s11, $0xb8;
	[tilespmem:$0x1F980] =	vst v63  }
0xd6: {  	_ =	swait.ge [sflag:s20], $0x5C00  }
0xd7: {  	[sflag:s20] =	ssyncset.done $0x0  }
0xd8: {  	[sflag:s20] =	ssyncadd.s32 $0xFFFFA400  }
0xd9: {  	_ =	swait.ge [sflag:s9], $0xB8  }
0xda: {  	[sflag:s9] =	ssyncset.done $0x0  }
0xdb: {  	[sflag:s9] =	ssyncadd.s32 $0xFFFFFF48  }
0xdc: {  	_ =	swait.ge [sflag:s9], $0xB8  }
0xdd: {  	[sflag:s9] =	ssyncset.done $0x0  }
0xde: {  	s10 =	rddreg [dreg:$0x8];
	[sflag:s9] =	ssyncadd.s32 $0xFFFFFF48  }
0xdf: {  	[tilespmem:s12], [sflag:$0x1] =	stream.indirect.gather [hbm4b:s1+s11], $0x80, s3, s11, $0xb8;
	[tilespmem:$0x1F980] =	vst v63  }
0xe0: {  	s29 =	rddreg [dreg:$0x7];
	s10 =	sadd.s32 s4, s10  }
0xe1: {  	[tilespmem:s13], [sflag:$0x7] =	stream.linear.gather [hbm4b:s10+s3], $0xB8, $0x38;
	[tilespmem:$0x1F980] =	vst v63  }
0xe2: {  	s29 =	sadd.s32 s4, s29  }
0xe3: {  	[tilespmem:s14], [sflag:$0x7] =	stream.linear.gather [hbm4b:s29+s3], $0xB8, $0x38;
	[tilespmem:$0x1F980] =	vst v63  }
0xe4: {  	_ =	swait.ge [sflag:s22], $0x5C00  }
0xe5: {  	[sflag:s22] =	ssyncset.done $0x0  }
0xe6: {  	[sflag:s22] =	ssyncadd.s32 $0xFFFFA400  }
0xe7: {  	[spmem:s2] =	stream.indirect.scatter.add.f32 [tilespmem:s16], [sflag:$0x4], $0x80, s18, s11, $0xb8;
	[tilespmem:$0x1F980] =	vst v63  }
0xe8: {  	_ =	swait.ge [sflag:s23], $0x5C00  }
0xe9: {  	[sflag:s23] =	ssyncset.done $0x0  }
0xea: {  	[sflag:s23] =	ssyncadd.s32 $0xFFFFA400  }
0xeb: {  	_ =	swait.ge [sflag:s15], $0xB8  }
0xec: {  	[sflag:s15] =	ssyncset.done $0x0  }
0xed: {  	[sflag:s15] =	ssyncadd.s32 $0xFFFFFF48  }
0xee: {  	_ =	swait.ge [sflag:s15], $0xB8  }
0xef: {  	[sflag:s15] =	ssyncset.done $0x0  }
0xf0: {  	s10 =	rddreg [dreg:$0x6];
	[sflag:s15] =	ssyncadd.s32 $0xFFFFFF48  }
0xf1: {  	[tilespmem:s16], [sflag:$0x2] =	stream.indirect.gather [hbm4b:s1+s11], $0x80, s7, s11, $0xb8;
	[tilespmem:$0x1F980] =	vst v63  }
0xf2: {  	p5 =	sne.s32 s28, $0x3F4;
	s29 =	rddreg [dreg:$0x5];
	s10 =	sadd.s32 s4, s10  }
0xf3: {  	[tilespmem:s17], [sflag:$0x8] =	stream.linear.gather [hbm4b:s10+s3], $0xB8, $0x38;
	[tilespmem:$0x1F980] =	vst v63  }
.Ltmp0:
0xf4: {  	s4 =	sadd.s32 s4, s29;
	(pc) =	sbr.rel @p5 .LBB2_2-.Ltmp0, $4  }
0xf5: {  	[tilespmem:s18], [sflag:$0x8] =	stream.linear.gather [hbm4b:s4+s3], $0xB8, $0x38;
	[tilespmem:$0x1F980] =	vst v63  }
0xf6: {  	_ =	swait.ge [sflag:s19], $0x5C00  }
0xf7: {  	[sflag:s19] =	ssyncset.done $0x0  }
0xf8: {  	s28 =	sadd.s32 $0x5C, s28;
	s31 =	sadd.s32 $0x2E0, s31;
	[sflag:s19] =	ssyncadd.s32 $0xFFFFA400  }
0xf9: {  	[spmem:s2] =	stream.indirect.scatter.add.f32 [tilespmem:s12], [sflag:$0x3], $0x80, s0, s11, $0xb8;
	[tilespmem:$0x1F980] =	vst v63  }
0xfa: {  	_ =	swait.ge [sflag:s20], $0x5C00  }
0xfb: {  	[sflag:s20] =	ssyncset.done $0x0  }
0xfc: {  	[sflag:s20] =	ssyncadd.s32 $0xFFFFA400  }
0xfd: {  	_ =	swait.ge [sflag:s21], $0xB8  }
0xfe: {  	[sflag:s21] =	ssyncset.done $0x0  }
0xff: {  	[sflag:s21] =	ssyncadd.s32 $0xFFFFFF48  }
0x100: {  	_ =	swait.ge [sflag:s21], $0xB8  }
0x101: {  	[sflag:s21] =	ssyncset.done $0x0  }
0x102: {  	[sflag:s21] =	ssyncadd.s32 $0xFFFFFF48  }
0x103: {  	[tilespmem:s12], [sflag:$0x1] =	stream.indirect.gather [hbm4b:s1+s11], $0x80, s13, s11, $0xb8;
	[tilespmem:$0x1F980] =	vst v63  }
0x104: {  	s4 =	rddreg [dreg:$0x17]  }
0x105: {  	[tilespmem:s3], [sflag:$0x5] =	stream.linear.gather [hbm4b:s4+s3], $0xB8, $0x38;
	[tilespmem:$0x1F980] =	vst v63  }
0x106: {  	s10 =	rddreg [dreg:$0x18]  }
0x107: {  	[tilespmem:s0], [sflag:$0x5] =	stream.linear.gather [hbm4b:s10+s3], $0xB8, $0x38;
	[tilespmem:$0x1F980] =	vst v63  }
0x108: {  	_ =	swait.ge [sflag:s22], $0x5C00  }
0x109: {  	[sflag:s22] =	ssyncset.done $0x0  }
0x10a: {  	[sflag:s22] =	ssyncadd.s32 $0xFFFFA400  }
0x10b: {  	[spmem:s2] =	stream.indirect.scatter.add.f32 [tilespmem:s16], [sflag:$0x4], $0x80, s8, s11, $0xb8;
	[tilespmem:$0x1F980] =	vst v63  }
0x10c: {  	_ =	swait.ge [sflag:s23], $0x5C00  }
0x10d: {  	[sflag:s23] =	ssyncset.done $0x0  }
0x10e: {  	[sflag:s23] =	ssyncadd.s32 $0xFFFFA400  }
0x10f: {  	_ =	swait.ge [sflag:s24], $0xB8  }
0x110: {  	[sflag:s24] =	ssyncset.done $0x0  }
0x111: {  	[sflag:s24] =	ssyncadd.s32 $0xFFFFFF48  }
0x112: {  	_ =	swait.ge [sflag:s24], $0xB8  }
0x113: {  	[sflag:s24] =	ssyncset.done $0x0  }
0x114: {  	[sflag:s24] =	ssyncadd.s32 $0xFFFFFF48  }
0x115: {  	[tilespmem:s16], [sflag:$0x2] =	stream.indirect.gather [hbm4b:s1+s11], $0x80, s17, s11, $0xb8;
	[tilespmem:$0x1F980] =	vst v63  }
0x116: {  	s28 =	rddreg [dreg:$0x1a]  }
0x117: {  	[tilespmem:s7], [sflag:$0x6] =	stream.linear.gather [hbm4b:s28+s3], $0xB8, $0x38;
	[tilespmem:$0x1F980] =	vst v63  }
0x118: {  	s10 =	rddreg [dreg:$0x1b]  }
0x119: {  	[tilespmem:s8], [sflag:$0x6] =	stream.linear.gather [hbm4b:s10+s3], $0xB8, $0x38;
	[tilespmem:$0x1F980] =	vst v63  }
0x11a: {  	_ =	swait.ge [sflag:s19], $0x5C00  }
0x11b: {  	[sflag:s19] =	ssyncset.done $0x0  }
0x11c: {  	[sflag:s19] =	ssyncadd.s32 $0xFFFFA400  }
0x11d: {  	[spmem:s2] =	stream.indirect.scatter.add.f32 [tilespmem:s12], [sflag:$0x3], $0x80, s14, s11, $0xb8;
	[tilespmem:$0x1F980] =	vst v63  }
0x11e: {  	_ =	swait.ge [sflag:s20], $0x5C00  }
0x11f: {  	[sflag:s20] =	ssyncset.done $0x0  }
0x120: {  	[sflag:s20] =	ssyncadd.s32 $0xFFFFA400  }
0x121: {  	_ =	swait.ge [sflag:s9], $0xB8  }
0x122: {  	[sflag:s9] =	ssyncset.done $0x0  }
0x123: {  	[sflag:s9] =	ssyncadd.s32 $0xFFFFFF48  }
0x124: {  	_ =	swait.ge [sflag:s9], $0xB8  }
0x125: {  	[sflag:s9] =	ssyncset.done $0x0  }
0x126: {  	[sflag:s9] =	ssyncadd.s32 $0xFFFFFF48  }
0x127: {  	[tilespmem:s12], [sflag:$0x1] =	stream.indirect.gather [hbm4b:s1+s11], $0x80, s3, s11, $0xb8;
	[tilespmem:$0x1F980] =	vst v63  }
0x128: {  	_ =	swait.ge [sflag:s22], $0x5C00  }
0x129: {  	[sflag:s22] =	ssyncset.done $0x0  }
0x12a: {  	[sflag:s22] =	ssyncadd.s32 $0xFFFFA400  }
0x12b: {  	[spmem:s2] =	stream.indirect.scatter.add.f32 [tilespmem:s16], [sflag:$0x4], $0x80, s18, s11, $0xb8;
	[tilespmem:$0x1F980] =	vst v63  }
0x12c: {  	_ =	swait.ge [sflag:s23], $0x5C00  }
0x12d: {  	[sflag:s23] =	ssyncset.done $0x0  }
0x12e: {  	[sflag:s23] =	ssyncadd.s32 $0xFFFFA400  }
0x12f: {  	_ =	swait.ge [sflag:s15], $0xB8  }
0x130: {  	[sflag:s15] =	ssyncset.done $0x0  }
0x131: {  	[sflag:s15] =	ssyncadd.s32 $0xFFFFFF48  }
0x132: {  	_ =	swait.ge [sflag:s15], $0xB8  }
0x133: {  	[sflag:s15] =	ssyncset.done $0x0  }
0x134: {  	[sflag:s15] =	ssyncadd.s32 $0xFFFFFF48  }
0x135: {  	[tilespmem:s16], [sflag:$0x2] =	stream.indirect.gather [hbm4b:s1+s11], $0x80, s7, s11, $0xb8;
	[tilespmem:$0x1F980] =	vst v63  }
0x136: {  	_ =	swait.ge [sflag:s19], $0x5C00  }
0x137: {  	[sflag:s19] =	ssyncset.done $0x0  }
0x138: {  	[sflag:s19] =	ssyncadd.s32 $0xFFFFA400  }
0x139: {  	[spmem:s2] =	stream.indirect.scatter.add.f32 [tilespmem:s12], [sflag:$0x3], $0x80, s0, s11, $0xb8;
	[tilespmem:$0x1F980] =	vst v63  }
0x13a: {  	_ =	swait.ge [sflag:s22], $0x5C00  }
0x13b: {  	[sflag:s22] =	ssyncset.done $0x0  }
0x13c: {  	[sflag:s22] =	ssyncadd.s32 $0xFFFFA400  }
0x13d: {  	[spmem:s2] =	stream.indirect.scatter.add.f32 [tilespmem:s16], [sflag:$0x4], $0x80, s8, s11, $0xb8;
	[tilespmem:$0x1F980] =	vst v63  }
0x13e: {  	_ =	swait.ge [sflag:s20], $0x5C00  }
0x13f: {  	[sflag:s20] =	ssyncset.done $0x0  }
0x140: {  	[sflag:s20] =	ssyncadd.s32 $0xFFFFA400  }
0x141: {  	_ =	swait.ge [sflag:s23], $0x5C00  }
0x142: {  	[sflag:s23] =	ssyncset.done $0x0  }
0x143: {  	s10 =	simm.s32 $0xC000;
	s28 =	rddreg [dreg:$0x1c];
	[sflag:s23] =	ssyncadd.s32 $0xFFFFA400  }
0x144: {  	[tilespmem:s10], [sflag:$0x9] =	stream.linear.gather [hbm4b:s28+s3], $0x40, $0x38;
	[tilespmem:$0x1F980] =	vst v63  }
0x145: {  	_ =	swait.ge [sflag:s26], $0x40  }
0x146: {  	[sflag:s26] =	ssyncset.done $0x0  }
0x147: {  	s28 =	simm.s32 $0xC080;
	s4 =	rddreg [dreg:$0x1d];
	[sflag:s26] =	ssyncadd.s32 $0xFFFFFFC0  }
0x148: {  	[tilespmem:s28], [sflag:$0x9] =	stream.linear.gather [hbm4b:s4+s3], $0x40, $0x38;
	[tilespmem:$0x1F980] =	vst v63  }
0x149: {  	_ =	swait.ge [sflag:s26], $0x40  }
0x14a: {  	[sflag:s26] =	ssyncset.done $0x0  }
0x14b: {  	s4 =	simm.s32 $0x40;
	[sflag:s26] =	ssyncadd.s32 $0xFFFFFFC0  }
0x14c: {  	[tilespmem:s12], [sflag:$0x1] =	stream.indirect.gather [hbm4b:s1+s4], $0x80, s10, s4, $0xb8;
	[tilespmem:$0x1F980] =	vst v63  }
0x14d: {  	_ =	swait.ge [sflag:s19], $0x2000  }
0x14e: {  	[sflag:s19] =	ssyncset.done $0x0  }
0x14f: {  	[sflag:s19] =	ssyncadd.s32 $0xFFFFE000  }
0x150: {  	[spmem:s2] =	stream.indirect.scatter.add.f32 [tilespmem:s12], [sflag:$0x9], $0x80, s28, s4, $0xb8;
	[tilespmem:$0x1F980] =	vst v63  }
0x151: {  	_ =	swait.ge [sflag:s26], $0x2000  }
0x152: {  	[sflag:s26] =	ssyncset.done $0x0  }
0x153: {  	[sflag:s26] =	ssyncadd.s32 $0xFFFFE000  }
0x154: {  	s29 =	stileid.u32;
	[bflag:$0x0] =	sbarrier.arrive $0xFFFF  }
0x155: {  	s10 =	sshll.u32 s29, $0x6;
	s31 =	rddreg [dreg:$0xe]  }
0x156: {  	s4 =	sor.u32 $0x1C09, s10;
	s28 =	rddreg [dreg:$0x12];
	s10 =	sshrl.u32 s31, $0x3  }
0x157: {  	[hbm:s28], [sflag:s4] =	dma.local [spmem:s10], $0x2700  }
0x158: {  	_ =	swait.ge [sflag:s26], $0x2700  }
0x159: {  	[sflag:s26] =	ssyncset.done $0x0  }
0x15a: {  	s10 =	sshrl.u32 @!p4 s30, $0x3;
	s28 =	rddreg [dreg:$0x1e];
	[sflag:s26] =	ssyncadd.s32 $0xFFFFD900  }
0x15b: {  	[hbm:s28], [sflag:s4] =	dma.local @!p4 [spmem:s10], $0x100  }
0x15c: {  	s4 =	simm.s32 @!p4 $0x9  }
0x15d: {  	_ =	swait.ge @!p4 [sflag:s4], $0x100  }
0x15e: {  	s25 =	sadd.s32 $0x1, s25;
	s28 =	rddreg [dreg:$0x1f]  }
0x15f: {  	p5 =	sne.s32 s25, s28  }
.Ltmp1:
0x160: {  	_ = 	snop;
	(pc) =	sbr.rel @p5 .LBB2_1-.Ltmp1, $3  }
0x161: {  	_ =	sdelay $0x1  }
0x162: {  	[sflag:s4] =	ssyncset.done @!p4 $0x0  }
0x163: {  	[sflag:s4] =	ssyncadd.s32 @!p4 $0xFFFFFF00  }
0x164: {  	_ =	sfence.sel $0x180000  }
0x165: {  	[bflag:$0x0] =	sbarrier.arrive $0xFFFF  }
0x166: {  	_ =	strace $0x90000047  }
0x167: {  	[bflag:$0x2] =	sbarrier.arrive $0xFFFF  }
0x168: {  	s0 =	rddreg [dreg:$0x4]  }
0x169: {  	s0 =	sadd.s32 @!p4 $0x100000, s0  }
0x16a: {  	[sflag:s0] =	ssyncadd.tile.s32 @!p4 $0x1;
	_ =	shalt  }
.Lfunc_end2:
_tile_overlayer_lowered:
.L_overlay_start_2:
0x16b: {  	(tag) =	ssettag $0x2  }
0x16c: {  	s0 =	rddreg [dreg:$0x0];
	s2 =	stileid.u32  }
0x16d: {  	s1 =	rddreg [dreg:$0x1];
	p0 =	sne.s32 s2, $0x0  }
0x16e: {  	s3 =	rddreg [dreg:$0x2];
	[bflag:$0x3] =	sbarrier.arrive $0xFFFF;
	s2 =	simm.s32 @!p0 $0x1C09  }
0x16f: {  	[timem:s3], [sflag:s2] =	dma.local @!p0 [hbm:s0], s1  }
0x170: {  	s0 =	simm.s32 @!p0 $0x9  }
0x171: {  	_ =	swait.ge @!p0 [sflag:s0], s1  }
0x172: {  	s1 =	ssub.s32 @!p0 $0x0, s1;
	[sflag:s0] =	ssyncset.done @!p0 $0x0  }
0x173: {  	[sflag:s0] =	ssyncadd.s32 @!p0 s1  }
0x174: {  	[bflag:$0x3] =	sbarrier.arrive $0xFFFF  }
0x175: {  	_ =	shalt  }

</sc_bundles>
